<compile_context>
chip_gen: v7x
topology: tpu7x:2x2x1
jax: 0.10.2.dev20260603
libtpu: 0.0.44.dev20260713+nightly
codegen_flags: <defaults>
</compile_context>

<pallas_src>
import functools

import jax
import jax.numpy as jnp
from jax import lax
from jax.experimental import pallas as pl
from jax.experimental.pallas import tpu as pltpu
from jax.experimental.pallas import tpu_sc as plsc

_D = 64
_L = 16
_NC, _NS = 2, 16
_NW = _NC * _NS
_BT = 128
_NSLOT = 3

_SEQ = 200
_BATCH = 4096
_NBT = _BATCH // _BT
_NCHUNK = 8


def _embed_lookup(x2, t2):
    mesh = plsc.VectorSubcoreMesh(core_axis_name="c", subcore_axis_name="s")
    crows = _SEQ // _NCHUNK

    @functools.partial(
        pl.kernel,
        out_type=jax.ShapeDtypeStruct((_SEQ, _D // 8, _NBT, 8 * _BT), jnp.float32),
        mesh=mesh,
        scratch_types=[
            pltpu.VMEM((crows, _BT), jnp.int32),
            pltpu.VMEM((_SEQ, _BT), jnp.int32),
            pltpu.VMEM((_NSLOT, _BT, 2 * _D), jnp.float32),
            pltpu.VMEM((_NSLOT, _D // 8, 8 * _BT), jnp.float32),
            pltpu.SemaphoreType.DMA,
            pltpu.SemaphoreType.DMA,
            pltpu.SemaphoreType.DMA,
            pltpu.SemaphoreType.DMA,
            pltpu.SemaphoreType.DMA,
            pltpu.SemaphoreType.DMA,
            pltpu.SemaphoreType.DMA,
        ],
        compiler_params=pltpu.CompilerParams(use_tc_tiling_on_sc=False,
                                             needs_layout_passes=False),
    )
    def k(x_hbm, t2_hbm, out_hbm, idx_raw, idx_all, rows_v, tbuf,
          isem, g0, g1, g2, o0, o1, o2):
        gsem = (g0, g1, g2)
        osem = (o0, o1, o2)
        w = lax.axis_index("s") * _NC + lax.axis_index("c")
        ii = lax.iota(jnp.int32, _L)
        ii200 = ii * 200

        def stage_chunk(c, carry):
            pltpu.async_copy(x_hbm.at[pl.ds(w * _SEQ + c * crows, crows)],
                             idx_raw, isem).wait()

            @plsc.parallel_loop(0, _SEQ, 1, unroll=4)
            def per_s(s):
                fl = ii200 + s
                v = plsc.load_gather(idx_raw, [fl >> 7, fl & 127])
                idx_all[s, pl.ds(c * _L, _L)] = v

            return carry

        lax.fori_loop(0, _NCHUNK, stage_chunk, 0)

        def fire_gather(blk, slot):
            pltpu.async_copy(t2_hbm.at[idx_all.at[blk]], rows_v.at[slot],
                             gsem[slot])

        def wait_gather(blk, slot):
            pltpu.make_async_copy(t2_hbm.at[idx_all.at[blk]],
                                  rows_v.at[slot], gsem[slot]).wait()

        rot = [(ii + r) & 15 for r in range(_L)]
        rowadd = [r >> 3 for r in rot]
        coladd = [(r & 7) << 7 for r in rot]

        def transpose_block(blk, slot):
            @plsc.parallel_loop(0, 32, 1, unroll=1)
            def per_tile(t):
                bg = t // 4
                eg = t % 4
                bvec = ii + bg * _L
                ebase = jnp.full((_L,), 0, jnp.int32) + eg * _L
                eg2 = eg * 2
                for r in range(_L):
                    evec = ebase + rot[r]
                    v = plsc.load_gather(rows_v.at[slot], [bvec, evec])
                    plsc.store_scatter(tbuf.at[slot],
                                       [rowadd[r] + eg2, coladd[r] + bvec],
                                       v * 8.0)

        def fire_out(blk, slot):
            pltpu.async_copy(tbuf.at[slot], out_hbm.at[blk, :, w], osem[slot])

        def wait_out(blk, slot):
            pltpu.make_async_copy(tbuf.at[slot], out_hbm.at[blk, :, w],
                                  osem[slot]).wait()

        fire_gather(0, 0)
        fire_gather(1, 1)

        def step(blk, slot, pslot):
            @pl.when(blk + 2 < _SEQ)
            def _():
                @pl.when(blk + 2 >= _NSLOT)
                def _():
                    wait_out(blk + 2 - _NSLOT, pslot)

                fire_gather(blk + 2, pslot)

            wait_gather(blk, slot)
            transpose_block(blk, slot)
            fire_out(blk, slot)

        def outer(o, carry):
            for k_ in range(_NSLOT):
                blk = o * _NSLOT + k_
                step(blk, k_, (k_ + 2) % _NSLOT)
            return carry

        lax.fori_loop(0, _SEQ // _NSLOT, outer, 0)
        step(_SEQ - 2, (_SEQ - 2) % _NSLOT, _SEQ % _NSLOT)
        step(_SEQ - 1, (_SEQ - 1) % _NSLOT, (_SEQ + 1) % _NSLOT)

        for k_ in range(_NSLOT):
            wait_out(_SEQ - _NSLOT + k_, (_SEQ - _NSLOT + k_) % _NSLOT)

    return k(x2, t2)


def kernel(x, table):
    tpad = jnp.pad(table, ((0, 0), (0, 2 * _D - table.shape[1])))
    out4 = _embed_lookup(x.reshape(_SEQ * _NBT, _BT), tpad)
    out = (out4.reshape(_SEQ, _D // 8, _NBT, 8, _BT)
           .transpose(2, 4, 0, 1, 3)
           .reshape(_BATCH, _SEQ, _D))
    return out

# --- scband reference (transcript-rebuilt; emitter-appended) ---
"""Pipeline reference for scband-input-embeddings-11605001634033 (READ-ONLY COPY).

The authoritative reference and input builder live on the scoring server;
editing this copy changes nothing except your own understanding.
"""

import jax, jax.numpy as jnp
import numpy as np
import math

EMBED_DIM = 64
VOCAB_SIZE = 1000000
BATCH = 4096
SEQ = 200

def setup_inputs(seed: int = 0) -> dict:
    key = jax.random.key(seed)
    k_idx, k_tab = jax.random.split(key)
    x = jax.random.randint(k_idx, (BATCH, SEQ), 0, VOCAB_SIZE, dtype=jnp.int32)
    # nn.Embedding default init: N(0, 1)
    table = jax.random.normal(k_tab, (VOCAB_SIZE, EMBED_DIM), dtype=jnp.float32)
    return {"x": x, "table": table}

def reference(x, table):
    # InputEmbeddings.forward: embeddings(x) * sqrt(embed_dim)
    emb = jnp.take(table, x, axis=0)
    return emb * math.sqrt(float(EMBED_DIM))

if __name__ == "__main__":
    import jax
    _d = setup_inputs()
    print(jax.jit(kernel)(*tuple(_d.values())))

</pallas_src>

<mosaic_0001>
#map = affine_map<(d0, d1) -> (0, 0)>
#map1 = affine_map<(d0, d1) -> (0, 0, 0, 0)>
module attributes {stable_mosaic.version = 14 : i64} {
  func.func @k(%arg0: i32, %arg1: i32, %arg2: memref<6400x128xi32, #tpu.memory_space<hbm>>, %arg3: memref<1000000x128xf32, #tpu.memory_space<hbm>>, %arg4: memref<200x8x32x1024xf32, #tpu.memory_space<hbm>>, %arg5: memref<25x128xi32, #tpu.memory_space<vmem>>, %arg6: memref<200x128xi32, #tpu.memory_space<vmem>>, %arg7: memref<3x128x128xf32, #tpu.memory_space<vmem>>, %arg8: memref<3x8x1024xf32, #tpu.memory_space<vmem>>, %arg9: memref<!tpu.dma_semaphore, #tpu.memory_space<semaphore_mem>>, %arg10: memref<!tpu.dma_semaphore, #tpu.memory_space<semaphore_mem>>, %arg11: memref<!tpu.dma_semaphore, #tpu.memory_space<semaphore_mem>>, %arg12: memref<!tpu.dma_semaphore, #tpu.memory_space<semaphore_mem>>, %arg13: memref<!tpu.dma_semaphore, #tpu.memory_space<semaphore_mem>>, %arg14: memref<!tpu.dma_semaphore, #tpu.memory_space<semaphore_mem>>, %arg15: memref<!tpu.dma_semaphore, #tpu.memory_space<semaphore_mem>>) attributes {dimension_semantics = [#tpu.dimension_semantics<core_parallel>, #tpu.dimension_semantics<subcore_parallel>], iteration_bounds = array<i64: 2, 16>, scalar_prefetch = 0 : i64, scratch_operands = 11 : i64, tpu.core_type = #tpu.core_type<sc_vector_subcore>, window_params = [{transform_indices = #map}, {transform_indices = #map}, {transform_indices = #map1}]} {
    %mul3A = arith.constant 2 : i32
    %mul3A_0 = arith.muli %arg1, %mul3A : i32
    %add3A = arith.addi %mul3A_0, %arg0 : i32
    %iota3A = tpu.iota {dimensions = array<i32: 0>} : vector<16xi32>
    %mul3A_1 = arith.constant 200 : i32
    %mul3A_2 = vector.broadcast %mul3A_1 : i32 to vector<16xi32>
    %mul3A_3 = arith.muli %iota3A, %mul3A_2 : vector<16xi32>
    %scan3A = arith.constant 0 : i32
    %scan3A_4 = arith.constant 0 : i32
    %scan3A_5 = arith.constant 8 : i32
    %scan3A_6 = arith.addi %scan3A_4, %scan3A_5 : i32
    %scan3A_7 = arith.constant 1 : i32
    scf.for %scan3A_393 = %scan3A_4 to %scan3A_6 step %scan3A_7  : i32 {
      %mul3A_394 = arith.constant 200 : i32
      %mul3A_395 = arith.muli %add3A, %mul3A_394 : i32
      %mul3A_396 = arith.constant 25 : i32
      %mul3A_397 = arith.muli %scan3A_393, %mul3A_396 : i32
      %add3A_398 = arith.addi %mul3A_395, %mul3A_397 : i32
      %dma_start3A_399 = arith.constant 0 : i32
      %dma_start3A_400 = tpu.memref_slice %arg2[%add3A_398, %dma_start3A_399] : memref<6400x128xi32, #tpu.memory_space<hbm>> -> memref<25x128xi32, #tpu.memory_space<hbm>>
      %dma_start3A_401 = arith.constant 0 : i32
      %dma_start3A_402 = tpu.memref_slice %arg2[%add3A_398, %dma_start3A_401] : memref<6400x128xi32, #tpu.memory_space<hbm>> -> memref<25x128xi32, #tpu.memory_space<hbm>>
      tpu.enqueue_dma source(%dma_start3A_402 : memref<25x128xi32, #tpu.memory_space<hbm>>) target(%arg5 : memref<25x128xi32, #tpu.memory_space<vmem>>) target_semaphore(%arg9 : memref<!tpu.dma_semaphore, #tpu.memory_space<semaphore_mem>>)
      %dma_wait3A_403 = arith.constant 0 : i32
      %dma_wait3A_404 = tpu.memref_slice %arg2[%add3A_398, %dma_wait3A_403] : memref<6400x128xi32, #tpu.memory_space<hbm>> -> memref<25x128xi32, #tpu.memory_space<hbm>>
      %dma_wait3A_405 = arith.constant 0 : i32
      %dma_wait3A_406 = tpu.memref_slice %arg2[%add3A_398, %dma_wait3A_405] : memref<6400x128xi32, #tpu.memory_space<hbm>> -> memref<25x128xi32, #tpu.memory_space<hbm>>
      tpu.wait_dma2 semaphore(%arg9 : memref<!tpu.dma_semaphore, #tpu.memory_space<semaphore_mem>>) src(%dma_wait3A_406 : memref<25x128xi32, #tpu.memory_space<hbm>>) dst(%arg5 : memref<25x128xi32, #tpu.memory_space<vmem>>)
      %parallel_loop3A_407 = arith.constant 0 : i32
      %parallel_loop3A_408 = arith.constant 200 : i32
      %parallel_loop3A_409 = arith.constant 1 : i32
      scf.for %parallel_loop3A_410 = %parallel_loop3A_407 to %parallel_loop3A_408 step %parallel_loop3A_409  : i32 {
        %parallel_loop3A_411 = vector.broadcast %parallel_loop3A_410 : i32 to vector<16xi32>
        %parallel_loop3A_412 = arith.addi %mul3A_3, %parallel_loop3A_411 : vector<16xi32>
        %parallel_loop3A_413 = arith.constant 7 : i32
        %parallel_loop3A_414 = vector.broadcast %parallel_loop3A_413 : i32 to vector<16xi32>
        %parallel_loop3A_415 = arith.shrsi %parallel_loop3A_412, %parallel_loop3A_414 : vector<16xi32>
        %parallel_loop3A_416 = arith.constant 127 : i32
        %parallel_loop3A_417 = vector.broadcast %parallel_loop3A_416 : i32 to vector<16xi32>
        %parallel_loop3A_418 = arith.andi %parallel_loop3A_412, %parallel_loop3A_417 : vector<16xi32>
        %parallel_loop3A_419 = tpu.vector_load_idx %arg5[%parallel_loop3A_415, %parallel_loop3A_418] : memref<25x128xi32, #tpu.memory_space<vmem>>[vector<16xi32>, vector<16xi32>], vector<16xi32>,
        %parallel_loop3A_420 = arith.constant 16 : i32
        %parallel_loop3A_421 = arith.muli %scan3A_393, %parallel_loop3A_420 : i32
        %parallel_loop3A_422 = arith.index_cast %parallel_loop3A_410 : i32 to index
        %parallel_loop3A_423 = arith.index_cast %parallel_loop3A_421 : i32 to index
        %parallel_loop3A_424 = tpu.vector_load %arg6[%parallel_loop3A_422, %parallel_loop3A_423] {strides = array<i32>} : memref<200x128xi32, #tpu.memory_space<vmem>>, vector<16xi32>,
        tpu.vector_store %arg6[%parallel_loop3A_422, %parallel_loop3A_423], %parallel_loop3A_419 {strides = array<i32>} : memref<200x128xi32, #tpu.memory_space<vmem>>, vector<16xi32>,
      } {sc.loop_unroll_factor = 4 : i64, sc.parallel_access}
    }
    %scan3A_8 = arith.constant 8 : i32
    %add3A_9 = arith.constant 0 : i32
    %add3A_10 = vector.broadcast %add3A_9 : i32 to vector<16xi32>
    %add3A_11 = arith.addi %iota3A, %add3A_10 : vector<16xi32>
    %and3A = arith.constant 15 : i32
    %and3A_12 = vector.broadcast %and3A : i32 to vector<16xi32>
    %and3A_13 = arith.andi %add3A_11, %and3A_12 : vector<16xi32>
    %add3A_14 = arith.constant 1 : i32
    %add3A_15 = vector.broadcast %add3A_14 : i32 to vector<16xi32>
    %add3A_16 = arith.addi %iota3A, %add3A_15 : vector<16xi32>
    %and3A_17 = arith.constant 15 : i32
    %and3A_18 = vector.broadcast %and3A_17 : i32 to vector<16xi32>
    %and3A_19 = arith.andi %add3A_16, %and3A_18 : vector<16xi32>
    %add3A_20 = arith.constant 2 : i32
    %add3A_21 = vector.broadcast %add3A_20 : i32 to vector<16xi32>
    %add3A_22 = arith.addi %iota3A, %add3A_21 : vector<16xi32>
    %and3A_23 = arith.constant 15 : i32
    %and3A_24 = vector.broadcast %and3A_23 : i32 to vector<16xi32>
    %and3A_25 = arith.andi %add3A_22, %and3A_24 : vector<16xi32>
    %add3A_26 = arith.constant 3 : i32
    %add3A_27 = vector.broadcast %add3A_26 : i32 to vector<16xi32>
    %add3A_28 = arith.addi %iota3A, %add3A_27 : vector<16xi32>
    %and3A_29 = arith.constant 15 : i32
    %and3A_30 = vector.broadcast %and3A_29 : i32 to vector<16xi32>
    %and3A_31 = arith.andi %add3A_28, %and3A_30 : vector<16xi32>
    %add3A_32 = arith.constant 4 : i32
    %add3A_33 = vector.broadcast %add3A_32 : i32 to vector<16xi32>
    %add3A_34 = arith.addi %iota3A, %add3A_33 : vector<16xi32>
    %and3A_35 = arith.constant 15 : i32
    %and3A_36 = vector.broadcast %and3A_35 : i32 to vector<16xi32>
    %and3A_37 = arith.andi %add3A_34, %and3A_36 : vector<16xi32>
    %add3A_38 = arith.constant 5 : i32
    %add3A_39 = vector.broadcast %add3A_38 : i32 to vector<16xi32>
    %add3A_40 = arith.addi %iota3A, %add3A_39 : vector<16xi32>
    %and3A_41 = arith.constant 15 : i32
    %and3A_42 = vector.broadcast %and3A_41 : i32 to vector<16xi32>
    %and3A_43 = arith.andi %add3A_40, %and3A_42 : vector<16xi32>
    %add3A_44 = arith.constant 6 : i32
    %add3A_45 = vector.broadcast %add3A_44 : i32 to vector<16xi32>
    %add3A_46 = arith.addi %iota3A, %add3A_45 : vector<16xi32>
    %and3A_47 = arith.constant 15 : i32
    %and3A_48 = vector.broadcast %and3A_47 : i32 to vector<16xi32>
    %and3A_49 = arith.andi %add3A_46, %and3A_48 : vector<16xi32>
    %add3A_50 = arith.constant 7 : i32
    %add3A_51 = vector.broadcast %add3A_50 : i32 to vector<16xi32>
    %add3A_52 = arith.addi %iota3A, %add3A_51 : vector<16xi32>
    %and3A_53 = arith.constant 15 : i32
    %and3A_54 = vector.broadcast %and3A_53 : i32 to vector<16xi32>
    %and3A_55 = arith.andi %add3A_52, %and3A_54 : vector<16xi32>
    %add3A_56 = arith.constant 8 : i32
    %add3A_57 = vector.broadcast %add3A_56 : i32 to vector<16xi32>
    %add3A_58 = arith.addi %iota3A, %add3A_57 : vector<16xi32>
    %and3A_59 = arith.constant 15 : i32
    %and3A_60 = vector.broadcast %and3A_59 : i32 to vector<16xi32>
    %and3A_61 = arith.andi %add3A_58, %and3A_60 : vector<16xi32>
    %add3A_62 = arith.constant 9 : i32
    %add3A_63 = vector.broadcast %add3A_62 : i32 to vector<16xi32>
    %add3A_64 = arith.addi %iota3A, %add3A_63 : vector<16xi32>
    %and3A_65 = arith.constant 15 : i32
    %and3A_66 = vector.broadcast %and3A_65 : i32 to vector<16xi32>
    %and3A_67 = arith.andi %add3A_64, %and3A_66 : vector<16xi32>
    %add3A_68 = arith.constant 10 : i32
    %add3A_69 = vector.broadcast %add3A_68 : i32 to vector<16xi32>
    %add3A_70 = arith.addi %iota3A, %add3A_69 : vector<16xi32>
    %and3A_71 = arith.constant 15 : i32
    %and3A_72 = vector.broadcast %and3A_71 : i32 to vector<16xi32>
    %and3A_73 = arith.andi %add3A_70, %and3A_72 : vector<16xi32>
    %add3A_74 = arith.constant 11 : i32
    %add3A_75 = vector.broadcast %add3A_74 : i32 to vector<16xi32>
    %add3A_76 = arith.addi %iota3A, %add3A_75 : vector<16xi32>
    %and3A_77 = arith.constant 15 : i32
    %and3A_78 = vector.broadcast %and3A_77 : i32 to vector<16xi32>
    %and3A_79 = arith.andi %add3A_76, %and3A_78 : vector<16xi32>
    %add3A_80 = arith.constant 12 : i32
    %add3A_81 = vector.broadcast %add3A_80 : i32 to vector<16xi32>
    %add3A_82 = arith.addi %iota3A, %add3A_81 : vector<16xi32>
    %and3A_83 = arith.constant 15 : i32
    %and3A_84 = vector.broadcast %and3A_83 : i32 to vector<16xi32>
    %and3A_85 = arith.andi %add3A_82, %and3A_84 : vector<16xi32>
    %add3A_86 = arith.constant 13 : i32
    %add3A_87 = vector.broadcast %add3A_86 : i32 to vector<16xi32>
    %add3A_88 = arith.addi %iota3A, %add3A_87 : vector<16xi32>
    %and3A_89 = arith.constant 15 : i32
    %and3A_90 = vector.broadcast %and3A_89 : i32 to vector<16xi32>
    %and3A_91 = arith.andi %add3A_88, %and3A_90 : vector<16xi32>
    %add3A_92 = arith.constant 14 : i32
    %add3A_93 = vector.broadcast %add3A_92 : i32 to vector<16xi32>
    %add3A_94 = arith.addi %iota3A, %add3A_93 : vector<16xi32>
    %and3A_95 = arith.constant 15 : i32
    %and3A_96 = vector.broadcast %and3A_95 : i32 to vector<16xi32>
    %and3A_97 = arith.andi %add3A_94, %and3A_96 : vector<16xi32>
    %add3A_98 = arith.constant 15 : i32
    %add3A_99 = vector.broadcast %add3A_98 : i32 to vector<16xi32>
    %add3A_100 = arith.addi %iota3A, %add3A_99 : vector<16xi32>
    %and3A_101 = arith.constant 15 : i32
    %and3A_102 = vector.broadcast %and3A_101 : i32 to vector<16xi32>
    %and3A_103 = arith.andi %add3A_100, %and3A_102 : vector<16xi32>
    %shift_right_arithmetic3A = arith.constant 3 : i32
    %shift_right_arithmetic3A_104 = vector.broadcast %shift_right_arithmetic3A : i32 to vector<16xi32>
    %shift_right_arithmetic3A_105 = arith.shrsi %and3A_13, %shift_right_arithmetic3A_104 : vector<16xi32>
    %shift_right_arithmetic3A_106 = arith.constant 3 : i32
    %shift_right_arithmetic3A_107 = vector.broadcast %shift_right_arithmetic3A_106 : i32 to vector<16xi32>
    %shift_right_arithmetic3A_108 = arith.shrsi %and3A_19, %shift_right_arithmetic3A_107 : vector<16xi32>
    %shift_right_arithmetic3A_109 = arith.constant 3 : i32
    %shift_right_arithmetic3A_110 = vector.broadcast %shift_right_arithmetic3A_109 : i32 to vector<16xi32>
    %shift_right_arithmetic3A_111 = arith.shrsi %and3A_25, %shift_right_arithmetic3A_110 : vector<16xi32>
    %shift_right_arithmetic3A_112 = arith.constant 3 : i32
    %shift_right_arithmetic3A_113 = vector.broadcast %shift_right_arithmetic3A_112 : i32 to vector<16xi32>
    %shift_right_arithmetic3A_114 = arith.shrsi %and3A_31, %shift_right_arithmetic3A_113 : vector<16xi32>
    %shift_right_arithmetic3A_115 = arith.constant 3 : i32
    %shift_right_arithmetic3A_116 = vector.broadcast %shift_right_arithmetic3A_115 : i32 to vector<16xi32>
    %shift_right_arithmetic3A_117 = arith.shrsi %and3A_37, %shift_right_arithmetic3A_116 : vector<16xi32>
    %shift_right_arithmetic3A_118 = arith.constant 3 : i32
    %shift_right_arithmetic3A_119 = vector.broadcast %shift_right_arithmetic3A_118 : i32 to vector<16xi32>
    %shift_right_arithmetic3A_120 = arith.shrsi %and3A_43, %shift_right_arithmetic3A_119 : vector<16xi32>
    %shift_right_arithmetic3A_121 = arith.constant 3 : i32
    %shift_right_arithmetic3A_122 = vector.broadcast %shift_right_arithmetic3A_121 : i32 to vector<16xi32>
    %shift_right_arithmetic3A_123 = arith.shrsi %and3A_49, %shift_right_arithmetic3A_122 : vector<16xi32>
    %shift_right_arithmetic3A_124 = arith.constant 3 : i32
    %shift_right_arithmetic3A_125 = vector.broadcast %shift_right_arithmetic3A_124 : i32 to vector<16xi32>
    %shift_right_arithmetic3A_126 = arith.shrsi %and3A_55, %shift_right_arithmetic3A_125 : vector<16xi32>
    %shift_right_arithmetic3A_127 = arith.constant 3 : i32
    %shift_right_arithmetic3A_128 = vector.broadcast %shift_right_arithmetic3A_127 : i32 to vector<16xi32>
    %shift_right_arithmetic3A_129 = arith.shrsi %and3A_61, %shift_right_arithmetic3A_128 : vector<16xi32>
    %shift_right_arithmetic3A_130 = arith.constant 3 : i32
    %shift_right_arithmetic3A_131 = vector.broadcast %shift_right_arithmetic3A_130 : i32 to vector<16xi32>
    %shift_right_arithmetic3A_132 = arith.shrsi %and3A_67, %shift_right_arithmetic3A_131 : vector<16xi32>
    %shift_right_arithmetic3A_133 = arith.constant 3 : i32
    %shift_right_arithmetic3A_134 = vector.broadcast %shift_right_arithmetic3A_133 : i32 to vector<16xi32>
    %shift_right_arithmetic3A_135 = arith.shrsi %and3A_73, %shift_right_arithmetic3A_134 : vector<16xi32>
    %shift_right_arithmetic3A_136 = arith.constant 3 : i32
    %shift_right_arithmetic3A_137 = vector.broadcast %shift_right_arithmetic3A_136 : i32 to vector<16xi32>
    %shift_right_arithmetic3A_138 = arith.shrsi %and3A_79, %shift_right_arithmetic3A_137 : vector<16xi32>
    %shift_right_arithmetic3A_139 = arith.constant 3 : i32
    %shift_right_arithmetic3A_140 = vector.broadcast %shift_right_arithmetic3A_139 : i32 to vector<16xi32>
    %shift_right_arithmetic3A_141 = arith.shrsi %and3A_85, %shift_right_arithmetic3A_140 : vector<16xi32>
    %shift_right_arithmetic3A_142 = arith.constant 3 : i32
    %shift_right_arithmetic3A_143 = vector.broadcast %shift_right_arithmetic3A_142 : i32 to vector<16xi32>
    %shift_right_arithmetic3A_144 = arith.shrsi %and3A_91, %shift_right_arithmetic3A_143 : vector<16xi32>
    %shift_right_arithmetic3A_145 = arith.constant 3 : i32
    %shift_right_arithmetic3A_146 = vector.broadcast %shift_right_arithmetic3A_145 : i32 to vector<16xi32>
    %shift_right_arithmetic3A_147 = arith.shrsi %and3A_97, %shift_right_arithmetic3A_146 : vector<16xi32>
    %shift_right_arithmetic3A_148 = arith.constant 3 : i32
    %shift_right_arithmetic3A_149 = vector.broadcast %shift_right_arithmetic3A_148 : i32 to vector<16xi32>
    %shift_right_arithmetic3A_150 = arith.shrsi %and3A_103, %shift_right_arithmetic3A_149 : vector<16xi32>
    %and3A_151 = arith.constant 7 : i32
    %and3A_152 = vector.broadcast %and3A_151 : i32 to vector<16xi32>
    %and3A_153 = arith.andi %and3A_13, %and3A_152 : vector<16xi32>
    %shift_left3A = arith.constant 7 : i32
    %shift_left3A_154 = vector.broadcast %shift_left3A : i32 to vector<16xi32>
    %shift_left3A_155 = arith.shli %and3A_153, %shift_left3A_154 : vector<16xi32>
    %and3A_156 = arith.constant 7 : i32
    %and3A_157 = vector.broadcast %and3A_156 : i32 to vector<16xi32>
    %and3A_158 = arith.andi %and3A_19, %and3A_157 : vector<16xi32>
    %shift_left3A_159 = arith.constant 7 : i32
    %shift_left3A_160 = vector.broadcast %shift_left3A_159 : i32 to vector<16xi32>
    %shift_left3A_161 = arith.shli %and3A_158, %shift_left3A_160 : vector<16xi32>
    %and3A_162 = arith.constant 7 : i32
    %and3A_163 = vector.broadcast %and3A_162 : i32 to vector<16xi32>
    %and3A_164 = arith.andi %and3A_25, %and3A_163 : vector<16xi32>
    %shift_left3A_165 = arith.constant 7 : i32
    %shift_left3A_166 = vector.broadcast %shift_left3A_165 : i32 to vector<16xi32>
    %shift_left3A_167 = arith.shli %and3A_164, %shift_left3A_166 : vector<16xi32>
    %and3A_168 = arith.constant 7 : i32
    %and3A_169 = vector.broadcast %and3A_168 : i32 to vector<16xi32>
    %and3A_170 = arith.andi %and3A_31, %and3A_169 : vector<16xi32>
    %shift_left3A_171 = arith.constant 7 : i32
    %shift_left3A_172 = vector.broadcast %shift_left3A_171 : i32 to vector<16xi32>
    %shift_left3A_173 = arith.shli %and3A_170, %shift_left3A_172 : vector<16xi32>
    %and3A_174 = arith.constant 7 : i32
    %and3A_175 = vector.broadcast %and3A_174 : i32 to vector<16xi32>
    %and3A_176 = arith.andi %and3A_37, %and3A_175 : vector<16xi32>
    %shift_left3A_177 = arith.constant 7 : i32
    %shift_left3A_178 = vector.broadcast %shift_left3A_177 : i32 to vector<16xi32>
    %shift_left3A_179 = arith.shli %and3A_176, %shift_left3A_178 : vector<16xi32>
    %and3A_180 = arith.constant 7 : i32
    %and3A_181 = vector.broadcast %and3A_180 : i32 to vector<16xi32>
    %and3A_182 = arith.andi %and3A_43, %and3A_181 : vector<16xi32>
    %shift_left3A_183 = arith.constant 7 : i32
    %shift_left3A_184 = vector.broadcast %shift_left3A_183 : i32 to vector<16xi32>
    %shift_left3A_185 = arith.shli %and3A_182, %shift_left3A_184 : vector<16xi32>
    %and3A_186 = arith.constant 7 : i32
    %and3A_187 = vector.broadcast %and3A_186 : i32 to vector<16xi32>
    %and3A_188 = arith.andi %and3A_49, %and3A_187 : vector<16xi32>
    %shift_left3A_189 = arith.constant 7 : i32
    %shift_left3A_190 = vector.broadcast %shift_left3A_189 : i32 to vector<16xi32>
    %shift_left3A_191 = arith.shli %and3A_188, %shift_left3A_190 : vector<16xi32>
    %and3A_192 = arith.constant 7 : i32
    %and3A_193 = vector.broadcast %and3A_192 : i32 to vector<16xi32>
    %and3A_194 = arith.andi %and3A_55, %and3A_193 : vector<16xi32>
    %shift_left3A_195 = arith.constant 7 : i32
    %shift_left3A_196 = vector.broadcast %shift_left3A_195 : i32 to vector<16xi32>
    %shift_left3A_197 = arith.shli %and3A_194, %shift_left3A_196 : vector<16xi32>
    %and3A_198 = arith.constant 7 : i32
    %and3A_199 = vector.broadcast %and3A_198 : i32 to vector<16xi32>
    %and3A_200 = arith.andi %and3A_61, %and3A_199 : vector<16xi32>
    %shift_left3A_201 = arith.constant 7 : i32
    %shift_left3A_202 = vector.broadcast %shift_left3A_201 : i32 to vector<16xi32>
    %shift_left3A_203 = arith.shli %and3A_200, %shift_left3A_202 : vector<16xi32>
    %and3A_204 = arith.constant 7 : i32
    %and3A_205 = vector.broadcast %and3A_204 : i32 to vector<16xi32>
    %and3A_206 = arith.andi %and3A_67, %and3A_205 : vector<16xi32>
    %shift_left3A_207 = arith.constant 7 : i32
    %shift_left3A_208 = vector.broadcast %shift_left3A_207 : i32 to vector<16xi32>
    %shift_left3A_209 = arith.shli %and3A_206, %shift_left3A_208 : vector<16xi32>
    %and3A_210 = arith.constant 7 : i32
    %and3A_211 = vector.broadcast %and3A_210 : i32 to vector<16xi32>
    %and3A_212 = arith.andi %and3A_73, %and3A_211 : vector<16xi32>
    %shift_left3A_213 = arith.constant 7 : i32
    %shift_left3A_214 = vector.broadcast %shift_left3A_213 : i32 to vector<16xi32>
    %shift_left3A_215 = arith.shli %and3A_212, %shift_left3A_214 : vector<16xi32>
    %and3A_216 = arith.constant 7 : i32
    %and3A_217 = vector.broadcast %and3A_216 : i32 to vector<16xi32>
    %and3A_218 = arith.andi %and3A_79, %and3A_217 : vector<16xi32>
    %shift_left3A_219 = arith.constant 7 : i32
    %shift_left3A_220 = vector.broadcast %shift_left3A_219 : i32 to vector<16xi32>
    %shift_left3A_221 = arith.shli %and3A_218, %shift_left3A_220 : vector<16xi32>
    %and3A_222 = arith.constant 7 : i32
    %and3A_223 = vector.broadcast %and3A_222 : i32 to vector<16xi32>
    %and3A_224 = arith.andi %and3A_85, %and3A_223 : vector<16xi32>
    %shift_left3A_225 = arith.constant 7 : i32
    %shift_left3A_226 = vector.broadcast %shift_left3A_225 : i32 to vector<16xi32>
    %shift_left3A_227 = arith.shli %and3A_224, %shift_left3A_226 : vector<16xi32>
    %and3A_228 = arith.constant 7 : i32
    %and3A_229 = vector.broadcast %and3A_228 : i32 to vector<16xi32>
    %and3A_230 = arith.andi %and3A_91, %and3A_229 : vector<16xi32>
    %shift_left3A_231 = arith.constant 7 : i32
    %shift_left3A_232 = vector.broadcast %shift_left3A_231 : i32 to vector<16xi32>
    %shift_left3A_233 = arith.shli %and3A_230, %shift_left3A_232 : vector<16xi32>
    %and3A_234 = arith.constant 7 : i32
    %and3A_235 = vector.broadcast %and3A_234 : i32 to vector<16xi32>
    %and3A_236 = arith.andi %and3A_97, %and3A_235 : vector<16xi32>
    %shift_left3A_237 = arith.constant 7 : i32
    %shift_left3A_238 = vector.broadcast %shift_left3A_237 : i32 to vector<16xi32>
    %shift_left3A_239 = arith.shli %and3A_236, %shift_left3A_238 : vector<16xi32>
    %and3A_240 = arith.constant 7 : i32
    %and3A_241 = vector.broadcast %and3A_240 : i32 to vector<16xi32>
    %and3A_242 = arith.andi %and3A_103, %and3A_241 : vector<16xi32>
    %shift_left3A_243 = arith.constant 7 : i32
    %shift_left3A_244 = vector.broadcast %shift_left3A_243 : i32 to vector<16xi32>
    %shift_left3A_245 = arith.shli %and3A_242, %shift_left3A_244 : vector<16xi32>
    %dma_start3A = arith.constant 0 : i32
    %dma_start3A_246 = arith.constant 0 : i32
    %dma_start3A_247 = arith.constant 0 : i32
    %dma_start3A_248 = arith.constant 0 : i32
    %dma_start3A_249 = tpu.memref_slice %arg7[%dma_start3A_246, %dma_start3A_247, %dma_start3A_248] : memref<3x128x128xf32, #tpu.memory_space<vmem>> -> memref<1x128x128xf32, #tpu.memory_space<vmem>>
    %dma_start3A_250 = tpu.memref_squeeze %dma_start3A_249 : memref<1x128x128xf32, #tpu.memory_space<vmem>> -> memref<128x128xf32, #tpu.memory_space<vmem>>
    %dma_start3A_251 = arith.constant 0 : i32
    %dma_start3A_252 = tpu.memref_slice %arg6[%dma_start3A, %dma_start3A_251] : memref<200x128xi32, #tpu.memory_space<vmem>> -> memref<1x128xi32, #tpu.memory_space<vmem>>
    %dma_start3A_253 = tpu.memref_squeeze %dma_start3A_252 : memref<1x128xi32, #tpu.memory_space<vmem>> -> memref<128xi32, #tpu.memory_space<vmem>>
    %dma_start3A_254 = arith.constant 0 : i32
    %dma_start3A_255 = arith.constant 0 : i32
    %dma_start3A_256 = tpu.memref_slice %arg3[%dma_start3A_254, %dma_start3A_255] : memref<1000000x128xf32, #tpu.memory_space<hbm>> -> memref<1000000x128xf32, #tpu.memory_space<hbm>>
    tpu.enqueue_indirect_dma source(%dma_start3A_256 : memref<1000000x128xf32, #tpu.memory_space<hbm>>) target(%dma_start3A_250 : memref<128x128xf32, #tpu.memory_space<vmem>>) offsets(%dma_start3A_253 : memref<128xi32, #tpu.memory_space<vmem>>) semaphore(%arg10 : memref<!tpu.dma_semaphore, #tpu.memory_space<semaphore_mem>>)
    %dma_start3A_257 = arith.constant 1 : i32
    %dma_start3A_258 = arith.constant 1 : i32
    %dma_start3A_259 = arith.constant 0 : i32
    %dma_start3A_260 = arith.constant 0 : i32
    %dma_start3A_261 = tpu.memref_slice %arg7[%dma_start3A_258, %dma_start3A_259, %dma_start3A_260] : memref<3x128x128xf32, #tpu.memory_space<vmem>> -> memref<1x128x128xf32, #tpu.memory_space<vmem>>
    %dma_start3A_262 = tpu.memref_squeeze %dma_start3A_261 : memref<1x128x128xf32, #tpu.memory_space<vmem>> -> memref<128x128xf32, #tpu.memory_space<vmem>>
    %dma_start3A_263 = arith.constant 0 : i32
    %dma_start3A_264 = tpu.memref_slice %arg6[%dma_start3A_257, %dma_start3A_263] : memref<200x128xi32, #tpu.memory_space<vmem>> -> memref<1x128xi32, #tpu.memory_space<vmem>>
    %dma_start3A_265 = tpu.memref_squeeze %dma_start3A_264 : memref<1x128xi32, #tpu.memory_space<vmem>> -> memref<128xi32, #tpu.memory_space<vmem>>
    %dma_start3A_266 = arith.constant 0 : i32
    %dma_start3A_267 = arith.constant 0 : i32
    %dma_start3A_268 = tpu.memref_slice %arg3[%dma_start3A_266, %dma_start3A_267] : memref<1000000x128xf32, #tpu.memory_space<hbm>> -> memref<1000000x128xf32, #tpu.memory_space<hbm>>
    tpu.enqueue_indirect_dma source(%dma_start3A_268 : memref<1000000x128xf32, #tpu.memory_space<hbm>>) target(%dma_start3A_262 : memref<128x128xf32, #tpu.memory_space<vmem>>) offsets(%dma_start3A_265 : memref<128xi32, #tpu.memory_space<vmem>>) semaphore(%arg11 : memref<!tpu.dma_semaphore, #tpu.memory_space<semaphore_mem>>)
    %scan3A_269 = arith.constant 0 : i32
    %scan3A_270 = arith.constant 0 : i32
    %scan3A_271 = arith.constant 66 : i32
    %scan3A_272 = arith.addi %scan3A_270, %scan3A_271 : i32
    %scan3A_273 = arith.constant 1 : i32
    scf.for %scan3A_393 = %scan3A_270 to %scan3A_272 step %scan3A_273  : i32 {
      %mul3A_394 = arith.constant 3 : i32
      %mul3A_395 = arith.muli %scan3A_393, %mul3A_394 : i32
      %add3A_396 = arith.constant 0 : i32
      %add3A_397 = arith.addi %mul3A_395, %add3A_396 : i32
      %add3A_398 = arith.constant 2 : i32
      %add3A_399 = arith.addi %add3A_397, %add3A_398 : i32
      %lt3A = arith.constant 200 : i32
      %lt3A_400 = arith.cmpi slt, %add3A_399, %lt3A : i32
      %convert_element_type3A = arith.extui %lt3A_400 : i1 to i32
      %cond3A = arith.constant 0 : i32
      %cond3A_401 = arith.cmpi ne, %convert_element_type3A, %cond3A : i32
      scf.if %cond3A_401 {
        %add3A_517 = arith.constant 2 : i32
        %add3A_518 = arith.addi %add3A_397, %add3A_517 : i32
        %ge3A = arith.constant 3 : i32
        %ge3A_519 = arith.cmpi sge, %add3A_518, %ge3A : i32
        %convert_element_type3A_520 = arith.extui %ge3A_519 : i1 to i32
        %cond3A_521 = arith.constant 0 : i32
        %cond3A_522 = arith.cmpi ne, %convert_element_type3A_520, %cond3A_521 : i32
        scf.if %cond3A_522 {
          %add3A_536 = arith.constant 2 : i32
          %add3A_537 = arith.addi %add3A_397, %add3A_536 : i32
          %sub3A = arith.constant 3 : i32
          %sub3A_538 = arith.subi %add3A_537, %sub3A : i32
          %dma_wait3A_539 = arith.constant 2 : i32
          %dma_wait3A_540 = arith.constant 0 : i32
          %dma_wait3A_541 = arith.constant 0 : i32
          %dma_wait3A_542 = tpu.memref_slice %arg8[%dma_wait3A_539, %dma_wait3A_540, %dma_wait3A_541] : memref<3x8x1024xf32, #tpu.memory_space<vmem>> -> memref<1x8x1024xf32, #tpu.memory_space<vmem>>
          %dma_wait3A_543 = tpu.memref_squeeze %dma_wait3A_542 : memref<1x8x1024xf32, #tpu.memory_space<vmem>> -> memref<8x1024xf32, #tpu.memory_space<vmem>>
          %dma_wait3A_544 = arith.constant 0 : i32
          %dma_wait3A_545 = arith.constant 0 : i32
          %dma_wait3A_546 = tpu.memref_slice %arg4[%sub3A_538, %dma_wait3A_544, %add3A, %dma_wait3A_545] : memref<200x8x32x1024xf32, #tpu.memory_space<hbm>> -> memref<1x8x1x1024xf32, #tpu.memory_space<hbm>>
          %dma_wait3A_547 = tpu.memref_squeeze %dma_wait3A_546 : memref<1x8x1x1024xf32, #tpu.memory_space<hbm>> -> memref<8x1024xf32, #tpu.memory_space<hbm>>
          %dma_wait3A_548 = arith.constant 0 : i32
          %dma_wait3A_549 = arith.constant 0 : i32
          %dma_wait3A_550 = tpu.memref_slice %arg4[%sub3A_538, %dma_wait3A_548, %add3A, %dma_wait3A_549] : memref<200x8x32x1024xf32, #tpu.memory_space<hbm>> -> memref<1x8x1x1024xf32, #tpu.memory_space<hbm>>
          %dma_wait3A_551 = tpu.memref_squeeze %dma_wait3A_550 : memref<1x8x1x1024xf32, #tpu.memory_space<hbm>> -> memref<8x1024xf32, #tpu.memory_space<hbm>>
          %dma_wait3A_552 = arith.constant 0 : i32
          %dma_wait3A_553 = arith.constant 0 : i32
          %dma_wait3A_554 = tpu.memref_slice %arg8[%dma_wait3A_539, %dma_wait3A_552, %dma_wait3A_553] : memref<3x8x1024xf32, #tpu.memory_space<vmem>> -> memref<1x8x1024xf32, #tpu.memory_space<vmem>>
          %dma_wait3A_555 = tpu.memref_squeeze %dma_wait3A_554 : memref<1x8x1024xf32, #tpu.memory_space<vmem>> -> memref<8x1024xf32, #tpu.memory_space<vmem>>
          tpu.wait_dma2 semaphore(%arg15 : memref<!tpu.dma_semaphore, #tpu.memory_space<semaphore_mem>>) src(%dma_wait3A_555 : memref<8x1024xf32, #tpu.memory_space<vmem>>) dst(%dma_wait3A_551 : memref<8x1024xf32, #tpu.memory_space<hbm>>)
        } else {
        }
        %add3A_523 = arith.constant 2 : i32
        %add3A_524 = arith.addi %add3A_397, %add3A_523 : i32
        %dma_start3A_525 = arith.constant 2 : i32
        %dma_start3A_526 = arith.constant 0 : i32
        %dma_start3A_527 = arith.constant 0 : i32
        %dma_start3A_528 = tpu.memref_slice %arg7[%dma_start3A_525, %dma_start3A_526, %dma_start3A_527] : memref<3x128x128xf32, #tpu.memory_space<vmem>> -> memref<1x128x128xf32, #tpu.memory_space<vmem>>
        %dma_start3A_529 = tpu.memref_squeeze %dma_start3A_528 : memref<1x128x128xf32, #tpu.memory_space<vmem>> -> memref<128x128xf32, #tpu.memory_space<vmem>>
        %dma_start3A_530 = arith.constant 0 : i32
        %dma_start3A_531 = tpu.memref_slice %arg6[%add3A_524, %dma_start3A_530] : memref<200x128xi32, #tpu.memory_space<vmem>> -> memref<1x128xi32, #tpu.memory_space<vmem>>
        %dma_start3A_532 = tpu.memref_squeeze %dma_start3A_531 : memref<1x128xi32, #tpu.memory_space<vmem>> -> memref<128xi32, #tpu.memory_space<vmem>>
        %dma_start3A_533 = arith.constant 0 : i32
        %dma_start3A_534 = arith.constant 0 : i32
        %dma_start3A_535 = tpu.memref_slice %arg3[%dma_start3A_533, %dma_start3A_534] : memref<1000000x128xf32, #tpu.memory_space<hbm>> -> memref<1000000x128xf32, #tpu.memory_space<hbm>>
        tpu.enqueue_indirect_dma source(%dma_start3A_535 : memref<1000000x128xf32, #tpu.memory_space<hbm>>) target(%dma_start3A_529 : memref<128x128xf32, #tpu.memory_space<vmem>>) offsets(%dma_start3A_532 : memref<128xi32, #tpu.memory_space<vmem>>) semaphore(%arg12 : memref<!tpu.dma_semaphore, #tpu.memory_space<semaphore_mem>>)
      } else {
      }
      %dma_wait3A_402 = arith.constant 0 : i32
      %dma_wait3A_403 = arith.constant 0 : i32
      %dma_wait3A_404 = arith.constant 0 : i32
      %dma_wait3A_405 = tpu.memref_slice %arg7[%dma_wait3A_402, %dma_wait3A_403, %dma_wait3A_404] : memref<3x128x128xf32, #tpu.memory_space<vmem>> -> memref<1x128x128xf32, #tpu.memory_space<vmem>>
      %dma_wait3A_406 = tpu.memref_squeeze %dma_wait3A_405 : memref<1x128x128xf32, #tpu.memory_space<vmem>> -> memref<128x128xf32, #tpu.memory_space<vmem>>
      %dma_wait3A_407 = arith.constant 0 : i32
      %dma_wait3A_408 = tpu.memref_slice %arg6[%add3A_397, %dma_wait3A_407] : memref<200x128xi32, #tpu.memory_space<vmem>> -> memref<1x128xi32, #tpu.memory_space<vmem>>
      %dma_wait3A_409 = tpu.memref_squeeze %dma_wait3A_408 : memref<1x128xi32, #tpu.memory_space<vmem>> -> memref<128xi32, #tpu.memory_space<vmem>>
      %dma_wait3A_410 = arith.constant 0 : i32
      %dma_wait3A_411 = arith.constant 0 : i32
      %dma_wait3A_412 = tpu.memref_slice %arg3[%dma_wait3A_410, %dma_wait3A_411] : memref<1000000x128xf32, #tpu.memory_space<hbm>> -> memref<1000000x128xf32, #tpu.memory_space<hbm>>
      tpu.wait_indirect_dma semaphore(%arg10 : memref<!tpu.dma_semaphore, #tpu.memory_space<semaphore_mem>>) src(%dma_wait3A_412 : memref<1000000x128xf32, #tpu.memory_space<hbm>>) dst(%dma_wait3A_406 : memref<128x128xf32, #tpu.memory_space<vmem>>)
      %parallel_loop3A_413 = arith.constant 0 : i32
      %parallel_loop3A_414 = arith.constant 32 : i32
      %parallel_loop3A_415 = arith.constant 1 : i32
      scf.for %parallel_loop3A_517 = %parallel_loop3A_413 to %parallel_loop3A_414 step %parallel_loop3A_415  : i32 {
        %parallel_loop3A_518 = arith.constant 4 : i32
        %parallel_loop3A_519 = arith.divsi %parallel_loop3A_517, %parallel_loop3A_518 : i32
        %parallel_loop3A_520 = arith.constant 0 : i32
        %parallel_loop3A_521 = arith.cmpi sgt, %parallel_loop3A_517, %parallel_loop3A_520 : i32
        %parallel_loop3A_522 = arith.extui %parallel_loop3A_521 : i1 to i32
        %parallel_loop3A_523 = arith.constant 0 : i32
        %parallel_loop3A_524 = arith.cmpi slt, %parallel_loop3A_517, %parallel_loop3A_523 : i32
        %parallel_loop3A_525 = arith.extui %parallel_loop3A_524 : i1 to i32
        %parallel_loop3A_526 = arith.subi %parallel_loop3A_522, %parallel_loop3A_525 : i32
        %parallel_loop3A_527 = arith.constant 0 : i32
        %parallel_loop3A_528 = arith.cmpi sgt, %parallel_loop3A_518, %parallel_loop3A_527 : i32
        %parallel_loop3A_529 = arith.extui %parallel_loop3A_528 : i1 to i32
        %parallel_loop3A_530 = arith.constant 0 : i32
        %parallel_loop3A_531 = arith.cmpi slt, %parallel_loop3A_518, %parallel_loop3A_530 : i32
        %parallel_loop3A_532 = arith.extui %parallel_loop3A_531 : i1 to i32
        %parallel_loop3A_533 = arith.subi %parallel_loop3A_529, %parallel_loop3A_532 : i32
        %parallel_loop3A_534 = arith.cmpi ne, %parallel_loop3A_526, %parallel_loop3A_533 : i32
        %parallel_loop3A_535 = arith.remsi %parallel_loop3A_517, %parallel_loop3A_518 : i32
        %parallel_loop3A_536 = arith.constant 0 : i32
        %parallel_loop3A_537 = arith.cmpi ne, %parallel_loop3A_535, %parallel_loop3A_536 : i32
        %parallel_loop3A_538 = arith.andi %parallel_loop3A_534, %parallel_loop3A_537 : i1
        %parallel_loop3A_539 = arith.constant 1 : i32
        %parallel_loop3A_540 = arith.subi %parallel_loop3A_519, %parallel_loop3A_539 : i32
        %parallel_loop3A_541 = arith.select %parallel_loop3A_538, %parallel_loop3A_540, %parallel_loop3A_519 : i32
        %parallel_loop3A_542 = arith.constant 4 : i32
        %parallel_loop3A_543 = arith.constant 0 : i32
        %parallel_loop3A_544 = arith.cmpi eq, %parallel_loop3A_542, %parallel_loop3A_543 : i32
        %parallel_loop3A_545 = arith.constant 1 : i32
        %parallel_loop3A_546 = arith.select %parallel_loop3A_544, %parallel_loop3A_545, %parallel_loop3A_542 : i32
        %parallel_loop3A_547 = arith.remsi %parallel_loop3A_517, %parallel_loop3A_546 : i32
        %parallel_loop3A_548 = arith.constant 0 : i32
        %parallel_loop3A_549 = arith.cmpi ne, %parallel_loop3A_547, %parallel_loop3A_548 : i32
        %parallel_loop3A_550 = arith.constant 0 : i32
        %parallel_loop3A_551 = arith.cmpi slt, %parallel_loop3A_547, %parallel_loop3A_550 : i32
        %parallel_loop3A_552 = arith.constant 0 : i32
        %parallel_loop3A_553 = arith.cmpi slt, %parallel_loop3A_546, %parallel_loop3A_552 : i32
        %parallel_loop3A_554 = arith.xori %parallel_loop3A_551, %parallel_loop3A_553 : i1
        %parallel_loop3A_555 = arith.andi %parallel_loop3A_554, %parallel_loop3A_549 : i1
        %parallel_loop3A_556 = arith.addi %parallel_loop3A_547, %parallel_loop3A_546 : i32
        %parallel_loop3A_557 = arith.select %parallel_loop3A_555, %parallel_loop3A_556, %parallel_loop3A_547 : i32
        %parallel_loop3A_558 = arith.constant 16 : i32
        %parallel_loop3A_559 = arith.muli %parallel_loop3A_541, %parallel_loop3A_558 : i32
        %parallel_loop3A_560 = vector.broadcast %parallel_loop3A_559 : i32 to vector<16xi32>
        %parallel_loop3A_561 = arith.addi %iota3A, %parallel_loop3A_560 : vector<16xi32>
        %parallel_loop3A_562 = arith.constant 0 : i32
        %parallel_loop3A_563 = vector.broadcast %parallel_loop3A_562 : i32 to vector<16xi32>
        %parallel_loop3A_564 = arith.constant 16 : i32
        %parallel_loop3A_565 = arith.muli %parallel_loop3A_557, %parallel_loop3A_564 : i32
        %parallel_loop3A_566 = vector.broadcast %parallel_loop3A_565 : i32 to vector<16xi32>
        %parallel_loop3A_567 = arith.addi %parallel_loop3A_563, %parallel_loop3A_566 : vector<16xi32>
        %parallel_loop3A_568 = arith.constant 2 : i32
        %parallel_loop3A_569 = arith.muli %parallel_loop3A_557, %parallel_loop3A_568 : i32
        %parallel_loop3A_570 = arith.addi %parallel_loop3A_567, %and3A_13 : vector<16xi32>
        %parallel_loop3A_571 = arith.constant 0 : i32
        %parallel_loop3A_572 = arith.constant 0 : i32
        %parallel_loop3A_573 = arith.constant 0 : i32
        %parallel_loop3A_574 = tpu.memref_slice %arg7[%parallel_loop3A_571, %parallel_loop3A_572, %parallel_loop3A_573] : memref<3x128x128xf32, #tpu.memory_space<vmem>> -> memref<1x128x128xf32, #tpu.memory_space<vmem>>
        %parallel_loop3A_575 = tpu.memref_squeeze %parallel_loop3A_574 : memref<1x128x128xf32, #tpu.memory_space<vmem>> -> memref<128x128xf32, #tpu.memory_space<vmem>>
        %parallel_loop3A_576 = tpu.vector_load_idx %parallel_loop3A_575[%parallel_loop3A_561, %parallel_loop3A_570] : memref<128x128xf32, #tpu.memory_space<vmem>>[vector<16xi32>, vector<16xi32>], vector<16xf32>,
        %parallel_loop3A_577 = vector.broadcast %parallel_loop3A_569 : i32 to vector<16xi32>
        %parallel_loop3A_578 = arith.addi %shift_right_arithmetic3A_105, %parallel_loop3A_577 : vector<16xi32>
        %parallel_loop3A_579 = arith.addi %shift_left3A_155, %parallel_loop3A_561 : vector<16xi32>
        %parallel_loop3A_580 = arith.constant 8.000000e+00 : f32
        %parallel_loop3A_581 = vector.broadcast %parallel_loop3A_580 : f32 to vector<16xf32>
        %parallel_loop3A_582 = arith.mulf %parallel_loop3A_576, %parallel_loop3A_581 : vector<16xf32>
        %parallel_loop3A_583 = arith.constant 0 : i32
        %parallel_loop3A_584 = arith.constant 0 : i32
        %parallel_loop3A_585 = arith.constant 0 : i32
        %parallel_loop3A_586 = tpu.memref_slice %arg8[%parallel_loop3A_583, %parallel_loop3A_584, %parallel_loop3A_585] : memref<3x8x1024xf32, #tpu.memory_space<vmem>> -> memref<1x8x1024xf32, #tpu.memory_space<vmem>>
        %parallel_loop3A_587 = tpu.memref_squeeze %parallel_loop3A_586 : memref<1x8x1024xf32, #tpu.memory_space<vmem>> -> memref<8x1024xf32, #tpu.memory_space<vmem>>
        tpu.vector_store_idx %parallel_loop3A_587[%parallel_loop3A_578, %parallel_loop3A_579], %parallel_loop3A_582 : memref<8x1024xf32, #tpu.memory_space<vmem>>[vector<16xi32>, vector<16xi32>], vector<16xf32>,
        %parallel_loop3A_588 = arith.addi %parallel_loop3A_567, %and3A_19 : vector<16xi32>
        %parallel_loop3A_589 = arith.constant 0 : i32
        %parallel_loop3A_590 = arith.constant 0 : i32
        %parallel_loop3A_591 = arith.constant 0 : i32
        %parallel_loop3A_592 = tpu.memref_slice %arg7[%parallel_loop3A_589, %parallel_loop3A_590, %parallel_loop3A_591] : memref<3x128x128xf32, #tpu.memory_space<vmem>> -> memref<1x128x128xf32, #tpu.memory_space<vmem>>
        %parallel_loop3A_593 = tpu.memref_squeeze %parallel_loop3A_592 : memref<1x128x128xf32, #tpu.memory_space<vmem>> -> memref<128x128xf32, #tpu.memory_space<vmem>>
        %parallel_loop3A_594 = tpu.vector_load_idx %parallel_loop3A_593[%parallel_loop3A_561, %parallel_loop3A_588] : memref<128x128xf32, #tpu.memory_space<vmem>>[vector<16xi32>, vector<16xi32>], vector<16xf32>,
        %parallel_loop3A_595 = vector.broadcast %parallel_loop3A_569 : i32 to vector<16xi32>
        %parallel_loop3A_596 = arith.addi %shift_right_arithmetic3A_108, %parallel_loop3A_595 : vector<16xi32>
        %parallel_loop3A_597 = arith.addi %shift_left3A_161, %parallel_loop3A_561 : vector<16xi32>
        %parallel_loop3A_598 = arith.constant 8.000000e+00 : f32
        %parallel_loop3A_599 = vector.broadcast %parallel_loop3A_598 : f32 to vector<16xf32>
        %parallel_loop3A_600 = arith.mulf %parallel_loop3A_594, %parallel_loop3A_599 : vector<16xf32>
        %parallel_loop3A_601 = arith.constant 0 : i32
        %parallel_loop3A_602 = arith.constant 0 : i32
        %parallel_loop3A_603 = arith.constant 0 : i32
        %parallel_loop3A_604 = tpu.memref_slice %arg8[%parallel_loop3A_601, %parallel_loop3A_602, %parallel_loop3A_603] : memref<3x8x1024xf32, #tpu.memory_space<vmem>> -> memref<1x8x1024xf32, #tpu.memory_space<vmem>>
        %parallel_loop3A_605 = tpu.memref_squeeze %parallel_loop3A_604 : memref<1x8x1024xf32, #tpu.memory_space<vmem>> -> memref<8x1024xf32, #tpu.memory_space<vmem>>
        tpu.vector_store_idx %parallel_loop3A_605[%parallel_loop3A_596, %parallel_loop3A_597], %parallel_loop3A_600 : memref<8x1024xf32, #tpu.memory_space<vmem>>[vector<16xi32>, vector<16xi32>], vector<16xf32>,
        %parallel_loop3A_606 = arith.addi %parallel_loop3A_567, %and3A_25 : vector<16xi32>
        %parallel_loop3A_607 = arith.constant 0 : i32
        %parallel_loop3A_608 = arith.constant 0 : i32
        %parallel_loop3A_609 = arith.constant 0 : i32
        %parallel_loop3A_610 = tpu.memref_slice %arg7[%parallel_loop3A_607, %parallel_loop3A_608, %parallel_loop3A_609] : memref<3x128x128xf32, #tpu.memory_space<vmem>> -> memref<1x128x128xf32, #tpu.memory_space<vmem>>
        %parallel_loop3A_611 = tpu.memref_squeeze %parallel_loop3A_610 : memref<1x128x128xf32, #tpu.memory_space<vmem>> -> memref<128x128xf32, #tpu.memory_space<vmem>>
        %parallel_loop3A_612 = tpu.vector_load_idx %parallel_loop3A_611[%parallel_loop3A_561, %parallel_loop3A_606] : memref<128x128xf32, #tpu.memory_space<vmem>>[vector<16xi32>, vector<16xi32>], vector<16xf32>,
        %parallel_loop3A_613 = vector.broadcast %parallel_loop3A_569 : i32 to vector<16xi32>
        %parallel_loop3A_614 = arith.addi %shift_right_arithmetic3A_111, %parallel_loop3A_613 : vector<16xi32>
        %parallel_loop3A_615 = arith.addi %shift_left3A_167, %parallel_loop3A_561 : vector<16xi32>
        %parallel_loop3A_616 = arith.constant 8.000000e+00 : f32
        %parallel_loop3A_617 = vector.broadcast %parallel_loop3A_616 : f32 to vector<16xf32>
        %parallel_loop3A_618 = arith.mulf %parallel_loop3A_612, %parallel_loop3A_617 : vector<16xf32>
        %parallel_loop3A_619 = arith.constant 0 : i32
        %parallel_loop3A_620 = arith.constant 0 : i32
        %parallel_loop3A_621 = arith.constant 0 : i32
        %parallel_loop3A_622 = tpu.memref_slice %arg8[%parallel_loop3A_619, %parallel_loop3A_620, %parallel_loop3A_621] : memref<3x8x1024xf32, #tpu.memory_space<vmem>> -> memref<1x8x1024xf32, #tpu.memory_space<vmem>>
        %parallel_loop3A_623 = tpu.memref_squeeze %parallel_loop3A_622 : memref<1x8x1024xf32, #tpu.memory_space<vmem>> -> memref<8x1024xf32, #tpu.memory_space<vmem>>
        tpu.vector_store_idx %parallel_loop3A_623[%parallel_loop3A_614, %parallel_loop3A_615], %parallel_loop3A_618 : memref<8x1024xf32, #tpu.memory_space<vmem>>[vector<16xi32>, vector<16xi32>], vector<16xf32>,
        %parallel_loop3A_624 = arith.addi %parallel_loop3A_567, %and3A_31 : vector<16xi32>
        %parallel_loop3A_625 = arith.constant 0 : i32
        %parallel_loop3A_626 = arith.constant 0 : i32
        %parallel_loop3A_627 = arith.constant 0 : i32
        %parallel_loop3A_628 = tpu.memref_slice %arg7[%parallel_loop3A_625, %parallel_loop3A_626, %parallel_loop3A_627] : memref<3x128x128xf32, #tpu.memory_space<vmem>> -> memref<1x128x128xf32, #tpu.memory_space<vmem>>
        %parallel_loop3A_629 = tpu.memref_squeeze %parallel_loop3A_628 : memref<1x128x128xf32, #tpu.memory_space<vmem>> -> memref<128x128xf32, #tpu.memory_space<vmem>>
        %parallel_loop3A_630 = tpu.vector_load_idx %parallel_loop3A_629[%parallel_loop3A_561, %parallel_loop3A_624] : memref<128x128xf32, #tpu.memory_space<vmem>>[vector<16xi32>, vector<16xi32>], vector<16xf32>,
        %parallel_loop3A_631 = vector.broadcast %parallel_loop3A_569 : i32 to vector<16xi32>
        %parallel_loop3A_632 = arith.addi %shift_right_arithmetic3A_114, %parallel_loop3A_631 : vector<16xi32>
        %parallel_loop3A_633 = arith.addi %shift_left3A_173, %parallel_loop3A_561 : vector<16xi32>
        %parallel_loop3A_634 = arith.constant 8.000000e+00 : f32
        %parallel_loop3A_635 = vector.broadcast %parallel_loop3A_634 : f32 to vector<16xf32>
        %parallel_loop3A_636 = arith.mulf %parallel_loop3A_630, %parallel_loop3A_635 : vector<16xf32>
        %parallel_loop3A_637 = arith.constant 0 : i32
        %parallel_loop3A_638 = arith.constant 0 : i32
        %parallel_loop3A_639 = arith.constant 0 : i32
        %parallel_loop3A_640 = tpu.memref_slice %arg8[%parallel_loop3A_637, %parallel_loop3A_638, %parallel_loop3A_639] : memref<3x8x1024xf32, #tpu.memory_space<vmem>> -> memref<1x8x1024xf32, #tpu.memory_space<vmem>>
        %parallel_loop3A_641 = tpu.memref_squeeze %parallel_loop3A_640 : memref<1x8x1024xf32, #tpu.memory_space<vmem>> -> memref<8x1024xf32, #tpu.memory_space<vmem>>
        tpu.vector_store_idx %parallel_loop3A_641[%parallel_loop3A_632, %parallel_loop3A_633], %parallel_loop3A_636 : memref<8x1024xf32, #tpu.memory_space<vmem>>[vector<16xi32>, vector<16xi32>], vector<16xf32>,
        %parallel_loop3A_642 = arith.addi %parallel_loop3A_567, %and3A_37 : vector<16xi32>
        %parallel_loop3A_643 = arith.constant 0 : i32
        %parallel_loop3A_644 = arith.constant 0 : i32
        %parallel_loop3A_645 = arith.constant 0 : i32
        %parallel_loop3A_646 = tpu.memref_slice %arg7[%parallel_loop3A_643, %parallel_loop3A_644, %parallel_loop3A_645] : memref<3x128x128xf32, #tpu.memory_space<vmem>> -> memref<1x128x128xf32, #tpu.memory_space<vmem>>
        %parallel_loop3A_647 = tpu.memref_squeeze %parallel_loop3A_646 : memref<1x128x128xf32, #tpu.memory_space<vmem>> -> memref<128x128xf32, #tpu.memory_space<vmem>>
        %parallel_loop3A_648 = tpu.vector_load_idx %parallel_loop3A_647[%parallel_loop3A_561, %parallel_loop3A_642] : memref<128x128xf32, #tpu.memory_space<vmem>>[vector<16xi32>, vector<16xi32>], vector<16xf32>,
        %parallel_loop3A_649 = vector.broadcast %parallel_loop3A_569 : i32 to vector<16xi32>
        %parallel_loop3A_650 = arith.addi %shift_right_arithmetic3A_117, %parallel_loop3A_649 : vector<16xi32>
        %parallel_loop3A_651 = arith.addi %shift_left3A_179, %parallel_loop3A_561 : vector<16xi32>
        %parallel_loop3A_652 = arith.constant 8.000000e+00 : f32
        %parallel_loop3A_653 = vector.broadcast %parallel_loop3A_652 : f32 to vector<16xf32>
        %parallel_loop3A_654 = arith.mulf %parallel_loop3A_648, %parallel_loop3A_653 : vector<16xf32>
        %parallel_loop3A_655 = arith.constant 0 : i32
        %parallel_loop3A_656 = arith.constant 0 : i32
        %parallel_loop3A_657 = arith.constant 0 : i32
        %parallel_loop3A_658 = tpu.memref_slice %arg8[%parallel_loop3A_655, %parallel_loop3A_656, %parallel_loop3A_657] : memref<3x8x1024xf32, #tpu.memory_space<vmem>> -> memref<1x8x1024xf32, #tpu.memory_space<vmem>>
        %parallel_loop3A_659 = tpu.memref_squeeze %parallel_loop3A_658 : memref<1x8x1024xf32, #tpu.memory_space<vmem>> -> memref<8x1024xf32, #tpu.memory_space<vmem>>
        tpu.vector_store_idx %parallel_loop3A_659[%parallel_loop3A_650, %parallel_loop3A_651], %parallel_loop3A_654 : memref<8x1024xf32, #tpu.memory_space<vmem>>[vector<16xi32>, vector<16xi32>], vector<16xf32>,
        %parallel_loop3A_660 = arith.addi %parallel_loop3A_567, %and3A_43 : vector<16xi32>
        %parallel_loop3A_661 = arith.constant 0 : i32
        %parallel_loop3A_662 = arith.constant 0 : i32
        %parallel_loop3A_663 = arith.constant 0 : i32
        %parallel_loop3A_664 = tpu.memref_slice %arg7[%parallel_loop3A_661, %parallel_loop3A_662, %parallel_loop3A_663] : memref<3x128x128xf32, #tpu.memory_space<vmem>> -> memref<1x128x128xf32, #tpu.memory_space<vmem>>
        %parallel_loop3A_665 = tpu.memref_squeeze %parallel_loop3A_664 : memref<1x128x128xf32, #tpu.memory_space<vmem>> -> memref<128x128xf32, #tpu.memory_space<vmem>>
        %parallel_loop3A_666 = tpu.vector_load_idx %parallel_loop3A_665[%parallel_loop3A_561, %parallel_loop3A_660] : memref<128x128xf32, #tpu.memory_space<vmem>>[vector<16xi32>, vector<16xi32>], vector<16xf32>,
        %parallel_loop3A_667 = vector.broadcast %parallel_loop3A_569 : i32 to vector<16xi32>
        %parallel_loop3A_668 = arith.addi %shift_right_arithmetic3A_120, %parallel_loop3A_667 : vector<16xi32>
        %parallel_loop3A_669 = arith.addi %shift_left3A_185, %parallel_loop3A_561 : vector<16xi32>
        %parallel_loop3A_670 = arith.constant 8.000000e+00 : f32
        %parallel_loop3A_671 = vector.broadcast %parallel_loop3A_670 : f32 to vector<16xf32>
        %parallel_loop3A_672 = arith.mulf %parallel_loop3A_666, %parallel_loop3A_671 : vector<16xf32>
        %parallel_loop3A_673 = arith.constant 0 : i32
        %parallel_loop3A_674 = arith.constant 0 : i32
        %parallel_loop3A_675 = arith.constant 0 : i32
        %parallel_loop3A_676 = tpu.memref_slice %arg8[%parallel_loop3A_673, %parallel_loop3A_674, %parallel_loop3A_675] : memref<3x8x1024xf32, #tpu.memory_space<vmem>> -> memref<1x8x1024xf32, #tpu.memory_space<vmem>>
        %parallel_loop3A_677 = tpu.memref_squeeze %parallel_loop3A_676 : memref<1x8x1024xf32, #tpu.memory_space<vmem>> -> memref<8x1024xf32, #tpu.memory_space<vmem>>
        tpu.vector_store_idx %parallel_loop3A_677[%parallel_loop3A_668, %parallel_loop3A_669], %parallel_loop3A_672 : memref<8x1024xf32, #tpu.memory_space<vmem>>[vector<16xi32>, vector<16xi32>], vector<16xf32>,
        %parallel_loop3A_678 = arith.addi %parallel_loop3A_567, %and3A_49 : vector<16xi32>
        %parallel_loop3A_679 = arith.constant 0 : i32
        %parallel_loop3A_680 = arith.constant 0 : i32
        %parallel_loop3A_681 = arith.constant 0 : i32
        %parallel_loop3A_682 = tpu.memref_slice %arg7[%parallel_loop3A_679, %parallel_loop3A_680, %parallel_loop3A_681] : memref<3x128x128xf32, #tpu.memory_space<vmem>> -> memref<1x128x128xf32, #tpu.memory_space<vmem>>
        %parallel_loop3A_683 = tpu.memref_squeeze %parallel_loop3A_682 : memref<1x128x128xf32, #tpu.memory_space<vmem>> -> memref<128x128xf32, #tpu.memory_space<vmem>>
        %parallel_loop3A_684 = tpu.vector_load_idx %parallel_loop3A_683[%parallel_loop3A_561, %parallel_loop3A_678] : memref<128x128xf32, #tpu.memory_space<vmem>>[vector<16xi32>, vector<16xi32>], vector<16xf32>,
        %parallel_loop3A_685 = vector.broadcast %parallel_loop3A_569 : i32 to vector<16xi32>
        %parallel_loop3A_686 = arith.addi %shift_right_arithmetic3A_123, %parallel_loop3A_685 : vector<16xi32>
        %parallel_loop3A_687 = arith.addi %shift_left3A_191, %parallel_loop3A_561 : vector<16xi32>
        %parallel_loop3A_688 = arith.constant 8.000000e+00 : f32
        %parallel_loop3A_689 = vector.broadcast %parallel_loop3A_688 : f32 to vector<16xf32>
        %parallel_loop3A_690 = arith.mulf %parallel_loop3A_684, %parallel_loop3A_689 : vector<16xf32>
        %parallel_loop3A_691 = arith.constant 0 : i32
        %parallel_loop3A_692 = arith.constant 0 : i32
        %parallel_loop3A_693 = arith.constant 0 : i32
        %parallel_loop3A_694 = tpu.memref_slice %arg8[%parallel_loop3A_691, %parallel_loop3A_692, %parallel_loop3A_693] : memref<3x8x1024xf32, #tpu.memory_space<vmem>> -> memref<1x8x1024xf32, #tpu.memory_space<vmem>>
        %parallel_loop3A_695 = tpu.memref_squeeze %parallel_loop3A_694 : memref<1x8x1024xf32, #tpu.memory_space<vmem>> -> memref<8x1024xf32, #tpu.memory_space<vmem>>
        tpu.vector_store_idx %parallel_loop3A_695[%parallel_loop3A_686, %parallel_loop3A_687], %parallel_loop3A_690 : memref<8x1024xf32, #tpu.memory_space<vmem>>[vector<16xi32>, vector<16xi32>], vector<16xf32>,
        %parallel_loop3A_696 = arith.addi %parallel_loop3A_567, %and3A_55 : vector<16xi32>
        %parallel_loop3A_697 = arith.constant 0 : i32
        %parallel_loop3A_698 = arith.constant 0 : i32
        %parallel_loop3A_699 = arith.constant 0 : i32
        %parallel_loop3A_700 = tpu.memref_slice %arg7[%parallel_loop3A_697, %parallel_loop3A_698, %parallel_loop3A_699] : memref<3x128x128xf32, #tpu.memory_space<vmem>> -> memref<1x128x128xf32, #tpu.memory_space<vmem>>
        %parallel_loop3A_701 = tpu.memref_squeeze %parallel_loop3A_700 : memref<1x128x128xf32, #tpu.memory_space<vmem>> -> memref<128x128xf32, #tpu.memory_space<vmem>>
        %parallel_loop3A_702 = tpu.vector_load_idx %parallel_loop3A_701[%parallel_loop3A_561, %parallel_loop3A_696] : memref<128x128xf32, #tpu.memory_space<vmem>>[vector<16xi32>, vector<16xi32>], vector<16xf32>,
        %parallel_loop3A_703 = vector.broadcast %parallel_loop3A_569 : i32 to vector<16xi32>
        %parallel_loop3A_704 = arith.addi %shift_right_arithmetic3A_126, %parallel_loop3A_703 : vector<16xi32>
        %parallel_loop3A_705 = arith.addi %shift_left3A_197, %parallel_loop3A_561 : vector<16xi32>
        %parallel_loop3A_706 = arith.constant 8.000000e+00 : f32
        %parallel_loop3A_707 = vector.broadcast %parallel_loop3A_706 : f32 to vector<16xf32>
        %parallel_loop3A_708 = arith.mulf %parallel_loop3A_702, %parallel_loop3A_707 : vector<16xf32>
        %parallel_loop3A_709 = arith.constant 0 : i32
        %parallel_loop3A_710 = arith.constant 0 : i32
        %parallel_loop3A_711 = arith.constant 0 : i32
        %parallel_loop3A_712 = tpu.memref_slice %arg8[%parallel_loop3A_709, %parallel_loop3A_710, %parallel_loop3A_711] : memref<3x8x1024xf32, #tpu.memory_space<vmem>> -> memref<1x8x1024xf32, #tpu.memory_space<vmem>>
        %parallel_loop3A_713 = tpu.memref_squeeze %parallel_loop3A_712 : memref<1x8x1024xf32, #tpu.memory_space<vmem>> -> memref<8x1024xf32, #tpu.memory_space<vmem>>
        tpu.vector_store_idx %parallel_loop3A_713[%parallel_loop3A_704, %parallel_loop3A_705], %parallel_loop3A_708 : memref<8x1024xf32, #tpu.memory_space<vmem>>[vector<16xi32>, vector<16xi32>], vector<16xf32>,
        %parallel_loop3A_714 = arith.addi %parallel_loop3A_567, %and3A_61 : vector<16xi32>
        %parallel_loop3A_715 = arith.constant 0 : i32
        %parallel_loop3A_716 = arith.constant 0 : i32
        %parallel_loop3A_717 = arith.constant 0 : i32
        %parallel_loop3A_718 = tpu.memref_slice %arg7[%parallel_loop3A_715, %parallel_loop3A_716, %parallel_loop3A_717] : memref<3x128x128xf32, #tpu.memory_space<vmem>> -> memref<1x128x128xf32, #tpu.memory_space<vmem>>
        %parallel_loop3A_719 = tpu.memref_squeeze %parallel_loop3A_718 : memref<1x128x128xf32, #tpu.memory_space<vmem>> -> memref<128x128xf32, #tpu.memory_space<vmem>>
        %parallel_loop3A_720 = tpu.vector_load_idx %parallel_loop3A_719[%parallel_loop3A_561, %parallel_loop3A_714] : memref<128x128xf32, #tpu.memory_space<vmem>>[vector<16xi32>, vector<16xi32>], vector<16xf32>,
        %parallel_loop3A_721 = vector.broadcast %parallel_loop3A_569 : i32 to vector<16xi32>
        %parallel_loop3A_722 = arith.addi %shift_right_arithmetic3A_129, %parallel_loop3A_721 : vector<16xi32>
        %parallel_loop3A_723 = arith.addi %shift_left3A_203, %parallel_loop3A_561 : vector<16xi32>
        %parallel_loop3A_724 = arith.constant 8.000000e+00 : f32
        %parallel_loop3A_725 = vector.broadcast %parallel_loop3A_724 : f32 to vector<16xf32>
        %parallel_loop3A_726 = arith.mulf %parallel_loop3A_720, %parallel_loop3A_725 : vector<16xf32>
        %parallel_loop3A_727 = arith.constant 0 : i32
        %parallel_loop3A_728 = arith.constant 0 : i32
        %parallel_loop3A_729 = arith.constant 0 : i32
        %parallel_loop3A_730 = tpu.memref_slice %arg8[%parallel_loop3A_727, %parallel_loop3A_728, %parallel_loop3A_729] : memref<3x8x1024xf32, #tpu.memory_space<vmem>> -> memref<1x8x1024xf32, #tpu.memory_space<vmem>>
        %parallel_loop3A_731 = tpu.memref_squeeze %parallel_loop3A_730 : memref<1x8x1024xf32, #tpu.memory_space<vmem>> -> memref<8x1024xf32, #tpu.memory_space<vmem>>
        tpu.vector_store_idx %parallel_loop3A_731[%parallel_loop3A_722, %parallel_loop3A_723], %parallel_loop3A_726 : memref<8x1024xf32, #tpu.memory_space<vmem>>[vector<16xi32>, vector<16xi32>], vector<16xf32>,
        %parallel_loop3A_732 = arith.addi %parallel_loop3A_567, %and3A_67 : vector<16xi32>
        %parallel_loop3A_733 = arith.constant 0 : i32
        %parallel_loop3A_734 = arith.constant 0 : i32
        %parallel_loop3A_735 = arith.constant 0 : i32
        %parallel_loop3A_736 = tpu.memref_slice %arg7[%parallel_loop3A_733, %parallel_loop3A_734, %parallel_loop3A_735] : memref<3x128x128xf32, #tpu.memory_space<vmem>> -> memref<1x128x128xf32, #tpu.memory_space<vmem>>
        %parallel_loop3A_737 = tpu.memref_squeeze %parallel_loop3A_736 : memref<1x128x128xf32, #tpu.memory_space<vmem>> -> memref<128x128xf32, #tpu.memory_space<vmem>>
        %parallel_loop3A_738 = tpu.vector_load_idx %parallel_loop3A_737[%parallel_loop3A_561, %parallel_loop3A_732] : memref<128x128xf32, #tpu.memory_space<vmem>>[vector<16xi32>, vector<16xi32>], vector<16xf32>,
        %parallel_loop3A_739 = vector.broadcast %parallel_loop3A_569 : i32 to vector<16xi32>
        %parallel_loop3A_740 = arith.addi %shift_right_arithmetic3A_132, %parallel_loop3A_739 : vector<16xi32>
        %parallel_loop3A_741 = arith.addi %shift_left3A_209, %parallel_loop3A_561 : vector<16xi32>
        %parallel_loop3A_742 = arith.constant 8.000000e+00 : f32
        %parallel_loop3A_743 = vector.broadcast %parallel_loop3A_742 : f32 to vector<16xf32>
        %parallel_loop3A_744 = arith.mulf %parallel_loop3A_738, %parallel_loop3A_743 : vector<16xf32>
        %parallel_loop3A_745 = arith.constant 0 : i32
        %parallel_loop3A_746 = arith.constant 0 : i32
        %parallel_loop3A_747 = arith.constant 0 : i32
        %parallel_loop3A_748 = tpu.memref_slice %arg8[%parallel_loop3A_745, %parallel_loop3A_746, %parallel_loop3A_747] : memref<3x8x1024xf32, #tpu.memory_space<vmem>> -> memref<1x8x1024xf32, #tpu.memory_space<vmem>>
        %parallel_loop3A_749 = tpu.memref_squeeze %parallel_loop3A_748 : memref<1x8x1024xf32, #tpu.memory_space<vmem>> -> memref<8x1024xf32, #tpu.memory_space<vmem>>
        tpu.vector_store_idx %parallel_loop3A_749[%parallel_loop3A_740, %parallel_loop3A_741], %parallel_loop3A_744 : memref<8x1024xf32, #tpu.memory_space<vmem>>[vector<16xi32>, vector<16xi32>], vector<16xf32>,
        %parallel_loop3A_750 = arith.addi %parallel_loop3A_567, %and3A_73 : vector<16xi32>
        %parallel_loop3A_751 = arith.constant 0 : i32
        %parallel_loop3A_752 = arith.constant 0 : i32
        %parallel_loop3A_753 = arith.constant 0 : i32
        %parallel_loop3A_754 = tpu.memref_slice %arg7[%parallel_loop3A_751, %parallel_loop3A_752, %parallel_loop3A_753] : memref<3x128x128xf32, #tpu.memory_space<vmem>> -> memref<1x128x128xf32, #tpu.memory_space<vmem>>
        %parallel_loop3A_755 = tpu.memref_squeeze %parallel_loop3A_754 : memref<1x128x128xf32, #tpu.memory_space<vmem>> -> memref<128x128xf32, #tpu.memory_space<vmem>>
        %parallel_loop3A_756 = tpu.vector_load_idx %parallel_loop3A_755[%parallel_loop3A_561, %parallel_loop3A_750] : memref<128x128xf32, #tpu.memory_space<vmem>>[vector<16xi32>, vector<16xi32>], vector<16xf32>,
        %parallel_loop3A_757 = vector.broadcast %parallel_loop3A_569 : i32 to vector<16xi32>
        %parallel_loop3A_758 = arith.addi %shift_right_arithmetic3A_135, %parallel_loop3A_757 : vector<16xi32>
        %parallel_loop3A_759 = arith.addi %shift_left3A_215, %parallel_loop3A_561 : vector<16xi32>
        %parallel_loop3A_760 = arith.constant 8.000000e+00 : f32
        %parallel_loop3A_761 = vector.broadcast %parallel_loop3A_760 : f32 to vector<16xf32>
        %parallel_loop3A_762 = arith.mulf %parallel_loop3A_756, %parallel_loop3A_761 : vector<16xf32>
        %parallel_loop3A_763 = arith.constant 0 : i32
        %parallel_loop3A_764 = arith.constant 0 : i32
        %parallel_loop3A_765 = arith.constant 0 : i32
        %parallel_loop3A_766 = tpu.memref_slice %arg8[%parallel_loop3A_763, %parallel_loop3A_764, %parallel_loop3A_765] : memref<3x8x1024xf32, #tpu.memory_space<vmem>> -> memref<1x8x1024xf32, #tpu.memory_space<vmem>>
        %parallel_loop3A_767 = tpu.memref_squeeze %parallel_loop3A_766 : memref<1x8x1024xf32, #tpu.memory_space<vmem>> -> memref<8x1024xf32, #tpu.memory_space<vmem>>
        tpu.vector_store_idx %parallel_loop3A_767[%parallel_loop3A_758, %parallel_loop3A_759], %parallel_loop3A_762 : memref<8x1024xf32, #tpu.memory_space<vmem>>[vector<16xi32>, vector<16xi32>], vector<16xf32>,
        %parallel_loop3A_768 = arith.addi %parallel_loop3A_567, %and3A_79 : vector<16xi32>
        %parallel_loop3A_769 = arith.constant 0 : i32
        %parallel_loop3A_770 = arith.constant 0 : i32
        %parallel_loop3A_771 = arith.constant 0 : i32
        %parallel_loop3A_772 = tpu.memref_slice %arg7[%parallel_loop3A_769, %parallel_loop3A_770, %parallel_loop3A_771] : memref<3x128x128xf32, #tpu.memory_space<vmem>> -> memref<1x128x128xf32, #tpu.memory_space<vmem>>
        %parallel_loop3A_773 = tpu.memref_squeeze %parallel_loop3A_772 : memref<1x128x128xf32, #tpu.memory_space<vmem>> -> memref<128x128xf32, #tpu.memory_space<vmem>>
        %parallel_loop3A_774 = tpu.vector_load_idx %parallel_loop3A_773[%parallel_loop3A_561, %parallel_loop3A_768] : memref<128x128xf32, #tpu.memory_space<vmem>>[vector<16xi32>, vector<16xi32>], vector<16xf32>,
        %parallel_loop3A_775 = vector.broadcast %parallel_loop3A_569 : i32 to vector<16xi32>
        %parallel_loop3A_776 = arith.addi %shift_right_arithmetic3A_138, %parallel_loop3A_775 : vector<16xi32>
        %parallel_loop3A_777 = arith.addi %shift_left3A_221, %parallel_loop3A_561 : vector<16xi32>
        %parallel_loop3A_778 = arith.constant 8.000000e+00 : f32
        %parallel_loop3A_779 = vector.broadcast %parallel_loop3A_778 : f32 to vector<16xf32>
        %parallel_loop3A_780 = arith.mulf %parallel_loop3A_774, %parallel_loop3A_779 : vector<16xf32>
        %parallel_loop3A_781 = arith.constant 0 : i32
        %parallel_loop3A_782 = arith.constant 0 : i32
        %parallel_loop3A_783 = arith.constant 0 : i32
        %parallel_loop3A_784 = tpu.memref_slice %arg8[%parallel_loop3A_781, %parallel_loop3A_782, %parallel_loop3A_783] : memref<3x8x1024xf32, #tpu.memory_space<vmem>> -> memref<1x8x1024xf32, #tpu.memory_space<vmem>>
        %parallel_loop3A_785 = tpu.memref_squeeze %parallel_loop3A_784 : memref<1x8x1024xf32, #tpu.memory_space<vmem>> -> memref<8x1024xf32, #tpu.memory_space<vmem>>
        tpu.vector_store_idx %parallel_loop3A_785[%parallel_loop3A_776, %parallel_loop3A_777], %parallel_loop3A_780 : memref<8x1024xf32, #tpu.memory_space<vmem>>[vector<16xi32>, vector<16xi32>], vector<16xf32>,
        %parallel_loop3A_786 = arith.addi %parallel_loop3A_567, %and3A_85 : vector<16xi32>
        %parallel_loop3A_787 = arith.constant 0 : i32
        %parallel_loop3A_788 = arith.constant 0 : i32
        %parallel_loop3A_789 = arith.constant 0 : i32
        %parallel_loop3A_790 = tpu.memref_slice %arg7[%parallel_loop3A_787, %parallel_loop3A_788, %parallel_loop3A_789] : memref<3x128x128xf32, #tpu.memory_space<vmem>> -> memref<1x128x128xf32, #tpu.memory_space<vmem>>
        %parallel_loop3A_791 = tpu.memref_squeeze %parallel_loop3A_790 : memref<1x128x128xf32, #tpu.memory_space<vmem>> -> memref<128x128xf32, #tpu.memory_space<vmem>>
        %parallel_loop3A_792 = tpu.vector_load_idx %parallel_loop3A_791[%parallel_loop3A_561, %parallel_loop3A_786] : memref<128x128xf32, #tpu.memory_space<vmem>>[vector<16xi32>, vector<16xi32>], vector<16xf32>,
        %parallel_loop3A_793 = vector.broadcast %parallel_loop3A_569 : i32 to vector<16xi32>
        %parallel_loop3A_794 = arith.addi %shift_right_arithmetic3A_141, %parallel_loop3A_793 : vector<16xi32>
        %parallel_loop3A_795 = arith.addi %shift_left3A_227, %parallel_loop3A_561 : vector<16xi32>
        %parallel_loop3A_796 = arith.constant 8.000000e+00 : f32
        %parallel_loop3A_797 = vector.broadcast %parallel_loop3A_796 : f32 to vector<16xf32>
        %parallel_loop3A_798 = arith.mulf %parallel_loop3A_792, %parallel_loop3A_797 : vector<16xf32>
        %parallel_loop3A_799 = arith.constant 0 : i32
        %parallel_loop3A_800 = arith.constant 0 : i32
        %parallel_loop3A_801 = arith.constant 0 : i32
        %parallel_loop3A_802 = tpu.memref_slice %arg8[%parallel_loop3A_799, %parallel_loop3A_800, %parallel_loop3A_801] : memref<3x8x1024xf32, #tpu.memory_space<vmem>> -> memref<1x8x1024xf32, #tpu.memory_space<vmem>>
        %parallel_loop3A_803 = tpu.memref_squeeze %parallel_loop3A_802 : memref<1x8x1024xf32, #tpu.memory_space<vmem>> -> memref<8x1024xf32, #tpu.memory_space<vmem>>
        tpu.vector_store_idx %parallel_loop3A_803[%parallel_loop3A_794, %parallel_loop3A_795], %parallel_loop3A_798 : memref<8x1024xf32, #tpu.memory_space<vmem>>[vector<16xi32>, vector<16xi32>], vector<16xf32>,
        %parallel_loop3A_804 = arith.addi %parallel_loop3A_567, %and3A_91 : vector<16xi32>
        %parallel_loop3A_805 = arith.constant 0 : i32
        %parallel_loop3A_806 = arith.constant 0 : i32
        %parallel_loop3A_807 = arith.constant 0 : i32
        %parallel_loop3A_808 = tpu.memref_slice %arg7[%parallel_loop3A_805, %parallel_loop3A_806, %parallel_loop3A_807] : memref<3x128x128xf32, #tpu.memory_space<vmem>> -> memref<1x128x128xf32, #tpu.memory_space<vmem>>
        %parallel_loop3A_809 = tpu.memref_squeeze %parallel_loop3A_808 : memref<1x128x128xf32, #tpu.memory_space<vmem>> -> memref<128x128xf32, #tpu.memory_space<vmem>>
        %parallel_loop3A_810 = tpu.vector_load_idx %parallel_loop3A_809[%parallel_loop3A_561, %parallel_loop3A_804] : memref<128x128xf32, #tpu.memory_space<vmem>>[vector<16xi32>, vector<16xi32>], vector<16xf32>,
        %parallel_loop3A_811 = vector.broadcast %parallel_loop3A_569 : i32 to vector<16xi32>
        %parallel_loop3A_812 = arith.addi %shift_right_arithmetic3A_144, %parallel_loop3A_811 : vector<16xi32>
        %parallel_loop3A_813 = arith.addi %shift_left3A_233, %parallel_loop3A_561 : vector<16xi32>
        %parallel_loop3A_814 = arith.constant 8.000000e+00 : f32
        %parallel_loop3A_815 = vector.broadcast %parallel_loop3A_814 : f32 to vector<16xf32>
        %parallel_loop3A_816 = arith.mulf %parallel_loop3A_810, %parallel_loop3A_815 : vector<16xf32>
        %parallel_loop3A_817 = arith.constant 0 : i32
        %parallel_loop3A_818 = arith.constant 0 : i32
        %parallel_loop3A_819 = arith.constant 0 : i32
        %parallel_loop3A_820 = tpu.memref_slice %arg8[%parallel_loop3A_817, %parallel_loop3A_818, %parallel_loop3A_819] : memref<3x8x1024xf32, #tpu.memory_space<vmem>> -> memref<1x8x1024xf32, #tpu.memory_space<vmem>>
        %parallel_loop3A_821 = tpu.memref_squeeze %parallel_loop3A_820 : memref<1x8x1024xf32, #tpu.memory_space<vmem>> -> memref<8x1024xf32, #tpu.memory_space<vmem>>
        tpu.vector_store_idx %parallel_loop3A_821[%parallel_loop3A_812, %parallel_loop3A_813], %parallel_loop3A_816 : memref<8x1024xf32, #tpu.memory_space<vmem>>[vector<16xi32>, vector<16xi32>], vector<16xf32>,
        %parallel_loop3A_822 = arith.addi %parallel_loop3A_567, %and3A_97 : vector<16xi32>
        %parallel_loop3A_823 = arith.constant 0 : i32
        %parallel_loop3A_824 = arith.constant 0 : i32
        %parallel_loop3A_825 = arith.constant 0 : i32
        %parallel_loop3A_826 = tpu.memref_slice %arg7[%parallel_loop3A_823, %parallel_loop3A_824, %parallel_loop3A_825] : memref<3x128x128xf32, #tpu.memory_space<vmem>> -> memref<1x128x128xf32, #tpu.memory_space<vmem>>
        %parallel_loop3A_827 = tpu.memref_squeeze %parallel_loop3A_826 : memref<1x128x128xf32, #tpu.memory_space<vmem>> -> memref<128x128xf32, #tpu.memory_space<vmem>>
        %parallel_loop3A_828 = tpu.vector_load_idx %parallel_loop3A_827[%parallel_loop3A_561, %parallel_loop3A_822] : memref<128x128xf32, #tpu.memory_space<vmem>>[vector<16xi32>, vector<16xi32>], vector<16xf32>,
        %parallel_loop3A_829 = vector.broadcast %parallel_loop3A_569 : i32 to vector<16xi32>
        %parallel_loop3A_830 = arith.addi %shift_right_arithmetic3A_147, %parallel_loop3A_829 : vector<16xi32>
        %parallel_loop3A_831 = arith.addi %shift_left3A_239, %parallel_loop3A_561 : vector<16xi32>
        %parallel_loop3A_832 = arith.constant 8.000000e+00 : f32
        %parallel_loop3A_833 = vector.broadcast %parallel_loop3A_832 : f32 to vector<16xf32>
        %parallel_loop3A_834 = arith.mulf %parallel_loop3A_828, %parallel_loop3A_833 : vector<16xf32>
        %parallel_loop3A_835 = arith.constant 0 : i32
        %parallel_loop3A_836 = arith.constant 0 : i32
        %parallel_loop3A_837 = arith.constant 0 : i32
        %parallel_loop3A_838 = tpu.memref_slice %arg8[%parallel_loop3A_835, %parallel_loop3A_836, %parallel_loop3A_837] : memref<3x8x1024xf32, #tpu.memory_space<vmem>> -> memref<1x8x1024xf32, #tpu.memory_space<vmem>>
        %parallel_loop3A_839 = tpu.memref_squeeze %parallel_loop3A_838 : memref<1x8x1024xf32, #tpu.memory_space<vmem>> -> memref<8x1024xf32, #tpu.memory_space<vmem>>
        tpu.vector_store_idx %parallel_loop3A_839[%parallel_loop3A_830, %parallel_loop3A_831], %parallel_loop3A_834 : memref<8x1024xf32, #tpu.memory_space<vmem>>[vector<16xi32>, vector<16xi32>], vector<16xf32>,
        %parallel_loop3A_840 = arith.addi %parallel_loop3A_567, %and3A_103 : vector<16xi32>
        %parallel_loop3A_841 = arith.constant 0 : i32
        %parallel_loop3A_842 = arith.constant 0 : i32
        %parallel_loop3A_843 = arith.constant 0 : i32
        %parallel_loop3A_844 = tpu.memref_slice %arg7[%parallel_loop3A_841, %parallel_loop3A_842, %parallel_loop3A_843] : memref<3x128x128xf32, #tpu.memory_space<vmem>> -> memref<1x128x128xf32, #tpu.memory_space<vmem>>
        %parallel_loop3A_845 = tpu.memref_squeeze %parallel_loop3A_844 : memref<1x128x128xf32, #tpu.memory_space<vmem>> -> memref<128x128xf32, #tpu.memory_space<vmem>>
        %parallel_loop3A_846 = tpu.vector_load_idx %parallel_loop3A_845[%parallel_loop3A_561, %parallel_loop3A_840] : memref<128x128xf32, #tpu.memory_space<vmem>>[vector<16xi32>, vector<16xi32>], vector<16xf32>,
        %parallel_loop3A_847 = vector.broadcast %parallel_loop3A_569 : i32 to vector<16xi32>
        %parallel_loop3A_848 = arith.addi %shift_right_arithmetic3A_150, %parallel_loop3A_847 : vector<16xi32>
        %parallel_loop3A_849 = arith.addi %shift_left3A_245, %parallel_loop3A_561 : vector<16xi32>
        %parallel_loop3A_850 = arith.constant 8.000000e+00 : f32
        %parallel_loop3A_851 = vector.broadcast %parallel_loop3A_850 : f32 to vector<16xf32>
        %parallel_loop3A_852 = arith.mulf %parallel_loop3A_846, %parallel_loop3A_851 : vector<16xf32>
        %parallel_loop3A_853 = arith.constant 0 : i32
        %parallel_loop3A_854 = arith.constant 0 : i32
        %parallel_loop3A_855 = arith.constant 0 : i32
        %parallel_loop3A_856 = tpu.memref_slice %arg8[%parallel_loop3A_853, %parallel_loop3A_854, %parallel_loop3A_855] : memref<3x8x1024xf32, #tpu.memory_space<vmem>> -> memref<1x8x1024xf32, #tpu.memory_space<vmem>>
        %parallel_loop3A_857 = tpu.memref_squeeze %parallel_loop3A_856 : memref<1x8x1024xf32, #tpu.memory_space<vmem>> -> memref<8x1024xf32, #tpu.memory_space<vmem>>
        tpu.vector_store_idx %parallel_loop3A_857[%parallel_loop3A_848, %parallel_loop3A_849], %parallel_loop3A_852 : memref<8x1024xf32, #tpu.memory_space<vmem>>[vector<16xi32>, vector<16xi32>], vector<16xf32>,
      } {sc.loop_unroll_factor = 1 : i64, sc.parallel_access}
      %dma_start3A_416 = arith.constant 0 : i32
      %dma_start3A_417 = arith.constant 0 : i32
      %dma_start3A_418 = arith.constant 0 : i32
      %dma_start3A_419 = tpu.memref_slice %arg8[%dma_start3A_416, %dma_start3A_417, %dma_start3A_418] : memref<3x8x1024xf32, #tpu.memory_space<vmem>> -> memref<1x8x1024xf32, #tpu.memory_space<vmem>>
      %dma_start3A_420 = tpu.memref_squeeze %dma_start3A_419 : memref<1x8x1024xf32, #tpu.memory_space<vmem>> -> memref<8x1024xf32, #tpu.memory_space<vmem>>
      %dma_start3A_421 = arith.constant 0 : i32
      %dma_start3A_422 = arith.constant 0 : i32
      %dma_start3A_423 = tpu.memref_slice %arg4[%add3A_397, %dma_start3A_421, %add3A, %dma_start3A_422] : memref<200x8x32x1024xf32, #tpu.memory_space<hbm>> -> memref<1x8x1x1024xf32, #tpu.memory_space<hbm>>
      %dma_start3A_424 = tpu.memref_squeeze %dma_start3A_423 : memref<1x8x1x1024xf32, #tpu.memory_space<hbm>> -> memref<8x1024xf32, #tpu.memory_space<hbm>>
      %dma_start3A_425 = arith.constant 0 : i32
      %dma_start3A_426 = arith.constant 0 : i32
      %dma_start3A_427 = tpu.memref_slice %arg4[%add3A_397, %dma_start3A_425, %add3A, %dma_start3A_426] : memref<200x8x32x1024xf32, #tpu.memory_space<hbm>> -> memref<1x8x1x1024xf32, #tpu.memory_space<hbm>>
      %dma_start3A_428 = tpu.memref_squeeze %dma_start3A_427 : memref<1x8x1x1024xf32, #tpu.memory_space<hbm>> -> memref<8x1024xf32, #tpu.memory_space<hbm>>
      %dma_start3A_429 = arith.constant 0 : i32
      %dma_start3A_430 = arith.constant 0 : i32
      %dma_start3A_431 = tpu.memref_slice %arg8[%dma_start3A_416, %dma_start3A_429, %dma_start3A_430] : memref<3x8x1024xf32, #tpu.memory_space<vmem>> -> memref<1x8x1024xf32, #tpu.memory_space<vmem>>
      %dma_start3A_432 = tpu.memref_squeeze %dma_start3A_431 : memref<1x8x1024xf32, #tpu.memory_space<vmem>> -> memref<8x1024xf32, #tpu.memory_space<vmem>>
      tpu.enqueue_dma source(%dma_start3A_432 : memref<8x1024xf32, #tpu.memory_space<vmem>>) target(%dma_start3A_428 : memref<8x1024xf32, #tpu.memory_space<hbm>>) target_semaphore(%arg13 : memref<!tpu.dma_semaphore, #tpu.memory_space<semaphore_mem>>)
      %mul3A_433 = arith.constant 3 : i32
      %mul3A_434 = arith.muli %scan3A_393, %mul3A_433 : i32
      %add3A_435 = arith.constant 1 : i32
      %add3A_436 = arith.addi %mul3A_434, %add3A_435 : i32
      %add3A_437 = arith.constant 2 : i32
      %add3A_438 = arith.addi %add3A_436, %add3A_437 : i32
      %lt3A_439 = arith.constant 200 : i32
      %lt3A_440 = arith.cmpi slt, %add3A_438, %lt3A_439 : i32
      %convert_element_type3A_441 = arith.extui %lt3A_440 : i1 to i32
      %cond3A_442 = arith.constant 0 : i32
      %cond3A_443 = arith.cmpi ne, %convert_element_type3A_441, %cond3A_442 : i32
      scf.if %cond3A_443 {
        %add3A_517 = arith.constant 2 : i32
        %add3A_518 = arith.addi %add3A_436, %add3A_517 : i32
        %ge3A = arith.constant 3 : i32
        %ge3A_519 = arith.cmpi sge, %add3A_518, %ge3A : i32
        %convert_element_type3A_520 = arith.extui %ge3A_519 : i1 to i32
        %cond3A_521 = arith.constant 0 : i32
        %cond3A_522 = arith.cmpi ne, %convert_element_type3A_520, %cond3A_521 : i32
        scf.if %cond3A_522 {
          %add3A_536 = arith.constant 2 : i32
          %add3A_537 = arith.addi %add3A_436, %add3A_536 : i32
          %sub3A = arith.constant 3 : i32
          %sub3A_538 = arith.subi %add3A_537, %sub3A : i32
          %dma_wait3A_539 = arith.constant 0 : i32
          %dma_wait3A_540 = arith.constant 0 : i32
          %dma_wait3A_541 = arith.constant 0 : i32
          %dma_wait3A_542 = tpu.memref_slice %arg8[%dma_wait3A_539, %dma_wait3A_540, %dma_wait3A_541] : memref<3x8x1024xf32, #tpu.memory_space<vmem>> -> memref<1x8x1024xf32, #tpu.memory_space<vmem>>
          %dma_wait3A_543 = tpu.memref_squeeze %dma_wait3A_542 : memref<1x8x1024xf32, #tpu.memory_space<vmem>> -> memref<8x1024xf32, #tpu.memory_space<vmem>>
          %dma_wait3A_544 = arith.constant 0 : i32
          %dma_wait3A_545 = arith.constant 0 : i32
          %dma_wait3A_546 = tpu.memref_slice %arg4[%sub3A_538, %dma_wait3A_544, %add3A, %dma_wait3A_545] : memref<200x8x32x1024xf32, #tpu.memory_space<hbm>> -> memref<1x8x1x1024xf32, #tpu.memory_space<hbm>>
          %dma_wait3A_547 = tpu.memref_squeeze %dma_wait3A_546 : memref<1x8x1x1024xf32, #tpu.memory_space<hbm>> -> memref<8x1024xf32, #tpu.memory_space<hbm>>
          %dma_wait3A_548 = arith.constant 0 : i32
          %dma_wait3A_549 = arith.constant 0 : i32
          %dma_wait3A_550 = tpu.memref_slice %arg4[%sub3A_538, %dma_wait3A_548, %add3A, %dma_wait3A_549] : memref<200x8x32x1024xf32, #tpu.memory_space<hbm>> -> memref<1x8x1x1024xf32, #tpu.memory_space<hbm>>
          %dma_wait3A_551 = tpu.memref_squeeze %dma_wait3A_550 : memref<1x8x1x1024xf32, #tpu.memory_space<hbm>> -> memref<8x1024xf32, #tpu.memory_space<hbm>>
          %dma_wait3A_552 = arith.constant 0 : i32
          %dma_wait3A_553 = arith.constant 0 : i32
          %dma_wait3A_554 = tpu.memref_slice %arg8[%dma_wait3A_539, %dma_wait3A_552, %dma_wait3A_553] : memref<3x8x1024xf32, #tpu.memory_space<vmem>> -> memref<1x8x1024xf32, #tpu.memory_space<vmem>>
          %dma_wait3A_555 = tpu.memref_squeeze %dma_wait3A_554 : memref<1x8x1024xf32, #tpu.memory_space<vmem>> -> memref<8x1024xf32, #tpu.memory_space<vmem>>
          tpu.wait_dma2 semaphore(%arg13 : memref<!tpu.dma_semaphore, #tpu.memory_space<semaphore_mem>>) src(%dma_wait3A_555 : memref<8x1024xf32, #tpu.memory_space<vmem>>) dst(%dma_wait3A_551 : memref<8x1024xf32, #tpu.memory_space<hbm>>)
        } else {
        }
        %add3A_523 = arith.constant 2 : i32
        %add3A_524 = arith.addi %add3A_436, %add3A_523 : i32
        %dma_start3A_525 = arith.constant 0 : i32
        %dma_start3A_526 = arith.constant 0 : i32
        %dma_start3A_527 = arith.constant 0 : i32
        %dma_start3A_528 = tpu.memref_slice %arg7[%dma_start3A_525, %dma_start3A_526, %dma_start3A_527] : memref<3x128x128xf32, #tpu.memory_space<vmem>> -> memref<1x128x128xf32, #tpu.memory_space<vmem>>
        %dma_start3A_529 = tpu.memref_squeeze %dma_start3A_528 : memref<1x128x128xf32, #tpu.memory_space<vmem>> -> memref<128x128xf32, #tpu.memory_space<vmem>>
        %dma_start3A_530 = arith.constant 0 : i32
        %dma_start3A_531 = tpu.memref_slice %arg6[%add3A_524, %dma_start3A_530] : memref<200x128xi32, #tpu.memory_space<vmem>> -> memref<1x128xi32, #tpu.memory_space<vmem>>
        %dma_start3A_532 = tpu.memref_squeeze %dma_start3A_531 : memref<1x128xi32, #tpu.memory_space<vmem>> -> memref<128xi32, #tpu.memory_space<vmem>>
        %dma_start3A_533 = arith.constant 0 : i32
        %dma_start3A_534 = arith.constant 0 : i32
        %dma_start3A_535 = tpu.memref_slice %arg3[%dma_start3A_533, %dma_start3A_534] : memref<1000000x128xf32, #tpu.memory_space<hbm>> -> memref<1000000x128xf32, #tpu.memory_space<hbm>>
        tpu.enqueue_indirect_dma source(%dma_start3A_535 : memref<1000000x128xf32, #tpu.memory_space<hbm>>) target(%dma_start3A_529 : memref<128x128xf32, #tpu.memory_space<vmem>>) offsets(%dma_start3A_532 : memref<128xi32, #tpu.memory_space<vmem>>) semaphore(%arg10 : memref<!tpu.dma_semaphore, #tpu.memory_space<semaphore_mem>>)
      } else {
      }
      %dma_wait3A_444 = arith.constant 1 : i32
      %dma_wait3A_445 = arith.constant 0 : i32
      %dma_wait3A_446 = arith.constant 0 : i32
      %dma_wait3A_447 = tpu.memref_slice %arg7[%dma_wait3A_444, %dma_wait3A_445, %dma_wait3A_446] : memref<3x128x128xf32, #tpu.memory_space<vmem>> -> memref<1x128x128xf32, #tpu.memory_space<vmem>>
      %dma_wait3A_448 = tpu.memref_squeeze %dma_wait3A_447 : memref<1x128x128xf32, #tpu.memory_space<vmem>> -> memref<128x128xf32, #tpu.memory_space<vmem>>
      %dma_wait3A_449 = arith.constant 0 : i32
      %dma_wait3A_450 = tpu.memref_slice %arg6[%add3A_436, %dma_wait3A_449] : memref<200x128xi32, #tpu.memory_space<vmem>> -> memref<1x128xi32, #tpu.memory_space<vmem>>
      %dma_wait3A_451 = tpu.memref_squeeze %dma_wait3A_450 : memref<1x128xi32, #tpu.memory_space<vmem>> -> memref<128xi32, #tpu.memory_space<vmem>>
      %dma_wait3A_452 = arith.constant 0 : i32
      %dma_wait3A_453 = arith.constant 0 : i32
      %dma_wait3A_454 = tpu.memref_slice %arg3[%dma_wait3A_452, %dma_wait3A_453] : memref<1000000x128xf32, #tpu.memory_space<hbm>> -> memref<1000000x128xf32, #tpu.memory_space<hbm>>
      tpu.wait_indirect_dma semaphore(%arg11 : memref<!tpu.dma_semaphore, #tpu.memory_space<semaphore_mem>>) src(%dma_wait3A_454 : memref<1000000x128xf32, #tpu.memory_space<hbm>>) dst(%dma_wait3A_448 : memref<128x128xf32, #tpu.memory_space<vmem>>)
      %parallel_loop3A_455 = arith.constant 0 : i32
      %parallel_loop3A_456 = arith.constant 32 : i32
      %parallel_loop3A_457 = arith.constant 1 : i32
      scf.for %parallel_loop3A_517 = %parallel_loop3A_455 to %parallel_loop3A_456 step %parallel_loop3A_457  : i32 {
        %parallel_loop3A_518 = arith.constant 4 : i32
        %parallel_loop3A_519 = arith.divsi %parallel_loop3A_517, %parallel_loop3A_518 : i32
        %parallel_loop3A_520 = arith.constant 0 : i32
        %parallel_loop3A_521 = arith.cmpi sgt, %parallel_loop3A_517, %parallel_loop3A_520 : i32
        %parallel_loop3A_522 = arith.extui %parallel_loop3A_521 : i1 to i32
        %parallel_loop3A_523 = arith.constant 0 : i32
        %parallel_loop3A_524 = arith.cmpi slt, %parallel_loop3A_517, %parallel_loop3A_523 : i32
        %parallel_loop3A_525 = arith.extui %parallel_loop3A_524 : i1 to i32
        %parallel_loop3A_526 = arith.subi %parallel_loop3A_522, %parallel_loop3A_525 : i32
        %parallel_loop3A_527 = arith.constant 0 : i32
        %parallel_loop3A_528 = arith.cmpi sgt, %parallel_loop3A_518, %parallel_loop3A_527 : i32
        %parallel_loop3A_529 = arith.extui %parallel_loop3A_528 : i1 to i32
        %parallel_loop3A_530 = arith.constant 0 : i32
        %parallel_loop3A_531 = arith.cmpi slt, %parallel_loop3A_518, %parallel_loop3A_530 : i32
        %parallel_loop3A_532 = arith.extui %parallel_loop3A_531 : i1 to i32
        %parallel_loop3A_533 = arith.subi %parallel_loop3A_529, %parallel_loop3A_532 : i32
        %parallel_loop3A_534 = arith.cmpi ne, %parallel_loop3A_526, %parallel_loop3A_533 : i32
        %parallel_loop3A_535 = arith.remsi %parallel_loop3A_517, %parallel_loop3A_518 : i32
        %parallel_loop3A_536 = arith.constant 0 : i32
        %parallel_loop3A_537 = arith.cmpi ne, %parallel_loop3A_535, %parallel_loop3A_536 : i32
        %parallel_loop3A_538 = arith.andi %parallel_loop3A_534, %parallel_loop3A_537 : i1
        %parallel_loop3A_539 = arith.constant 1 : i32
        %parallel_loop3A_540 = arith.subi %parallel_loop3A_519, %parallel_loop3A_539 : i32
        %parallel_loop3A_541 = arith.select %parallel_loop3A_538, %parallel_loop3A_540, %parallel_loop3A_519 : i32
        %parallel_loop3A_542 = arith.constant 4 : i32
        %parallel_loop3A_543 = arith.constant 0 : i32
        %parallel_loop3A_544 = arith.cmpi eq, %parallel_loop3A_542, %parallel_loop3A_543 : i32
        %parallel_loop3A_545 = arith.constant 1 : i32
        %parallel_loop3A_546 = arith.select %parallel_loop3A_544, %parallel_loop3A_545, %parallel_loop3A_542 : i32
        %parallel_loop3A_547 = arith.remsi %parallel_loop3A_517, %parallel_loop3A_546 : i32
        %parallel_loop3A_548 = arith.constant 0 : i32
        %parallel_loop3A_549 = arith.cmpi ne, %parallel_loop3A_547, %parallel_loop3A_548 : i32
        %parallel_loop3A_550 = arith.constant 0 : i32
        %parallel_loop3A_551 = arith.cmpi slt, %parallel_loop3A_547, %parallel_loop3A_550 : i32
        %parallel_loop3A_552 = arith.constant 0 : i32
        %parallel_loop3A_553 = arith.cmpi slt, %parallel_loop3A_546, %parallel_loop3A_552 : i32
        %parallel_loop3A_554 = arith.xori %parallel_loop3A_551, %parallel_loop3A_553 : i1
        %parallel_loop3A_555 = arith.andi %parallel_loop3A_554, %parallel_loop3A_549 : i1
        %parallel_loop3A_556 = arith.addi %parallel_loop3A_547, %parallel_loop3A_546 : i32
        %parallel_loop3A_557 = arith.select %parallel_loop3A_555, %parallel_loop3A_556, %parallel_loop3A_547 : i32
        %parallel_loop3A_558 = arith.constant 16 : i32
        %parallel_loop3A_559 = arith.muli %parallel_loop3A_541, %parallel_loop3A_558 : i32
        %parallel_loop3A_560 = vector.broadcast %parallel_loop3A_559 : i32 to vector<16xi32>
        %parallel_loop3A_561 = arith.addi %iota3A, %parallel_loop3A_560 : vector<16xi32>
        %parallel_loop3A_562 = arith.constant 0 : i32
        %parallel_loop3A_563 = vector.broadcast %parallel_loop3A_562 : i32 to vector<16xi32>
        %parallel_loop3A_564 = arith.constant 16 : i32
        %parallel_loop3A_565 = arith.muli %parallel_loop3A_557, %parallel_loop3A_564 : i32
        %parallel_loop3A_566 = vector.broadcast %parallel_loop3A_565 : i32 to vector<16xi32>
        %parallel_loop3A_567 = arith.addi %parallel_loop3A_563, %parallel_loop3A_566 : vector<16xi32>
        %parallel_loop3A_568 = arith.constant 2 : i32
        %parallel_loop3A_569 = arith.muli %parallel_loop3A_557, %parallel_loop3A_568 : i32
        %parallel_loop3A_570 = arith.addi %parallel_loop3A_567, %and3A_13 : vector<16xi32>
        %parallel_loop3A_571 = arith.constant 1 : i32
        %parallel_loop3A_572 = arith.constant 0 : i32
        %parallel_loop3A_573 = arith.constant 0 : i32
        %parallel_loop3A_574 = tpu.memref_slice %arg7[%parallel_loop3A_571, %parallel_loop3A_572, %parallel_loop3A_573] : memref<3x128x128xf32, #tpu.memory_space<vmem>> -> memref<1x128x128xf32, #tpu.memory_space<vmem>>
        %parallel_loop3A_575 = tpu.memref_squeeze %parallel_loop3A_574 : memref<1x128x128xf32, #tpu.memory_space<vmem>> -> memref<128x128xf32, #tpu.memory_space<vmem>>
        %parallel_loop3A_576 = tpu.vector_load_idx %parallel_loop3A_575[%parallel_loop3A_561, %parallel_loop3A_570] : memref<128x128xf32, #tpu.memory_space<vmem>>[vector<16xi32>, vector<16xi32>], vector<16xf32>,
        %parallel_loop3A_577 = vector.broadcast %parallel_loop3A_569 : i32 to vector<16xi32>
        %parallel_loop3A_578 = arith.addi %shift_right_arithmetic3A_105, %parallel_loop3A_577 : vector<16xi32>
        %parallel_loop3A_579 = arith.addi %shift_left3A_155, %parallel_loop3A_561 : vector<16xi32>
        %parallel_loop3A_580 = arith.constant 8.000000e+00 : f32
        %parallel_loop3A_581 = vector.broadcast %parallel_loop3A_580 : f32 to vector<16xf32>
        %parallel_loop3A_582 = arith.mulf %parallel_loop3A_576, %parallel_loop3A_581 : vector<16xf32>
        %parallel_loop3A_583 = arith.constant 1 : i32
        %parallel_loop3A_584 = arith.constant 0 : i32
        %parallel_loop3A_585 = arith.constant 0 : i32
        %parallel_loop3A_586 = tpu.memref_slice %arg8[%parallel_loop3A_583, %parallel_loop3A_584, %parallel_loop3A_585] : memref<3x8x1024xf32, #tpu.memory_space<vmem>> -> memref<1x8x1024xf32, #tpu.memory_space<vmem>>
        %parallel_loop3A_587 = tpu.memref_squeeze %parallel_loop3A_586 : memref<1x8x1024xf32, #tpu.memory_space<vmem>> -> memref<8x1024xf32, #tpu.memory_space<vmem>>
        tpu.vector_store_idx %parallel_loop3A_587[%parallel_loop3A_578, %parallel_loop3A_579], %parallel_loop3A_582 : memref<8x1024xf32, #tpu.memory_space<vmem>>[vector<16xi32>, vector<16xi32>], vector<16xf32>,
        %parallel_loop3A_588 = arith.addi %parallel_loop3A_567, %and3A_19 : vector<16xi32>
        %parallel_loop3A_589 = arith.constant 1 : i32
        %parallel_loop3A_590 = arith.constant 0 : i32
        %parallel_loop3A_591 = arith.constant 0 : i32
        %parallel_loop3A_592 = tpu.memref_slice %arg7[%parallel_loop3A_589, %parallel_loop3A_590, %parallel_loop3A_591] : memref<3x128x128xf32, #tpu.memory_space<vmem>> -> memref<1x128x128xf32, #tpu.memory_space<vmem>>
        %parallel_loop3A_593 = tpu.memref_squeeze %parallel_loop3A_592 : memref<1x128x128xf32, #tpu.memory_space<vmem>> -> memref<128x128xf32, #tpu.memory_space<vmem>>
        %parallel_loop3A_594 = tpu.vector_load_idx %parallel_loop3A_593[%parallel_loop3A_561, %parallel_loop3A_588] : memref<128x128xf32, #tpu.memory_space<vmem>>[vector<16xi32>, vector<16xi32>], vector<16xf32>,
        %parallel_loop3A_595 = vector.broadcast %parallel_loop3A_569 : i32 to vector<16xi32>
        %parallel_loop3A_596 = arith.addi %shift_right_arithmetic3A_108, %parallel_loop3A_595 : vector<16xi32>
        %parallel_loop3A_597 = arith.addi %shift_left3A_161, %parallel_loop3A_561 : vector<16xi32>
        %parallel_loop3A_598 = arith.constant 8.000000e+00 : f32
        %parallel_loop3A_599 = vector.broadcast %parallel_loop3A_598 : f32 to vector<16xf32>
        %parallel_loop3A_600 = arith.mulf %parallel_loop3A_594, %parallel_loop3A_599 : vector<16xf32>
        %parallel_loop3A_601 = arith.constant 1 : i32
        %parallel_loop3A_602 = arith.constant 0 : i32
        %parallel_loop3A_603 = arith.constant 0 : i32
        %parallel_loop3A_604 = tpu.memref_slice %arg8[%parallel_loop3A_601, %parallel_loop3A_602, %parallel_loop3A_603] : memref<3x8x1024xf32, #tpu.memory_space<vmem>> -> memref<1x8x1024xf32, #tpu.memory_space<vmem>>
        %parallel_loop3A_605 = tpu.memref_squeeze %parallel_loop3A_604 : memref<1x8x1024xf32, #tpu.memory_space<vmem>> -> memref<8x1024xf32, #tpu.memory_space<vmem>>
        tpu.vector_store_idx %parallel_loop3A_605[%parallel_loop3A_596, %parallel_loop3A_597], %parallel_loop3A_600 : memref<8x1024xf32, #tpu.memory_space<vmem>>[vector<16xi32>, vector<16xi32>], vector<16xf32>,
        %parallel_loop3A_606 = arith.addi %parallel_loop3A_567, %and3A_25 : vector<16xi32>
        %parallel_loop3A_607 = arith.constant 1 : i32
        %parallel_loop3A_608 = arith.constant 0 : i32
        %parallel_loop3A_609 = arith.constant 0 : i32
        %parallel_loop3A_610 = tpu.memref_slice %arg7[%parallel_loop3A_607, %parallel_loop3A_608, %parallel_loop3A_609] : memref<3x128x128xf32, #tpu.memory_space<vmem>> -> memref<1x128x128xf32, #tpu.memory_space<vmem>>
        %parallel_loop3A_611 = tpu.memref_squeeze %parallel_loop3A_610 : memref<1x128x128xf32, #tpu.memory_space<vmem>> -> memref<128x128xf32, #tpu.memory_space<vmem>>
        %parallel_loop3A_612 = tpu.vector_load_idx %parallel_loop3A_611[%parallel_loop3A_561, %parallel_loop3A_606] : memref<128x128xf32, #tpu.memory_space<vmem>>[vector<16xi32>, vector<16xi32>], vector<16xf32>,
        %parallel_loop3A_613 = vector.broadcast %parallel_loop3A_569 : i32 to vector<16xi32>
        %parallel_loop3A_614 = arith.addi %shift_right_arithmetic3A_111, %parallel_loop3A_613 : vector<16xi32>
        %parallel_loop3A_615 = arith.addi %shift_left3A_167, %parallel_loop3A_561 : vector<16xi32>
        %parallel_loop3A_616 = arith.constant 8.000000e+00 : f32
        %parallel_loop3A_617 = vector.broadcast %parallel_loop3A_616 : f32 to vector<16xf32>
        %parallel_loop3A_618 = arith.mulf %parallel_loop3A_612, %parallel_loop3A_617 : vector<16xf32>
        %parallel_loop3A_619 = arith.constant 1 : i32
        %parallel_loop3A_620 = arith.constant 0 : i32
        %parallel_loop3A_621 = arith.constant 0 : i32
        %parallel_loop3A_622 = tpu.memref_slice %arg8[%parallel_loop3A_619, %parallel_loop3A_620, %parallel_loop3A_621] : memref<3x8x1024xf32, #tpu.memory_space<vmem>> -> memref<1x8x1024xf32, #tpu.memory_space<vmem>>
        %parallel_loop3A_623 = tpu.memref_squeeze %parallel_loop3A_622 : memref<1x8x1024xf32, #tpu.memory_space<vmem>> -> memref<8x1024xf32, #tpu.memory_space<vmem>>
        tpu.vector_store_idx %parallel_loop3A_623[%parallel_loop3A_614, %parallel_loop3A_615], %parallel_loop3A_618 : memref<8x1024xf32, #tpu.memory_space<vmem>>[vector<16xi32>, vector<16xi32>], vector<16xf32>,
        %parallel_loop3A_624 = arith.addi %parallel_loop3A_567, %and3A_31 : vector<16xi32>
        %parallel_loop3A_625 = arith.constant 1 : i32
        %parallel_loop3A_626 = arith.constant 0 : i32
        %parallel_loop3A_627 = arith.constant 0 : i32
        %parallel_loop3A_628 = tpu.memref_slice %arg7[%parallel_loop3A_625, %parallel_loop3A_626, %parallel_loop3A_627] : memref<3x128x128xf32, #tpu.memory_space<vmem>> -> memref<1x128x128xf32, #tpu.memory_space<vmem>>
        %parallel_loop3A_629 = tpu.memref_squeeze %parallel_loop3A_628 : memref<1x128x128xf32, #tpu.memory_space<vmem>> -> memref<128x128xf32, #tpu.memory_space<vmem>>
        %parallel_loop3A_630 = tpu.vector_load_idx %parallel_loop3A_629[%parallel_loop3A_561, %parallel_loop3A_624] : memref<128x128xf32, #tpu.memory_space<vmem>>[vector<16xi32>, vector<16xi32>], vector<16xf32>,
        %parallel_loop3A_631 = vector.broadcast %parallel_loop3A_569 : i32 to vector<16xi32>
        %parallel_loop3A_632 = arith.addi %shift_right_arithmetic3A_114, %parallel_loop3A_631 : vector<16xi32>
        %parallel_loop3A_633 = arith.addi %shift_left3A_173, %parallel_loop3A_561 : vector<16xi32>
        %parallel_loop3A_634 = arith.constant 8.000000e+00 : f32
        %parallel_loop3A_635 = vector.broadcast %parallel_loop3A_634 : f32 to vector<16xf32>
        %parallel_loop3A_636 = arith.mulf %parallel_loop3A_630, %parallel_loop3A_635 : vector<16xf32>
        %parallel_loop3A_637 = arith.constant 1 : i32
        %parallel_loop3A_638 = arith.constant 0 : i32
        %parallel_loop3A_639 = arith.constant 0 : i32
        %parallel_loop3A_640 = tpu.memref_slice %arg8[%parallel_loop3A_637, %parallel_loop3A_638, %parallel_loop3A_639] : memref<3x8x1024xf32, #tpu.memory_space<vmem>> -> memref<1x8x1024xf32, #tpu.memory_space<vmem>>
        %parallel_loop3A_641 = tpu.memref_squeeze %parallel_loop3A_640 : memref<1x8x1024xf32, #tpu.memory_space<vmem>> -> memref<8x1024xf32, #tpu.memory_space<vmem>>
        tpu.vector_store_idx %parallel_loop3A_641[%parallel_loop3A_632, %parallel_loop3A_633], %parallel_loop3A_636 : memref<8x1024xf32, #tpu.memory_space<vmem>>[vector<16xi32>, vector<16xi32>], vector<16xf32>,
        %parallel_loop3A_642 = arith.addi %parallel_loop3A_567, %and3A_37 : vector<16xi32>
        %parallel_loop3A_643 = arith.constant 1 : i32
        %parallel_loop3A_644 = arith.constant 0 : i32
        %parallel_loop3A_645 = arith.constant 0 : i32
        %parallel_loop3A_646 = tpu.memref_slice %arg7[%parallel_loop3A_643, %parallel_loop3A_644, %parallel_loop3A_645] : memref<3x128x128xf32, #tpu.memory_space<vmem>> -> memref<1x128x128xf32, #tpu.memory_space<vmem>>
        %parallel_loop3A_647 = tpu.memref_squeeze %parallel_loop3A_646 : memref<1x128x128xf32, #tpu.memory_space<vmem>> -> memref<128x128xf32, #tpu.memory_space<vmem>>
        %parallel_loop3A_648 = tpu.vector_load_idx %parallel_loop3A_647[%parallel_loop3A_561, %parallel_loop3A_642] : memref<128x128xf32, #tpu.memory_space<vmem>>[vector<16xi32>, vector<16xi32>], vector<16xf32>,
        %parallel_loop3A_649 = vector.broadcast %parallel_loop3A_569 : i32 to vector<16xi32>
        %parallel_loop3A_650 = arith.addi %shift_right_arithmetic3A_117, %parallel_loop3A_649 : vector<16xi32>
        %parallel_loop3A_651 = arith.addi %shift_left3A_179, %parallel_loop3A_561 : vector<16xi32>
        %parallel_loop3A_652 = arith.constant 8.000000e+00 : f32
        %parallel_loop3A_653 = vector.broadcast %parallel_loop3A_652 : f32 to vector<16xf32>
        %parallel_loop3A_654 = arith.mulf %parallel_loop3A_648, %parallel_loop3A_653 : vector<16xf32>
        %parallel_loop3A_655 = arith.constant 1 : i32
        %parallel_loop3A_656 = arith.constant 0 : i32
        %parallel_loop3A_657 = arith.constant 0 : i32
        %parallel_loop3A_658 = tpu.memref_slice %arg8[%parallel_loop3A_655, %parallel_loop3A_656, %parallel_loop3A_657] : memref<3x8x1024xf32, #tpu.memory_space<vmem>> -> memref<1x8x1024xf32, #tpu.memory_space<vmem>>
        %parallel_loop3A_659 = tpu.memref_squeeze %parallel_loop3A_658 : memref<1x8x1024xf32, #tpu.memory_space<vmem>> -> memref<8x1024xf32, #tpu.memory_space<vmem>>
        tpu.vector_store_idx %parallel_loop3A_659[%parallel_loop3A_650, %parallel_loop3A_651], %parallel_loop3A_654 : memref<8x1024xf32, #tpu.memory_space<vmem>>[vector<16xi32>, vector<16xi32>], vector<16xf32>,
        %parallel_loop3A_660 = arith.addi %parallel_loop3A_567, %and3A_43 : vector<16xi32>
        %parallel_loop3A_661 = arith.constant 1 : i32
        %parallel_loop3A_662 = arith.constant 0 : i32
        %parallel_loop3A_663 = arith.constant 0 : i32
        %parallel_loop3A_664 = tpu.memref_slice %arg7[%parallel_loop3A_661, %parallel_loop3A_662, %parallel_loop3A_663] : memref<3x128x128xf32, #tpu.memory_space<vmem>> -> memref<1x128x128xf32, #tpu.memory_space<vmem>>
        %parallel_loop3A_665 = tpu.memref_squeeze %parallel_loop3A_664 : memref<1x128x128xf32, #tpu.memory_space<vmem>> -> memref<128x128xf32, #tpu.memory_space<vmem>>
        %parallel_loop3A_666 = tpu.vector_load_idx %parallel_loop3A_665[%parallel_loop3A_561, %parallel_loop3A_660] : memref<128x128xf32, #tpu.memory_space<vmem>>[vector<16xi32>, vector<16xi32>], vector<16xf32>,
        %parallel_loop3A_667 = vector.broadcast %parallel_loop3A_569 : i32 to vector<16xi32>
        %parallel_loop3A_668 = arith.addi %shift_right_arithmetic3A_120, %parallel_loop3A_667 : vector<16xi32>
        %parallel_loop3A_669 = arith.addi %shift_left3A_185, %parallel_loop3A_561 : vector<16xi32>
        %parallel_loop3A_670 = arith.constant 8.000000e+00 : f32
        %parallel_loop3A_671 = vector.broadcast %parallel_loop3A_670 : f32 to vector<16xf32>
        %parallel_loop3A_672 = arith.mulf %parallel_loop3A_666, %parallel_loop3A_671 : vector<16xf32>
        %parallel_loop3A_673 = arith.constant 1 : i32
        %parallel_loop3A_674 = arith.constant 0 : i32
        %parallel_loop3A_675 = arith.constant 0 : i32
        %parallel_loop3A_676 = tpu.memref_slice %arg8[%parallel_loop3A_673, %parallel_loop3A_674, %parallel_loop3A_675] : memref<3x8x1024xf32, #tpu.memory_space<vmem>> -> memref<1x8x1024xf32, #tpu.memory_space<vmem>>
        %parallel_loop3A_677 = tpu.memref_squeeze %parallel_loop3A_676 : memref<1x8x1024xf32, #tpu.memory_space<vmem>> -> memref<8x1024xf32, #tpu.memory_space<vmem>>
        tpu.vector_store_idx %parallel_loop3A_677[%parallel_loop3A_668, %parallel_loop3A_669], %parallel_loop3A_672 : memref<8x1024xf32, #tpu.memory_space<vmem>>[vector<16xi32>, vector<16xi32>], vector<16xf32>,
        %parallel_loop3A_678 = arith.addi %parallel_loop3A_567, %and3A_49 : vector<16xi32>
        %parallel_loop3A_679 = arith.constant 1 : i32
        %parallel_loop3A_680 = arith.constant 0 : i32
        %parallel_loop3A_681 = arith.constant 0 : i32
        %parallel_loop3A_682 = tpu.memref_slice %arg7[%parallel_loop3A_679, %parallel_loop3A_680, %parallel_loop3A_681] : memref<3x128x128xf32, #tpu.memory_space<vmem>> -> memref<1x128x128xf32, #tpu.memory_space<vmem>>
        %parallel_loop3A_683 = tpu.memref_squeeze %parallel_loop3A_682 : memref<1x128x128xf32, #tpu.memory_space<vmem>> -> memref<128x128xf32, #tpu.memory_space<vmem>>
        %parallel_loop3A_684 = tpu.vector_load_idx %parallel_loop3A_683[%parallel_loop3A_561, %parallel_loop3A_678] : memref<128x128xf32, #tpu.memory_space<vmem>>[vector<16xi32>, vector<16xi32>], vector<16xf32>,
        %parallel_loop3A_685 = vector.broadcast %parallel_loop3A_569 : i32 to vector<16xi32>
        %parallel_loop3A_686 = arith.addi %shift_right_arithmetic3A_123, %parallel_loop3A_685 : vector<16xi32>
        %parallel_loop3A_687 = arith.addi %shift_left3A_191, %parallel_loop3A_561 : vector<16xi32>
        %parallel_loop3A_688 = arith.constant 8.000000e+00 : f32
        %parallel_loop3A_689 = vector.broadcast %parallel_loop3A_688 : f32 to vector<16xf32>
        %parallel_loop3A_690 = arith.mulf %parallel_loop3A_684, %parallel_loop3A_689 : vector<16xf32>
        %parallel_loop3A_691 = arith.constant 1 : i32
        %parallel_loop3A_692 = arith.constant 0 : i32
        %parallel_loop3A_693 = arith.constant 0 : i32
        %parallel_loop3A_694 = tpu.memref_slice %arg8[%parallel_loop3A_691, %parallel_loop3A_692, %parallel_loop3A_693] : memref<3x8x1024xf32, #tpu.memory_space<vmem>> -> memref<1x8x1024xf32, #tpu.memory_space<vmem>>
        %parallel_loop3A_695 = tpu.memref_squeeze %parallel_loop3A_694 : memref<1x8x1024xf32, #tpu.memory_space<vmem>> -> memref<8x1024xf32, #tpu.memory_space<vmem>>
        tpu.vector_store_idx %parallel_loop3A_695[%parallel_loop3A_686, %parallel_loop3A_687], %parallel_loop3A_690 : memref<8x1024xf32, #tpu.memory_space<vmem>>[vector<16xi32>, vector<16xi32>], vector<16xf32>,
        %parallel_loop3A_696 = arith.addi %parallel_loop3A_567, %and3A_55 : vector<16xi32>
        %parallel_loop3A_697 = arith.constant 1 : i32
        %parallel_loop3A_698 = arith.constant 0 : i32
        %parallel_loop3A_699 = arith.constant 0 : i32
        %parallel_loop3A_700 = tpu.memref_slice %arg7[%parallel_loop3A_697, %parallel_loop3A_698, %parallel_loop3A_699] : memref<3x128x128xf32, #tpu.memory_space<vmem>> -> memref<1x128x128xf32, #tpu.memory_space<vmem>>
        %parallel_loop3A_701 = tpu.memref_squeeze %parallel_loop3A_700 : memref<1x128x128xf32, #tpu.memory_space<vmem>> -> memref<128x128xf32, #tpu.memory_space<vmem>>
        %parallel_loop3A_702 = tpu.vector_load_idx %parallel_loop3A_701[%parallel_loop3A_561, %parallel_loop3A_696] : memref<128x128xf32, #tpu.memory_space<vmem>>[vector<16xi32>, vector<16xi32>], vector<16xf32>,
        %parallel_loop3A_703 = vector.broadcast %parallel_loop3A_569 : i32 to vector<16xi32>
        %parallel_loop3A_704 = arith.addi %shift_right_arithmetic3A_126, %parallel_loop3A_703 : vector<16xi32>
        %parallel_loop3A_705 = arith.addi %shift_left3A_197, %parallel_loop3A_561 : vector<16xi32>
        %parallel_loop3A_706 = arith.constant 8.000000e+00 : f32
        %parallel_loop3A_707 = vector.broadcast %parallel_loop3A_706 : f32 to vector<16xf32>
        %parallel_loop3A_708 = arith.mulf %parallel_loop3A_702, %parallel_loop3A_707 : vector<16xf32>
        %parallel_loop3A_709 = arith.constant 1 : i32
        %parallel_loop3A_710 = arith.constant 0 : i32
        %parallel_loop3A_711 = arith.constant 0 : i32
        %parallel_loop3A_712 = tpu.memref_slice %arg8[%parallel_loop3A_709, %parallel_loop3A_710, %parallel_loop3A_711] : memref<3x8x1024xf32, #tpu.memory_space<vmem>> -> memref<1x8x1024xf32, #tpu.memory_space<vmem>>
        %parallel_loop3A_713 = tpu.memref_squeeze %parallel_loop3A_712 : memref<1x8x1024xf32, #tpu.memory_space<vmem>> -> memref<8x1024xf32, #tpu.memory_space<vmem>>
        tpu.vector_store_idx %parallel_loop3A_713[%parallel_loop3A_704, %parallel_loop3A_705], %parallel_loop3A_708 : memref<8x1024xf32, #tpu.memory_space<vmem>>[vector<16xi32>, vector<16xi32>], vector<16xf32>,
        %parallel_loop3A_714 = arith.addi %parallel_loop3A_567, %and3A_61 : vector<16xi32>
        %parallel_loop3A_715 = arith.constant 1 : i32
        %parallel_loop3A_716 = arith.constant 0 : i32
        %parallel_loop3A_717 = arith.constant 0 : i32
        %parallel_loop3A_718 = tpu.memref_slice %arg7[%parallel_loop3A_715, %parallel_loop3A_716, %parallel_loop3A_717] : memref<3x128x128xf32, #tpu.memory_space<vmem>> -> memref<1x128x128xf32, #tpu.memory_space<vmem>>
        %parallel_loop3A_719 = tpu.memref_squeeze %parallel_loop3A_718 : memref<1x128x128xf32, #tpu.memory_space<vmem>> -> memref<128x128xf32, #tpu.memory_space<vmem>>
        %parallel_loop3A_720 = tpu.vector_load_idx %parallel_loop3A_719[%parallel_loop3A_561, %parallel_loop3A_714] : memref<128x128xf32, #tpu.memory_space<vmem>>[vector<16xi32>, vector<16xi32>], vector<16xf32>,
        %parallel_loop3A_721 = vector.broadcast %parallel_loop3A_569 : i32 to vector<16xi32>
        %parallel_loop3A_722 = arith.addi %shift_right_arithmetic3A_129, %parallel_loop3A_721 : vector<16xi32>
        %parallel_loop3A_723 = arith.addi %shift_left3A_203, %parallel_loop3A_561 : vector<16xi32>
        %parallel_loop3A_724 = arith.constant 8.000000e+00 : f32
        %parallel_loop3A_725 = vector.broadcast %parallel_loop3A_724 : f32 to vector<16xf32>
        %parallel_loop3A_726 = arith.mulf %parallel_loop3A_720, %parallel_loop3A_725 : vector<16xf32>
        %parallel_loop3A_727 = arith.constant 1 : i32
        %parallel_loop3A_728 = arith.constant 0 : i32
        %parallel_loop3A_729 = arith.constant 0 : i32
        %parallel_loop3A_730 = tpu.memref_slice %arg8[%parallel_loop3A_727, %parallel_loop3A_728, %parallel_loop3A_729] : memref<3x8x1024xf32, #tpu.memory_space<vmem>> -> memref<1x8x1024xf32, #tpu.memory_space<vmem>>
        %parallel_loop3A_731 = tpu.memref_squeeze %parallel_loop3A_730 : memref<1x8x1024xf32, #tpu.memory_space<vmem>> -> memref<8x1024xf32, #tpu.memory_space<vmem>>
        tpu.vector_store_idx %parallel_loop3A_731[%parallel_loop3A_722, %parallel_loop3A_723], %parallel_loop3A_726 : memref<8x1024xf32, #tpu.memory_space<vmem>>[vector<16xi32>, vector<16xi32>], vector<16xf32>,
        %parallel_loop3A_732 = arith.addi %parallel_loop3A_567, %and3A_67 : vector<16xi32>
        %parallel_loop3A_733 = arith.constant 1 : i32
        %parallel_loop3A_734 = arith.constant 0 : i32
        %parallel_loop3A_735 = arith.constant 0 : i32
        %parallel_loop3A_736 = tpu.memref_slice %arg7[%parallel_loop3A_733, %parallel_loop3A_734, %parallel_loop3A_735] : memref<3x128x128xf32, #tpu.memory_space<vmem>> -> memref<1x128x128xf32, #tpu.memory_space<vmem>>
        %parallel_loop3A_737 = tpu.memref_squeeze %parallel_loop3A_736 : memref<1x128x128xf32, #tpu.memory_space<vmem>> -> memref<128x128xf32, #tpu.memory_space<vmem>>
        %parallel_loop3A_738 = tpu.vector_load_idx %parallel_loop3A_737[%parallel_loop3A_561, %parallel_loop3A_732] : memref<128x128xf32, #tpu.memory_space<vmem>>[vector<16xi32>, vector<16xi32>], vector<16xf32>,
        %parallel_loop3A_739 = vector.broadcast %parallel_loop3A_569 : i32 to vector<16xi32>
        %parallel_loop3A_740 = arith.addi %shift_right_arithmetic3A_132, %parallel_loop3A_739 : vector<16xi32>
        %parallel_loop3A_741 = arith.addi %shift_left3A_209, %parallel_loop3A_561 : vector<16xi32>
        %parallel_loop3A_742 = arith.constant 8.000000e+00 : f32
        %parallel_loop3A_743 = vector.broadcast %parallel_loop3A_742 : f32 to vector<16xf32>
        %parallel_loop3A_744 = arith.mulf %parallel_loop3A_738, %parallel_loop3A_743 : vector<16xf32>
        %parallel_loop3A_745 = arith.constant 1 : i32
        %parallel_loop3A_746 = arith.constant 0 : i32
        %parallel_loop3A_747 = arith.constant 0 : i32
        %parallel_loop3A_748 = tpu.memref_slice %arg8[%parallel_loop3A_745, %parallel_loop3A_746, %parallel_loop3A_747] : memref<3x8x1024xf32, #tpu.memory_space<vmem>> -> memref<1x8x1024xf32, #tpu.memory_space<vmem>>
        %parallel_loop3A_749 = tpu.memref_squeeze %parallel_loop3A_748 : memref<1x8x1024xf32, #tpu.memory_space<vmem>> -> memref<8x1024xf32, #tpu.memory_space<vmem>>
        tpu.vector_store_idx %parallel_loop3A_749[%parallel_loop3A_740, %parallel_loop3A_741], %parallel_loop3A_744 : memref<8x1024xf32, #tpu.memory_space<vmem>>[vector<16xi32>, vector<16xi32>], vector<16xf32>,
        %parallel_loop3A_750 = arith.addi %parallel_loop3A_567, %and3A_73 : vector<16xi32>
        %parallel_loop3A_751 = arith.constant 1 : i32
        %parallel_loop3A_752 = arith.constant 0 : i32
        %parallel_loop3A_753 = arith.constant 0 : i32
        %parallel_loop3A_754 = tpu.memref_slice %arg7[%parallel_loop3A_751, %parallel_loop3A_752, %parallel_loop3A_753] : memref<3x128x128xf32, #tpu.memory_space<vmem>> -> memref<1x128x128xf32, #tpu.memory_space<vmem>>
        %parallel_loop3A_755 = tpu.memref_squeeze %parallel_loop3A_754 : memref<1x128x128xf32, #tpu.memory_space<vmem>> -> memref<128x128xf32, #tpu.memory_space<vmem>>
        %parallel_loop3A_756 = tpu.vector_load_idx %parallel_loop3A_755[%parallel_loop3A_561, %parallel_loop3A_750] : memref<128x128xf32, #tpu.memory_space<vmem>>[vector<16xi32>, vector<16xi32>], vector<16xf32>,
        %parallel_loop3A_757 = vector.broadcast %parallel_loop3A_569 : i32 to vector<16xi32>
        %parallel_loop3A_758 = arith.addi %shift_right_arithmetic3A_135, %parallel_loop3A_757 : vector<16xi32>
        %parallel_loop3A_759 = arith.addi %shift_left3A_215, %parallel_loop3A_561 : vector<16xi32>
        %parallel_loop3A_760 = arith.constant 8.000000e+00 : f32
        %parallel_loop3A_761 = vector.broadcast %parallel_loop3A_760 : f32 to vector<16xf32>
        %parallel_loop3A_762 = arith.mulf %parallel_loop3A_756, %parallel_loop3A_761 : vector<16xf32>
        %parallel_loop3A_763 = arith.constant 1 : i32
        %parallel_loop3A_764 = arith.constant 0 : i32
        %parallel_loop3A_765 = arith.constant 0 : i32
        %parallel_loop3A_766 = tpu.memref_slice %arg8[%parallel_loop3A_763, %parallel_loop3A_764, %parallel_loop3A_765] : memref<3x8x1024xf32, #tpu.memory_space<vmem>> -> memref<1x8x1024xf32, #tpu.memory_space<vmem>>
        %parallel_loop3A_767 = tpu.memref_squeeze %parallel_loop3A_766 : memref<1x8x1024xf32, #tpu.memory_space<vmem>> -> memref<8x1024xf32, #tpu.memory_space<vmem>>
        tpu.vector_store_idx %parallel_loop3A_767[%parallel_loop3A_758, %parallel_loop3A_759], %parallel_loop3A_762 : memref<8x1024xf32, #tpu.memory_space<vmem>>[vector<16xi32>, vector<16xi32>], vector<16xf32>,
        %parallel_loop3A_768 = arith.addi %parallel_loop3A_567, %and3A_79 : vector<16xi32>
        %parallel_loop3A_769 = arith.constant 1 : i32
        %parallel_loop3A_770 = arith.constant 0 : i32
        %parallel_loop3A_771 = arith.constant 0 : i32
        %parallel_loop3A_772 = tpu.memref_slice %arg7[%parallel_loop3A_769, %parallel_loop3A_770, %parallel_loop3A_771] : memref<3x128x128xf32, #tpu.memory_space<vmem>> -> memref<1x128x128xf32, #tpu.memory_space<vmem>>
        %parallel_loop3A_773 = tpu.memref_squeeze %parallel_loop3A_772 : memref<1x128x128xf32, #tpu.memory_space<vmem>> -> memref<128x128xf32, #tpu.memory_space<vmem>>
        %parallel_loop3A_774 = tpu.vector_load_idx %parallel_loop3A_773[%parallel_loop3A_561, %parallel_loop3A_768] : memref<128x128xf32, #tpu.memory_space<vmem>>[vector<16xi32>, vector<16xi32>], vector<16xf32>,
        %parallel_loop3A_775 = vector.broadcast %parallel_loop3A_569 : i32 to vector<16xi32>
        %parallel_loop3A_776 = arith.addi %shift_right_arithmetic3A_138, %parallel_loop3A_775 : vector<16xi32>
        %parallel_loop3A_777 = arith.addi %shift_left3A_221, %parallel_loop3A_561 : vector<16xi32>
        %parallel_loop3A_778 = arith.constant 8.000000e+00 : f32
        %parallel_loop3A_779 = vector.broadcast %parallel_loop3A_778 : f32 to vector<16xf32>
        %parallel_loop3A_780 = arith.mulf %parallel_loop3A_774, %parallel_loop3A_779 : vector<16xf32>
        %parallel_loop3A_781 = arith.constant 1 : i32
        %parallel_loop3A_782 = arith.constant 0 : i32
        %parallel_loop3A_783 = arith.constant 0 : i32
        %parallel_loop3A_784 = tpu.memref_slice %arg8[%parallel_loop3A_781, %parallel_loop3A_782, %parallel_loop3A_783] : memref<3x8x1024xf32, #tpu.memory_space<vmem>> -> memref<1x8x1024xf32, #tpu.memory_space<vmem>>
        %parallel_loop3A_785 = tpu.memref_squeeze %parallel_loop3A_784 : memref<1x8x1024xf32, #tpu.memory_space<vmem>> -> memref<8x1024xf32, #tpu.memory_space<vmem>>
        tpu.vector_store_idx %parallel_loop3A_785[%parallel_loop3A_776, %parallel_loop3A_777], %parallel_loop3A_780 : memref<8x1024xf32, #tpu.memory_space<vmem>>[vector<16xi32>, vector<16xi32>], vector<16xf32>,
        %parallel_loop3A_786 = arith.addi %parallel_loop3A_567, %and3A_85 : vector<16xi32>
        %parallel_loop3A_787 = arith.constant 1 : i32
        %parallel_loop3A_788 = arith.constant 0 : i32
        %parallel_loop3A_789 = arith.constant 0 : i32
        %parallel_loop3A_790 = tpu.memref_slice %arg7[%parallel_loop3A_787, %parallel_loop3A_788, %parallel_loop3A_789] : memref<3x128x128xf32, #tpu.memory_space<vmem>> -> memref<1x128x128xf32, #tpu.memory_space<vmem>>
        %parallel_loop3A_791 = tpu.memref_squeeze %parallel_loop3A_790 : memref<1x128x128xf32, #tpu.memory_space<vmem>> -> memref<128x128xf32, #tpu.memory_space<vmem>>
        %parallel_loop3A_792 = tpu.vector_load_idx %parallel_loop3A_791[%parallel_loop3A_561, %parallel_loop3A_786] : memref<128x128xf32, #tpu.memory_space<vmem>>[vector<16xi32>, vector<16xi32>], vector<16xf32>,
        %parallel_loop3A_793 = vector.broadcast %parallel_loop3A_569 : i32 to vector<16xi32>
        %parallel_loop3A_794 = arith.addi %shift_right_arithmetic3A_141, %parallel_loop3A_793 : vector<16xi32>
        %parallel_loop3A_795 = arith.addi %shift_left3A_227, %parallel_loop3A_561 : vector<16xi32>
        %parallel_loop3A_796 = arith.constant 8.000000e+00 : f32
        %parallel_loop3A_797 = vector.broadcast %parallel_loop3A_796 : f32 to vector<16xf32>
        %parallel_loop3A_798 = arith.mulf %parallel_loop3A_792, %parallel_loop3A_797 : vector<16xf32>
        %parallel_loop3A_799 = arith.constant 1 : i32
        %parallel_loop3A_800 = arith.constant 0 : i32
        %parallel_loop3A_801 = arith.constant 0 : i32
        %parallel_loop3A_802 = tpu.memref_slice %arg8[%parallel_loop3A_799, %parallel_loop3A_800, %parallel_loop3A_801] : memref<3x8x1024xf32, #tpu.memory_space<vmem>> -> memref<1x8x1024xf32, #tpu.memory_space<vmem>>
        %parallel_loop3A_803 = tpu.memref_squeeze %parallel_loop3A_802 : memref<1x8x1024xf32, #tpu.memory_space<vmem>> -> memref<8x1024xf32, #tpu.memory_space<vmem>>
        tpu.vector_store_idx %parallel_loop3A_803[%parallel_loop3A_794, %parallel_loop3A_795], %parallel_loop3A_798 : memref<8x1024xf32, #tpu.memory_space<vmem>>[vector<16xi32>, vector<16xi32>], vector<16xf32>,
        %parallel_loop3A_804 = arith.addi %parallel_loop3A_567, %and3A_91 : vector<16xi32>
        %parallel_loop3A_805 = arith.constant 1 : i32
        %parallel_loop3A_806 = arith.constant 0 : i32
        %parallel_loop3A_807 = arith.constant 0 : i32
        %parallel_loop3A_808 = tpu.memref_slice %arg7[%parallel_loop3A_805, %parallel_loop3A_806, %parallel_loop3A_807] : memref<3x128x128xf32, #tpu.memory_space<vmem>> -> memref<1x128x128xf32, #tpu.memory_space<vmem>>
        %parallel_loop3A_809 = tpu.memref_squeeze %parallel_loop3A_808 : memref<1x128x128xf32, #tpu.memory_space<vmem>> -> memref<128x128xf32, #tpu.memory_space<vmem>>
        %parallel_loop3A_810 = tpu.vector_load_idx %parallel_loop3A_809[%parallel_loop3A_561, %parallel_loop3A_804] : memref<128x128xf32, #tpu.memory_space<vmem>>[vector<16xi32>, vector<16xi32>], vector<16xf32>,
        %parallel_loop3A_811 = vector.broadcast %parallel_loop3A_569 : i32 to vector<16xi32>
        %parallel_loop3A_812 = arith.addi %shift_right_arithmetic3A_144, %parallel_loop3A_811 : vector<16xi32>
        %parallel_loop3A_813 = arith.addi %shift_left3A_233, %parallel_loop3A_561 : vector<16xi32>
        %parallel_loop3A_814 = arith.constant 8.000000e+00 : f32
        %parallel_loop3A_815 = vector.broadcast %parallel_loop3A_814 : f32 to vector<16xf32>
        %parallel_loop3A_816 = arith.mulf %parallel_loop3A_810, %parallel_loop3A_815 : vector<16xf32>
        %parallel_loop3A_817 = arith.constant 1 : i32
        %parallel_loop3A_818 = arith.constant 0 : i32
        %parallel_loop3A_819 = arith.constant 0 : i32
        %parallel_loop3A_820 = tpu.memref_slice %arg8[%parallel_loop3A_817, %parallel_loop3A_818, %parallel_loop3A_819] : memref<3x8x1024xf32, #tpu.memory_space<vmem>> -> memref<1x8x1024xf32, #tpu.memory_space<vmem>>
        %parallel_loop3A_821 = tpu.memref_squeeze %parallel_loop3A_820 : memref<1x8x1024xf32, #tpu.memory_space<vmem>> -> memref<8x1024xf32, #tpu.memory_space<vmem>>
        tpu.vector_store_idx %parallel_loop3A_821[%parallel_loop3A_812, %parallel_loop3A_813], %parallel_loop3A_816 : memref<8x1024xf32, #tpu.memory_space<vmem>>[vector<16xi32>, vector<16xi32>], vector<16xf32>,
        %parallel_loop3A_822 = arith.addi %parallel_loop3A_567, %and3A_97 : vector<16xi32>
        %parallel_loop3A_823 = arith.constant 1 : i32
        %parallel_loop3A_824 = arith.constant 0 : i32
        %parallel_loop3A_825 = arith.constant 0 : i32
        %parallel_loop3A_826 = tpu.memref_slice %arg7[%parallel_loop3A_823, %parallel_loop3A_824, %parallel_loop3A_825] : memref<3x128x128xf32, #tpu.memory_space<vmem>> -> memref<1x128x128xf32, #tpu.memory_space<vmem>>
        %parallel_loop3A_827 = tpu.memref_squeeze %parallel_loop3A_826 : memref<1x128x128xf32, #tpu.memory_space<vmem>> -> memref<128x128xf32, #tpu.memory_space<vmem>>
        %parallel_loop3A_828 = tpu.vector_load_idx %parallel_loop3A_827[%parallel_loop3A_561, %parallel_loop3A_822] : memref<128x128xf32, #tpu.memory_space<vmem>>[vector<16xi32>, vector<16xi32>], vector<16xf32>,
        %parallel_loop3A_829 = vector.broadcast %parallel_loop3A_569 : i32 to vector<16xi32>
        %parallel_loop3A_830 = arith.addi %shift_right_arithmetic3A_147, %parallel_loop3A_829 : vector<16xi32>
        %parallel_loop3A_831 = arith.addi %shift_left3A_239, %parallel_loop3A_561 : vector<16xi32>
        %parallel_loop3A_832 = arith.constant 8.000000e+00 : f32
        %parallel_loop3A_833 = vector.broadcast %parallel_loop3A_832 : f32 to vector<16xf32>
        %parallel_loop3A_834 = arith.mulf %parallel_loop3A_828, %parallel_loop3A_833 : vector<16xf32>
        %parallel_loop3A_835 = arith.constant 1 : i32
        %parallel_loop3A_836 = arith.constant 0 : i32
        %parallel_loop3A_837 = arith.constant 0 : i32
        %parallel_loop3A_838 = tpu.memref_slice %arg8[%parallel_loop3A_835, %parallel_loop3A_836, %parallel_loop3A_837] : memref<3x8x1024xf32, #tpu.memory_space<vmem>> -> memref<1x8x1024xf32, #tpu.memory_space<vmem>>
        %parallel_loop3A_839 = tpu.memref_squeeze %parallel_loop3A_838 : memref<1x8x1024xf32, #tpu.memory_space<vmem>> -> memref<8x1024xf32, #tpu.memory_space<vmem>>
        tpu.vector_store_idx %parallel_loop3A_839[%parallel_loop3A_830, %parallel_loop3A_831], %parallel_loop3A_834 : memref<8x1024xf32, #tpu.memory_space<vmem>>[vector<16xi32>, vector<16xi32>], vector<16xf32>,
        %parallel_loop3A_840 = arith.addi %parallel_loop3A_567, %and3A_103 : vector<16xi32>
        %parallel_loop3A_841 = arith.constant 1 : i32
        %parallel_loop3A_842 = arith.constant 0 : i32
        %parallel_loop3A_843 = arith.constant 0 : i32
        %parallel_loop3A_844 = tpu.memref_slice %arg7[%parallel_loop3A_841, %parallel_loop3A_842, %parallel_loop3A_843] : memref<3x128x128xf32, #tpu.memory_space<vmem>> -> memref<1x128x128xf32, #tpu.memory_space<vmem>>
        %parallel_loop3A_845 = tpu.memref_squeeze %parallel_loop3A_844 : memref<1x128x128xf32, #tpu.memory_space<vmem>> -> memref<128x128xf32, #tpu.memory_space<vmem>>
        %parallel_loop3A_846 = tpu.vector_load_idx %parallel_loop3A_845[%parallel_loop3A_561, %parallel_loop3A_840] : memref<128x128xf32, #tpu.memory_space<vmem>>[vector<16xi32>, vector<16xi32>], vector<16xf32>,
        %parallel_loop3A_847 = vector.broadcast %parallel_loop3A_569 : i32 to vector<16xi32>
        %parallel_loop3A_848 = arith.addi %shift_right_arithmetic3A_150, %parallel_loop3A_847 : vector<16xi32>
        %parallel_loop3A_849 = arith.addi %shift_left3A_245, %parallel_loop3A_561 : vector<16xi32>
        %parallel_loop3A_850 = arith.constant 8.000000e+00 : f32
        %parallel_loop3A_851 = vector.broadcast %parallel_loop3A_850 : f32 to vector<16xf32>
        %parallel_loop3A_852 = arith.mulf %parallel_loop3A_846, %parallel_loop3A_851 : vector<16xf32>
        %parallel_loop3A_853 = arith.constant 1 : i32
        %parallel_loop3A_854 = arith.constant 0 : i32
        %parallel_loop3A_855 = arith.constant 0 : i32
        %parallel_loop3A_856 = tpu.memref_slice %arg8[%parallel_loop3A_853, %parallel_loop3A_854, %parallel_loop3A_855] : memref<3x8x1024xf32, #tpu.memory_space<vmem>> -> memref<1x8x1024xf32, #tpu.memory_space<vmem>>
        %parallel_loop3A_857 = tpu.memref_squeeze %parallel_loop3A_856 : memref<1x8x1024xf32, #tpu.memory_space<vmem>> -> memref<8x1024xf32, #tpu.memory_space<vmem>>
        tpu.vector_store_idx %parallel_loop3A_857[%parallel_loop3A_848, %parallel_loop3A_849], %parallel_loop3A_852 : memref<8x1024xf32, #tpu.memory_space<vmem>>[vector<16xi32>, vector<16xi32>], vector<16xf32>,
      } {sc.loop_unroll_factor = 1 : i64, sc.parallel_access}
      %dma_start3A_458 = arith.constant 1 : i32
      %dma_start3A_459 = arith.constant 0 : i32
      %dma_start3A_460 = arith.constant 0 : i32
      %dma_start3A_461 = tpu.memref_slice %arg8[%dma_start3A_458, %dma_start3A_459, %dma_start3A_460] : memref<3x8x1024xf32, #tpu.memory_space<vmem>> -> memref<1x8x1024xf32, #tpu.memory_space<vmem>>
      %dma_start3A_462 = tpu.memref_squeeze %dma_start3A_461 : memref<1x8x1024xf32, #tpu.memory_space<vmem>> -> memref<8x1024xf32, #tpu.memory_space<vmem>>
      %dma_start3A_463 = arith.constant 0 : i32
      %dma_start3A_464 = arith.constant 0 : i32
      %dma_start3A_465 = tpu.memref_slice %arg4[%add3A_436, %dma_start3A_463, %add3A, %dma_start3A_464] : memref<200x8x32x1024xf32, #tpu.memory_space<hbm>> -> memref<1x8x1x1024xf32, #tpu.memory_space<hbm>>
      %dma_start3A_466 = tpu.memref_squeeze %dma_start3A_465 : memref<1x8x1x1024xf32, #tpu.memory_space<hbm>> -> memref<8x1024xf32, #tpu.memory_space<hbm>>
      %dma_start3A_467 = arith.constant 0 : i32
      %dma_start3A_468 = arith.constant 0 : i32
      %dma_start3A_469 = tpu.memref_slice %arg4[%add3A_436, %dma_start3A_467, %add3A, %dma_start3A_468] : memref<200x8x32x1024xf32, #tpu.memory_space<hbm>> -> memref<1x8x1x1024xf32, #tpu.memory_space<hbm>>
      %dma_start3A_470 = tpu.memref_squeeze %dma_start3A_469 : memref<1x8x1x1024xf32, #tpu.memory_space<hbm>> -> memref<8x1024xf32, #tpu.memory_space<hbm>>
      %dma_start3A_471 = arith.constant 0 : i32
      %dma_start3A_472 = arith.constant 0 : i32
      %dma_start3A_473 = tpu.memref_slice %arg8[%dma_start3A_458, %dma_start3A_471, %dma_start3A_472] : memref<3x8x1024xf32, #tpu.memory_space<vmem>> -> memref<1x8x1024xf32, #tpu.memory_space<vmem>>
      %dma_start3A_474 = tpu.memref_squeeze %dma_start3A_473 : memref<1x8x1024xf32, #tpu.memory_space<vmem>> -> memref<8x1024xf32, #tpu.memory_space<vmem>>
      tpu.enqueue_dma source(%dma_start3A_474 : memref<8x1024xf32, #tpu.memory_space<vmem>>) target(%dma_start3A_470 : memref<8x1024xf32, #tpu.memory_space<hbm>>) target_semaphore(%arg14 : memref<!tpu.dma_semaphore, #tpu.memory_space<semaphore_mem>>)
      %mul3A_475 = arith.constant 3 : i32
      %mul3A_476 = arith.muli %scan3A_393, %mul3A_475 : i32
      %add3A_477 = arith.constant 2 : i32
      %add3A_478 = arith.addi %mul3A_476, %add3A_477 : i32
      %add3A_479 = arith.constant 2 : i32
      %add3A_480 = arith.addi %add3A_478, %add3A_479 : i32
      %lt3A_481 = arith.constant 200 : i32
      %lt3A_482 = arith.cmpi slt, %add3A_480, %lt3A_481 : i32
      %convert_element_type3A_483 = arith.extui %lt3A_482 : i1 to i32
      %cond3A_484 = arith.constant 0 : i32
      %cond3A_485 = arith.cmpi ne, %convert_element_type3A_483, %cond3A_484 : i32
      scf.if %cond3A_485 {
        %add3A_517 = arith.constant 2 : i32
        %add3A_518 = arith.addi %add3A_478, %add3A_517 : i32
        %ge3A = arith.constant 3 : i32
        %ge3A_519 = arith.cmpi sge, %add3A_518, %ge3A : i32
        %convert_element_type3A_520 = arith.extui %ge3A_519 : i1 to i32
        %cond3A_521 = arith.constant 0 : i32
        %cond3A_522 = arith.cmpi ne, %convert_element_type3A_520, %cond3A_521 : i32
        scf.if %cond3A_522 {
          %add3A_536 = arith.constant 2 : i32
          %add3A_537 = arith.addi %add3A_478, %add3A_536 : i32
          %sub3A = arith.constant 3 : i32
          %sub3A_538 = arith.subi %add3A_537, %sub3A : i32
          %dma_wait3A_539 = arith.constant 1 : i32
          %dma_wait3A_540 = arith.constant 0 : i32
          %dma_wait3A_541 = arith.constant 0 : i32
          %dma_wait3A_542 = tpu.memref_slice %arg8[%dma_wait3A_539, %dma_wait3A_540, %dma_wait3A_541] : memref<3x8x1024xf32, #tpu.memory_space<vmem>> -> memref<1x8x1024xf32, #tpu.memory_space<vmem>>
          %dma_wait3A_543 = tpu.memref_squeeze %dma_wait3A_542 : memref<1x8x1024xf32, #tpu.memory_space<vmem>> -> memref<8x1024xf32, #tpu.memory_space<vmem>>
          %dma_wait3A_544 = arith.constant 0 : i32
          %dma_wait3A_545 = arith.constant 0 : i32
          %dma_wait3A_546 = tpu.memref_slice %arg4[%sub3A_538, %dma_wait3A_544, %add3A, %dma_wait3A_545] : memref<200x8x32x1024xf32, #tpu.memory_space<hbm>> -> memref<1x8x1x1024xf32, #tpu.memory_space<hbm>>
          %dma_wait3A_547 = tpu.memref_squeeze %dma_wait3A_546 : memref<1x8x1x1024xf32, #tpu.memory_space<hbm>> -> memref<8x1024xf32, #tpu.memory_space<hbm>>
          %dma_wait3A_548 = arith.constant 0 : i32
          %dma_wait3A_549 = arith.constant 0 : i32
          %dma_wait3A_550 = tpu.memref_slice %arg4[%sub3A_538, %dma_wait3A_548, %add3A, %dma_wait3A_549] : memref<200x8x32x1024xf32, #tpu.memory_space<hbm>> -> memref<1x8x1x1024xf32, #tpu.memory_space<hbm>>
          %dma_wait3A_551 = tpu.memref_squeeze %dma_wait3A_550 : memref<1x8x1x1024xf32, #tpu.memory_space<hbm>> -> memref<8x1024xf32, #tpu.memory_space<hbm>>
          %dma_wait3A_552 = arith.constant 0 : i32
          %dma_wait3A_553 = arith.constant 0 : i32
          %dma_wait3A_554 = tpu.memref_slice %arg8[%dma_wait3A_539, %dma_wait3A_552, %dma_wait3A_553] : memref<3x8x1024xf32, #tpu.memory_space<vmem>> -> memref<1x8x1024xf32, #tpu.memory_space<vmem>>
          %dma_wait3A_555 = tpu.memref_squeeze %dma_wait3A_554 : memref<1x8x1024xf32, #tpu.memory_space<vmem>> -> memref<8x1024xf32, #tpu.memory_space<vmem>>
          tpu.wait_dma2 semaphore(%arg14 : memref<!tpu.dma_semaphore, #tpu.memory_space<semaphore_mem>>) src(%dma_wait3A_555 : memref<8x1024xf32, #tpu.memory_space<vmem>>) dst(%dma_wait3A_551 : memref<8x1024xf32, #tpu.memory_space<hbm>>)
        } else {
        }
        %add3A_523 = arith.constant 2 : i32
        %add3A_524 = arith.addi %add3A_478, %add3A_523 : i32
        %dma_start3A_525 = arith.constant 1 : i32
        %dma_start3A_526 = arith.constant 0 : i32
        %dma_start3A_527 = arith.constant 0 : i32
        %dma_start3A_528 = tpu.memref_slice %arg7[%dma_start3A_525, %dma_start3A_526, %dma_start3A_527] : memref<3x128x128xf32, #tpu.memory_space<vmem>> -> memref<1x128x128xf32, #tpu.memory_space<vmem>>
        %dma_start3A_529 = tpu.memref_squeeze %dma_start3A_528 : memref<1x128x128xf32, #tpu.memory_space<vmem>> -> memref<128x128xf32, #tpu.memory_space<vmem>>
        %dma_start3A_530 = arith.constant 0 : i32
        %dma_start3A_531 = tpu.memref_slice %arg6[%add3A_524, %dma_start3A_530] : memref<200x128xi32, #tpu.memory_space<vmem>> -> memref<1x128xi32, #tpu.memory_space<vmem>>
        %dma_start3A_532 = tpu.memref_squeeze %dma_start3A_531 : memref<1x128xi32, #tpu.memory_space<vmem>> -> memref<128xi32, #tpu.memory_space<vmem>>
        %dma_start3A_533 = arith.constant 0 : i32
        %dma_start3A_534 = arith.constant 0 : i32
        %dma_start3A_535 = tpu.memref_slice %arg3[%dma_start3A_533, %dma_start3A_534] : memref<1000000x128xf32, #tpu.memory_space<hbm>> -> memref<1000000x128xf32, #tpu.memory_space<hbm>>
        tpu.enqueue_indirect_dma source(%dma_start3A_535 : memref<1000000x128xf32, #tpu.memory_space<hbm>>) target(%dma_start3A_529 : memref<128x128xf32, #tpu.memory_space<vmem>>) offsets(%dma_start3A_532 : memref<128xi32, #tpu.memory_space<vmem>>) semaphore(%arg11 : memref<!tpu.dma_semaphore, #tpu.memory_space<semaphore_mem>>)
      } else {
      }
      %dma_wait3A_486 = arith.constant 2 : i32
      %dma_wait3A_487 = arith.constant 0 : i32
      %dma_wait3A_488 = arith.constant 0 : i32
      %dma_wait3A_489 = tpu.memref_slice %arg7[%dma_wait3A_486, %dma_wait3A_487, %dma_wait3A_488] : memref<3x128x128xf32, #tpu.memory_space<vmem>> -> memref<1x128x128xf32, #tpu.memory_space<vmem>>
      %dma_wait3A_490 = tpu.memref_squeeze %dma_wait3A_489 : memref<1x128x128xf32, #tpu.memory_space<vmem>> -> memref<128x128xf32, #tpu.memory_space<vmem>>
      %dma_wait3A_491 = arith.constant 0 : i32
      %dma_wait3A_492 = tpu.memref_slice %arg6[%add3A_478, %dma_wait3A_491] : memref<200x128xi32, #tpu.memory_space<vmem>> -> memref<1x128xi32, #tpu.memory_space<vmem>>
      %dma_wait3A_493 = tpu.memref_squeeze %dma_wait3A_492 : memref<1x128xi32, #tpu.memory_space<vmem>> -> memref<128xi32, #tpu.memory_space<vmem>>
      %dma_wait3A_494 = arith.constant 0 : i32
      %dma_wait3A_495 = arith.constant 0 : i32
      %dma_wait3A_496 = tpu.memref_slice %arg3[%dma_wait3A_494, %dma_wait3A_495] : memref<1000000x128xf32, #tpu.memory_space<hbm>> -> memref<1000000x128xf32, #tpu.memory_space<hbm>>
      tpu.wait_indirect_dma semaphore(%arg12 : memref<!tpu.dma_semaphore, #tpu.memory_space<semaphore_mem>>) src(%dma_wait3A_496 : memref<1000000x128xf32, #tpu.memory_space<hbm>>) dst(%dma_wait3A_490 : memref<128x128xf32, #tpu.memory_space<vmem>>)
      %parallel_loop3A_497 = arith.constant 0 : i32
      %parallel_loop3A_498 = arith.constant 32 : i32
      %parallel_loop3A_499 = arith.constant 1 : i32
      scf.for %parallel_loop3A_517 = %parallel_loop3A_497 to %parallel_loop3A_498 step %parallel_loop3A_499  : i32 {
        %parallel_loop3A_518 = arith.constant 4 : i32
        %parallel_loop3A_519 = arith.divsi %parallel_loop3A_517, %parallel_loop3A_518 : i32
        %parallel_loop3A_520 = arith.constant 0 : i32
        %parallel_loop3A_521 = arith.cmpi sgt, %parallel_loop3A_517, %parallel_loop3A_520 : i32
        %parallel_loop3A_522 = arith.extui %parallel_loop3A_521 : i1 to i32
        %parallel_loop3A_523 = arith.constant 0 : i32
        %parallel_loop3A_524 = arith.cmpi slt, %parallel_loop3A_517, %parallel_loop3A_523 : i32
        %parallel_loop3A_525 = arith.extui %parallel_loop3A_524 : i1 to i32
        %parallel_loop3A_526 = arith.subi %parallel_loop3A_522, %parallel_loop3A_525 : i32
        %parallel_loop3A_527 = arith.constant 0 : i32
        %parallel_loop3A_528 = arith.cmpi sgt, %parallel_loop3A_518, %parallel_loop3A_527 : i32
        %parallel_loop3A_529 = arith.extui %parallel_loop3A_528 : i1 to i32
        %parallel_loop3A_530 = arith.constant 0 : i32
        %parallel_loop3A_531 = arith.cmpi slt, %parallel_loop3A_518, %parallel_loop3A_530 : i32
        %parallel_loop3A_532 = arith.extui %parallel_loop3A_531 : i1 to i32
        %parallel_loop3A_533 = arith.subi %parallel_loop3A_529, %parallel_loop3A_532 : i32
        %parallel_loop3A_534 = arith.cmpi ne, %parallel_loop3A_526, %parallel_loop3A_533 : i32
        %parallel_loop3A_535 = arith.remsi %parallel_loop3A_517, %parallel_loop3A_518 : i32
        %parallel_loop3A_536 = arith.constant 0 : i32
        %parallel_loop3A_537 = arith.cmpi ne, %parallel_loop3A_535, %parallel_loop3A_536 : i32
        %parallel_loop3A_538 = arith.andi %parallel_loop3A_534, %parallel_loop3A_537 : i1
        %parallel_loop3A_539 = arith.constant 1 : i32
        %parallel_loop3A_540 = arith.subi %parallel_loop3A_519, %parallel_loop3A_539 : i32
        %parallel_loop3A_541 = arith.select %parallel_loop3A_538, %parallel_loop3A_540, %parallel_loop3A_519 : i32
        %parallel_loop3A_542 = arith.constant 4 : i32
        %parallel_loop3A_543 = arith.constant 0 : i32
        %parallel_loop3A_544 = arith.cmpi eq, %parallel_loop3A_542, %parallel_loop3A_543 : i32
        %parallel_loop3A_545 = arith.constant 1 : i32
        %parallel_loop3A_546 = arith.select %parallel_loop3A_544, %parallel_loop3A_545, %parallel_loop3A_542 : i32
        %parallel_loop3A_547 = arith.remsi %parallel_loop3A_517, %parallel_loop3A_546 : i32
        %parallel_loop3A_548 = arith.constant 0 : i32
        %parallel_loop3A_549 = arith.cmpi ne, %parallel_loop3A_547, %parallel_loop3A_548 : i32
        %parallel_loop3A_550 = arith.constant 0 : i32
        %parallel_loop3A_551 = arith.cmpi slt, %parallel_loop3A_547, %parallel_loop3A_550 : i32
        %parallel_loop3A_552 = arith.constant 0 : i32
        %parallel_loop3A_553 = arith.cmpi slt, %parallel_loop3A_546, %parallel_loop3A_552 : i32
        %parallel_loop3A_554 = arith.xori %parallel_loop3A_551, %parallel_loop3A_553 : i1
        %parallel_loop3A_555 = arith.andi %parallel_loop3A_554, %parallel_loop3A_549 : i1
        %parallel_loop3A_556 = arith.addi %parallel_loop3A_547, %parallel_loop3A_546 : i32
        %parallel_loop3A_557 = arith.select %parallel_loop3A_555, %parallel_loop3A_556, %parallel_loop3A_547 : i32
        %parallel_loop3A_558 = arith.constant 16 : i32
        %parallel_loop3A_559 = arith.muli %parallel_loop3A_541, %parallel_loop3A_558 : i32
        %parallel_loop3A_560 = vector.broadcast %parallel_loop3A_559 : i32 to vector<16xi32>
        %parallel_loop3A_561 = arith.addi %iota3A, %parallel_loop3A_560 : vector<16xi32>
        %parallel_loop3A_562 = arith.constant 0 : i32
        %parallel_loop3A_563 = vector.broadcast %parallel_loop3A_562 : i32 to vector<16xi32>
        %parallel_loop3A_564 = arith.constant 16 : i32
        %parallel_loop3A_565 = arith.muli %parallel_loop3A_557, %parallel_loop3A_564 : i32
        %parallel_loop3A_566 = vector.broadcast %parallel_loop3A_565 : i32 to vector<16xi32>
        %parallel_loop3A_567 = arith.addi %parallel_loop3A_563, %parallel_loop3A_566 : vector<16xi32>
        %parallel_loop3A_568 = arith.constant 2 : i32
        %parallel_loop3A_569 = arith.muli %parallel_loop3A_557, %parallel_loop3A_568 : i32
        %parallel_loop3A_570 = arith.addi %parallel_loop3A_567, %and3A_13 : vector<16xi32>
        %parallel_loop3A_571 = arith.constant 2 : i32
        %parallel_loop3A_572 = arith.constant 0 : i32
        %parallel_loop3A_573 = arith.constant 0 : i32
        %parallel_loop3A_574 = tpu.memref_slice %arg7[%parallel_loop3A_571, %parallel_loop3A_572, %parallel_loop3A_573] : memref<3x128x128xf32, #tpu.memory_space<vmem>> -> memref<1x128x128xf32, #tpu.memory_space<vmem>>
        %parallel_loop3A_575 = tpu.memref_squeeze %parallel_loop3A_574 : memref<1x128x128xf32, #tpu.memory_space<vmem>> -> memref<128x128xf32, #tpu.memory_space<vmem>>
        %parallel_loop3A_576 = tpu.vector_load_idx %parallel_loop3A_575[%parallel_loop3A_561, %parallel_loop3A_570] : memref<128x128xf32, #tpu.memory_space<vmem>>[vector<16xi32>, vector<16xi32>], vector<16xf32>,
        %parallel_loop3A_577 = vector.broadcast %parallel_loop3A_569 : i32 to vector<16xi32>
        %parallel_loop3A_578 = arith.addi %shift_right_arithmetic3A_105, %parallel_loop3A_577 : vector<16xi32>
        %parallel_loop3A_579 = arith.addi %shift_left3A_155, %parallel_loop3A_561 : vector<16xi32>
        %parallel_loop3A_580 = arith.constant 8.000000e+00 : f32
        %parallel_loop3A_581 = vector.broadcast %parallel_loop3A_580 : f32 to vector<16xf32>
        %parallel_loop3A_582 = arith.mulf %parallel_loop3A_576, %parallel_loop3A_581 : vector<16xf32>
        %parallel_loop3A_583 = arith.constant 2 : i32
        %parallel_loop3A_584 = arith.constant 0 : i32
        %parallel_loop3A_585 = arith.constant 0 : i32
        %parallel_loop3A_586 = tpu.memref_slice %arg8[%parallel_loop3A_583, %parallel_loop3A_584, %parallel_loop3A_585] : memref<3x8x1024xf32, #tpu.memory_space<vmem>> -> memref<1x8x1024xf32, #tpu.memory_space<vmem>>
        %parallel_loop3A_587 = tpu.memref_squeeze %parallel_loop3A_586 : memref<1x8x1024xf32, #tpu.memory_space<vmem>> -> memref<8x1024xf32, #tpu.memory_space<vmem>>
        tpu.vector_store_idx %parallel_loop3A_587[%parallel_loop3A_578, %parallel_loop3A_579], %parallel_loop3A_582 : memref<8x1024xf32, #tpu.memory_space<vmem>>[vector<16xi32>, vector<16xi32>], vector<16xf32>,
        %parallel_loop3A_588 = arith.addi %parallel_loop3A_567, %and3A_19 : vector<16xi32>
        %parallel_loop3A_589 = arith.constant 2 : i32
        %parallel_loop3A_590 = arith.constant 0 : i32
        %parallel_loop3A_591 = arith.constant 0 : i32
        %parallel_loop3A_592 = tpu.memref_slice %arg7[%parallel_loop3A_589, %parallel_loop3A_590, %parallel_loop3A_591] : memref<3x128x128xf32, #tpu.memory_space<vmem>> -> memref<1x128x128xf32, #tpu.memory_space<vmem>>
        %parallel_loop3A_593 = tpu.memref_squeeze %parallel_loop3A_592 : memref<1x128x128xf32, #tpu.memory_space<vmem>> -> memref<128x128xf32, #tpu.memory_space<vmem>>
        %parallel_loop3A_594 = tpu.vector_load_idx %parallel_loop3A_593[%parallel_loop3A_561, %parallel_loop3A_588] : memref<128x128xf32, #tpu.memory_space<vmem>>[vector<16xi32>, vector<16xi32>], vector<16xf32>,
        %parallel_loop3A_595 = vector.broadcast %parallel_loop3A_569 : i32 to vector<16xi32>
        %parallel_loop3A_596 = arith.addi %shift_right_arithmetic3A_108, %parallel_loop3A_595 : vector<16xi32>
        %parallel_loop3A_597 = arith.addi %shift_left3A_161, %parallel_loop3A_561 : vector<16xi32>
        %parallel_loop3A_598 = arith.constant 8.000000e+00 : f32
        %parallel_loop3A_599 = vector.broadcast %parallel_loop3A_598 : f32 to vector<16xf32>
        %parallel_loop3A_600 = arith.mulf %parallel_loop3A_594, %parallel_loop3A_599 : vector<16xf32>
        %parallel_loop3A_601 = arith.constant 2 : i32
        %parallel_loop3A_602 = arith.constant 0 : i32
        %parallel_loop3A_603 = arith.constant 0 : i32
        %parallel_loop3A_604 = tpu.memref_slice %arg8[%parallel_loop3A_601, %parallel_loop3A_602, %parallel_loop3A_603] : memref<3x8x1024xf32, #tpu.memory_space<vmem>> -> memref<1x8x1024xf32, #tpu.memory_space<vmem>>
        %parallel_loop3A_605 = tpu.memref_squeeze %parallel_loop3A_604 : memref<1x8x1024xf32, #tpu.memory_space<vmem>> -> memref<8x1024xf32, #tpu.memory_space<vmem>>
        tpu.vector_store_idx %parallel_loop3A_605[%parallel_loop3A_596, %parallel_loop3A_597], %parallel_loop3A_600 : memref<8x1024xf32, #tpu.memory_space<vmem>>[vector<16xi32>, vector<16xi32>], vector<16xf32>,
        %parallel_loop3A_606 = arith.addi %parallel_loop3A_567, %and3A_25 : vector<16xi32>
        %parallel_loop3A_607 = arith.constant 2 : i32
        %parallel_loop3A_608 = arith.constant 0 : i32
        %parallel_loop3A_609 = arith.constant 0 : i32
        %parallel_loop3A_610 = tpu.memref_slice %arg7[%parallel_loop3A_607, %parallel_loop3A_608, %parallel_loop3A_609] : memref<3x128x128xf32, #tpu.memory_space<vmem>> -> memref<1x128x128xf32, #tpu.memory_space<vmem>>
        %parallel_loop3A_611 = tpu.memref_squeeze %parallel_loop3A_610 : memref<1x128x128xf32, #tpu.memory_space<vmem>> -> memref<128x128xf32, #tpu.memory_space<vmem>>
        %parallel_loop3A_612 = tpu.vector_load_idx %parallel_loop3A_611[%parallel_loop3A_561, %parallel_loop3A_606] : memref<128x128xf32, #tpu.memory_space<vmem>>[vector<16xi32>, vector<16xi32>], vector<16xf32>,
        %parallel_loop3A_613 = vector.broadcast %parallel_loop3A_569 : i32 to vector<16xi32>
        %parallel_loop3A_614 = arith.addi %shift_right_arithmetic3A_111, %parallel_loop3A_613 : vector<16xi32>
        %parallel_loop3A_615 = arith.addi %shift_left3A_167, %parallel_loop3A_561 : vector<16xi32>
        %parallel_loop3A_616 = arith.constant 8.000000e+00 : f32
        %parallel_loop3A_617 = vector.broadcast %parallel_loop3A_616 : f32 to vector<16xf32>
        %parallel_loop3A_618 = arith.mulf %parallel_loop3A_612, %parallel_loop3A_617 : vector<16xf32>
        %parallel_loop3A_619 = arith.constant 2 : i32
        %parallel_loop3A_620 = arith.constant 0 : i32
        %parallel_loop3A_621 = arith.constant 0 : i32
        %parallel_loop3A_622 = tpu.memref_slice %arg8[%parallel_loop3A_619, %parallel_loop3A_620, %parallel_loop3A_621] : memref<3x8x1024xf32, #tpu.memory_space<vmem>> -> memref<1x8x1024xf32, #tpu.memory_space<vmem>>
        %parallel_loop3A_623 = tpu.memref_squeeze %parallel_loop3A_622 : memref<1x8x1024xf32, #tpu.memory_space<vmem>> -> memref<8x1024xf32, #tpu.memory_space<vmem>>
        tpu.vector_store_idx %parallel_loop3A_623[%parallel_loop3A_614, %parallel_loop3A_615], %parallel_loop3A_618 : memref<8x1024xf32, #tpu.memory_space<vmem>>[vector<16xi32>, vector<16xi32>], vector<16xf32>,
        %parallel_loop3A_624 = arith.addi %parallel_loop3A_567, %and3A_31 : vector<16xi32>
        %parallel_loop3A_625 = arith.constant 2 : i32
        %parallel_loop3A_626 = arith.constant 0 : i32
        %parallel_loop3A_627 = arith.constant 0 : i32
        %parallel_loop3A_628 = tpu.memref_slice %arg7[%parallel_loop3A_625, %parallel_loop3A_626, %parallel_loop3A_627] : memref<3x128x128xf32, #tpu.memory_space<vmem>> -> memref<1x128x128xf32, #tpu.memory_space<vmem>>
        %parallel_loop3A_629 = tpu.memref_squeeze %parallel_loop3A_628 : memref<1x128x128xf32, #tpu.memory_space<vmem>> -> memref<128x128xf32, #tpu.memory_space<vmem>>
        %parallel_loop3A_630 = tpu.vector_load_idx %parallel_loop3A_629[%parallel_loop3A_561, %parallel_loop3A_624] : memref<128x128xf32, #tpu.memory_space<vmem>>[vector<16xi32>, vector<16xi32>], vector<16xf32>,
        %parallel_loop3A_631 = vector.broadcast %parallel_loop3A_569 : i32 to vector<16xi32>
        %parallel_loop3A_632 = arith.addi %shift_right_arithmetic3A_114, %parallel_loop3A_631 : vector<16xi32>
        %parallel_loop3A_633 = arith.addi %shift_left3A_173, %parallel_loop3A_561 : vector<16xi32>
        %parallel_loop3A_634 = arith.constant 8.000000e+00 : f32
        %parallel_loop3A_635 = vector.broadcast %parallel_loop3A_634 : f32 to vector<16xf32>
        %parallel_loop3A_636 = arith.mulf %parallel_loop3A_630, %parallel_loop3A_635 : vector<16xf32>
        %parallel_loop3A_637 = arith.constant 2 : i32
        %parallel_loop3A_638 = arith.constant 0 : i32
        %parallel_loop3A_639 = arith.constant 0 : i32
        %parallel_loop3A_640 = tpu.memref_slice %arg8[%parallel_loop3A_637, %parallel_loop3A_638, %parallel_loop3A_639] : memref<3x8x1024xf32, #tpu.memory_space<vmem>> -> memref<1x8x1024xf32, #tpu.memory_space<vmem>>
        %parallel_loop3A_641 = tpu.memref_squeeze %parallel_loop3A_640 : memref<1x8x1024xf32, #tpu.memory_space<vmem>> -> memref<8x1024xf32, #tpu.memory_space<vmem>>
        tpu.vector_store_idx %parallel_loop3A_641[%parallel_loop3A_632, %parallel_loop3A_633], %parallel_loop3A_636 : memref<8x1024xf32, #tpu.memory_space<vmem>>[vector<16xi32>, vector<16xi32>], vector<16xf32>,
        %parallel_loop3A_642 = arith.addi %parallel_loop3A_567, %and3A_37 : vector<16xi32>
        %parallel_loop3A_643 = arith.constant 2 : i32
        %parallel_loop3A_644 = arith.constant 0 : i32
        %parallel_loop3A_645 = arith.constant 0 : i32
        %parallel_loop3A_646 = tpu.memref_slice %arg7[%parallel_loop3A_643, %parallel_loop3A_644, %parallel_loop3A_645] : memref<3x128x128xf32, #tpu.memory_space<vmem>> -> memref<1x128x128xf32, #tpu.memory_space<vmem>>
        %parallel_loop3A_647 = tpu.memref_squeeze %parallel_loop3A_646 : memref<1x128x128xf32, #tpu.memory_space<vmem>> -> memref<128x128xf32, #tpu.memory_space<vmem>>
        %parallel_loop3A_648 = tpu.vector_load_idx %parallel_loop3A_647[%parallel_loop3A_561, %parallel_loop3A_642] : memref<128x128xf32, #tpu.memory_space<vmem>>[vector<16xi32>, vector<16xi32>], vector<16xf32>,
        %parallel_loop3A_649 = vector.broadcast %parallel_loop3A_569 : i32 to vector<16xi32>
        %parallel_loop3A_650 = arith.addi %shift_right_arithmetic3A_117, %parallel_loop3A_649 : vector<16xi32>
        %parallel_loop3A_651 = arith.addi %shift_left3A_179, %parallel_loop3A_561 : vector<16xi32>
        %parallel_loop3A_652 = arith.constant 8.000000e+00 : f32
        %parallel_loop3A_653 = vector.broadcast %parallel_loop3A_652 : f32 to vector<16xf32>
        %parallel_loop3A_654 = arith.mulf %parallel_loop3A_648, %parallel_loop3A_653 : vector<16xf32>
        %parallel_loop3A_655 = arith.constant 2 : i32
        %parallel_loop3A_656 = arith.constant 0 : i32
        %parallel_loop3A_657 = arith.constant 0 : i32
        %parallel_loop3A_658 = tpu.memref_slice %arg8[%parallel_loop3A_655, %parallel_loop3A_656, %parallel_loop3A_657] : memref<3x8x1024xf32, #tpu.memory_space<vmem>> -> memref<1x8x1024xf32, #tpu.memory_space<vmem>>
        %parallel_loop3A_659 = tpu.memref_squeeze %parallel_loop3A_658 : memref<1x8x1024xf32, #tpu.memory_space<vmem>> -> memref<8x1024xf32, #tpu.memory_space<vmem>>
        tpu.vector_store_idx %parallel_loop3A_659[%parallel_loop3A_650, %parallel_loop3A_651], %parallel_loop3A_654 : memref<8x1024xf32, #tpu.memory_space<vmem>>[vector<16xi32>, vector<16xi32>], vector<16xf32>,
        %parallel_loop3A_660 = arith.addi %parallel_loop3A_567, %and3A_43 : vector<16xi32>
        %parallel_loop3A_661 = arith.constant 2 : i32
        %parallel_loop3A_662 = arith.constant 0 : i32
        %parallel_loop3A_663 = arith.constant 0 : i32
        %parallel_loop3A_664 = tpu.memref_slice %arg7[%parallel_loop3A_661, %parallel_loop3A_662, %parallel_loop3A_663] : memref<3x128x128xf32, #tpu.memory_space<vmem>> -> memref<1x128x128xf32, #tpu.memory_space<vmem>>
        %parallel_loop3A_665 = tpu.memref_squeeze %parallel_loop3A_664 : memref<1x128x128xf32, #tpu.memory_space<vmem>> -> memref<128x128xf32, #tpu.memory_space<vmem>>
        %parallel_loop3A_666 = tpu.vector_load_idx %parallel_loop3A_665[%parallel_loop3A_561, %parallel_loop3A_660] : memref<128x128xf32, #tpu.memory_space<vmem>>[vector<16xi32>, vector<16xi32>], vector<16xf32>,
        %parallel_loop3A_667 = vector.broadcast %parallel_loop3A_569 : i32 to vector<16xi32>
        %parallel_loop3A_668 = arith.addi %shift_right_arithmetic3A_120, %parallel_loop3A_667 : vector<16xi32>
        %parallel_loop3A_669 = arith.addi %shift_left3A_185, %parallel_loop3A_561 : vector<16xi32>
        %parallel_loop3A_670 = arith.constant 8.000000e+00 : f32
        %parallel_loop3A_671 = vector.broadcast %parallel_loop3A_670 : f32 to vector<16xf32>
        %parallel_loop3A_672 = arith.mulf %parallel_loop3A_666, %parallel_loop3A_671 : vector<16xf32>
        %parallel_loop3A_673 = arith.constant 2 : i32
        %parallel_loop3A_674 = arith.constant 0 : i32
        %parallel_loop3A_675 = arith.constant 0 : i32
        %parallel_loop3A_676 = tpu.memref_slice %arg8[%parallel_loop3A_673, %parallel_loop3A_674, %parallel_loop3A_675] : memref<3x8x1024xf32, #tpu.memory_space<vmem>> -> memref<1x8x1024xf32, #tpu.memory_space<vmem>>
        %parallel_loop3A_677 = tpu.memref_squeeze %parallel_loop3A_676 : memref<1x8x1024xf32, #tpu.memory_space<vmem>> -> memref<8x1024xf32, #tpu.memory_space<vmem>>
        tpu.vector_store_idx %parallel_loop3A_677[%parallel_loop3A_668, %parallel_loop3A_669], %parallel_loop3A_672 : memref<8x1024xf32, #tpu.memory_space<vmem>>[vector<16xi32>, vector<16xi32>], vector<16xf32>,
        %parallel_loop3A_678 = arith.addi %parallel_loop3A_567, %and3A_49 : vector<16xi32>
        %parallel_loop3A_679 = arith.constant 2 : i32
        %parallel_loop3A_680 = arith.constant 0 : i32
        %parallel_loop3A_681 = arith.constant 0 : i32
        %parallel_loop3A_682 = tpu.memref_slice %arg7[%parallel_loop3A_679, %parallel_loop3A_680, %parallel_loop3A_681] : memref<3x128x128xf32, #tpu.memory_space<vmem>> -> memref<1x128x128xf32, #tpu.memory_space<vmem>>
        %parallel_loop3A_683 = tpu.memref_squeeze %parallel_loop3A_682 : memref<1x128x128xf32, #tpu.memory_space<vmem>> -> memref<128x128xf32, #tpu.memory_space<vmem>>
        %parallel_loop3A_684 = tpu.vector_load_idx %parallel_loop3A_683[%parallel_loop3A_561, %parallel_loop3A_678] : memref<128x128xf32, #tpu.memory_space<vmem>>[vector<16xi32>, vector<16xi32>], vector<16xf32>,
        %parallel_loop3A_685 = vector.broadcast %parallel_loop3A_569 : i32 to vector<16xi32>
        %parallel_loop3A_686 = arith.addi %shift_right_arithmetic3A_123, %parallel_loop3A_685 : vector<16xi32>
        %parallel_loop3A_687 = arith.addi %shift_left3A_191, %parallel_loop3A_561 : vector<16xi32>
        %parallel_loop3A_688 = arith.constant 8.000000e+00 : f32
        %parallel_loop3A_689 = vector.broadcast %parallel_loop3A_688 : f32 to vector<16xf32>
        %parallel_loop3A_690 = arith.mulf %parallel_loop3A_684, %parallel_loop3A_689 : vector<16xf32>
        %parallel_loop3A_691 = arith.constant 2 : i32
        %parallel_loop3A_692 = arith.constant 0 : i32
        %parallel_loop3A_693 = arith.constant 0 : i32
        %parallel_loop3A_694 = tpu.memref_slice %arg8[%parallel_loop3A_691, %parallel_loop3A_692, %parallel_loop3A_693] : memref<3x8x1024xf32, #tpu.memory_space<vmem>> -> memref<1x8x1024xf32, #tpu.memory_space<vmem>>
        %parallel_loop3A_695 = tpu.memref_squeeze %parallel_loop3A_694 : memref<1x8x1024xf32, #tpu.memory_space<vmem>> -> memref<8x1024xf32, #tpu.memory_space<vmem>>
        tpu.vector_store_idx %parallel_loop3A_695[%parallel_loop3A_686, %parallel_loop3A_687], %parallel_loop3A_690 : memref<8x1024xf32, #tpu.memory_space<vmem>>[vector<16xi32>, vector<16xi32>], vector<16xf32>,
        %parallel_loop3A_696 = arith.addi %parallel_loop3A_567, %and3A_55 : vector<16xi32>
        %parallel_loop3A_697 = arith.constant 2 : i32
        %parallel_loop3A_698 = arith.constant 0 : i32
        %parallel_loop3A_699 = arith.constant 0 : i32
        %parallel_loop3A_700 = tpu.memref_slice %arg7[%parallel_loop3A_697, %parallel_loop3A_698, %parallel_loop3A_699] : memref<3x128x128xf32, #tpu.memory_space<vmem>> -> memref<1x128x128xf32, #tpu.memory_space<vmem>>
        %parallel_loop3A_701 = tpu.memref_squeeze %parallel_loop3A_700 : memref<1x128x128xf32, #tpu.memory_space<vmem>> -> memref<128x128xf32, #tpu.memory_space<vmem>>
        %parallel_loop3A_702 = tpu.vector_load_idx %parallel_loop3A_701[%parallel_loop3A_561, %parallel_loop3A_696] : memref<128x128xf32, #tpu.memory_space<vmem>>[vector<16xi32>, vector<16xi32>], vector<16xf32>,
        %parallel_loop3A_703 = vector.broadcast %parallel_loop3A_569 : i32 to vector<16xi32>
        %parallel_loop3A_704 = arith.addi %shift_right_arithmetic3A_126, %parallel_loop3A_703 : vector<16xi32>
        %parallel_loop3A_705 = arith.addi %shift_left3A_197, %parallel_loop3A_561 : vector<16xi32>
        %parallel_loop3A_706 = arith.constant 8.000000e+00 : f32
        %parallel_loop3A_707 = vector.broadcast %parallel_loop3A_706 : f32 to vector<16xf32>
        %parallel_loop3A_708 = arith.mulf %parallel_loop3A_702, %parallel_loop3A_707 : vector<16xf32>
        %parallel_loop3A_709 = arith.constant 2 : i32
        %parallel_loop3A_710 = arith.constant 0 : i32
        %parallel_loop3A_711 = arith.constant 0 : i32
        %parallel_loop3A_712 = tpu.memref_slice %arg8[%parallel_loop3A_709, %parallel_loop3A_710, %parallel_loop3A_711] : memref<3x8x1024xf32, #tpu.memory_space<vmem>> -> memref<1x8x1024xf32, #tpu.memory_space<vmem>>
        %parallel_loop3A_713 = tpu.memref_squeeze %parallel_loop3A_712 : memref<1x8x1024xf32, #tpu.memory_space<vmem>> -> memref<8x1024xf32, #tpu.memory_space<vmem>>
        tpu.vector_store_idx %parallel_loop3A_713[%parallel_loop3A_704, %parallel_loop3A_705], %parallel_loop3A_708 : memref<8x1024xf32, #tpu.memory_space<vmem>>[vector<16xi32>, vector<16xi32>], vector<16xf32>,
        %parallel_loop3A_714 = arith.addi %parallel_loop3A_567, %and3A_61 : vector<16xi32>
        %parallel_loop3A_715 = arith.constant 2 : i32
        %parallel_loop3A_716 = arith.constant 0 : i32
        %parallel_loop3A_717 = arith.constant 0 : i32
        %parallel_loop3A_718 = tpu.memref_slice %arg7[%parallel_loop3A_715, %parallel_loop3A_716, %parallel_loop3A_717] : memref<3x128x128xf32, #tpu.memory_space<vmem>> -> memref<1x128x128xf32, #tpu.memory_space<vmem>>
        %parallel_loop3A_719 = tpu.memref_squeeze %parallel_loop3A_718 : memref<1x128x128xf32, #tpu.memory_space<vmem>> -> memref<128x128xf32, #tpu.memory_space<vmem>>
        %parallel_loop3A_720 = tpu.vector_load_idx %parallel_loop3A_719[%parallel_loop3A_561, %parallel_loop3A_714] : memref<128x128xf32, #tpu.memory_space<vmem>>[vector<16xi32>, vector<16xi32>], vector<16xf32>,
        %parallel_loop3A_721 = vector.broadcast %parallel_loop3A_569 : i32 to vector<16xi32>
        %parallel_loop3A_722 = arith.addi %shift_right_arithmetic3A_129, %parallel_loop3A_721 : vector<16xi32>
        %parallel_loop3A_723 = arith.addi %shift_left3A_203, %parallel_loop3A_561 : vector<16xi32>
        %parallel_loop3A_724 = arith.constant 8.000000e+00 : f32
        %parallel_loop3A_725 = vector.broadcast %parallel_loop3A_724 : f32 to vector<16xf32>
        %parallel_loop3A_726 = arith.mulf %parallel_loop3A_720, %parallel_loop3A_725 : vector<16xf32>
        %parallel_loop3A_727 = arith.constant 2 : i32
        %parallel_loop3A_728 = arith.constant 0 : i32
        %parallel_loop3A_729 = arith.constant 0 : i32
        %parallel_loop3A_730 = tpu.memref_slice %arg8[%parallel_loop3A_727, %parallel_loop3A_728, %parallel_loop3A_729] : memref<3x8x1024xf32, #tpu.memory_space<vmem>> -> memref<1x8x1024xf32, #tpu.memory_space<vmem>>
        %parallel_loop3A_731 = tpu.memref_squeeze %parallel_loop3A_730 : memref<1x8x1024xf32, #tpu.memory_space<vmem>> -> memref<8x1024xf32, #tpu.memory_space<vmem>>
        tpu.vector_store_idx %parallel_loop3A_731[%parallel_loop3A_722, %parallel_loop3A_723], %parallel_loop3A_726 : memref<8x1024xf32, #tpu.memory_space<vmem>>[vector<16xi32>, vector<16xi32>], vector<16xf32>,
        %parallel_loop3A_732 = arith.addi %parallel_loop3A_567, %and3A_67 : vector<16xi32>
        %parallel_loop3A_733 = arith.constant 2 : i32
        %parallel_loop3A_734 = arith.constant 0 : i32
        %parallel_loop3A_735 = arith.constant 0 : i32
        %parallel_loop3A_736 = tpu.memref_slice %arg7[%parallel_loop3A_733, %parallel_loop3A_734, %parallel_loop3A_735] : memref<3x128x128xf32, #tpu.memory_space<vmem>> -> memref<1x128x128xf32, #tpu.memory_space<vmem>>
        %parallel_loop3A_737 = tpu.memref_squeeze %parallel_loop3A_736 : memref<1x128x128xf32, #tpu.memory_space<vmem>> -> memref<128x128xf32, #tpu.memory_space<vmem>>
        %parallel_loop3A_738 = tpu.vector_load_idx %parallel_loop3A_737[%parallel_loop3A_561, %parallel_loop3A_732] : memref<128x128xf32, #tpu.memory_space<vmem>>[vector<16xi32>, vector<16xi32>], vector<16xf32>,
        %parallel_loop3A_739 = vector.broadcast %parallel_loop3A_569 : i32 to vector<16xi32>
        %parallel_loop3A_740 = arith.addi %shift_right_arithmetic3A_132, %parallel_loop3A_739 : vector<16xi32>
        %parallel_loop3A_741 = arith.addi %shift_left3A_209, %parallel_loop3A_561 : vector<16xi32>
        %parallel_loop3A_742 = arith.constant 8.000000e+00 : f32
        %parallel_loop3A_743 = vector.broadcast %parallel_loop3A_742 : f32 to vector<16xf32>
        %parallel_loop3A_744 = arith.mulf %parallel_loop3A_738, %parallel_loop3A_743 : vector<16xf32>
        %parallel_loop3A_745 = arith.constant 2 : i32
        %parallel_loop3A_746 = arith.constant 0 : i32
        %parallel_loop3A_747 = arith.constant 0 : i32
        %parallel_loop3A_748 = tpu.memref_slice %arg8[%parallel_loop3A_745, %parallel_loop3A_746, %parallel_loop3A_747] : memref<3x8x1024xf32, #tpu.memory_space<vmem>> -> memref<1x8x1024xf32, #tpu.memory_space<vmem>>
        %parallel_loop3A_749 = tpu.memref_squeeze %parallel_loop3A_748 : memref<1x8x1024xf32, #tpu.memory_space<vmem>> -> memref<8x1024xf32, #tpu.memory_space<vmem>>
        tpu.vector_store_idx %parallel_loop3A_749[%parallel_loop3A_740, %parallel_loop3A_741], %parallel_loop3A_744 : memref<8x1024xf32, #tpu.memory_space<vmem>>[vector<16xi32>, vector<16xi32>], vector<16xf32>,
        %parallel_loop3A_750 = arith.addi %parallel_loop3A_567, %and3A_73 : vector<16xi32>
        %parallel_loop3A_751 = arith.constant 2 : i32
        %parallel_loop3A_752 = arith.constant 0 : i32
        %parallel_loop3A_753 = arith.constant 0 : i32
        %parallel_loop3A_754 = tpu.memref_slice %arg7[%parallel_loop3A_751, %parallel_loop3A_752, %parallel_loop3A_753] : memref<3x128x128xf32, #tpu.memory_space<vmem>> -> memref<1x128x128xf32, #tpu.memory_space<vmem>>
        %parallel_loop3A_755 = tpu.memref_squeeze %parallel_loop3A_754 : memref<1x128x128xf32, #tpu.memory_space<vmem>> -> memref<128x128xf32, #tpu.memory_space<vmem>>
        %parallel_loop3A_756 = tpu.vector_load_idx %parallel_loop3A_755[%parallel_loop3A_561, %parallel_loop3A_750] : memref<128x128xf32, #tpu.memory_space<vmem>>[vector<16xi32>, vector<16xi32>], vector<16xf32>,
        %parallel_loop3A_757 = vector.broadcast %parallel_loop3A_569 : i32 to vector<16xi32>
        %parallel_loop3A_758 = arith.addi %shift_right_arithmetic3A_135, %parallel_loop3A_757 : vector<16xi32>
        %parallel_loop3A_759 = arith.addi %shift_left3A_215, %parallel_loop3A_561 : vector<16xi32>
        %parallel_loop3A_760 = arith.constant 8.000000e+00 : f32
        %parallel_loop3A_761 = vector.broadcast %parallel_loop3A_760 : f32 to vector<16xf32>
        %parallel_loop3A_762 = arith.mulf %parallel_loop3A_756, %parallel_loop3A_761 : vector<16xf32>
        %parallel_loop3A_763 = arith.constant 2 : i32
        %parallel_loop3A_764 = arith.constant 0 : i32
        %parallel_loop3A_765 = arith.constant 0 : i32
        %parallel_loop3A_766 = tpu.memref_slice %arg8[%parallel_loop3A_763, %parallel_loop3A_764, %parallel_loop3A_765] : memref<3x8x1024xf32, #tpu.memory_space<vmem>> -> memref<1x8x1024xf32, #tpu.memory_space<vmem>>
        %parallel_loop3A_767 = tpu.memref_squeeze %parallel_loop3A_766 : memref<1x8x1024xf32, #tpu.memory_space<vmem>> -> memref<8x1024xf32, #tpu.memory_space<vmem>>
        tpu.vector_store_idx %parallel_loop3A_767[%parallel_loop3A_758, %parallel_loop3A_759], %parallel_loop3A_762 : memref<8x1024xf32, #tpu.memory_space<vmem>>[vector<16xi32>, vector<16xi32>], vector<16xf32>,
        %parallel_loop3A_768 = arith.addi %parallel_loop3A_567, %and3A_79 : vector<16xi32>
        %parallel_loop3A_769 = arith.constant 2 : i32
        %parallel_loop3A_770 = arith.constant 0 : i32
        %parallel_loop3A_771 = arith.constant 0 : i32
        %parallel_loop3A_772 = tpu.memref_slice %arg7[%parallel_loop3A_769, %parallel_loop3A_770, %parallel_loop3A_771] : memref<3x128x128xf32, #tpu.memory_space<vmem>> -> memref<1x128x128xf32, #tpu.memory_space<vmem>>
        %parallel_loop3A_773 = tpu.memref_squeeze %parallel_loop3A_772 : memref<1x128x128xf32, #tpu.memory_space<vmem>> -> memref<128x128xf32, #tpu.memory_space<vmem>>
        %parallel_loop3A_774 = tpu.vector_load_idx %parallel_loop3A_773[%parallel_loop3A_561, %parallel_loop3A_768] : memref<128x128xf32, #tpu.memory_space<vmem>>[vector<16xi32>, vector<16xi32>], vector<16xf32>,
        %parallel_loop3A_775 = vector.broadcast %parallel_loop3A_569 : i32 to vector<16xi32>
        %parallel_loop3A_776 = arith.addi %shift_right_arithmetic3A_138, %parallel_loop3A_775 : vector<16xi32>
        %parallel_loop3A_777 = arith.addi %shift_left3A_221, %parallel_loop3A_561 : vector<16xi32>
        %parallel_loop3A_778 = arith.constant 8.000000e+00 : f32
        %parallel_loop3A_779 = vector.broadcast %parallel_loop3A_778 : f32 to vector<16xf32>
        %parallel_loop3A_780 = arith.mulf %parallel_loop3A_774, %parallel_loop3A_779 : vector<16xf32>
        %parallel_loop3A_781 = arith.constant 2 : i32
        %parallel_loop3A_782 = arith.constant 0 : i32
        %parallel_loop3A_783 = arith.constant 0 : i32
        %parallel_loop3A_784 = tpu.memref_slice %arg8[%parallel_loop3A_781, %parallel_loop3A_782, %parallel_loop3A_783] : memref<3x8x1024xf32, #tpu.memory_space<vmem>> -> memref<1x8x1024xf32, #tpu.memory_space<vmem>>
        %parallel_loop3A_785 = tpu.memref_squeeze %parallel_loop3A_784 : memref<1x8x1024xf32, #tpu.memory_space<vmem>> -> memref<8x1024xf32, #tpu.memory_space<vmem>>
        tpu.vector_store_idx %parallel_loop3A_785[%parallel_loop3A_776, %parallel_loop3A_777], %parallel_loop3A_780 : memref<8x1024xf32, #tpu.memory_space<vmem>>[vector<16xi32>, vector<16xi32>], vector<16xf32>,
        %parallel_loop3A_786 = arith.addi %parallel_loop3A_567, %and3A_85 : vector<16xi32>
        %parallel_loop3A_787 = arith.constant 2 : i32
        %parallel_loop3A_788 = arith.constant 0 : i32
        %parallel_loop3A_789 = arith.constant 0 : i32
        %parallel_loop3A_790 = tpu.memref_slice %arg7[%parallel_loop3A_787, %parallel_loop3A_788, %parallel_loop3A_789] : memref<3x128x128xf32, #tpu.memory_space<vmem>> -> memref<1x128x128xf32, #tpu.memory_space<vmem>>
        %parallel_loop3A_791 = tpu.memref_squeeze %parallel_loop3A_790 : memref<1x128x128xf32, #tpu.memory_space<vmem>> -> memref<128x128xf32, #tpu.memory_space<vmem>>
        %parallel_loop3A_792 = tpu.vector_load_idx %parallel_loop3A_791[%parallel_loop3A_561, %parallel_loop3A_786] : memref<128x128xf32, #tpu.memory_space<vmem>>[vector<16xi32>, vector<16xi32>], vector<16xf32>,
        %parallel_loop3A_793 = vector.broadcast %parallel_loop3A_569 : i32 to vector<16xi32>
        %parallel_loop3A_794 = arith.addi %shift_right_arithmetic3A_141, %parallel_loop3A_793 : vector<16xi32>
        %parallel_loop3A_795 = arith.addi %shift_left3A_227, %parallel_loop3A_561 : vector<16xi32>
        %parallel_loop3A_796 = arith.constant 8.000000e+00 : f32
        %parallel_loop3A_797 = vector.broadcast %parallel_loop3A_796 : f32 to vector<16xf32>
        %parallel_loop3A_798 = arith.mulf %parallel_loop3A_792, %parallel_loop3A_797 : vector<16xf32>
        %parallel_loop3A_799 = arith.constant 2 : i32
        %parallel_loop3A_800 = arith.constant 0 : i32
        %parallel_loop3A_801 = arith.constant 0 : i32
        %parallel_loop3A_802 = tpu.memref_slice %arg8[%parallel_loop3A_799, %parallel_loop3A_800, %parallel_loop3A_801] : memref<3x8x1024xf32, #tpu.memory_space<vmem>> -> memref<1x8x1024xf32, #tpu.memory_space<vmem>>
        %parallel_loop3A_803 = tpu.memref_squeeze %parallel_loop3A_802 : memref<1x8x1024xf32, #tpu.memory_space<vmem>> -> memref<8x1024xf32, #tpu.memory_space<vmem>>
        tpu.vector_store_idx %parallel_loop3A_803[%parallel_loop3A_794, %parallel_loop3A_795], %parallel_loop3A_798 : memref<8x1024xf32, #tpu.memory_space<vmem>>[vector<16xi32>, vector<16xi32>], vector<16xf32>,
        %parallel_loop3A_804 = arith.addi %parallel_loop3A_567, %and3A_91 : vector<16xi32>
        %parallel_loop3A_805 = arith.constant 2 : i32
        %parallel_loop3A_806 = arith.constant 0 : i32
        %parallel_loop3A_807 = arith.constant 0 : i32
        %parallel_loop3A_808 = tpu.memref_slice %arg7[%parallel_loop3A_805, %parallel_loop3A_806, %parallel_loop3A_807] : memref<3x128x128xf32, #tpu.memory_space<vmem>> -> memref<1x128x128xf32, #tpu.memory_space<vmem>>
        %parallel_loop3A_809 = tpu.memref_squeeze %parallel_loop3A_808 : memref<1x128x128xf32, #tpu.memory_space<vmem>> -> memref<128x128xf32, #tpu.memory_space<vmem>>
        %parallel_loop3A_810 = tpu.vector_load_idx %parallel_loop3A_809[%parallel_loop3A_561, %parallel_loop3A_804] : memref<128x128xf32, #tpu.memory_space<vmem>>[vector<16xi32>, vector<16xi32>], vector<16xf32>,
        %parallel_loop3A_811 = vector.broadcast %parallel_loop3A_569 : i32 to vector<16xi32>
        %parallel_loop3A_812 = arith.addi %shift_right_arithmetic3A_144, %parallel_loop3A_811 : vector<16xi32>
        %parallel_loop3A_813 = arith.addi %shift_left3A_233, %parallel_loop3A_561 : vector<16xi32>
        %parallel_loop3A_814 = arith.constant 8.000000e+00 : f32
        %parallel_loop3A_815 = vector.broadcast %parallel_loop3A_814 : f32 to vector<16xf32>
        %parallel_loop3A_816 = arith.mulf %parallel_loop3A_810, %parallel_loop3A_815 : vector<16xf32>
        %parallel_loop3A_817 = arith.constant 2 : i32
        %parallel_loop3A_818 = arith.constant 0 : i32
        %parallel_loop3A_819 = arith.constant 0 : i32
        %parallel_loop3A_820 = tpu.memref_slice %arg8[%parallel_loop3A_817, %parallel_loop3A_818, %parallel_loop3A_819] : memref<3x8x1024xf32, #tpu.memory_space<vmem>> -> memref<1x8x1024xf32, #tpu.memory_space<vmem>>
        %parallel_loop3A_821 = tpu.memref_squeeze %parallel_loop3A_820 : memref<1x8x1024xf32, #tpu.memory_space<vmem>> -> memref<8x1024xf32, #tpu.memory_space<vmem>>
        tpu.vector_store_idx %parallel_loop3A_821[%parallel_loop3A_812, %parallel_loop3A_813], %parallel_loop3A_816 : memref<8x1024xf32, #tpu.memory_space<vmem>>[vector<16xi32>, vector<16xi32>], vector<16xf32>,
        %parallel_loop3A_822 = arith.addi %parallel_loop3A_567, %and3A_97 : vector<16xi32>
        %parallel_loop3A_823 = arith.constant 2 : i32
        %parallel_loop3A_824 = arith.constant 0 : i32
        %parallel_loop3A_825 = arith.constant 0 : i32
        %parallel_loop3A_826 = tpu.memref_slice %arg7[%parallel_loop3A_823, %parallel_loop3A_824, %parallel_loop3A_825] : memref<3x128x128xf32, #tpu.memory_space<vmem>> -> memref<1x128x128xf32, #tpu.memory_space<vmem>>
        %parallel_loop3A_827 = tpu.memref_squeeze %parallel_loop3A_826 : memref<1x128x128xf32, #tpu.memory_space<vmem>> -> memref<128x128xf32, #tpu.memory_space<vmem>>
        %parallel_loop3A_828 = tpu.vector_load_idx %parallel_loop3A_827[%parallel_loop3A_561, %parallel_loop3A_822] : memref<128x128xf32, #tpu.memory_space<vmem>>[vector<16xi32>, vector<16xi32>], vector<16xf32>,
        %parallel_loop3A_829 = vector.broadcast %parallel_loop3A_569 : i32 to vector<16xi32>
        %parallel_loop3A_830 = arith.addi %shift_right_arithmetic3A_147, %parallel_loop3A_829 : vector<16xi32>
        %parallel_loop3A_831 = arith.addi %shift_left3A_239, %parallel_loop3A_561 : vector<16xi32>
        %parallel_loop3A_832 = arith.constant 8.000000e+00 : f32
        %parallel_loop3A_833 = vector.broadcast %parallel_loop3A_832 : f32 to vector<16xf32>
        %parallel_loop3A_834 = arith.mulf %parallel_loop3A_828, %parallel_loop3A_833 : vector<16xf32>
        %parallel_loop3A_835 = arith.constant 2 : i32
        %parallel_loop3A_836 = arith.constant 0 : i32
        %parallel_loop3A_837 = arith.constant 0 : i32
        %parallel_loop3A_838 = tpu.memref_slice %arg8[%parallel_loop3A_835, %parallel_loop3A_836, %parallel_loop3A_837] : memref<3x8x1024xf32, #tpu.memory_space<vmem>> -> memref<1x8x1024xf32, #tpu.memory_space<vmem>>
        %parallel_loop3A_839 = tpu.memref_squeeze %parallel_loop3A_838 : memref<1x8x1024xf32, #tpu.memory_space<vmem>> -> memref<8x1024xf32, #tpu.memory_space<vmem>>
        tpu.vector_store_idx %parallel_loop3A_839[%parallel_loop3A_830, %parallel_loop3A_831], %parallel_loop3A_834 : memref<8x1024xf32, #tpu.memory_space<vmem>>[vector<16xi32>, vector<16xi32>], vector<16xf32>,
        %parallel_loop3A_840 = arith.addi %parallel_loop3A_567, %and3A_103 : vector<16xi32>
        %parallel_loop3A_841 = arith.constant 2 : i32
        %parallel_loop3A_842 = arith.constant 0 : i32
        %parallel_loop3A_843 = arith.constant 0 : i32
        %parallel_loop3A_844 = tpu.memref_slice %arg7[%parallel_loop3A_841, %parallel_loop3A_842, %parallel_loop3A_843] : memref<3x128x128xf32, #tpu.memory_space<vmem>> -> memref<1x128x128xf32, #tpu.memory_space<vmem>>
        %parallel_loop3A_845 = tpu.memref_squeeze %parallel_loop3A_844 : memref<1x128x128xf32, #tpu.memory_space<vmem>> -> memref<128x128xf32, #tpu.memory_space<vmem>>
        %parallel_loop3A_846 = tpu.vector_load_idx %parallel_loop3A_845[%parallel_loop3A_561, %parallel_loop3A_840] : memref<128x128xf32, #tpu.memory_space<vmem>>[vector<16xi32>, vector<16xi32>], vector<16xf32>,
        %parallel_loop3A_847 = vector.broadcast %parallel_loop3A_569 : i32 to vector<16xi32>
        %parallel_loop3A_848 = arith.addi %shift_right_arithmetic3A_150, %parallel_loop3A_847 : vector<16xi32>
        %parallel_loop3A_849 = arith.addi %shift_left3A_245, %parallel_loop3A_561 : vector<16xi32>
        %parallel_loop3A_850 = arith.constant 8.000000e+00 : f32
        %parallel_loop3A_851 = vector.broadcast %parallel_loop3A_850 : f32 to vector<16xf32>
        %parallel_loop3A_852 = arith.mulf %parallel_loop3A_846, %parallel_loop3A_851 : vector<16xf32>
        %parallel_loop3A_853 = arith.constant 2 : i32
        %parallel_loop3A_854 = arith.constant 0 : i32
        %parallel_loop3A_855 = arith.constant 0 : i32
        %parallel_loop3A_856 = tpu.memref_slice %arg8[%parallel_loop3A_853, %parallel_loop3A_854, %parallel_loop3A_855] : memref<3x8x1024xf32, #tpu.memory_space<vmem>> -> memref<1x8x1024xf32, #tpu.memory_space<vmem>>
        %parallel_loop3A_857 = tpu.memref_squeeze %parallel_loop3A_856 : memref<1x8x1024xf32, #tpu.memory_space<vmem>> -> memref<8x1024xf32, #tpu.memory_space<vmem>>
        tpu.vector_store_idx %parallel_loop3A_857[%parallel_loop3A_848, %parallel_loop3A_849], %parallel_loop3A_852 : memref<8x1024xf32, #tpu.memory_space<vmem>>[vector<16xi32>, vector<16xi32>], vector<16xf32>,
      } {sc.loop_unroll_factor = 1 : i64, sc.parallel_access}
      %dma_start3A_500 = arith.constant 2 : i32
      %dma_start3A_501 = arith.constant 0 : i32
      %dma_start3A_502 = arith.constant 0 : i32
      %dma_start3A_503 = tpu.memref_slice %arg8[%dma_start3A_500, %dma_start3A_501, %dma_start3A_502] : memref<3x8x1024xf32, #tpu.memory_space<vmem>> -> memref<1x8x1024xf32, #tpu.memory_space<vmem>>
      %dma_start3A_504 = tpu.memref_squeeze %dma_start3A_503 : memref<1x8x1024xf32, #tpu.memory_space<vmem>> -> memref<8x1024xf32, #tpu.memory_space<vmem>>
      %dma_start3A_505 = arith.constant 0 : i32
      %dma_start3A_506 = arith.constant 0 : i32
      %dma_start3A_507 = tpu.memref_slice %arg4[%add3A_478, %dma_start3A_505, %add3A, %dma_start3A_506] : memref<200x8x32x1024xf32, #tpu.memory_space<hbm>> -> memref<1x8x1x1024xf32, #tpu.memory_space<hbm>>
      %dma_start3A_508 = tpu.memref_squeeze %dma_start3A_507 : memref<1x8x1x1024xf32, #tpu.memory_space<hbm>> -> memref<8x1024xf32, #tpu.memory_space<hbm>>
      %dma_start3A_509 = arith.constant 0 : i32
      %dma_start3A_510 = arith.constant 0 : i32
      %dma_start3A_511 = tpu.memref_slice %arg4[%add3A_478, %dma_start3A_509, %add3A, %dma_start3A_510] : memref<200x8x32x1024xf32, #tpu.memory_space<hbm>> -> memref<1x8x1x1024xf32, #tpu.memory_space<hbm>>
      %dma_start3A_512 = tpu.memref_squeeze %dma_start3A_511 : memref<1x8x1x1024xf32, #tpu.memory_space<hbm>> -> memref<8x1024xf32, #tpu.memory_space<hbm>>
      %dma_start3A_513 = arith.constant 0 : i32
      %dma_start3A_514 = arith.constant 0 : i32
      %dma_start3A_515 = tpu.memref_slice %arg8[%dma_start3A_500, %dma_start3A_513, %dma_start3A_514] : memref<3x8x1024xf32, #tpu.memory_space<vmem>> -> memref<1x8x1024xf32, #tpu.memory_space<vmem>>
      %dma_start3A_516 = tpu.memref_squeeze %dma_start3A_515 : memref<1x8x1024xf32, #tpu.memory_space<vmem>> -> memref<8x1024xf32, #tpu.memory_space<vmem>>
      tpu.enqueue_dma source(%dma_start3A_516 : memref<8x1024xf32, #tpu.memory_space<vmem>>) target(%dma_start3A_512 : memref<8x1024xf32, #tpu.memory_space<hbm>>) target_semaphore(%arg15 : memref<!tpu.dma_semaphore, #tpu.memory_space<semaphore_mem>>)
    }
    %scan3A_274 = arith.constant 66 : i32
    %dma_wait3A = arith.constant 198 : i32
    %dma_wait3A_275 = arith.constant 0 : i32
    %dma_wait3A_276 = arith.constant 0 : i32
    %dma_wait3A_277 = arith.constant 0 : i32
    %dma_wait3A_278 = tpu.memref_slice %arg7[%dma_wait3A_275, %dma_wait3A_276, %dma_wait3A_277] : memref<3x128x128xf32, #tpu.memory_space<vmem>> -> memref<1x128x128xf32, #tpu.memory_space<vmem>>
    %dma_wait3A_279 = tpu.memref_squeeze %dma_wait3A_278 : memref<1x128x128xf32, #tpu.memory_space<vmem>> -> memref<128x128xf32, #tpu.memory_space<vmem>>
    %dma_wait3A_280 = arith.constant 0 : i32
    %dma_wait3A_281 = tpu.memref_slice %arg6[%dma_wait3A, %dma_wait3A_280] : memref<200x128xi32, #tpu.memory_space<vmem>> -> memref<1x128xi32, #tpu.memory_space<vmem>>
    %dma_wait3A_282 = tpu.memref_squeeze %dma_wait3A_281 : memref<1x128xi32, #tpu.memory_space<vmem>> -> memref<128xi32, #tpu.memory_space<vmem>>
    %dma_wait3A_283 = arith.constant 0 : i32
    %dma_wait3A_284 = arith.constant 0 : i32
    %dma_wait3A_285 = tpu.memref_slice %arg3[%dma_wait3A_283, %dma_wait3A_284] : memref<1000000x128xf32, #tpu.memory_space<hbm>> -> memref<1000000x128xf32, #tpu.memory_space<hbm>>
    tpu.wait_indirect_dma semaphore(%arg10 : memref<!tpu.dma_semaphore, #tpu.memory_space<semaphore_mem>>) src(%dma_wait3A_285 : memref<1000000x128xf32, #tpu.memory_space<hbm>>) dst(%dma_wait3A_279 : memref<128x128xf32, #tpu.memory_space<vmem>>)
    %parallel_loop3A = arith.constant 0 : i32
    %parallel_loop3A_286 = arith.constant 32 : i32
    %parallel_loop3A_287 = arith.constant 1 : i32
    scf.for %parallel_loop3A_393 = %parallel_loop3A to %parallel_loop3A_286 step %parallel_loop3A_287  : i32 {
      %parallel_loop3A_394 = arith.constant 4 : i32
      %parallel_loop3A_395 = arith.divsi %parallel_loop3A_393, %parallel_loop3A_394 : i32
      %parallel_loop3A_396 = arith.constant 0 : i32
      %parallel_loop3A_397 = arith.cmpi sgt, %parallel_loop3A_393, %parallel_loop3A_396 : i32
      %parallel_loop3A_398 = arith.extui %parallel_loop3A_397 : i1 to i32
      %parallel_loop3A_399 = arith.constant 0 : i32
      %parallel_loop3A_400 = arith.cmpi slt, %parallel_loop3A_393, %parallel_loop3A_399 : i32
      %parallel_loop3A_401 = arith.extui %parallel_loop3A_400 : i1 to i32
      %parallel_loop3A_402 = arith.subi %parallel_loop3A_398, %parallel_loop3A_401 : i32
      %parallel_loop3A_403 = arith.constant 0 : i32
      %parallel_loop3A_404 = arith.cmpi sgt, %parallel_loop3A_394, %parallel_loop3A_403 : i32
      %parallel_loop3A_405 = arith.extui %parallel_loop3A_404 : i1 to i32
      %parallel_loop3A_406 = arith.constant 0 : i32
      %parallel_loop3A_407 = arith.cmpi slt, %parallel_loop3A_394, %parallel_loop3A_406 : i32
      %parallel_loop3A_408 = arith.extui %parallel_loop3A_407 : i1 to i32
      %parallel_loop3A_409 = arith.subi %parallel_loop3A_405, %parallel_loop3A_408 : i32
      %parallel_loop3A_410 = arith.cmpi ne, %parallel_loop3A_402, %parallel_loop3A_409 : i32
      %parallel_loop3A_411 = arith.remsi %parallel_loop3A_393, %parallel_loop3A_394 : i32
      %parallel_loop3A_412 = arith.constant 0 : i32
      %parallel_loop3A_413 = arith.cmpi ne, %parallel_loop3A_411, %parallel_loop3A_412 : i32
      %parallel_loop3A_414 = arith.andi %parallel_loop3A_410, %parallel_loop3A_413 : i1
      %parallel_loop3A_415 = arith.constant 1 : i32
      %parallel_loop3A_416 = arith.subi %parallel_loop3A_395, %parallel_loop3A_415 : i32
      %parallel_loop3A_417 = arith.select %parallel_loop3A_414, %parallel_loop3A_416, %parallel_loop3A_395 : i32
      %parallel_loop3A_418 = arith.constant 4 : i32
      %parallel_loop3A_419 = arith.constant 0 : i32
      %parallel_loop3A_420 = arith.cmpi eq, %parallel_loop3A_418, %parallel_loop3A_419 : i32
      %parallel_loop3A_421 = arith.constant 1 : i32
      %parallel_loop3A_422 = arith.select %parallel_loop3A_420, %parallel_loop3A_421, %parallel_loop3A_418 : i32
      %parallel_loop3A_423 = arith.remsi %parallel_loop3A_393, %parallel_loop3A_422 : i32
      %parallel_loop3A_424 = arith.constant 0 : i32
      %parallel_loop3A_425 = arith.cmpi ne, %parallel_loop3A_423, %parallel_loop3A_424 : i32
      %parallel_loop3A_426 = arith.constant 0 : i32
      %parallel_loop3A_427 = arith.cmpi slt, %parallel_loop3A_423, %parallel_loop3A_426 : i32
      %parallel_loop3A_428 = arith.constant 0 : i32
      %parallel_loop3A_429 = arith.cmpi slt, %parallel_loop3A_422, %parallel_loop3A_428 : i32
      %parallel_loop3A_430 = arith.xori %parallel_loop3A_427, %parallel_loop3A_429 : i1
      %parallel_loop3A_431 = arith.andi %parallel_loop3A_430, %parallel_loop3A_425 : i1
      %parallel_loop3A_432 = arith.addi %parallel_loop3A_423, %parallel_loop3A_422 : i32
      %parallel_loop3A_433 = arith.select %parallel_loop3A_431, %parallel_loop3A_432, %parallel_loop3A_423 : i32
      %parallel_loop3A_434 = arith.constant 16 : i32
      %parallel_loop3A_435 = arith.muli %parallel_loop3A_417, %parallel_loop3A_434 : i32
      %parallel_loop3A_436 = vector.broadcast %parallel_loop3A_435 : i32 to vector<16xi32>
      %parallel_loop3A_437 = arith.addi %iota3A, %parallel_loop3A_436 : vector<16xi32>
      %parallel_loop3A_438 = arith.constant 0 : i32
      %parallel_loop3A_439 = vector.broadcast %parallel_loop3A_438 : i32 to vector<16xi32>
      %parallel_loop3A_440 = arith.constant 16 : i32
      %parallel_loop3A_441 = arith.muli %parallel_loop3A_433, %parallel_loop3A_440 : i32
      %parallel_loop3A_442 = vector.broadcast %parallel_loop3A_441 : i32 to vector<16xi32>
      %parallel_loop3A_443 = arith.addi %parallel_loop3A_439, %parallel_loop3A_442 : vector<16xi32>
      %parallel_loop3A_444 = arith.constant 2 : i32
      %parallel_loop3A_445 = arith.muli %parallel_loop3A_433, %parallel_loop3A_444 : i32
      %parallel_loop3A_446 = arith.addi %parallel_loop3A_443, %and3A_13 : vector<16xi32>
      %parallel_loop3A_447 = arith.constant 0 : i32
      %parallel_loop3A_448 = arith.constant 0 : i32
      %parallel_loop3A_449 = arith.constant 0 : i32
      %parallel_loop3A_450 = tpu.memref_slice %arg7[%parallel_loop3A_447, %parallel_loop3A_448, %parallel_loop3A_449] : memref<3x128x128xf32, #tpu.memory_space<vmem>> -> memref<1x128x128xf32, #tpu.memory_space<vmem>>
      %parallel_loop3A_451 = tpu.memref_squeeze %parallel_loop3A_450 : memref<1x128x128xf32, #tpu.memory_space<vmem>> -> memref<128x128xf32, #tpu.memory_space<vmem>>
      %parallel_loop3A_452 = tpu.vector_load_idx %parallel_loop3A_451[%parallel_loop3A_437, %parallel_loop3A_446] : memref<128x128xf32, #tpu.memory_space<vmem>>[vector<16xi32>, vector<16xi32>], vector<16xf32>,
      %parallel_loop3A_453 = vector.broadcast %parallel_loop3A_445 : i32 to vector<16xi32>
      %parallel_loop3A_454 = arith.addi %shift_right_arithmetic3A_105, %parallel_loop3A_453 : vector<16xi32>
      %parallel_loop3A_455 = arith.addi %shift_left3A_155, %parallel_loop3A_437 : vector<16xi32>
      %parallel_loop3A_456 = arith.constant 8.000000e+00 : f32
      %parallel_loop3A_457 = vector.broadcast %parallel_loop3A_456 : f32 to vector<16xf32>
      %parallel_loop3A_458 = arith.mulf %parallel_loop3A_452, %parallel_loop3A_457 : vector<16xf32>
      %parallel_loop3A_459 = arith.constant 0 : i32
      %parallel_loop3A_460 = arith.constant 0 : i32
      %parallel_loop3A_461 = arith.constant 0 : i32
      %parallel_loop3A_462 = tpu.memref_slice %arg8[%parallel_loop3A_459, %parallel_loop3A_460, %parallel_loop3A_461] : memref<3x8x1024xf32, #tpu.memory_space<vmem>> -> memref<1x8x1024xf32, #tpu.memory_space<vmem>>
      %parallel_loop3A_463 = tpu.memref_squeeze %parallel_loop3A_462 : memref<1x8x1024xf32, #tpu.memory_space<vmem>> -> memref<8x1024xf32, #tpu.memory_space<vmem>>
      tpu.vector_store_idx %parallel_loop3A_463[%parallel_loop3A_454, %parallel_loop3A_455], %parallel_loop3A_458 : memref<8x1024xf32, #tpu.memory_space<vmem>>[vector<16xi32>, vector<16xi32>], vector<16xf32>,
      %parallel_loop3A_464 = arith.addi %parallel_loop3A_443, %and3A_19 : vector<16xi32>
      %parallel_loop3A_465 = arith.constant 0 : i32
      %parallel_loop3A_466 = arith.constant 0 : i32
      %parallel_loop3A_467 = arith.constant 0 : i32
      %parallel_loop3A_468 = tpu.memref_slice %arg7[%parallel_loop3A_465, %parallel_loop3A_466, %parallel_loop3A_467] : memref<3x128x128xf32, #tpu.memory_space<vmem>> -> memref<1x128x128xf32, #tpu.memory_space<vmem>>
      %parallel_loop3A_469 = tpu.memref_squeeze %parallel_loop3A_468 : memref<1x128x128xf32, #tpu.memory_space<vmem>> -> memref<128x128xf32, #tpu.memory_space<vmem>>
      %parallel_loop3A_470 = tpu.vector_load_idx %parallel_loop3A_469[%parallel_loop3A_437, %parallel_loop3A_464] : memref<128x128xf32, #tpu.memory_space<vmem>>[vector<16xi32>, vector<16xi32>], vector<16xf32>,
      %parallel_loop3A_471 = vector.broadcast %parallel_loop3A_445 : i32 to vector<16xi32>
      %parallel_loop3A_472 = arith.addi %shift_right_arithmetic3A_108, %parallel_loop3A_471 : vector<16xi32>
      %parallel_loop3A_473 = arith.addi %shift_left3A_161, %parallel_loop3A_437 : vector<16xi32>
      %parallel_loop3A_474 = arith.constant 8.000000e+00 : f32
      %parallel_loop3A_475 = vector.broadcast %parallel_loop3A_474 : f32 to vector<16xf32>
      %parallel_loop3A_476 = arith.mulf %parallel_loop3A_470, %parallel_loop3A_475 : vector<16xf32>
      %parallel_loop3A_477 = arith.constant 0 : i32
      %parallel_loop3A_478 = arith.constant 0 : i32
      %parallel_loop3A_479 = arith.constant 0 : i32
      %parallel_loop3A_480 = tpu.memref_slice %arg8[%parallel_loop3A_477, %parallel_loop3A_478, %parallel_loop3A_479] : memref<3x8x1024xf32, #tpu.memory_space<vmem>> -> memref<1x8x1024xf32, #tpu.memory_space<vmem>>
      %parallel_loop3A_481 = tpu.memref_squeeze %parallel_loop3A_480 : memref<1x8x1024xf32, #tpu.memory_space<vmem>> -> memref<8x1024xf32, #tpu.memory_space<vmem>>
      tpu.vector_store_idx %parallel_loop3A_481[%parallel_loop3A_472, %parallel_loop3A_473], %parallel_loop3A_476 : memref<8x1024xf32, #tpu.memory_space<vmem>>[vector<16xi32>, vector<16xi32>], vector<16xf32>,
      %parallel_loop3A_482 = arith.addi %parallel_loop3A_443, %and3A_25 : vector<16xi32>
      %parallel_loop3A_483 = arith.constant 0 : i32
      %parallel_loop3A_484 = arith.constant 0 : i32
      %parallel_loop3A_485 = arith.constant 0 : i32
      %parallel_loop3A_486 = tpu.memref_slice %arg7[%parallel_loop3A_483, %parallel_loop3A_484, %parallel_loop3A_485] : memref<3x128x128xf32, #tpu.memory_space<vmem>> -> memref<1x128x128xf32, #tpu.memory_space<vmem>>
      %parallel_loop3A_487 = tpu.memref_squeeze %parallel_loop3A_486 : memref<1x128x128xf32, #tpu.memory_space<vmem>> -> memref<128x128xf32, #tpu.memory_space<vmem>>
      %parallel_loop3A_488 = tpu.vector_load_idx %parallel_loop3A_487[%parallel_loop3A_437, %parallel_loop3A_482] : memref<128x128xf32, #tpu.memory_space<vmem>>[vector<16xi32>, vector<16xi32>], vector<16xf32>,
      %parallel_loop3A_489 = vector.broadcast %parallel_loop3A_445 : i32 to vector<16xi32>
      %parallel_loop3A_490 = arith.addi %shift_right_arithmetic3A_111, %parallel_loop3A_489 : vector<16xi32>
      %parallel_loop3A_491 = arith.addi %shift_left3A_167, %parallel_loop3A_437 : vector<16xi32>
      %parallel_loop3A_492 = arith.constant 8.000000e+00 : f32
      %parallel_loop3A_493 = vector.broadcast %parallel_loop3A_492 : f32 to vector<16xf32>
      %parallel_loop3A_494 = arith.mulf %parallel_loop3A_488, %parallel_loop3A_493 : vector<16xf32>
      %parallel_loop3A_495 = arith.constant 0 : i32
      %parallel_loop3A_496 = arith.constant 0 : i32
      %parallel_loop3A_497 = arith.constant 0 : i32
      %parallel_loop3A_498 = tpu.memref_slice %arg8[%parallel_loop3A_495, %parallel_loop3A_496, %parallel_loop3A_497] : memref<3x8x1024xf32, #tpu.memory_space<vmem>> -> memref<1x8x1024xf32, #tpu.memory_space<vmem>>
      %parallel_loop3A_499 = tpu.memref_squeeze %parallel_loop3A_498 : memref<1x8x1024xf32, #tpu.memory_space<vmem>> -> memref<8x1024xf32, #tpu.memory_space<vmem>>
      tpu.vector_store_idx %parallel_loop3A_499[%parallel_loop3A_490, %parallel_loop3A_491], %parallel_loop3A_494 : memref<8x1024xf32, #tpu.memory_space<vmem>>[vector<16xi32>, vector<16xi32>], vector<16xf32>,
      %parallel_loop3A_500 = arith.addi %parallel_loop3A_443, %and3A_31 : vector<16xi32>
      %parallel_loop3A_501 = arith.constant 0 : i32
      %parallel_loop3A_502 = arith.constant 0 : i32
      %parallel_loop3A_503 = arith.constant 0 : i32
      %parallel_loop3A_504 = tpu.memref_slice %arg7[%parallel_loop3A_501, %parallel_loop3A_502, %parallel_loop3A_503] : memref<3x128x128xf32, #tpu.memory_space<vmem>> -> memref<1x128x128xf32, #tpu.memory_space<vmem>>
      %parallel_loop3A_505 = tpu.memref_squeeze %parallel_loop3A_504 : memref<1x128x128xf32, #tpu.memory_space<vmem>> -> memref<128x128xf32, #tpu.memory_space<vmem>>
      %parallel_loop3A_506 = tpu.vector_load_idx %parallel_loop3A_505[%parallel_loop3A_437, %parallel_loop3A_500] : memref<128x128xf32, #tpu.memory_space<vmem>>[vector<16xi32>, vector<16xi32>], vector<16xf32>,
      %parallel_loop3A_507 = vector.broadcast %parallel_loop3A_445 : i32 to vector<16xi32>
      %parallel_loop3A_508 = arith.addi %shift_right_arithmetic3A_114, %parallel_loop3A_507 : vector<16xi32>
      %parallel_loop3A_509 = arith.addi %shift_left3A_173, %parallel_loop3A_437 : vector<16xi32>
      %parallel_loop3A_510 = arith.constant 8.000000e+00 : f32
      %parallel_loop3A_511 = vector.broadcast %parallel_loop3A_510 : f32 to vector<16xf32>
      %parallel_loop3A_512 = arith.mulf %parallel_loop3A_506, %parallel_loop3A_511 : vector<16xf32>
      %parallel_loop3A_513 = arith.constant 0 : i32
      %parallel_loop3A_514 = arith.constant 0 : i32
      %parallel_loop3A_515 = arith.constant 0 : i32
      %parallel_loop3A_516 = tpu.memref_slice %arg8[%parallel_loop3A_513, %parallel_loop3A_514, %parallel_loop3A_515] : memref<3x8x1024xf32, #tpu.memory_space<vmem>> -> memref<1x8x1024xf32, #tpu.memory_space<vmem>>
      %parallel_loop3A_517 = tpu.memref_squeeze %parallel_loop3A_516 : memref<1x8x1024xf32, #tpu.memory_space<vmem>> -> memref<8x1024xf32, #tpu.memory_space<vmem>>
      tpu.vector_store_idx %parallel_loop3A_517[%parallel_loop3A_508, %parallel_loop3A_509], %parallel_loop3A_512 : memref<8x1024xf32, #tpu.memory_space<vmem>>[vector<16xi32>, vector<16xi32>], vector<16xf32>,
      %parallel_loop3A_518 = arith.addi %parallel_loop3A_443, %and3A_37 : vector<16xi32>
      %parallel_loop3A_519 = arith.constant 0 : i32
      %parallel_loop3A_520 = arith.constant 0 : i32
      %parallel_loop3A_521 = arith.constant 0 : i32
      %parallel_loop3A_522 = tpu.memref_slice %arg7[%parallel_loop3A_519, %parallel_loop3A_520, %parallel_loop3A_521] : memref<3x128x128xf32, #tpu.memory_space<vmem>> -> memref<1x128x128xf32, #tpu.memory_space<vmem>>
      %parallel_loop3A_523 = tpu.memref_squeeze %parallel_loop3A_522 : memref<1x128x128xf32, #tpu.memory_space<vmem>> -> memref<128x128xf32, #tpu.memory_space<vmem>>
      %parallel_loop3A_524 = tpu.vector_load_idx %parallel_loop3A_523[%parallel_loop3A_437, %parallel_loop3A_518] : memref<128x128xf32, #tpu.memory_space<vmem>>[vector<16xi32>, vector<16xi32>], vector<16xf32>,
      %parallel_loop3A_525 = vector.broadcast %parallel_loop3A_445 : i32 to vector<16xi32>
      %parallel_loop3A_526 = arith.addi %shift_right_arithmetic3A_117, %parallel_loop3A_525 : vector<16xi32>
      %parallel_loop3A_527 = arith.addi %shift_left3A_179, %parallel_loop3A_437 : vector<16xi32>
      %parallel_loop3A_528 = arith.constant 8.000000e+00 : f32
      %parallel_loop3A_529 = vector.broadcast %parallel_loop3A_528 : f32 to vector<16xf32>
      %parallel_loop3A_530 = arith.mulf %parallel_loop3A_524, %parallel_loop3A_529 : vector<16xf32>
      %parallel_loop3A_531 = arith.constant 0 : i32
      %parallel_loop3A_532 = arith.constant 0 : i32
      %parallel_loop3A_533 = arith.constant 0 : i32
      %parallel_loop3A_534 = tpu.memref_slice %arg8[%parallel_loop3A_531, %parallel_loop3A_532, %parallel_loop3A_533] : memref<3x8x1024xf32, #tpu.memory_space<vmem>> -> memref<1x8x1024xf32, #tpu.memory_space<vmem>>
      %parallel_loop3A_535 = tpu.memref_squeeze %parallel_loop3A_534 : memref<1x8x1024xf32, #tpu.memory_space<vmem>> -> memref<8x1024xf32, #tpu.memory_space<vmem>>
      tpu.vector_store_idx %parallel_loop3A_535[%parallel_loop3A_526, %parallel_loop3A_527], %parallel_loop3A_530 : memref<8x1024xf32, #tpu.memory_space<vmem>>[vector<16xi32>, vector<16xi32>], vector<16xf32>,
      %parallel_loop3A_536 = arith.addi %parallel_loop3A_443, %and3A_43 : vector<16xi32>
      %parallel_loop3A_537 = arith.constant 0 : i32
      %parallel_loop3A_538 = arith.constant 0 : i32
      %parallel_loop3A_539 = arith.constant 0 : i32
      %parallel_loop3A_540 = tpu.memref_slice %arg7[%parallel_loop3A_537, %parallel_loop3A_538, %parallel_loop3A_539] : memref<3x128x128xf32, #tpu.memory_space<vmem>> -> memref<1x128x128xf32, #tpu.memory_space<vmem>>
      %parallel_loop3A_541 = tpu.memref_squeeze %parallel_loop3A_540 : memref<1x128x128xf32, #tpu.memory_space<vmem>> -> memref<128x128xf32, #tpu.memory_space<vmem>>
      %parallel_loop3A_542 = tpu.vector_load_idx %parallel_loop3A_541[%parallel_loop3A_437, %parallel_loop3A_536] : memref<128x128xf32, #tpu.memory_space<vmem>>[vector<16xi32>, vector<16xi32>], vector<16xf32>,
      %parallel_loop3A_543 = vector.broadcast %parallel_loop3A_445 : i32 to vector<16xi32>
      %parallel_loop3A_544 = arith.addi %shift_right_arithmetic3A_120, %parallel_loop3A_543 : vector<16xi32>
      %parallel_loop3A_545 = arith.addi %shift_left3A_185, %parallel_loop3A_437 : vector<16xi32>
      %parallel_loop3A_546 = arith.constant 8.000000e+00 : f32
      %parallel_loop3A_547 = vector.broadcast %parallel_loop3A_546 : f32 to vector<16xf32>
      %parallel_loop3A_548 = arith.mulf %parallel_loop3A_542, %parallel_loop3A_547 : vector<16xf32>
      %parallel_loop3A_549 = arith.constant 0 : i32
      %parallel_loop3A_550 = arith.constant 0 : i32
      %parallel_loop3A_551 = arith.constant 0 : i32
      %parallel_loop3A_552 = tpu.memref_slice %arg8[%parallel_loop3A_549, %parallel_loop3A_550, %parallel_loop3A_551] : memref<3x8x1024xf32, #tpu.memory_space<vmem>> -> memref<1x8x1024xf32, #tpu.memory_space<vmem>>
      %parallel_loop3A_553 = tpu.memref_squeeze %parallel_loop3A_552 : memref<1x8x1024xf32, #tpu.memory_space<vmem>> -> memref<8x1024xf32, #tpu.memory_space<vmem>>
      tpu.vector_store_idx %parallel_loop3A_553[%parallel_loop3A_544, %parallel_loop3A_545], %parallel_loop3A_548 : memref<8x1024xf32, #tpu.memory_space<vmem>>[vector<16xi32>, vector<16xi32>], vector<16xf32>,
      %parallel_loop3A_554 = arith.addi %parallel_loop3A_443, %and3A_49 : vector<16xi32>
      %parallel_loop3A_555 = arith.constant 0 : i32
      %parallel_loop3A_556 = arith.constant 0 : i32
      %parallel_loop3A_557 = arith.constant 0 : i32
      %parallel_loop3A_558 = tpu.memref_slice %arg7[%parallel_loop3A_555, %parallel_loop3A_556, %parallel_loop3A_557] : memref<3x128x128xf32, #tpu.memory_space<vmem>> -> memref<1x128x128xf32, #tpu.memory_space<vmem>>
      %parallel_loop3A_559 = tpu.memref_squeeze %parallel_loop3A_558 : memref<1x128x128xf32, #tpu.memory_space<vmem>> -> memref<128x128xf32, #tpu.memory_space<vmem>>
      %parallel_loop3A_560 = tpu.vector_load_idx %parallel_loop3A_559[%parallel_loop3A_437, %parallel_loop3A_554] : memref<128x128xf32, #tpu.memory_space<vmem>>[vector<16xi32>, vector<16xi32>], vector<16xf32>,
      %parallel_loop3A_561 = vector.broadcast %parallel_loop3A_445 : i32 to vector<16xi32>
      %parallel_loop3A_562 = arith.addi %shift_right_arithmetic3A_123, %parallel_loop3A_561 : vector<16xi32>
      %parallel_loop3A_563 = arith.addi %shift_left3A_191, %parallel_loop3A_437 : vector<16xi32>
      %parallel_loop3A_564 = arith.constant 8.000000e+00 : f32
      %parallel_loop3A_565 = vector.broadcast %parallel_loop3A_564 : f32 to vector<16xf32>
      %parallel_loop3A_566 = arith.mulf %parallel_loop3A_560, %parallel_loop3A_565 : vector<16xf32>
      %parallel_loop3A_567 = arith.constant 0 : i32
      %parallel_loop3A_568 = arith.constant 0 : i32
      %parallel_loop3A_569 = arith.constant 0 : i32
      %parallel_loop3A_570 = tpu.memref_slice %arg8[%parallel_loop3A_567, %parallel_loop3A_568, %parallel_loop3A_569] : memref<3x8x1024xf32, #tpu.memory_space<vmem>> -> memref<1x8x1024xf32, #tpu.memory_space<vmem>>
      %parallel_loop3A_571 = tpu.memref_squeeze %parallel_loop3A_570 : memref<1x8x1024xf32, #tpu.memory_space<vmem>> -> memref<8x1024xf32, #tpu.memory_space<vmem>>
      tpu.vector_store_idx %parallel_loop3A_571[%parallel_loop3A_562, %parallel_loop3A_563], %parallel_loop3A_566 : memref<8x1024xf32, #tpu.memory_space<vmem>>[vector<16xi32>, vector<16xi32>], vector<16xf32>,
      %parallel_loop3A_572 = arith.addi %parallel_loop3A_443, %and3A_55 : vector<16xi32>
      %parallel_loop3A_573 = arith.constant 0 : i32
      %parallel_loop3A_574 = arith.constant 0 : i32
      %parallel_loop3A_575 = arith.constant 0 : i32
      %parallel_loop3A_576 = tpu.memref_slice %arg7[%parallel_loop3A_573, %parallel_loop3A_574, %parallel_loop3A_575] : memref<3x128x128xf32, #tpu.memory_space<vmem>> -> memref<1x128x128xf32, #tpu.memory_space<vmem>>
      %parallel_loop3A_577 = tpu.memref_squeeze %parallel_loop3A_576 : memref<1x128x128xf32, #tpu.memory_space<vmem>> -> memref<128x128xf32, #tpu.memory_space<vmem>>
      %parallel_loop3A_578 = tpu.vector_load_idx %parallel_loop3A_577[%parallel_loop3A_437, %parallel_loop3A_572] : memref<128x128xf32, #tpu.memory_space<vmem>>[vector<16xi32>, vector<16xi32>], vector<16xf32>,
      %parallel_loop3A_579 = vector.broadcast %parallel_loop3A_445 : i32 to vector<16xi32>
      %parallel_loop3A_580 = arith.addi %shift_right_arithmetic3A_126, %parallel_loop3A_579 : vector<16xi32>
      %parallel_loop3A_581 = arith.addi %shift_left3A_197, %parallel_loop3A_437 : vector<16xi32>
      %parallel_loop3A_582 = arith.constant 8.000000e+00 : f32
      %parallel_loop3A_583 = vector.broadcast %parallel_loop3A_582 : f32 to vector<16xf32>
      %parallel_loop3A_584 = arith.mulf %parallel_loop3A_578, %parallel_loop3A_583 : vector<16xf32>
      %parallel_loop3A_585 = arith.constant 0 : i32
      %parallel_loop3A_586 = arith.constant 0 : i32
      %parallel_loop3A_587 = arith.constant 0 : i32
      %parallel_loop3A_588 = tpu.memref_slice %arg8[%parallel_loop3A_585, %parallel_loop3A_586, %parallel_loop3A_587] : memref<3x8x1024xf32, #tpu.memory_space<vmem>> -> memref<1x8x1024xf32, #tpu.memory_space<vmem>>
      %parallel_loop3A_589 = tpu.memref_squeeze %parallel_loop3A_588 : memref<1x8x1024xf32, #tpu.memory_space<vmem>> -> memref<8x1024xf32, #tpu.memory_space<vmem>>
      tpu.vector_store_idx %parallel_loop3A_589[%parallel_loop3A_580, %parallel_loop3A_581], %parallel_loop3A_584 : memref<8x1024xf32, #tpu.memory_space<vmem>>[vector<16xi32>, vector<16xi32>], vector<16xf32>,
      %parallel_loop3A_590 = arith.addi %parallel_loop3A_443, %and3A_61 : vector<16xi32>
      %parallel_loop3A_591 = arith.constant 0 : i32
      %parallel_loop3A_592 = arith.constant 0 : i32
      %parallel_loop3A_593 = arith.constant 0 : i32
      %parallel_loop3A_594 = tpu.memref_slice %arg7[%parallel_loop3A_591, %parallel_loop3A_592, %parallel_loop3A_593] : memref<3x128x128xf32, #tpu.memory_space<vmem>> -> memref<1x128x128xf32, #tpu.memory_space<vmem>>
      %parallel_loop3A_595 = tpu.memref_squeeze %parallel_loop3A_594 : memref<1x128x128xf32, #tpu.memory_space<vmem>> -> memref<128x128xf32, #tpu.memory_space<vmem>>
      %parallel_loop3A_596 = tpu.vector_load_idx %parallel_loop3A_595[%parallel_loop3A_437, %parallel_loop3A_590] : memref<128x128xf32, #tpu.memory_space<vmem>>[vector<16xi32>, vector<16xi32>], vector<16xf32>,
      %parallel_loop3A_597 = vector.broadcast %parallel_loop3A_445 : i32 to vector<16xi32>
      %parallel_loop3A_598 = arith.addi %shift_right_arithmetic3A_129, %parallel_loop3A_597 : vector<16xi32>
      %parallel_loop3A_599 = arith.addi %shift_left3A_203, %parallel_loop3A_437 : vector<16xi32>
      %parallel_loop3A_600 = arith.constant 8.000000e+00 : f32
      %parallel_loop3A_601 = vector.broadcast %parallel_loop3A_600 : f32 to vector<16xf32>
      %parallel_loop3A_602 = arith.mulf %parallel_loop3A_596, %parallel_loop3A_601 : vector<16xf32>
      %parallel_loop3A_603 = arith.constant 0 : i32
      %parallel_loop3A_604 = arith.constant 0 : i32
      %parallel_loop3A_605 = arith.constant 0 : i32
      %parallel_loop3A_606 = tpu.memref_slice %arg8[%parallel_loop3A_603, %parallel_loop3A_604, %parallel_loop3A_605] : memref<3x8x1024xf32, #tpu.memory_space<vmem>> -> memref<1x8x1024xf32, #tpu.memory_space<vmem>>
      %parallel_loop3A_607 = tpu.memref_squeeze %parallel_loop3A_606 : memref<1x8x1024xf32, #tpu.memory_space<vmem>> -> memref<8x1024xf32, #tpu.memory_space<vmem>>
      tpu.vector_store_idx %parallel_loop3A_607[%parallel_loop3A_598, %parallel_loop3A_599], %parallel_loop3A_602 : memref<8x1024xf32, #tpu.memory_space<vmem>>[vector<16xi32>, vector<16xi32>], vector<16xf32>,
      %parallel_loop3A_608 = arith.addi %parallel_loop3A_443, %and3A_67 : vector<16xi32>
      %parallel_loop3A_609 = arith.constant 0 : i32
      %parallel_loop3A_610 = arith.constant 0 : i32
      %parallel_loop3A_611 = arith.constant 0 : i32
      %parallel_loop3A_612 = tpu.memref_slice %arg7[%parallel_loop3A_609, %parallel_loop3A_610, %parallel_loop3A_611] : memref<3x128x128xf32, #tpu.memory_space<vmem>> -> memref<1x128x128xf32, #tpu.memory_space<vmem>>
      %parallel_loop3A_613 = tpu.memref_squeeze %parallel_loop3A_612 : memref<1x128x128xf32, #tpu.memory_space<vmem>> -> memref<128x128xf32, #tpu.memory_space<vmem>>
      %parallel_loop3A_614 = tpu.vector_load_idx %parallel_loop3A_613[%parallel_loop3A_437, %parallel_loop3A_608] : memref<128x128xf32, #tpu.memory_space<vmem>>[vector<16xi32>, vector<16xi32>], vector<16xf32>,
      %parallel_loop3A_615 = vector.broadcast %parallel_loop3A_445 : i32 to vector<16xi32>
      %parallel_loop3A_616 = arith.addi %shift_right_arithmetic3A_132, %parallel_loop3A_615 : vector<16xi32>
      %parallel_loop3A_617 = arith.addi %shift_left3A_209, %parallel_loop3A_437 : vector<16xi32>
      %parallel_loop3A_618 = arith.constant 8.000000e+00 : f32
      %parallel_loop3A_619 = vector.broadcast %parallel_loop3A_618 : f32 to vector<16xf32>
      %parallel_loop3A_620 = arith.mulf %parallel_loop3A_614, %parallel_loop3A_619 : vector<16xf32>
      %parallel_loop3A_621 = arith.constant 0 : i32
      %parallel_loop3A_622 = arith.constant 0 : i32
      %parallel_loop3A_623 = arith.constant 0 : i32
      %parallel_loop3A_624 = tpu.memref_slice %arg8[%parallel_loop3A_621, %parallel_loop3A_622, %parallel_loop3A_623] : memref<3x8x1024xf32, #tpu.memory_space<vmem>> -> memref<1x8x1024xf32, #tpu.memory_space<vmem>>
      %parallel_loop3A_625 = tpu.memref_squeeze %parallel_loop3A_624 : memref<1x8x1024xf32, #tpu.memory_space<vmem>> -> memref<8x1024xf32, #tpu.memory_space<vmem>>
      tpu.vector_store_idx %parallel_loop3A_625[%parallel_loop3A_616, %parallel_loop3A_617], %parallel_loop3A_620 : memref<8x1024xf32, #tpu.memory_space<vmem>>[vector<16xi32>, vector<16xi32>], vector<16xf32>,
      %parallel_loop3A_626 = arith.addi %parallel_loop3A_443, %and3A_73 : vector<16xi32>
      %parallel_loop3A_627 = arith.constant 0 : i32
      %parallel_loop3A_628 = arith.constant 0 : i32
      %parallel_loop3A_629 = arith.constant 0 : i32
      %parallel_loop3A_630 = tpu.memref_slice %arg7[%parallel_loop3A_627, %parallel_loop3A_628, %parallel_loop3A_629] : memref<3x128x128xf32, #tpu.memory_space<vmem>> -> memref<1x128x128xf32, #tpu.memory_space<vmem>>
      %parallel_loop3A_631 = tpu.memref_squeeze %parallel_loop3A_630 : memref<1x128x128xf32, #tpu.memory_space<vmem>> -> memref<128x128xf32, #tpu.memory_space<vmem>>
      %parallel_loop3A_632 = tpu.vector_load_idx %parallel_loop3A_631[%parallel_loop3A_437, %parallel_loop3A_626] : memref<128x128xf32, #tpu.memory_space<vmem>>[vector<16xi32>, vector<16xi32>], vector<16xf32>,
      %parallel_loop3A_633 = vector.broadcast %parallel_loop3A_445 : i32 to vector<16xi32>
      %parallel_loop3A_634 = arith.addi %shift_right_arithmetic3A_135, %parallel_loop3A_633 : vector<16xi32>
      %parallel_loop3A_635 = arith.addi %shift_left3A_215, %parallel_loop3A_437 : vector<16xi32>
      %parallel_loop3A_636 = arith.constant 8.000000e+00 : f32
      %parallel_loop3A_637 = vector.broadcast %parallel_loop3A_636 : f32 to vector<16xf32>
      %parallel_loop3A_638 = arith.mulf %parallel_loop3A_632, %parallel_loop3A_637 : vector<16xf32>
      %parallel_loop3A_639 = arith.constant 0 : i32
      %parallel_loop3A_640 = arith.constant 0 : i32
      %parallel_loop3A_641 = arith.constant 0 : i32
      %parallel_loop3A_642 = tpu.memref_slice %arg8[%parallel_loop3A_639, %parallel_loop3A_640, %parallel_loop3A_641] : memref<3x8x1024xf32, #tpu.memory_space<vmem>> -> memref<1x8x1024xf32, #tpu.memory_space<vmem>>
      %parallel_loop3A_643 = tpu.memref_squeeze %parallel_loop3A_642 : memref<1x8x1024xf32, #tpu.memory_space<vmem>> -> memref<8x1024xf32, #tpu.memory_space<vmem>>
      tpu.vector_store_idx %parallel_loop3A_643[%parallel_loop3A_634, %parallel_loop3A_635], %parallel_loop3A_638 : memref<8x1024xf32, #tpu.memory_space<vmem>>[vector<16xi32>, vector<16xi32>], vector<16xf32>,
      %parallel_loop3A_644 = arith.addi %parallel_loop3A_443, %and3A_79 : vector<16xi32>
      %parallel_loop3A_645 = arith.constant 0 : i32
      %parallel_loop3A_646 = arith.constant 0 : i32
      %parallel_loop3A_647 = arith.constant 0 : i32
      %parallel_loop3A_648 = tpu.memref_slice %arg7[%parallel_loop3A_645, %parallel_loop3A_646, %parallel_loop3A_647] : memref<3x128x128xf32, #tpu.memory_space<vmem>> -> memref<1x128x128xf32, #tpu.memory_space<vmem>>
      %parallel_loop3A_649 = tpu.memref_squeeze %parallel_loop3A_648 : memref<1x128x128xf32, #tpu.memory_space<vmem>> -> memref<128x128xf32, #tpu.memory_space<vmem>>
      %parallel_loop3A_650 = tpu.vector_load_idx %parallel_loop3A_649[%parallel_loop3A_437, %parallel_loop3A_644] : memref<128x128xf32, #tpu.memory_space<vmem>>[vector<16xi32>, vector<16xi32>], vector<16xf32>,
      %parallel_loop3A_651 = vector.broadcast %parallel_loop3A_445 : i32 to vector<16xi32>
      %parallel_loop3A_652 = arith.addi %shift_right_arithmetic3A_138, %parallel_loop3A_651 : vector<16xi32>
      %parallel_loop3A_653 = arith.addi %shift_left3A_221, %parallel_loop3A_437 : vector<16xi32>
      %parallel_loop3A_654 = arith.constant 8.000000e+00 : f32
      %parallel_loop3A_655 = vector.broadcast %parallel_loop3A_654 : f32 to vector<16xf32>
      %parallel_loop3A_656 = arith.mulf %parallel_loop3A_650, %parallel_loop3A_655 : vector<16xf32>
      %parallel_loop3A_657 = arith.constant 0 : i32
      %parallel_loop3A_658 = arith.constant 0 : i32
      %parallel_loop3A_659 = arith.constant 0 : i32
      %parallel_loop3A_660 = tpu.memref_slice %arg8[%parallel_loop3A_657, %parallel_loop3A_658, %parallel_loop3A_659] : memref<3x8x1024xf32, #tpu.memory_space<vmem>> -> memref<1x8x1024xf32, #tpu.memory_space<vmem>>
      %parallel_loop3A_661 = tpu.memref_squeeze %parallel_loop3A_660 : memref<1x8x1024xf32, #tpu.memory_space<vmem>> -> memref<8x1024xf32, #tpu.memory_space<vmem>>
      tpu.vector_store_idx %parallel_loop3A_661[%parallel_loop3A_652, %parallel_loop3A_653], %parallel_loop3A_656 : memref<8x1024xf32, #tpu.memory_space<vmem>>[vector<16xi32>, vector<16xi32>], vector<16xf32>,
      %parallel_loop3A_662 = arith.addi %parallel_loop3A_443, %and3A_85 : vector<16xi32>
      %parallel_loop3A_663 = arith.constant 0 : i32
      %parallel_loop3A_664 = arith.constant 0 : i32
      %parallel_loop3A_665 = arith.constant 0 : i32
      %parallel_loop3A_666 = tpu.memref_slice %arg7[%parallel_loop3A_663, %parallel_loop3A_664, %parallel_loop3A_665] : memref<3x128x128xf32, #tpu.memory_space<vmem>> -> memref<1x128x128xf32, #tpu.memory_space<vmem>>
      %parallel_loop3A_667 = tpu.memref_squeeze %parallel_loop3A_666 : memref<1x128x128xf32, #tpu.memory_space<vmem>> -> memref<128x128xf32, #tpu.memory_space<vmem>>
      %parallel_loop3A_668 = tpu.vector_load_idx %parallel_loop3A_667[%parallel_loop3A_437, %parallel_loop3A_662] : memref<128x128xf32, #tpu.memory_space<vmem>>[vector<16xi32>, vector<16xi32>], vector<16xf32>,
      %parallel_loop3A_669 = vector.broadcast %parallel_loop3A_445 : i32 to vector<16xi32>
      %parallel_loop3A_670 = arith.addi %shift_right_arithmetic3A_141, %parallel_loop3A_669 : vector<16xi32>
      %parallel_loop3A_671 = arith.addi %shift_left3A_227, %parallel_loop3A_437 : vector<16xi32>
      %parallel_loop3A_672 = arith.constant 8.000000e+00 : f32
      %parallel_loop3A_673 = vector.broadcast %parallel_loop3A_672 : f32 to vector<16xf32>
      %parallel_loop3A_674 = arith.mulf %parallel_loop3A_668, %parallel_loop3A_673 : vector<16xf32>
      %parallel_loop3A_675 = arith.constant 0 : i32
      %parallel_loop3A_676 = arith.constant 0 : i32
      %parallel_loop3A_677 = arith.constant 0 : i32
      %parallel_loop3A_678 = tpu.memref_slice %arg8[%parallel_loop3A_675, %parallel_loop3A_676, %parallel_loop3A_677] : memref<3x8x1024xf32, #tpu.memory_space<vmem>> -> memref<1x8x1024xf32, #tpu.memory_space<vmem>>
      %parallel_loop3A_679 = tpu.memref_squeeze %parallel_loop3A_678 : memref<1x8x1024xf32, #tpu.memory_space<vmem>> -> memref<8x1024xf32, #tpu.memory_space<vmem>>
      tpu.vector_store_idx %parallel_loop3A_679[%parallel_loop3A_670, %parallel_loop3A_671], %parallel_loop3A_674 : memref<8x1024xf32, #tpu.memory_space<vmem>>[vector<16xi32>, vector<16xi32>], vector<16xf32>,
      %parallel_loop3A_680 = arith.addi %parallel_loop3A_443, %and3A_91 : vector<16xi32>
      %parallel_loop3A_681 = arith.constant 0 : i32
      %parallel_loop3A_682 = arith.constant 0 : i32
      %parallel_loop3A_683 = arith.constant 0 : i32
      %parallel_loop3A_684 = tpu.memref_slice %arg7[%parallel_loop3A_681, %parallel_loop3A_682, %parallel_loop3A_683] : memref<3x128x128xf32, #tpu.memory_space<vmem>> -> memref<1x128x128xf32, #tpu.memory_space<vmem>>
      %parallel_loop3A_685 = tpu.memref_squeeze %parallel_loop3A_684 : memref<1x128x128xf32, #tpu.memory_space<vmem>> -> memref<128x128xf32, #tpu.memory_space<vmem>>
      %parallel_loop3A_686 = tpu.vector_load_idx %parallel_loop3A_685[%parallel_loop3A_437, %parallel_loop3A_680] : memref<128x128xf32, #tpu.memory_space<vmem>>[vector<16xi32>, vector<16xi32>], vector<16xf32>,
      %parallel_loop3A_687 = vector.broadcast %parallel_loop3A_445 : i32 to vector<16xi32>
      %parallel_loop3A_688 = arith.addi %shift_right_arithmetic3A_144, %parallel_loop3A_687 : vector<16xi32>
      %parallel_loop3A_689 = arith.addi %shift_left3A_233, %parallel_loop3A_437 : vector<16xi32>
      %parallel_loop3A_690 = arith.constant 8.000000e+00 : f32
      %parallel_loop3A_691 = vector.broadcast %parallel_loop3A_690 : f32 to vector<16xf32>
      %parallel_loop3A_692 = arith.mulf %parallel_loop3A_686, %parallel_loop3A_691 : vector<16xf32>
      %parallel_loop3A_693 = arith.constant 0 : i32
      %parallel_loop3A_694 = arith.constant 0 : i32
      %parallel_loop3A_695 = arith.constant 0 : i32
      %parallel_loop3A_696 = tpu.memref_slice %arg8[%parallel_loop3A_693, %parallel_loop3A_694, %parallel_loop3A_695] : memref<3x8x1024xf32, #tpu.memory_space<vmem>> -> memref<1x8x1024xf32, #tpu.memory_space<vmem>>
      %parallel_loop3A_697 = tpu.memref_squeeze %parallel_loop3A_696 : memref<1x8x1024xf32, #tpu.memory_space<vmem>> -> memref<8x1024xf32, #tpu.memory_space<vmem>>
      tpu.vector_store_idx %parallel_loop3A_697[%parallel_loop3A_688, %parallel_loop3A_689], %parallel_loop3A_692 : memref<8x1024xf32, #tpu.memory_space<vmem>>[vector<16xi32>, vector<16xi32>], vector<16xf32>,
      %parallel_loop3A_698 = arith.addi %parallel_loop3A_443, %and3A_97 : vector<16xi32>
      %parallel_loop3A_699 = arith.constant 0 : i32
      %parallel_loop3A_700 = arith.constant 0 : i32
      %parallel_loop3A_701 = arith.constant 0 : i32
      %parallel_loop3A_702 = tpu.memref_slice %arg7[%parallel_loop3A_699, %parallel_loop3A_700, %parallel_loop3A_701] : memref<3x128x128xf32, #tpu.memory_space<vmem>> -> memref<1x128x128xf32, #tpu.memory_space<vmem>>
      %parallel_loop3A_703 = tpu.memref_squeeze %parallel_loop3A_702 : memref<1x128x128xf32, #tpu.memory_space<vmem>> -> memref<128x128xf32, #tpu.memory_space<vmem>>
      %parallel_loop3A_704 = tpu.vector_load_idx %parallel_loop3A_703[%parallel_loop3A_437, %parallel_loop3A_698] : memref<128x128xf32, #tpu.memory_space<vmem>>[vector<16xi32>, vector<16xi32>], vector<16xf32>,
      %parallel_loop3A_705 = vector.broadcast %parallel_loop3A_445 : i32 to vector<16xi32>
      %parallel_loop3A_706 = arith.addi %shift_right_arithmetic3A_147, %parallel_loop3A_705 : vector<16xi32>
      %parallel_loop3A_707 = arith.addi %shift_left3A_239, %parallel_loop3A_437 : vector<16xi32>
      %parallel_loop3A_708 = arith.constant 8.000000e+00 : f32
      %parallel_loop3A_709 = vector.broadcast %parallel_loop3A_708 : f32 to vector<16xf32>
      %parallel_loop3A_710 = arith.mulf %parallel_loop3A_704, %parallel_loop3A_709 : vector<16xf32>
      %parallel_loop3A_711 = arith.constant 0 : i32
      %parallel_loop3A_712 = arith.constant 0 : i32
      %parallel_loop3A_713 = arith.constant 0 : i32
      %parallel_loop3A_714 = tpu.memref_slice %arg8[%parallel_loop3A_711, %parallel_loop3A_712, %parallel_loop3A_713] : memref<3x8x1024xf32, #tpu.memory_space<vmem>> -> memref<1x8x1024xf32, #tpu.memory_space<vmem>>
      %parallel_loop3A_715 = tpu.memref_squeeze %parallel_loop3A_714 : memref<1x8x1024xf32, #tpu.memory_space<vmem>> -> memref<8x1024xf32, #tpu.memory_space<vmem>>
      tpu.vector_store_idx %parallel_loop3A_715[%parallel_loop3A_706, %parallel_loop3A_707], %parallel_loop3A_710 : memref<8x1024xf32, #tpu.memory_space<vmem>>[vector<16xi32>, vector<16xi32>], vector<16xf32>,
      %parallel_loop3A_716 = arith.addi %parallel_loop3A_443, %and3A_103 : vector<16xi32>
      %parallel_loop3A_717 = arith.constant 0 : i32
      %parallel_loop3A_718 = arith.constant 0 : i32
      %parallel_loop3A_719 = arith.constant 0 : i32
      %parallel_loop3A_720 = tpu.memref_slice %arg7[%parallel_loop3A_717, %parallel_loop3A_718, %parallel_loop3A_719] : memref<3x128x128xf32, #tpu.memory_space<vmem>> -> memref<1x128x128xf32, #tpu.memory_space<vmem>>
      %parallel_loop3A_721 = tpu.memref_squeeze %parallel_loop3A_720 : memref<1x128x128xf32, #tpu.memory_space<vmem>> -> memref<128x128xf32, #tpu.memory_space<vmem>>
      %parallel_loop3A_722 = tpu.vector_load_idx %parallel_loop3A_721[%parallel_loop3A_437, %parallel_loop3A_716] : memref<128x128xf32, #tpu.memory_space<vmem>>[vector<16xi32>, vector<16xi32>], vector<16xf32>,
      %parallel_loop3A_723 = vector.broadcast %parallel_loop3A_445 : i32 to vector<16xi32>
      %parallel_loop3A_724 = arith.addi %shift_right_arithmetic3A_150, %parallel_loop3A_723 : vector<16xi32>
      %parallel_loop3A_725 = arith.addi %shift_left3A_245, %parallel_loop3A_437 : vector<16xi32>
      %parallel_loop3A_726 = arith.constant 8.000000e+00 : f32
      %parallel_loop3A_727 = vector.broadcast %parallel_loop3A_726 : f32 to vector<16xf32>
      %parallel_loop3A_728 = arith.mulf %parallel_loop3A_722, %parallel_loop3A_727 : vector<16xf32>
      %parallel_loop3A_729 = arith.constant 0 : i32
      %parallel_loop3A_730 = arith.constant 0 : i32
      %parallel_loop3A_731 = arith.constant 0 : i32
      %parallel_loop3A_732 = tpu.memref_slice %arg8[%parallel_loop3A_729, %parallel_loop3A_730, %parallel_loop3A_731] : memref<3x8x1024xf32, #tpu.memory_space<vmem>> -> memref<1x8x1024xf32, #tpu.memory_space<vmem>>
      %parallel_loop3A_733 = tpu.memref_squeeze %parallel_loop3A_732 : memref<1x8x1024xf32, #tpu.memory_space<vmem>> -> memref<8x1024xf32, #tpu.memory_space<vmem>>
      tpu.vector_store_idx %parallel_loop3A_733[%parallel_loop3A_724, %parallel_loop3A_725], %parallel_loop3A_728 : memref<8x1024xf32, #tpu.memory_space<vmem>>[vector<16xi32>, vector<16xi32>], vector<16xf32>,
    } {sc.loop_unroll_factor = 1 : i64, sc.parallel_access}
    %dma_start3A_288 = arith.constant 0 : i32
    %dma_start3A_289 = arith.constant 198 : i32
    %dma_start3A_290 = arith.constant 0 : i32
    %dma_start3A_291 = arith.constant 0 : i32
    %dma_start3A_292 = tpu.memref_slice %arg8[%dma_start3A_288, %dma_start3A_290, %dma_start3A_291] : memref<3x8x1024xf32, #tpu.memory_space<vmem>> -> memref<1x8x1024xf32, #tpu.memory_space<vmem>>
    %dma_start3A_293 = tpu.memref_squeeze %dma_start3A_292 : memref<1x8x1024xf32, #tpu.memory_space<vmem>> -> memref<8x1024xf32, #tpu.memory_space<vmem>>
    %dma_start3A_294 = arith.constant 0 : i32
    %dma_start3A_295 = arith.constant 0 : i32
    %dma_start3A_296 = tpu.memref_slice %arg4[%dma_start3A_289, %dma_start3A_294, %add3A, %dma_start3A_295] : memref<200x8x32x1024xf32, #tpu.memory_space<hbm>> -> memref<1x8x1x1024xf32, #tpu.memory_space<hbm>>
    %dma_start3A_297 = tpu.memref_squeeze %dma_start3A_296 : memref<1x8x1x1024xf32, #tpu.memory_space<hbm>> -> memref<8x1024xf32, #tpu.memory_space<hbm>>
    %dma_start3A_298 = arith.constant 0 : i32
    %dma_start3A_299 = arith.constant 0 : i32
    %dma_start3A_300 = tpu.memref_slice %arg4[%dma_start3A_289, %dma_start3A_298, %add3A, %dma_start3A_299] : memref<200x8x32x1024xf32, #tpu.memory_space<hbm>> -> memref<1x8x1x1024xf32, #tpu.memory_space<hbm>>
    %dma_start3A_301 = tpu.memref_squeeze %dma_start3A_300 : memref<1x8x1x1024xf32, #tpu.memory_space<hbm>> -> memref<8x1024xf32, #tpu.memory_space<hbm>>
    %dma_start3A_302 = arith.constant 0 : i32
    %dma_start3A_303 = arith.constant 0 : i32
    %dma_start3A_304 = tpu.memref_slice %arg8[%dma_start3A_288, %dma_start3A_302, %dma_start3A_303] : memref<3x8x1024xf32, #tpu.memory_space<vmem>> -> memref<1x8x1024xf32, #tpu.memory_space<vmem>>
    %dma_start3A_305 = tpu.memref_squeeze %dma_start3A_304 : memref<1x8x1024xf32, #tpu.memory_space<vmem>> -> memref<8x1024xf32, #tpu.memory_space<vmem>>
    tpu.enqueue_dma source(%dma_start3A_305 : memref<8x1024xf32, #tpu.memory_space<vmem>>) target(%dma_start3A_301 : memref<8x1024xf32, #tpu.memory_space<hbm>>) target_semaphore(%arg13 : memref<!tpu.dma_semaphore, #tpu.memory_space<semaphore_mem>>)
    %dma_wait3A_306 = arith.constant 199 : i32
    %dma_wait3A_307 = arith.constant 1 : i32
    %dma_wait3A_308 = arith.constant 0 : i32
    %dma_wait3A_309 = arith.constant 0 : i32
    %dma_wait3A_310 = tpu.memref_slice %arg7[%dma_wait3A_307, %dma_wait3A_308, %dma_wait3A_309] : memref<3x128x128xf32, #tpu.memory_space<vmem>> -> memref<1x128x128xf32, #tpu.memory_space<vmem>>
    %dma_wait3A_311 = tpu.memref_squeeze %dma_wait3A_310 : memref<1x128x128xf32, #tpu.memory_space<vmem>> -> memref<128x128xf32, #tpu.memory_space<vmem>>
    %dma_wait3A_312 = arith.constant 0 : i32
    %dma_wait3A_313 = tpu.memref_slice %arg6[%dma_wait3A_306, %dma_wait3A_312] : memref<200x128xi32, #tpu.memory_space<vmem>> -> memref<1x128xi32, #tpu.memory_space<vmem>>
    %dma_wait3A_314 = tpu.memref_squeeze %dma_wait3A_313 : memref<1x128xi32, #tpu.memory_space<vmem>> -> memref<128xi32, #tpu.memory_space<vmem>>
    %dma_wait3A_315 = arith.constant 0 : i32
    %dma_wait3A_316 = arith.constant 0 : i32
    %dma_wait3A_317 = tpu.memref_slice %arg3[%dma_wait3A_315, %dma_wait3A_316] : memref<1000000x128xf32, #tpu.memory_space<hbm>> -> memref<1000000x128xf32, #tpu.memory_space<hbm>>
    tpu.wait_indirect_dma semaphore(%arg11 : memref<!tpu.dma_semaphore, #tpu.memory_space<semaphore_mem>>) src(%dma_wait3A_317 : memref<1000000x128xf32, #tpu.memory_space<hbm>>) dst(%dma_wait3A_311 : memref<128x128xf32, #tpu.memory_space<vmem>>)
    %parallel_loop3A_318 = arith.constant 0 : i32
    %parallel_loop3A_319 = arith.constant 32 : i32
    %parallel_loop3A_320 = arith.constant 1 : i32
    scf.for %parallel_loop3A_393 = %parallel_loop3A_318 to %parallel_loop3A_319 step %parallel_loop3A_320  : i32 {
      %parallel_loop3A_394 = arith.constant 4 : i32
      %parallel_loop3A_395 = arith.divsi %parallel_loop3A_393, %parallel_loop3A_394 : i32
      %parallel_loop3A_396 = arith.constant 0 : i32
      %parallel_loop3A_397 = arith.cmpi sgt, %parallel_loop3A_393, %parallel_loop3A_396 : i32
      %parallel_loop3A_398 = arith.extui %parallel_loop3A_397 : i1 to i32
      %parallel_loop3A_399 = arith.constant 0 : i32
      %parallel_loop3A_400 = arith.cmpi slt, %parallel_loop3A_393, %parallel_loop3A_399 : i32
      %parallel_loop3A_401 = arith.extui %parallel_loop3A_400 : i1 to i32
      %parallel_loop3A_402 = arith.subi %parallel_loop3A_398, %parallel_loop3A_401 : i32
      %parallel_loop3A_403 = arith.constant 0 : i32
      %parallel_loop3A_404 = arith.cmpi sgt, %parallel_loop3A_394, %parallel_loop3A_403 : i32
      %parallel_loop3A_405 = arith.extui %parallel_loop3A_404 : i1 to i32
      %parallel_loop3A_406 = arith.constant 0 : i32
      %parallel_loop3A_407 = arith.cmpi slt, %parallel_loop3A_394, %parallel_loop3A_406 : i32
      %parallel_loop3A_408 = arith.extui %parallel_loop3A_407 : i1 to i32
      %parallel_loop3A_409 = arith.subi %parallel_loop3A_405, %parallel_loop3A_408 : i32
      %parallel_loop3A_410 = arith.cmpi ne, %parallel_loop3A_402, %parallel_loop3A_409 : i32
      %parallel_loop3A_411 = arith.remsi %parallel_loop3A_393, %parallel_loop3A_394 : i32
      %parallel_loop3A_412 = arith.constant 0 : i32
      %parallel_loop3A_413 = arith.cmpi ne, %parallel_loop3A_411, %parallel_loop3A_412 : i32
      %parallel_loop3A_414 = arith.andi %parallel_loop3A_410, %parallel_loop3A_413 : i1
      %parallel_loop3A_415 = arith.constant 1 : i32
      %parallel_loop3A_416 = arith.subi %parallel_loop3A_395, %parallel_loop3A_415 : i32
      %parallel_loop3A_417 = arith.select %parallel_loop3A_414, %parallel_loop3A_416, %parallel_loop3A_395 : i32
      %parallel_loop3A_418 = arith.constant 4 : i32
      %parallel_loop3A_419 = arith.constant 0 : i32
      %parallel_loop3A_420 = arith.cmpi eq, %parallel_loop3A_418, %parallel_loop3A_419 : i32
      %parallel_loop3A_421 = arith.constant 1 : i32
      %parallel_loop3A_422 = arith.select %parallel_loop3A_420, %parallel_loop3A_421, %parallel_loop3A_418 : i32
      %parallel_loop3A_423 = arith.remsi %parallel_loop3A_393, %parallel_loop3A_422 : i32
      %parallel_loop3A_424 = arith.constant 0 : i32
      %parallel_loop3A_425 = arith.cmpi ne, %parallel_loop3A_423, %parallel_loop3A_424 : i32
      %parallel_loop3A_426 = arith.constant 0 : i32
      %parallel_loop3A_427 = arith.cmpi slt, %parallel_loop3A_423, %parallel_loop3A_426 : i32
      %parallel_loop3A_428 = arith.constant 0 : i32
      %parallel_loop3A_429 = arith.cmpi slt, %parallel_loop3A_422, %parallel_loop3A_428 : i32
      %parallel_loop3A_430 = arith.xori %parallel_loop3A_427, %parallel_loop3A_429 : i1
      %parallel_loop3A_431 = arith.andi %parallel_loop3A_430, %parallel_loop3A_425 : i1
      %parallel_loop3A_432 = arith.addi %parallel_loop3A_423, %parallel_loop3A_422 : i32
      %parallel_loop3A_433 = arith.select %parallel_loop3A_431, %parallel_loop3A_432, %parallel_loop3A_423 : i32
      %parallel_loop3A_434 = arith.constant 16 : i32
      %parallel_loop3A_435 = arith.muli %parallel_loop3A_417, %parallel_loop3A_434 : i32
      %parallel_loop3A_436 = vector.broadcast %parallel_loop3A_435 : i32 to vector<16xi32>
      %parallel_loop3A_437 = arith.addi %iota3A, %parallel_loop3A_436 : vector<16xi32>
      %parallel_loop3A_438 = arith.constant 0 : i32
      %parallel_loop3A_439 = vector.broadcast %parallel_loop3A_438 : i32 to vector<16xi32>
      %parallel_loop3A_440 = arith.constant 16 : i32
      %parallel_loop3A_441 = arith.muli %parallel_loop3A_433, %parallel_loop3A_440 : i32
      %parallel_loop3A_442 = vector.broadcast %parallel_loop3A_441 : i32 to vector<16xi32>
      %parallel_loop3A_443 = arith.addi %parallel_loop3A_439, %parallel_loop3A_442 : vector<16xi32>
      %parallel_loop3A_444 = arith.constant 2 : i32
      %parallel_loop3A_445 = arith.muli %parallel_loop3A_433, %parallel_loop3A_444 : i32
      %parallel_loop3A_446 = arith.addi %parallel_loop3A_443, %and3A_13 : vector<16xi32>
      %parallel_loop3A_447 = arith.constant 1 : i32
      %parallel_loop3A_448 = arith.constant 0 : i32
      %parallel_loop3A_449 = arith.constant 0 : i32
      %parallel_loop3A_450 = tpu.memref_slice %arg7[%parallel_loop3A_447, %parallel_loop3A_448, %parallel_loop3A_449] : memref<3x128x128xf32, #tpu.memory_space<vmem>> -> memref<1x128x128xf32, #tpu.memory_space<vmem>>
      %parallel_loop3A_451 = tpu.memref_squeeze %parallel_loop3A_450 : memref<1x128x128xf32, #tpu.memory_space<vmem>> -> memref<128x128xf32, #tpu.memory_space<vmem>>
      %parallel_loop3A_452 = tpu.vector_load_idx %parallel_loop3A_451[%parallel_loop3A_437, %parallel_loop3A_446] : memref<128x128xf32, #tpu.memory_space<vmem>>[vector<16xi32>, vector<16xi32>], vector<16xf32>,
      %parallel_loop3A_453 = vector.broadcast %parallel_loop3A_445 : i32 to vector<16xi32>
      %parallel_loop3A_454 = arith.addi %shift_right_arithmetic3A_105, %parallel_loop3A_453 : vector<16xi32>
      %parallel_loop3A_455 = arith.addi %shift_left3A_155, %parallel_loop3A_437 : vector<16xi32>
      %parallel_loop3A_456 = arith.constant 8.000000e+00 : f32
      %parallel_loop3A_457 = vector.broadcast %parallel_loop3A_456 : f32 to vector<16xf32>
      %parallel_loop3A_458 = arith.mulf %parallel_loop3A_452, %parallel_loop3A_457 : vector<16xf32>
      %parallel_loop3A_459 = arith.constant 1 : i32
      %parallel_loop3A_460 = arith.constant 0 : i32
      %parallel_loop3A_461 = arith.constant 0 : i32
      %parallel_loop3A_462 = tpu.memref_slice %arg8[%parallel_loop3A_459, %parallel_loop3A_460, %parallel_loop3A_461] : memref<3x8x1024xf32, #tpu.memory_space<vmem>> -> memref<1x8x1024xf32, #tpu.memory_space<vmem>>
      %parallel_loop3A_463 = tpu.memref_squeeze %parallel_loop3A_462 : memref<1x8x1024xf32, #tpu.memory_space<vmem>> -> memref<8x1024xf32, #tpu.memory_space<vmem>>
      tpu.vector_store_idx %parallel_loop3A_463[%parallel_loop3A_454, %parallel_loop3A_455], %parallel_loop3A_458 : memref<8x1024xf32, #tpu.memory_space<vmem>>[vector<16xi32>, vector<16xi32>], vector<16xf32>,
      %parallel_loop3A_464 = arith.addi %parallel_loop3A_443, %and3A_19 : vector<16xi32>
      %parallel_loop3A_465 = arith.constant 1 : i32
      %parallel_loop3A_466 = arith.constant 0 : i32
      %parallel_loop3A_467 = arith.constant 0 : i32
      %parallel_loop3A_468 = tpu.memref_slice %arg7[%parallel_loop3A_465, %parallel_loop3A_466, %parallel_loop3A_467] : memref<3x128x128xf32, #tpu.memory_space<vmem>> -> memref<1x128x128xf32, #tpu.memory_space<vmem>>
      %parallel_loop3A_469 = tpu.memref_squeeze %parallel_loop3A_468 : memref<1x128x128xf32, #tpu.memory_space<vmem>> -> memref<128x128xf32, #tpu.memory_space<vmem>>
      %parallel_loop3A_470 = tpu.vector_load_idx %parallel_loop3A_469[%parallel_loop3A_437, %parallel_loop3A_464] : memref<128x128xf32, #tpu.memory_space<vmem>>[vector<16xi32>, vector<16xi32>], vector<16xf32>,
      %parallel_loop3A_471 = vector.broadcast %parallel_loop3A_445 : i32 to vector<16xi32>
      %parallel_loop3A_472 = arith.addi %shift_right_arithmetic3A_108, %parallel_loop3A_471 : vector<16xi32>
      %parallel_loop3A_473 = arith.addi %shift_left3A_161, %parallel_loop3A_437 : vector<16xi32>
      %parallel_loop3A_474 = arith.constant 8.000000e+00 : f32
      %parallel_loop3A_475 = vector.broadcast %parallel_loop3A_474 : f32 to vector<16xf32>
      %parallel_loop3A_476 = arith.mulf %parallel_loop3A_470, %parallel_loop3A_475 : vector<16xf32>
      %parallel_loop3A_477 = arith.constant 1 : i32
      %parallel_loop3A_478 = arith.constant 0 : i32
      %parallel_loop3A_479 = arith.constant 0 : i32
      %parallel_loop3A_480 = tpu.memref_slice %arg8[%parallel_loop3A_477, %parallel_loop3A_478, %parallel_loop3A_479] : memref<3x8x1024xf32, #tpu.memory_space<vmem>> -> memref<1x8x1024xf32, #tpu.memory_space<vmem>>
      %parallel_loop3A_481 = tpu.memref_squeeze %parallel_loop3A_480 : memref<1x8x1024xf32, #tpu.memory_space<vmem>> -> memref<8x1024xf32, #tpu.memory_space<vmem>>
      tpu.vector_store_idx %parallel_loop3A_481[%parallel_loop3A_472, %parallel_loop3A_473], %parallel_loop3A_476 : memref<8x1024xf32, #tpu.memory_space<vmem>>[vector<16xi32>, vector<16xi32>], vector<16xf32>,
      %parallel_loop3A_482 = arith.addi %parallel_loop3A_443, %and3A_25 : vector<16xi32>
      %parallel_loop3A_483 = arith.constant 1 : i32
      %parallel_loop3A_484 = arith.constant 0 : i32
      %parallel_loop3A_485 = arith.constant 0 : i32
      %parallel_loop3A_486 = tpu.memref_slice %arg7[%parallel_loop3A_483, %parallel_loop3A_484, %parallel_loop3A_485] : memref<3x128x128xf32, #tpu.memory_space<vmem>> -> memref<1x128x128xf32, #tpu.memory_space<vmem>>
      %parallel_loop3A_487 = tpu.memref_squeeze %parallel_loop3A_486 : memref<1x128x128xf32, #tpu.memory_space<vmem>> -> memref<128x128xf32, #tpu.memory_space<vmem>>
      %parallel_loop3A_488 = tpu.vector_load_idx %parallel_loop3A_487[%parallel_loop3A_437, %parallel_loop3A_482] : memref<128x128xf32, #tpu.memory_space<vmem>>[vector<16xi32>, vector<16xi32>], vector<16xf32>,
      %parallel_loop3A_489 = vector.broadcast %parallel_loop3A_445 : i32 to vector<16xi32>
      %parallel_loop3A_490 = arith.addi %shift_right_arithmetic3A_111, %parallel_loop3A_489 : vector<16xi32>
      %parallel_loop3A_491 = arith.addi %shift_left3A_167, %parallel_loop3A_437 : vector<16xi32>
      %parallel_loop3A_492 = arith.constant 8.000000e+00 : f32
      %parallel_loop3A_493 = vector.broadcast %parallel_loop3A_492 : f32 to vector<16xf32>
      %parallel_loop3A_494 = arith.mulf %parallel_loop3A_488, %parallel_loop3A_493 : vector<16xf32>
      %parallel_loop3A_495 = arith.constant 1 : i32
      %parallel_loop3A_496 = arith.constant 0 : i32
      %parallel_loop3A_497 = arith.constant 0 : i32
      %parallel_loop3A_498 = tpu.memref_slice %arg8[%parallel_loop3A_495, %parallel_loop3A_496, %parallel_loop3A_497] : memref<3x8x1024xf32, #tpu.memory_space<vmem>> -> memref<1x8x1024xf32, #tpu.memory_space<vmem>>
      %parallel_loop3A_499 = tpu.memref_squeeze %parallel_loop3A_498 : memref<1x8x1024xf32, #tpu.memory_space<vmem>> -> memref<8x1024xf32, #tpu.memory_space<vmem>>
      tpu.vector_store_idx %parallel_loop3A_499[%parallel_loop3A_490, %parallel_loop3A_491], %parallel_loop3A_494 : memref<8x1024xf32, #tpu.memory_space<vmem>>[vector<16xi32>, vector<16xi32>], vector<16xf32>,
      %parallel_loop3A_500 = arith.addi %parallel_loop3A_443, %and3A_31 : vector<16xi32>
      %parallel_loop3A_501 = arith.constant 1 : i32
      %parallel_loop3A_502 = arith.constant 0 : i32
      %parallel_loop3A_503 = arith.constant 0 : i32
      %parallel_loop3A_504 = tpu.memref_slice %arg7[%parallel_loop3A_501, %parallel_loop3A_502, %parallel_loop3A_503] : memref<3x128x128xf32, #tpu.memory_space<vmem>> -> memref<1x128x128xf32, #tpu.memory_space<vmem>>
      %parallel_loop3A_505 = tpu.memref_squeeze %parallel_loop3A_504 : memref<1x128x128xf32, #tpu.memory_space<vmem>> -> memref<128x128xf32, #tpu.memory_space<vmem>>
      %parallel_loop3A_506 = tpu.vector_load_idx %parallel_loop3A_505[%parallel_loop3A_437, %parallel_loop3A_500] : memref<128x128xf32, #tpu.memory_space<vmem>>[vector<16xi32>, vector<16xi32>], vector<16xf32>,
      %parallel_loop3A_507 = vector.broadcast %parallel_loop3A_445 : i32 to vector<16xi32>
      %parallel_loop3A_508 = arith.addi %shift_right_arithmetic3A_114, %parallel_loop3A_507 : vector<16xi32>
      %parallel_loop3A_509 = arith.addi %shift_left3A_173, %parallel_loop3A_437 : vector<16xi32>
      %parallel_loop3A_510 = arith.constant 8.000000e+00 : f32
      %parallel_loop3A_511 = vector.broadcast %parallel_loop3A_510 : f32 to vector<16xf32>
      %parallel_loop3A_512 = arith.mulf %parallel_loop3A_506, %parallel_loop3A_511 : vector<16xf32>
      %parallel_loop3A_513 = arith.constant 1 : i32
      %parallel_loop3A_514 = arith.constant 0 : i32
      %parallel_loop3A_515 = arith.constant 0 : i32
      %parallel_loop3A_516 = tpu.memref_slice %arg8[%parallel_loop3A_513, %parallel_loop3A_514, %parallel_loop3A_515] : memref<3x8x1024xf32, #tpu.memory_space<vmem>> -> memref<1x8x1024xf32, #tpu.memory_space<vmem>>
      %parallel_loop3A_517 = tpu.memref_squeeze %parallel_loop3A_516 : memref<1x8x1024xf32, #tpu.memory_space<vmem>> -> memref<8x1024xf32, #tpu.memory_space<vmem>>
      tpu.vector_store_idx %parallel_loop3A_517[%parallel_loop3A_508, %parallel_loop3A_509], %parallel_loop3A_512 : memref<8x1024xf32, #tpu.memory_space<vmem>>[vector<16xi32>, vector<16xi32>], vector<16xf32>,
      %parallel_loop3A_518 = arith.addi %parallel_loop3A_443, %and3A_37 : vector<16xi32>
      %parallel_loop3A_519 = arith.constant 1 : i32
      %parallel_loop3A_520 = arith.constant 0 : i32
      %parallel_loop3A_521 = arith.constant 0 : i32
      %parallel_loop3A_522 = tpu.memref_slice %arg7[%parallel_loop3A_519, %parallel_loop3A_520, %parallel_loop3A_521] : memref<3x128x128xf32, #tpu.memory_space<vmem>> -> memref<1x128x128xf32, #tpu.memory_space<vmem>>
      %parallel_loop3A_523 = tpu.memref_squeeze %parallel_loop3A_522 : memref<1x128x128xf32, #tpu.memory_space<vmem>> -> memref<128x128xf32, #tpu.memory_space<vmem>>
      %parallel_loop3A_524 = tpu.vector_load_idx %parallel_loop3A_523[%parallel_loop3A_437, %parallel_loop3A_518] : memref<128x128xf32, #tpu.memory_space<vmem>>[vector<16xi32>, vector<16xi32>], vector<16xf32>,
      %parallel_loop3A_525 = vector.broadcast %parallel_loop3A_445 : i32 to vector<16xi32>
      %parallel_loop3A_526 = arith.addi %shift_right_arithmetic3A_117, %parallel_loop3A_525 : vector<16xi32>
      %parallel_loop3A_527 = arith.addi %shift_left3A_179, %parallel_loop3A_437 : vector<16xi32>
      %parallel_loop3A_528 = arith.constant 8.000000e+00 : f32
      %parallel_loop3A_529 = vector.broadcast %parallel_loop3A_528 : f32 to vector<16xf32>
      %parallel_loop3A_530 = arith.mulf %parallel_loop3A_524, %parallel_loop3A_529 : vector<16xf32>
      %parallel_loop3A_531 = arith.constant 1 : i32
      %parallel_loop3A_532 = arith.constant 0 : i32
      %parallel_loop3A_533 = arith.constant 0 : i32
      %parallel_loop3A_534 = tpu.memref_slice %arg8[%parallel_loop3A_531, %parallel_loop3A_532, %parallel_loop3A_533] : memref<3x8x1024xf32, #tpu.memory_space<vmem>> -> memref<1x8x1024xf32, #tpu.memory_space<vmem>>
      %parallel_loop3A_535 = tpu.memref_squeeze %parallel_loop3A_534 : memref<1x8x1024xf32, #tpu.memory_space<vmem>> -> memref<8x1024xf32, #tpu.memory_space<vmem>>
      tpu.vector_store_idx %parallel_loop3A_535[%parallel_loop3A_526, %parallel_loop3A_527], %parallel_loop3A_530 : memref<8x1024xf32, #tpu.memory_space<vmem>>[vector<16xi32>, vector<16xi32>], vector<16xf32>,
      %parallel_loop3A_536 = arith.addi %parallel_loop3A_443, %and3A_43 : vector<16xi32>
      %parallel_loop3A_537 = arith.constant 1 : i32
      %parallel_loop3A_538 = arith.constant 0 : i32
      %parallel_loop3A_539 = arith.constant 0 : i32
      %parallel_loop3A_540 = tpu.memref_slice %arg7[%parallel_loop3A_537, %parallel_loop3A_538, %parallel_loop3A_539] : memref<3x128x128xf32, #tpu.memory_space<vmem>> -> memref<1x128x128xf32, #tpu.memory_space<vmem>>
      %parallel_loop3A_541 = tpu.memref_squeeze %parallel_loop3A_540 : memref<1x128x128xf32, #tpu.memory_space<vmem>> -> memref<128x128xf32, #tpu.memory_space<vmem>>
      %parallel_loop3A_542 = tpu.vector_load_idx %parallel_loop3A_541[%parallel_loop3A_437, %parallel_loop3A_536] : memref<128x128xf32, #tpu.memory_space<vmem>>[vector<16xi32>, vector<16xi32>], vector<16xf32>,
      %parallel_loop3A_543 = vector.broadcast %parallel_loop3A_445 : i32 to vector<16xi32>
      %parallel_loop3A_544 = arith.addi %shift_right_arithmetic3A_120, %parallel_loop3A_543 : vector<16xi32>
      %parallel_loop3A_545 = arith.addi %shift_left3A_185, %parallel_loop3A_437 : vector<16xi32>
      %parallel_loop3A_546 = arith.constant 8.000000e+00 : f32
      %parallel_loop3A_547 = vector.broadcast %parallel_loop3A_546 : f32 to vector<16xf32>
      %parallel_loop3A_548 = arith.mulf %parallel_loop3A_542, %parallel_loop3A_547 : vector<16xf32>
      %parallel_loop3A_549 = arith.constant 1 : i32
      %parallel_loop3A_550 = arith.constant 0 : i32
      %parallel_loop3A_551 = arith.constant 0 : i32
      %parallel_loop3A_552 = tpu.memref_slice %arg8[%parallel_loop3A_549, %parallel_loop3A_550, %parallel_loop3A_551] : memref<3x8x1024xf32, #tpu.memory_space<vmem>> -> memref<1x8x1024xf32, #tpu.memory_space<vmem>>
      %parallel_loop3A_553 = tpu.memref_squeeze %parallel_loop3A_552 : memref<1x8x1024xf32, #tpu.memory_space<vmem>> -> memref<8x1024xf32, #tpu.memory_space<vmem>>
      tpu.vector_store_idx %parallel_loop3A_553[%parallel_loop3A_544, %parallel_loop3A_545], %parallel_loop3A_548 : memref<8x1024xf32, #tpu.memory_space<vmem>>[vector<16xi32>, vector<16xi32>], vector<16xf32>,
      %parallel_loop3A_554 = arith.addi %parallel_loop3A_443, %and3A_49 : vector<16xi32>
      %parallel_loop3A_555 = arith.constant 1 : i32
      %parallel_loop3A_556 = arith.constant 0 : i32
      %parallel_loop3A_557 = arith.constant 0 : i32
      %parallel_loop3A_558 = tpu.memref_slice %arg7[%parallel_loop3A_555, %parallel_loop3A_556, %parallel_loop3A_557] : memref<3x128x128xf32, #tpu.memory_space<vmem>> -> memref<1x128x128xf32, #tpu.memory_space<vmem>>
      %parallel_loop3A_559 = tpu.memref_squeeze %parallel_loop3A_558 : memref<1x128x128xf32, #tpu.memory_space<vmem>> -> memref<128x128xf32, #tpu.memory_space<vmem>>
      %parallel_loop3A_560 = tpu.vector_load_idx %parallel_loop3A_559[%parallel_loop3A_437, %parallel_loop3A_554] : memref<128x128xf32, #tpu.memory_space<vmem>>[vector<16xi32>, vector<16xi32>], vector<16xf32>,
      %parallel_loop3A_561 = vector.broadcast %parallel_loop3A_445 : i32 to vector<16xi32>
      %parallel_loop3A_562 = arith.addi %shift_right_arithmetic3A_123, %parallel_loop3A_561 : vector<16xi32>
      %parallel_loop3A_563 = arith.addi %shift_left3A_191, %parallel_loop3A_437 : vector<16xi32>
      %parallel_loop3A_564 = arith.constant 8.000000e+00 : f32
      %parallel_loop3A_565 = vector.broadcast %parallel_loop3A_564 : f32 to vector<16xf32>
      %parallel_loop3A_566 = arith.mulf %parallel_loop3A_560, %parallel_loop3A_565 : vector<16xf32>
      %parallel_loop3A_567 = arith.constant 1 : i32
      %parallel_loop3A_568 = arith.constant 0 : i32
      %parallel_loop3A_569 = arith.constant 0 : i32
      %parallel_loop3A_570 = tpu.memref_slice %arg8[%parallel_loop3A_567, %parallel_loop3A_568, %parallel_loop3A_569] : memref<3x8x1024xf32, #tpu.memory_space<vmem>> -> memref<1x8x1024xf32, #tpu.memory_space<vmem>>
      %parallel_loop3A_571 = tpu.memref_squeeze %parallel_loop3A_570 : memref<1x8x1024xf32, #tpu.memory_space<vmem>> -> memref<8x1024xf32, #tpu.memory_space<vmem>>
      tpu.vector_store_idx %parallel_loop3A_571[%parallel_loop3A_562, %parallel_loop3A_563], %parallel_loop3A_566 : memref<8x1024xf32, #tpu.memory_space<vmem>>[vector<16xi32>, vector<16xi32>], vector<16xf32>,
      %parallel_loop3A_572 = arith.addi %parallel_loop3A_443, %and3A_55 : vector<16xi32>
      %parallel_loop3A_573 = arith.constant 1 : i32
      %parallel_loop3A_574 = arith.constant 0 : i32
      %parallel_loop3A_575 = arith.constant 0 : i32
      %parallel_loop3A_576 = tpu.memref_slice %arg7[%parallel_loop3A_573, %parallel_loop3A_574, %parallel_loop3A_575] : memref<3x128x128xf32, #tpu.memory_space<vmem>> -> memref<1x128x128xf32, #tpu.memory_space<vmem>>
      %parallel_loop3A_577 = tpu.memref_squeeze %parallel_loop3A_576 : memref<1x128x128xf32, #tpu.memory_space<vmem>> -> memref<128x128xf32, #tpu.memory_space<vmem>>
      %parallel_loop3A_578 = tpu.vector_load_idx %parallel_loop3A_577[%parallel_loop3A_437, %parallel_loop3A_572] : memref<128x128xf32, #tpu.memory_space<vmem>>[vector<16xi32>, vector<16xi32>], vector<16xf32>,
      %parallel_loop3A_579 = vector.broadcast %parallel_loop3A_445 : i32 to vector<16xi32>
      %parallel_loop3A_580 = arith.addi %shift_right_arithmetic3A_126, %parallel_loop3A_579 : vector<16xi32>
      %parallel_loop3A_581 = arith.addi %shift_left3A_197, %parallel_loop3A_437 : vector<16xi32>
      %parallel_loop3A_582 = arith.constant 8.000000e+00 : f32
      %parallel_loop3A_583 = vector.broadcast %parallel_loop3A_582 : f32 to vector<16xf32>
      %parallel_loop3A_584 = arith.mulf %parallel_loop3A_578, %parallel_loop3A_583 : vector<16xf32>
      %parallel_loop3A_585 = arith.constant 1 : i32
      %parallel_loop3A_586 = arith.constant 0 : i32
      %parallel_loop3A_587 = arith.constant 0 : i32
      %parallel_loop3A_588 = tpu.memref_slice %arg8[%parallel_loop3A_585, %parallel_loop3A_586, %parallel_loop3A_587] : memref<3x8x1024xf32, #tpu.memory_space<vmem>> -> memref<1x8x1024xf32, #tpu.memory_space<vmem>>
      %parallel_loop3A_589 = tpu.memref_squeeze %parallel_loop3A_588 : memref<1x8x1024xf32, #tpu.memory_space<vmem>> -> memref<8x1024xf32, #tpu.memory_space<vmem>>
      tpu.vector_store_idx %parallel_loop3A_589[%parallel_loop3A_580, %parallel_loop3A_581], %parallel_loop3A_584 : memref<8x1024xf32, #tpu.memory_space<vmem>>[vector<16xi32>, vector<16xi32>], vector<16xf32>,
      %parallel_loop3A_590 = arith.addi %parallel_loop3A_443, %and3A_61 : vector<16xi32>
      %parallel_loop3A_591 = arith.constant 1 : i32
      %parallel_loop3A_592 = arith.constant 0 : i32
      %parallel_loop3A_593 = arith.constant 0 : i32
      %parallel_loop3A_594 = tpu.memref_slice %arg7[%parallel_loop3A_591, %parallel_loop3A_592, %parallel_loop3A_593] : memref<3x128x128xf32, #tpu.memory_space<vmem>> -> memref<1x128x128xf32, #tpu.memory_space<vmem>>
      %parallel_loop3A_595 = tpu.memref_squeeze %parallel_loop3A_594 : memref<1x128x128xf32, #tpu.memory_space<vmem>> -> memref<128x128xf32, #tpu.memory_space<vmem>>
      %parallel_loop3A_596 = tpu.vector_load_idx %parallel_loop3A_595[%parallel_loop3A_437, %parallel_loop3A_590] : memref<128x128xf32, #tpu.memory_space<vmem>>[vector<16xi32>, vector<16xi32>], vector<16xf32>,
      %parallel_loop3A_597 = vector.broadcast %parallel_loop3A_445 : i32 to vector<16xi32>
      %parallel_loop3A_598 = arith.addi %shift_right_arithmetic3A_129, %parallel_loop3A_597 : vector<16xi32>
      %parallel_loop3A_599 = arith.addi %shift_left3A_203, %parallel_loop3A_437 : vector<16xi32>
      %parallel_loop3A_600 = arith.constant 8.000000e+00 : f32
      %parallel_loop3A_601 = vector.broadcast %parallel_loop3A_600 : f32 to vector<16xf32>
      %parallel_loop3A_602 = arith.mulf %parallel_loop3A_596, %parallel_loop3A_601 : vector<16xf32>
      %parallel_loop3A_603 = arith.constant 1 : i32
      %parallel_loop3A_604 = arith.constant 0 : i32
      %parallel_loop3A_605 = arith.constant 0 : i32
      %parallel_loop3A_606 = tpu.memref_slice %arg8[%parallel_loop3A_603, %parallel_loop3A_604, %parallel_loop3A_605] : memref<3x8x1024xf32, #tpu.memory_space<vmem>> -> memref<1x8x1024xf32, #tpu.memory_space<vmem>>
      %parallel_loop3A_607 = tpu.memref_squeeze %parallel_loop3A_606 : memref<1x8x1024xf32, #tpu.memory_space<vmem>> -> memref<8x1024xf32, #tpu.memory_space<vmem>>
      tpu.vector_store_idx %parallel_loop3A_607[%parallel_loop3A_598, %parallel_loop3A_599], %parallel_loop3A_602 : memref<8x1024xf32, #tpu.memory_space<vmem>>[vector<16xi32>, vector<16xi32>], vector<16xf32>,
      %parallel_loop3A_608 = arith.addi %parallel_loop3A_443, %and3A_67 : vector<16xi32>
      %parallel_loop3A_609 = arith.constant 1 : i32
      %parallel_loop3A_610 = arith.constant 0 : i32
      %parallel_loop3A_611 = arith.constant 0 : i32
      %parallel_loop3A_612 = tpu.memref_slice %arg7[%parallel_loop3A_609, %parallel_loop3A_610, %parallel_loop3A_611] : memref<3x128x128xf32, #tpu.memory_space<vmem>> -> memref<1x128x128xf32, #tpu.memory_space<vmem>>
      %parallel_loop3A_613 = tpu.memref_squeeze %parallel_loop3A_612 : memref<1x128x128xf32, #tpu.memory_space<vmem>> -> memref<128x128xf32, #tpu.memory_space<vmem>>
      %parallel_loop3A_614 = tpu.vector_load_idx %parallel_loop3A_613[%parallel_loop3A_437, %parallel_loop3A_608] : memref<128x128xf32, #tpu.memory_space<vmem>>[vector<16xi32>, vector<16xi32>], vector<16xf32>,
      %parallel_loop3A_615 = vector.broadcast %parallel_loop3A_445 : i32 to vector<16xi32>
      %parallel_loop3A_616 = arith.addi %shift_right_arithmetic3A_132, %parallel_loop3A_615 : vector<16xi32>
      %parallel_loop3A_617 = arith.addi %shift_left3A_209, %parallel_loop3A_437 : vector<16xi32>
      %parallel_loop3A_618 = arith.constant 8.000000e+00 : f32
      %parallel_loop3A_619 = vector.broadcast %parallel_loop3A_618 : f32 to vector<16xf32>
      %parallel_loop3A_620 = arith.mulf %parallel_loop3A_614, %parallel_loop3A_619 : vector<16xf32>
      %parallel_loop3A_621 = arith.constant 1 : i32
      %parallel_loop3A_622 = arith.constant 0 : i32
      %parallel_loop3A_623 = arith.constant 0 : i32
      %parallel_loop3A_624 = tpu.memref_slice %arg8[%parallel_loop3A_621, %parallel_loop3A_622, %parallel_loop3A_623] : memref<3x8x1024xf32, #tpu.memory_space<vmem>> -> memref<1x8x1024xf32, #tpu.memory_space<vmem>>
      %parallel_loop3A_625 = tpu.memref_squeeze %parallel_loop3A_624 : memref<1x8x1024xf32, #tpu.memory_space<vmem>> -> memref<8x1024xf32, #tpu.memory_space<vmem>>
      tpu.vector_store_idx %parallel_loop3A_625[%parallel_loop3A_616, %parallel_loop3A_617], %parallel_loop3A_620 : memref<8x1024xf32, #tpu.memory_space<vmem>>[vector<16xi32>, vector<16xi32>], vector<16xf32>,
      %parallel_loop3A_626 = arith.addi %parallel_loop3A_443, %and3A_73 : vector<16xi32>
      %parallel_loop3A_627 = arith.constant 1 : i32
      %parallel_loop3A_628 = arith.constant 0 : i32
      %parallel_loop3A_629 = arith.constant 0 : i32
      %parallel_loop3A_630 = tpu.memref_slice %arg7[%parallel_loop3A_627, %parallel_loop3A_628, %parallel_loop3A_629] : memref<3x128x128xf32, #tpu.memory_space<vmem>> -> memref<1x128x128xf32, #tpu.memory_space<vmem>>
      %parallel_loop3A_631 = tpu.memref_squeeze %parallel_loop3A_630 : memref<1x128x128xf32, #tpu.memory_space<vmem>> -> memref<128x128xf32, #tpu.memory_space<vmem>>
      %parallel_loop3A_632 = tpu.vector_load_idx %parallel_loop3A_631[%parallel_loop3A_437, %parallel_loop3A_626] : memref<128x128xf32, #tpu.memory_space<vmem>>[vector<16xi32>, vector<16xi32>], vector<16xf32>,
      %parallel_loop3A_633 = vector.broadcast %parallel_loop3A_445 : i32 to vector<16xi32>
      %parallel_loop3A_634 = arith.addi %shift_right_arithmetic3A_135, %parallel_loop3A_633 : vector<16xi32>
      %parallel_loop3A_635 = arith.addi %shift_left3A_215, %parallel_loop3A_437 : vector<16xi32>
      %parallel_loop3A_636 = arith.constant 8.000000e+00 : f32
      %parallel_loop3A_637 = vector.broadcast %parallel_loop3A_636 : f32 to vector<16xf32>
      %parallel_loop3A_638 = arith.mulf %parallel_loop3A_632, %parallel_loop3A_637 : vector<16xf32>
      %parallel_loop3A_639 = arith.constant 1 : i32
      %parallel_loop3A_640 = arith.constant 0 : i32
      %parallel_loop3A_641 = arith.constant 0 : i32
      %parallel_loop3A_642 = tpu.memref_slice %arg8[%parallel_loop3A_639, %parallel_loop3A_640, %parallel_loop3A_641] : memref<3x8x1024xf32, #tpu.memory_space<vmem>> -> memref<1x8x1024xf32, #tpu.memory_space<vmem>>
      %parallel_loop3A_643 = tpu.memref_squeeze %parallel_loop3A_642 : memref<1x8x1024xf32, #tpu.memory_space<vmem>> -> memref<8x1024xf32, #tpu.memory_space<vmem>>
      tpu.vector_store_idx %parallel_loop3A_643[%parallel_loop3A_634, %parallel_loop3A_635], %parallel_loop3A_638 : memref<8x1024xf32, #tpu.memory_space<vmem>>[vector<16xi32>, vector<16xi32>], vector<16xf32>,
      %parallel_loop3A_644 = arith.addi %parallel_loop3A_443, %and3A_79 : vector<16xi32>
      %parallel_loop3A_645 = arith.constant 1 : i32
      %parallel_loop3A_646 = arith.constant 0 : i32
      %parallel_loop3A_647 = arith.constant 0 : i32
      %parallel_loop3A_648 = tpu.memref_slice %arg7[%parallel_loop3A_645, %parallel_loop3A_646, %parallel_loop3A_647] : memref<3x128x128xf32, #tpu.memory_space<vmem>> -> memref<1x128x128xf32, #tpu.memory_space<vmem>>
      %parallel_loop3A_649 = tpu.memref_squeeze %parallel_loop3A_648 : memref<1x128x128xf32, #tpu.memory_space<vmem>> -> memref<128x128xf32, #tpu.memory_space<vmem>>
      %parallel_loop3A_650 = tpu.vector_load_idx %parallel_loop3A_649[%parallel_loop3A_437, %parallel_loop3A_644] : memref<128x128xf32, #tpu.memory_space<vmem>>[vector<16xi32>, vector<16xi32>], vector<16xf32>,
      %parallel_loop3A_651 = vector.broadcast %parallel_loop3A_445 : i32 to vector<16xi32>
      %parallel_loop3A_652 = arith.addi %shift_right_arithmetic3A_138, %parallel_loop3A_651 : vector<16xi32>
      %parallel_loop3A_653 = arith.addi %shift_left3A_221, %parallel_loop3A_437 : vector<16xi32>
      %parallel_loop3A_654 = arith.constant 8.000000e+00 : f32
      %parallel_loop3A_655 = vector.broadcast %parallel_loop3A_654 : f32 to vector<16xf32>
      %parallel_loop3A_656 = arith.mulf %parallel_loop3A_650, %parallel_loop3A_655 : vector<16xf32>
      %parallel_loop3A_657 = arith.constant 1 : i32
      %parallel_loop3A_658 = arith.constant 0 : i32
      %parallel_loop3A_659 = arith.constant 0 : i32
      %parallel_loop3A_660 = tpu.memref_slice %arg8[%parallel_loop3A_657, %parallel_loop3A_658, %parallel_loop3A_659] : memref<3x8x1024xf32, #tpu.memory_space<vmem>> -> memref<1x8x1024xf32, #tpu.memory_space<vmem>>
      %parallel_loop3A_661 = tpu.memref_squeeze %parallel_loop3A_660 : memref<1x8x1024xf32, #tpu.memory_space<vmem>> -> memref<8x1024xf32, #tpu.memory_space<vmem>>
      tpu.vector_store_idx %parallel_loop3A_661[%parallel_loop3A_652, %parallel_loop3A_653], %parallel_loop3A_656 : memref<8x1024xf32, #tpu.memory_space<vmem>>[vector<16xi32>, vector<16xi32>], vector<16xf32>,
      %parallel_loop3A_662 = arith.addi %parallel_loop3A_443, %and3A_85 : vector<16xi32>
      %parallel_loop3A_663 = arith.constant 1 : i32
      %parallel_loop3A_664 = arith.constant 0 : i32
      %parallel_loop3A_665 = arith.constant 0 : i32
      %parallel_loop3A_666 = tpu.memref_slice %arg7[%parallel_loop3A_663, %parallel_loop3A_664, %parallel_loop3A_665] : memref<3x128x128xf32, #tpu.memory_space<vmem>> -> memref<1x128x128xf32, #tpu.memory_space<vmem>>
      %parallel_loop3A_667 = tpu.memref_squeeze %parallel_loop3A_666 : memref<1x128x128xf32, #tpu.memory_space<vmem>> -> memref<128x128xf32, #tpu.memory_space<vmem>>
      %parallel_loop3A_668 = tpu.vector_load_idx %parallel_loop3A_667[%parallel_loop3A_437, %parallel_loop3A_662] : memref<128x128xf32, #tpu.memory_space<vmem>>[vector<16xi32>, vector<16xi32>], vector<16xf32>,
      %parallel_loop3A_669 = vector.broadcast %parallel_loop3A_445 : i32 to vector<16xi32>
      %parallel_loop3A_670 = arith.addi %shift_right_arithmetic3A_141, %parallel_loop3A_669 : vector<16xi32>
      %parallel_loop3A_671 = arith.addi %shift_left3A_227, %parallel_loop3A_437 : vector<16xi32>
      %parallel_loop3A_672 = arith.constant 8.000000e+00 : f32
      %parallel_loop3A_673 = vector.broadcast %parallel_loop3A_672 : f32 to vector<16xf32>
      %parallel_loop3A_674 = arith.mulf %parallel_loop3A_668, %parallel_loop3A_673 : vector<16xf32>
      %parallel_loop3A_675 = arith.constant 1 : i32
      %parallel_loop3A_676 = arith.constant 0 : i32
      %parallel_loop3A_677 = arith.constant 0 : i32
      %parallel_loop3A_678 = tpu.memref_slice %arg8[%parallel_loop3A_675, %parallel_loop3A_676, %parallel_loop3A_677] : memref<3x8x1024xf32, #tpu.memory_space<vmem>> -> memref<1x8x1024xf32, #tpu.memory_space<vmem>>
      %parallel_loop3A_679 = tpu.memref_squeeze %parallel_loop3A_678 : memref<1x8x1024xf32, #tpu.memory_space<vmem>> -> memref<8x1024xf32, #tpu.memory_space<vmem>>
      tpu.vector_store_idx %parallel_loop3A_679[%parallel_loop3A_670, %parallel_loop3A_671], %parallel_loop3A_674 : memref<8x1024xf32, #tpu.memory_space<vmem>>[vector<16xi32>, vector<16xi32>], vector<16xf32>,
      %parallel_loop3A_680 = arith.addi %parallel_loop3A_443, %and3A_91 : vector<16xi32>
      %parallel_loop3A_681 = arith.constant 1 : i32
      %parallel_loop3A_682 = arith.constant 0 : i32
      %parallel_loop3A_683 = arith.constant 0 : i32
      %parallel_loop3A_684 = tpu.memref_slice %arg7[%parallel_loop3A_681, %parallel_loop3A_682, %parallel_loop3A_683] : memref<3x128x128xf32, #tpu.memory_space<vmem>> -> memref<1x128x128xf32, #tpu.memory_space<vmem>>
      %parallel_loop3A_685 = tpu.memref_squeeze %parallel_loop3A_684 : memref<1x128x128xf32, #tpu.memory_space<vmem>> -> memref<128x128xf32, #tpu.memory_space<vmem>>
      %parallel_loop3A_686 = tpu.vector_load_idx %parallel_loop3A_685[%parallel_loop3A_437, %parallel_loop3A_680] : memref<128x128xf32, #tpu.memory_space<vmem>>[vector<16xi32>, vector<16xi32>], vector<16xf32>,
      %parallel_loop3A_687 = vector.broadcast %parallel_loop3A_445 : i32 to vector<16xi32>
      %parallel_loop3A_688 = arith.addi %shift_right_arithmetic3A_144, %parallel_loop3A_687 : vector<16xi32>
      %parallel_loop3A_689 = arith.addi %shift_left3A_233, %parallel_loop3A_437 : vector<16xi32>
      %parallel_loop3A_690 = arith.constant 8.000000e+00 : f32
      %parallel_loop3A_691 = vector.broadcast %parallel_loop3A_690 : f32 to vector<16xf32>
      %parallel_loop3A_692 = arith.mulf %parallel_loop3A_686, %parallel_loop3A_691 : vector<16xf32>
      %parallel_loop3A_693 = arith.constant 1 : i32
      %parallel_loop3A_694 = arith.constant 0 : i32
      %parallel_loop3A_695 = arith.constant 0 : i32
      %parallel_loop3A_696 = tpu.memref_slice %arg8[%parallel_loop3A_693, %parallel_loop3A_694, %parallel_loop3A_695] : memref<3x8x1024xf32, #tpu.memory_space<vmem>> -> memref<1x8x1024xf32, #tpu.memory_space<vmem>>
      %parallel_loop3A_697 = tpu.memref_squeeze %parallel_loop3A_696 : memref<1x8x1024xf32, #tpu.memory_space<vmem>> -> memref<8x1024xf32, #tpu.memory_space<vmem>>
      tpu.vector_store_idx %parallel_loop3A_697[%parallel_loop3A_688, %parallel_loop3A_689], %parallel_loop3A_692 : memref<8x1024xf32, #tpu.memory_space<vmem>>[vector<16xi32>, vector<16xi32>], vector<16xf32>,
      %parallel_loop3A_698 = arith.addi %parallel_loop3A_443, %and3A_97 : vector<16xi32>
      %parallel_loop3A_699 = arith.constant 1 : i32
      %parallel_loop3A_700 = arith.constant 0 : i32
      %parallel_loop3A_701 = arith.constant 0 : i32
      %parallel_loop3A_702 = tpu.memref_slice %arg7[%parallel_loop3A_699, %parallel_loop3A_700, %parallel_loop3A_701] : memref<3x128x128xf32, #tpu.memory_space<vmem>> -> memref<1x128x128xf32, #tpu.memory_space<vmem>>
      %parallel_loop3A_703 = tpu.memref_squeeze %parallel_loop3A_702 : memref<1x128x128xf32, #tpu.memory_space<vmem>> -> memref<128x128xf32, #tpu.memory_space<vmem>>
      %parallel_loop3A_704 = tpu.vector_load_idx %parallel_loop3A_703[%parallel_loop3A_437, %parallel_loop3A_698] : memref<128x128xf32, #tpu.memory_space<vmem>>[vector<16xi32>, vector<16xi32>], vector<16xf32>,
      %parallel_loop3A_705 = vector.broadcast %parallel_loop3A_445 : i32 to vector<16xi32>
      %parallel_loop3A_706 = arith.addi %shift_right_arithmetic3A_147, %parallel_loop3A_705 : vector<16xi32>
      %parallel_loop3A_707 = arith.addi %shift_left3A_239, %parallel_loop3A_437 : vector<16xi32>
      %parallel_loop3A_708 = arith.constant 8.000000e+00 : f32
      %parallel_loop3A_709 = vector.broadcast %parallel_loop3A_708 : f32 to vector<16xf32>
      %parallel_loop3A_710 = arith.mulf %parallel_loop3A_704, %parallel_loop3A_709 : vector<16xf32>
      %parallel_loop3A_711 = arith.constant 1 : i32
      %parallel_loop3A_712 = arith.constant 0 : i32
      %parallel_loop3A_713 = arith.constant 0 : i32
      %parallel_loop3A_714 = tpu.memref_slice %arg8[%parallel_loop3A_711, %parallel_loop3A_712, %parallel_loop3A_713] : memref<3x8x1024xf32, #tpu.memory_space<vmem>> -> memref<1x8x1024xf32, #tpu.memory_space<vmem>>
      %parallel_loop3A_715 = tpu.memref_squeeze %parallel_loop3A_714 : memref<1x8x1024xf32, #tpu.memory_space<vmem>> -> memref<8x1024xf32, #tpu.memory_space<vmem>>
      tpu.vector_store_idx %parallel_loop3A_715[%parallel_loop3A_706, %parallel_loop3A_707], %parallel_loop3A_710 : memref<8x1024xf32, #tpu.memory_space<vmem>>[vector<16xi32>, vector<16xi32>], vector<16xf32>,
      %parallel_loop3A_716 = arith.addi %parallel_loop3A_443, %and3A_103 : vector<16xi32>
      %parallel_loop3A_717 = arith.constant 1 : i32
      %parallel_loop3A_718 = arith.constant 0 : i32
      %parallel_loop3A_719 = arith.constant 0 : i32
      %parallel_loop3A_720 = tpu.memref_slice %arg7[%parallel_loop3A_717, %parallel_loop3A_718, %parallel_loop3A_719] : memref<3x128x128xf32, #tpu.memory_space<vmem>> -> memref<1x128x128xf32, #tpu.memory_space<vmem>>
      %parallel_loop3A_721 = tpu.memref_squeeze %parallel_loop3A_720 : memref<1x128x128xf32, #tpu.memory_space<vmem>> -> memref<128x128xf32, #tpu.memory_space<vmem>>
      %parallel_loop3A_722 = tpu.vector_load_idx %parallel_loop3A_721[%parallel_loop3A_437, %parallel_loop3A_716] : memref<128x128xf32, #tpu.memory_space<vmem>>[vector<16xi32>, vector<16xi32>], vector<16xf32>,
      %parallel_loop3A_723 = vector.broadcast %parallel_loop3A_445 : i32 to vector<16xi32>
      %parallel_loop3A_724 = arith.addi %shift_right_arithmetic3A_150, %parallel_loop3A_723 : vector<16xi32>
      %parallel_loop3A_725 = arith.addi %shift_left3A_245, %parallel_loop3A_437 : vector<16xi32>
      %parallel_loop3A_726 = arith.constant 8.000000e+00 : f32
      %parallel_loop3A_727 = vector.broadcast %parallel_loop3A_726 : f32 to vector<16xf32>
      %parallel_loop3A_728 = arith.mulf %parallel_loop3A_722, %parallel_loop3A_727 : vector<16xf32>
      %parallel_loop3A_729 = arith.constant 1 : i32
      %parallel_loop3A_730 = arith.constant 0 : i32
      %parallel_loop3A_731 = arith.constant 0 : i32
      %parallel_loop3A_732 = tpu.memref_slice %arg8[%parallel_loop3A_729, %parallel_loop3A_730, %parallel_loop3A_731] : memref<3x8x1024xf32, #tpu.memory_space<vmem>> -> memref<1x8x1024xf32, #tpu.memory_space<vmem>>
      %parallel_loop3A_733 = tpu.memref_squeeze %parallel_loop3A_732 : memref<1x8x1024xf32, #tpu.memory_space<vmem>> -> memref<8x1024xf32, #tpu.memory_space<vmem>>
      tpu.vector_store_idx %parallel_loop3A_733[%parallel_loop3A_724, %parallel_loop3A_725], %parallel_loop3A_728 : memref<8x1024xf32, #tpu.memory_space<vmem>>[vector<16xi32>, vector<16xi32>], vector<16xf32>,
    } {sc.loop_unroll_factor = 1 : i64, sc.parallel_access}
    %dma_start3A_321 = arith.constant 1 : i32
    %dma_start3A_322 = arith.constant 199 : i32
    %dma_start3A_323 = arith.constant 0 : i32
    %dma_start3A_324 = arith.constant 0 : i32
    %dma_start3A_325 = tpu.memref_slice %arg8[%dma_start3A_321, %dma_start3A_323, %dma_start3A_324] : memref<3x8x1024xf32, #tpu.memory_space<vmem>> -> memref<1x8x1024xf32, #tpu.memory_space<vmem>>
    %dma_start3A_326 = tpu.memref_squeeze %dma_start3A_325 : memref<1x8x1024xf32, #tpu.memory_space<vmem>> -> memref<8x1024xf32, #tpu.memory_space<vmem>>
    %dma_start3A_327 = arith.constant 0 : i32
    %dma_start3A_328 = arith.constant 0 : i32
    %dma_start3A_329 = tpu.memref_slice %arg4[%dma_start3A_322, %dma_start3A_327, %add3A, %dma_start3A_328] : memref<200x8x32x1024xf32, #tpu.memory_space<hbm>> -> memref<1x8x1x1024xf32, #tpu.memory_space<hbm>>
    %dma_start3A_330 = tpu.memref_squeeze %dma_start3A_329 : memref<1x8x1x1024xf32, #tpu.memory_space<hbm>> -> memref<8x1024xf32, #tpu.memory_space<hbm>>
    %dma_start3A_331 = arith.constant 0 : i32
    %dma_start3A_332 = arith.constant 0 : i32
    %dma_start3A_333 = tpu.memref_slice %arg4[%dma_start3A_322, %dma_start3A_331, %add3A, %dma_start3A_332] : memref<200x8x32x1024xf32, #tpu.memory_space<hbm>> -> memref<1x8x1x1024xf32, #tpu.memory_space<hbm>>
    %dma_start3A_334 = tpu.memref_squeeze %dma_start3A_333 : memref<1x8x1x1024xf32, #tpu.memory_space<hbm>> -> memref<8x1024xf32, #tpu.memory_space<hbm>>
    %dma_start3A_335 = arith.constant 0 : i32
    %dma_start3A_336 = arith.constant 0 : i32
    %dma_start3A_337 = tpu.memref_slice %arg8[%dma_start3A_321, %dma_start3A_335, %dma_start3A_336] : memref<3x8x1024xf32, #tpu.memory_space<vmem>> -> memref<1x8x1024xf32, #tpu.memory_space<vmem>>
    %dma_start3A_338 = tpu.memref_squeeze %dma_start3A_337 : memref<1x8x1024xf32, #tpu.memory_space<vmem>> -> memref<8x1024xf32, #tpu.memory_space<vmem>>
    tpu.enqueue_dma source(%dma_start3A_338 : memref<8x1024xf32, #tpu.memory_space<vmem>>) target(%dma_start3A_334 : memref<8x1024xf32, #tpu.memory_space<hbm>>) target_semaphore(%arg14 : memref<!tpu.dma_semaphore, #tpu.memory_space<semaphore_mem>>)
    %dma_wait3A_339 = arith.constant 2 : i32
    %dma_wait3A_340 = arith.constant 197 : i32
    %dma_wait3A_341 = arith.constant 0 : i32
    %dma_wait3A_342 = arith.constant 0 : i32
    %dma_wait3A_343 = tpu.memref_slice %arg8[%dma_wait3A_339, %dma_wait3A_341, %dma_wait3A_342] : memref<3x8x1024xf32, #tpu.memory_space<vmem>> -> memref<1x8x1024xf32, #tpu.memory_space<vmem>>
    %dma_wait3A_344 = tpu.memref_squeeze %dma_wait3A_343 : memref<1x8x1024xf32, #tpu.memory_space<vmem>> -> memref<8x1024xf32, #tpu.memory_space<vmem>>
    %dma_wait3A_345 = arith.constant 0 : i32
    %dma_wait3A_346 = arith.constant 0 : i32
    %dma_wait3A_347 = tpu.memref_slice %arg4[%dma_wait3A_340, %dma_wait3A_345, %add3A, %dma_wait3A_346] : memref<200x8x32x1024xf32, #tpu.memory_space<hbm>> -> memref<1x8x1x1024xf32, #tpu.memory_space<hbm>>
    %dma_wait3A_348 = tpu.memref_squeeze %dma_wait3A_347 : memref<1x8x1x1024xf32, #tpu.memory_space<hbm>> -> memref<8x1024xf32, #tpu.memory_space<hbm>>
    %dma_wait3A_349 = arith.constant 0 : i32
    %dma_wait3A_350 = arith.constant 0 : i32
    %dma_wait3A_351 = tpu.memref_slice %arg4[%dma_wait3A_340, %dma_wait3A_349, %add3A, %dma_wait3A_350] : memref<200x8x32x1024xf32, #tpu.memory_space<hbm>> -> memref<1x8x1x1024xf32, #tpu.memory_space<hbm>>
    %dma_wait3A_352 = tpu.memref_squeeze %dma_wait3A_351 : memref<1x8x1x1024xf32, #tpu.memory_space<hbm>> -> memref<8x1024xf32, #tpu.memory_space<hbm>>
    %dma_wait3A_353 = arith.constant 0 : i32
    %dma_wait3A_354 = arith.constant 0 : i32
    %dma_wait3A_355 = tpu.memref_slice %arg8[%dma_wait3A_339, %dma_wait3A_353, %dma_wait3A_354] : memref<3x8x1024xf32, #tpu.memory_space<vmem>> -> memref<1x8x1024xf32, #tpu.memory_space<vmem>>
    %dma_wait3A_356 = tpu.memref_squeeze %dma_wait3A_355 : memref<1x8x1024xf32, #tpu.memory_space<vmem>> -> memref<8x1024xf32, #tpu.memory_space<vmem>>
    tpu.wait_dma2 semaphore(%arg15 : memref<!tpu.dma_semaphore, #tpu.memory_space<semaphore_mem>>) src(%dma_wait3A_356 : memref<8x1024xf32, #tpu.memory_space<vmem>>) dst(%dma_wait3A_352 : memref<8x1024xf32, #tpu.memory_space<hbm>>)
    %dma_wait3A_357 = arith.constant 0 : i32
    %dma_wait3A_358 = arith.constant 198 : i32
    %dma_wait3A_359 = arith.constant 0 : i32
    %dma_wait3A_360 = arith.constant 0 : i32
    %dma_wait3A_361 = tpu.memref_slice %arg8[%dma_wait3A_357, %dma_wait3A_359, %dma_wait3A_360] : memref<3x8x1024xf32, #tpu.memory_space<vmem>> -> memref<1x8x1024xf32, #tpu.memory_space<vmem>>
    %dma_wait3A_362 = tpu.memref_squeeze %dma_wait3A_361 : memref<1x8x1024xf32, #tpu.memory_space<vmem>> -> memref<8x1024xf32, #tpu.memory_space<vmem>>
    %dma_wait3A_363 = arith.constant 0 : i32
    %dma_wait3A_364 = arith.constant 0 : i32
    %dma_wait3A_365 = tpu.memref_slice %arg4[%dma_wait3A_358, %dma_wait3A_363, %add3A, %dma_wait3A_364] : memref<200x8x32x1024xf32, #tpu.memory_space<hbm>> -> memref<1x8x1x1024xf32, #tpu.memory_space<hbm>>
    %dma_wait3A_366 = tpu.memref_squeeze %dma_wait3A_365 : memref<1x8x1x1024xf32, #tpu.memory_space<hbm>> -> memref<8x1024xf32, #tpu.memory_space<hbm>>
    %dma_wait3A_367 = arith.constant 0 : i32
    %dma_wait3A_368 = arith.constant 0 : i32
    %dma_wait3A_369 = tpu.memref_slice %arg4[%dma_wait3A_358, %dma_wait3A_367, %add3A, %dma_wait3A_368] : memref<200x8x32x1024xf32, #tpu.memory_space<hbm>> -> memref<1x8x1x1024xf32, #tpu.memory_space<hbm>>
    %dma_wait3A_370 = tpu.memref_squeeze %dma_wait3A_369 : memref<1x8x1x1024xf32, #tpu.memory_space<hbm>> -> memref<8x1024xf32, #tpu.memory_space<hbm>>
    %dma_wait3A_371 = arith.constant 0 : i32
    %dma_wait3A_372 = arith.constant 0 : i32
    %dma_wait3A_373 = tpu.memref_slice %arg8[%dma_wait3A_357, %dma_wait3A_371, %dma_wait3A_372] : memref<3x8x1024xf32, #tpu.memory_space<vmem>> -> memref<1x8x1024xf32, #tpu.memory_space<vmem>>
    %dma_wait3A_374 = tpu.memref_squeeze %dma_wait3A_373 : memref<1x8x1024xf32, #tpu.memory_space<vmem>> -> memref<8x1024xf32, #tpu.memory_space<vmem>>
    tpu.wait_dma2 semaphore(%arg13 : memref<!tpu.dma_semaphore, #tpu.memory_space<semaphore_mem>>) src(%dma_wait3A_374 : memref<8x1024xf32, #tpu.memory_space<vmem>>) dst(%dma_wait3A_370 : memref<8x1024xf32, #tpu.memory_space<hbm>>)
    %dma_wait3A_375 = arith.constant 1 : i32
    %dma_wait3A_376 = arith.constant 199 : i32
    %dma_wait3A_377 = arith.constant 0 : i32
    %dma_wait3A_378 = arith.constant 0 : i32
    %dma_wait3A_379 = tpu.memref_slice %arg8[%dma_wait3A_375, %dma_wait3A_377, %dma_wait3A_378] : memref<3x8x1024xf32, #tpu.memory_space<vmem>> -> memref<1x8x1024xf32, #tpu.memory_space<vmem>>
    %dma_wait3A_380 = tpu.memref_squeeze %dma_wait3A_379 : memref<1x8x1024xf32, #tpu.memory_space<vmem>> -> memref<8x1024xf32, #tpu.memory_space<vmem>>
    %dma_wait3A_381 = arith.constant 0 : i32
    %dma_wait3A_382 = arith.constant 0 : i32
    %dma_wait3A_383 = tpu.memref_slice %arg4[%dma_wait3A_376, %dma_wait3A_381, %add3A, %dma_wait3A_382] : memref<200x8x32x1024xf32, #tpu.memory_space<hbm>> -> memref<1x8x1x1024xf32, #tpu.memory_space<hbm>>
    %dma_wait3A_384 = tpu.memref_squeeze %dma_wait3A_383 : memref<1x8x1x1024xf32, #tpu.memory_space<hbm>> -> memref<8x1024xf32, #tpu.memory_space<hbm>>
    %dma_wait3A_385 = arith.constant 0 : i32
    %dma_wait3A_386 = arith.constant 0 : i32
    %dma_wait3A_387 = tpu.memref_slice %arg4[%dma_wait3A_376, %dma_wait3A_385, %add3A, %dma_wait3A_386] : memref<200x8x32x1024xf32, #tpu.memory_space<hbm>> -> memref<1x8x1x1024xf32, #tpu.memory_space<hbm>>
    %dma_wait3A_388 = tpu.memref_squeeze %dma_wait3A_387 : memref<1x8x1x1024xf32, #tpu.memory_space<hbm>> -> memref<8x1024xf32, #tpu.memory_space<hbm>>
    %dma_wait3A_389 = arith.constant 0 : i32
    %dma_wait3A_390 = arith.constant 0 : i32
    %dma_wait3A_391 = tpu.memref_slice %arg8[%dma_wait3A_375, %dma_wait3A_389, %dma_wait3A_390] : memref<3x8x1024xf32, #tpu.memory_space<vmem>> -> memref<1x8x1024xf32, #tpu.memory_space<vmem>>
    %dma_wait3A_392 = tpu.memref_squeeze %dma_wait3A_391 : memref<1x8x1024xf32, #tpu.memory_space<vmem>> -> memref<8x1024xf32, #tpu.memory_space<vmem>>
    tpu.wait_dma2 semaphore(%arg14 : memref<!tpu.dma_semaphore, #tpu.memory_space<semaphore_mem>>) src(%dma_wait3A_392 : memref<8x1024xf32, #tpu.memory_space<vmem>>) dst(%dma_wait3A_388 : memref<8x1024xf32, #tpu.memory_space<hbm>>)
    return
  }
}

</mosaic_0001>

<sc_bundles>
// kernel: kernel.3.cloned.1.call-start
scs
__scs_entry_jumppad:
0x0: {  	(pc) =	sbr.rel $0x88, $3  }
0x1: {  	(tag) =	ssettag $0x0;
	lr =	simm.s32 $0x1  }
0x2: {  	[smem:$0x3F9F] =	sst lr;
	_ =	strace $0xD0000000  }
0x3: {  	_ = 	snop  }
0x4: {  	_ = 	snop  }
0x5: {  	_ = 	snop  }
0x6: {  	_ = 	snop  }
0x7: {  	_ = 	snop  }
__scs_overlays_trampoline_lowered:
0x8: {  	[smem:$0x3FAE] =	sst s0  }
0x9: {  	[smem:$0x3FAF] =	sst s1  }
0xa: {  	[smem:$0x3FB0] =	sst s2  }
0xb: {  	[smem:$0x3FB1] =	sst s3  }
0xc: {  	[smem:$0x3FB2] =	sst s4  }
0xd: {  	[smem:$0x3FB3] =	sst s5  }
0xe: {  	[smem:$0x3FB4] =	sst s6  }
0xf: {  	[smem:$0x3FB5] =	sst s7  }
0x10: {  	[smem:$0x3FB6] =	sst s8  }
0x11: {  	[smem:$0x3FB7] =	sst s9;
	s0 =	simm.s32 @!p0 $0x0  }
0x12: {  	s1 =	sld [smem:$0x3F9D];
	s0 =	simm.s32 @p0 $0x1  }
0x13: {  	[smem:$0x3FB8] =	sst s0;
	s0 =	simm.s32 @!p1 $0x0  }
0x14: {  	s2 =	sld [smem:$0x3F9C];
	s0 =	simm.s32 @p1 $0x1  }
0x15: {  	[smem:$0x3FB9] =	sst s0;
	s0 =	simm.s32 @!p2 $0x0  }
0x16: {  	s3 =	sld [smem:$0x3FDB];
	s0 =	simm.s32 @p2 $0x1  }
0x17: {  	s4 =	simm.s32 $0x1BF5;
	[smem:$0x3FBB] =	sst s0  }
0x18: {  	s0 =	sld [smem:$0x3F9E];
	_ =	swait.ge [sflag:s4], $0x0  }
0x19: {  	s7 =	sld [smem:$0x3F9F]  }
0x1a: {  	s8 =	sadd.s32 $0xFFFFE003, lr  }
0x1b: {  	s9 =	sadd.s32 $0xFFFFFEF7, lr;
	s5 =	simm.s32 $0xFFFFFFFF;
	p2 =	slt.u32 s8, $0xFFFFF086  }
0x1c: {  	p1 =	slt.u32 s9, $0xF7A;
	s5 =	simm.s32 @!p2 $0x0  }
0x1d: {  	s5 =	simm.s32 @p1 $0x1;
	p0 =	seq.s32 s7, s2  }
0x1e: {  	s7 =	smul.u32 @!p0 $0xF7A, s2;
	p2 =	seq.s32 @!p0 s5, $0x0  }
0x1f: {  	s9 =	smul.u32 $0xF7A, s1;
	s8 =	simm.s32 @!p0 $0x1BF5;
	p2 =	por !p2, p0  }
0x20: {  	[sflag:s8] =	ssyncset.s32 @!p0 $0xFFFFF086;
	s6 =	sadd.s32 @!p0 s3, s7;
	s7 =	simm.s32 @!p0 $0x108  }
0x21: {  	s3 =	sadd.s32 s3, s9;
	s6 =	sadd.s32 @!p0 $0x88, s6;
	s7 =	simm.s32 @p2 $0x1082  }
0x22: {  	[simem:s7], [sflag:s8] =	dma.local @!p0 [hbm:s6], $0xF7A  }
0x23: {  	s9 =	sor.u32 $0xD0000000, s2;
	s6 =	simm.s32 $0x108;
	_ =	swait.ge @!p0 [sflag:s8], $0x0  }
0x24: {  	s3 =	sadd.s32 $0x88, s3;
	s6 =	simm.s32 @!p1 $0x1082;
	[sflag:s4] =	ssyncset.s32 $0xFFFFF086  }
0x25: {  	[simem:s6], [sflag:s4] =	dma.local [hbm:s3], $0xF7A  }
0x26: {  	[smem:$0x3F9F] =	sst s1;
	(tag) =	ssettag s2;
	_ =	strace s9  }
0x27: {  	s1 =	sld [smem:$0x3FAF]  }
0x28: {  	s2 =	sld [smem:$0x3FB0]  }
0x29: {  	s4 =	sld [smem:$0x3FB2]  }
0x2a: {  	p0 =	seq.s32 s5, $0x0;
	s5 =	sld [smem:$0x3FB3]  }
0x2b: {  	s6 =	sld [smem:$0x3FB4]  }
0x2c: {  	s7 =	sld [smem:$0x3FB5]  }
0x2d: {  	s3 =	simm.s32 $0x108;
	s8 =	sld [smem:$0x3FB6]  }
0x2e: {  	s3 =	simm.s32 @!p0 $0x1082;
	s9 =	sld [smem:$0x3FB7]  }
0x2f: {  	lr =	sadd.s32 s0, s3;
	s0 =	sld [smem:$0x3FAE]  }
0x30: {  	s3 =	sld [smem:$0x3FB1]  }
0x31: {  	[smem:$0x3FBA] =	sst s10  }
0x32: {  	s10 =	sld [smem:$0x3FB8];
	_ =	sdelay $0x3  }
0x33: {  	p0 =	seq.s32 s10, $0x1;
	s10 =	sld [smem:$0x3FBA];
	_ =	sdelay $0x3  }
0x34: {  	[smem:$0x3FBA] =	sst s10  }
0x35: {  	s10 =	sld [smem:$0x3FB9];
	_ =	sdelay $0x3  }
0x36: {  	p1 =	seq.s32 s10, $0x1;
	s10 =	sld [smem:$0x3FBA];
	_ =	sdelay $0x3  }
0x37: {  	[smem:$0x3FBA] =	sst s10  }
0x38: {  	s10 =	sld [smem:$0x3FBB]  }
0x39: {  	_ = 	snop;
	(pc) =	sbr.ind lr, $3  }
0x3a: {  	_ = 	snop  }
0x3b: {  	_ = 	snop  }
0x3c: {  	p2 =	seq.s32 s10, $0x1;
	s10 =	sld [smem:$0x3FBA]  }
0x3d: {  	_ =	shalt  }
0x3e: {  	_ =	shalt  }
0x3f: {  	_ =	shalt  }
0x40: {  	_ =	shalt  }
0x41: {  	_ =	shalt  }
0x42: {  	_ =	shalt  }
0x43: {  	_ =	shalt  }
0x44: {  	_ =	shalt  }
0x45: {  	_ =	shalt  }
0x46: {  	_ =	shalt  }
0x47: {  	_ =	shalt  }
0x48: {  	_ =	shalt  }
0x49: {  	_ =	shalt  }
0x4a: {  	_ =	shalt  }
0x4b: {  	_ =	shalt  }
0x4c: {  	_ =	shalt  }
0x4d: {  	_ =	shalt  }
0x4e: {  	_ =	shalt  }
0x4f: {  	_ =	shalt  }
0x50: {  	_ =	shalt  }
0x51: {  	_ =	shalt  }
0x52: {  	_ =	shalt  }
0x53: {  	_ =	shalt  }
0x54: {  	_ =	shalt  }
0x55: {  	_ =	shalt  }
0x56: {  	_ =	shalt  }
0x57: {  	_ =	shalt  }
0x58: {  	_ =	shalt  }
0x59: {  	_ =	shalt  }
0x5a: {  	_ =	shalt  }
0x5b: {  	_ =	shalt  }
0x5c: {  	_ =	shalt  }
0x5d: {  	_ =	shalt  }
0x5e: {  	_ =	shalt  }
0x5f: {  	_ =	shalt  }
0x60: {  	_ =	shalt  }
0x61: {  	_ =	shalt  }
0x62: {  	_ =	shalt  }
0x63: {  	_ =	shalt  }
0x64: {  	_ =	shalt  }
0x65: {  	_ =	shalt  }
0x66: {  	_ =	shalt  }
0x67: {  	_ =	shalt  }
0x68: {  	_ =	shalt  }
0x69: {  	_ =	shalt  }
0x6a: {  	_ =	shalt  }
0x6b: {  	_ =	shalt  }
0x6c: {  	_ =	shalt  }
0x6d: {  	_ =	shalt  }
0x6e: {  	_ =	shalt  }
0x6f: {  	_ =	shalt  }
0x70: {  	_ =	shalt  }
0x71: {  	_ =	shalt  }
0x72: {  	_ =	shalt  }
0x73: {  	_ =	shalt  }
0x74: {  	_ =	shalt  }
0x75: {  	_ =	shalt  }
0x76: {  	_ =	shalt  }
0x77: {  	_ =	shalt  }
0x78: {  	_ =	shalt  }
0x79: {  	_ =	shalt  }
0x7a: {  	_ =	shalt  }
0x7b: {  	_ =	shalt  }
0x7c: {  	_ =	shalt  }
0x7d: {  	_ =	shalt  }
0x7e: {  	_ =	shalt  }
0x7f: {  	_ =	shalt  }
0x80: {  	_ =	shalt  }
0x81: {  	_ =	shalt  }
0x82: {  	_ =	shalt  }
0x83: {  	_ =	shalt  }
0x84: {  	_ =	shalt  }
0x85: {  	_ =	shalt  }
0x86: {  	_ =	shalt  }
0x87: {  	_ =	shalt  }
.Lfunc_end0:
.L_simem_size_0:
called_computation_lowered:
.L_overlay_start_0:
0x88: {  	s2 =	sld [smem:$0x3FD9]  }
0x89: {  	s3 =	sld [smem:$0x3FFE];
	_ =	sdelay $0x1  }
0x8a: {  	s1 =	srdreg.scid  }
0x8b: {  	s0 =	sand.u32 $0x1, s1  }
0x8c: {  	s17 =	sshll.u32 s0, $0xA;
	s2 =	sadd.s32 s3, s2  }
0x8d: {  	s2 =	sadd.s32 s2, s17  }
0x8e: {  	[smem:$0x3FC6] =	sst s2  }
0x8f: {  	_ = 	snop  }
0x90: {  	s2 =	sld [smem:$0x3FD0];
	(tm) =	ssettm $0x1  }
0x91: {  	s18 =	sld [smem:$0x3FFB];
	_ =	sdelay $0x3  }
0x92: {  	_ =	strace s18  }
0x93: {  	s3 =	sld [smem:$0x3FFC];
	_ =	sdelay $0x3  }
0x94: {  	_ =	strace s3  }
0x95: {  	s3 =	sld [smem:$0x3FFD];
	_ =	sdelay $0x3  }
0x96: {  	_ =	strace s3  }
0x97: {  	_ =	strace $0x8FFFFFFF  }
0x98: {  	s19 =	sld [smem:$0x3FDB];
	_ =	sdelay $0x1  }
0x99: {  	s4 =	simm.s32 $_scs_section_size  }
0x9a: {  	s5 =	simm.s32 $_size__tile_overlayer_lowered;
	s6 =	simm.s32 $_tile_overlayer_lowered  }
0x9b: {  	s22 =	simm.s32 $0x1BFF;
	s21 =	sshll.u32 s6, $0x1;
	s3 =	sadd.s32 s4, s19  }
0x9c: {  	s7 =	simm.s32 $0x0;
	s20 =	sshll.u32 s5, $0x1;
	s5 =	sadd.s32 s21, s3  }
0x9d: {  	[timem:s7], [sflag:s22] =	dma.local [hbm:s5], s20  }
0x9e: {  	_ =	swait.ge [sflag:s22], s20  }
0x9f: {  	s4 =	ssub.s32 $0x0, s20;
	[sflag:s22] =	ssyncset.done $0x0  }
0xa0: {  	[sflag:s22] =	ssyncadd.s32 s4;
	_ =	sdelay $0x1  }
0xa1: {  	s23 =	simm.s32 $0x1B8B  }
0xa2: {  	_ =	swait.ge [sflag:s23], $0x1  }
0xa3: {  	[sflag:s23] =	ssyncset.done $0x0  }
0xa4: {  	s25 =	simm.s32 $0x1B8E;
	s24 =	sld [smem:$0x3FFE];
	[sflag:s23] =	ssyncadd.s32 $0xFFFFFFFF  }
0xa5: {  	s26 =	simm.s32 $execute0_lowered;
	[smem:$0x3FD2] =	sst s25  }
0xa6: {  	s5 =	sshll.u32 s26, $0x1;
	_ =	strace $0x80000046;
	[dreg:$0x1] =	wrdreg $0xFFFFFFFF  }
0xa7: {  	s28 =	simm.s32 $_size_execute0_lowered;
	s3 =	sadd.s32 s3, s5;
	[dreg:$0x0] =	wrdreg $0x0  }
0xa8: {  	s5 =	sshll.u32 s28, $0x1;
	[dreg:$0x2] =	wrdreg s3  }
0xa9: {  	[dreg:$0x3] =	wrdreg s5  }
0xaa: {  	[dreg:$0x4] =	wrdreg $0xC0  }
0xab: {  	_ =	task [dreg:s7], $0x5FFFF  }
0xac: {  	[dreg:$0x1] =	wrdreg $0xFFFFFFFF  }
0xad: {  	[dreg:$0x0] =	wrdreg $0x60  }
0xae: {  	[dreg:$0x2] =	wrdreg s24  }
0xaf: {  	[dreg:$0x3] =	wrdreg s2  }
0xb0: {  	[dreg:$0x4] =	wrdreg $0x9  }
0xb1: {  	_ =	task.clear_ibuf [dreg:s7], $0x5FFFF;
	_ =	strace $0x90000046  }
0xb2: {  	s29 =	simm.s32 $0x9;
	_ =	strace $0x80000048  }
0xb3: {  	_ =	swait.ge [sflag:s29], $0x1  }
0xb4: {  	[sflag:s29] =	ssyncadd.s32 $0xFFFFFFFF  }
0xb5: {  	_ =	strace $0x90000048  }
0xb6: {  	_ =	sfence  }
0xb7: {  	s30 =	sld [smem:$0x0];
	_ =	sdelay $0x2  }
0xb8: {  	s31 =	sshll.u32 s1, $0xD;
	s1 =	sshrl.u32 s1, $0x2  }
0xb9: {  	s3 =	sand.u32 $0x4000, s31;
	s1 =	sadd.s32 s1, s30  }
0xba: {  	s0 =	sor.u32 s3, s0;
	s1 =	sshll.u32 s1, $0x11  }
0xbb: {  	s0 =	sor.u32 s1, s0  }
0xbc: {  	s0 =	sadd.s32 $0x8F2B, s0  }
0xbd: {  	[sflag:s0] =	ssyncadd.remote.s32 $0x1  }
0xbe: {  	_ =	sfence.sel $0xFFFF  }
0xbf: {  	[dreg:$0x0] =	wrdreg $0xFFFFFFFF;
	(pc) =	sbr.abs _section_cstart, $3  }
0xc0: {  	[dreg:$0x1] =	wrdreg $0xFFFFFFFF  }
0xc1: {  	_ =	task.clear_ibuf [dreg:s7], $0x2FFFF;
	_ =	strace $0x9FFFFFFF  }
0xc2: {  	(tm) =	ssettm $0x7FFFFFFF  }
0xc3: {  	_ =	shalt  }
tec
execute0_lowered:
.L_overlay_start_1:
0x0: {  	(tag) =	ssettag $0x1  }
0x1: {  	v0 =	vimm.s32 $0x400;
	vm0 =	vcmask $0x2304  }
0x2: {  	v1 =	vimm.s32 $0x0;
	vm7 =	vcmask $0x2708;
	vm8 =	vcmask $0x2B0C  }
0x3: {  	vm9 =	vcmask $0x2F10;
	vm10 =	vcmask $0x3314;
	vm11 =	vcmask $0x3718  }
0x4: {  	vm12 =	vcmask $0x3B1C;
	v20 =	vlaneseq.u32;
	vm13 =	vcmask $0x300  }
0x5: {  	v7 =	vimm.s32 $0x388;
	v8 =	vimm.s32 $0x8;
	v9 =	vimm.s32 $0x88  }
0x6: {  	v3 =	vimm.s32 $0x108;
	v4 =	vimm.s32 $0x188;
	v5 =	vimm.s32 $0x208  }
0x7: {  	v6 =	vimm.s32 $0x288;
	vm14 =	vcmask $0x704;
	vm15 =	vcmask $0xB08  }
0x8: {  	vm4 =	vcmask $0xF0C;
	vm5 =	vcmask $0x1310;
	vm6 =	vcmask $0x1714  }
0x9: {  	v13 =	vimm.s32 $0xFEDCBA9;
	v32 =	vimm.s32 $0x87654321;
	v35 =	vimm.s32 $0x10FEDCBA  }
0xa: {  	v39 =	vimm.s32 $0x98765432;
	v40 =	vimm.s32 $0x210FEDCB;
	v47 =	vimm.s32 $0xA9876543  }
0xb: {  	v48 =	vimm.s32 $0x3210FEDC;
	v49 =	vimm.s32 $0xBA987654;
	v55 =	vimm.s32 $0x543210FE  }
0xc: {  	v57 =	vimm.s32 $0xDCBA9876;
	v15 =	vimm.s32 $0xFEDCBA98;
	v17 =	vimm.s32 $0x76543210  }
0xd: {  	v22 =	vsel vm0, $0x0, v0;
	v21 =	vsel vm0, $0x400, v1;
	v2 =	vsel vm7, $0x0, v0  }
0xe: {  	v44 =	vsel vm7, $0x400, v1;
	v38 =	vsel vm8, $0x0, v0;
	v34 =	vsel vm8, $0x400, v1  }
0xf: {  	v56 =	vsel vm9, $0x0, v0;
	v58 =	vsel vm9, $0x400, v1;
	v16 =	vsel vm10, $0x0, v0  }
0x10: {  	v63 =	vsel vm10, $0x400, v1;
	v36 =	vsel vm11, $0x0, v0;
	v46 =	vsel vm11, $0x400, v1  }
0x11: {  	v24 =	vsel vm12, $0x0, v0;
	v23 =	vsel vm12, $0x400, v1;
	v0 =	vsel vm13, $0x0, v7  }
0x12: {  	v1 =	vsel vm13, $0x80, v8;
	v3 =	vsel vm13, $0x180, v3;
	v4 =	vsel vm13, $0x200, v4  }
0x13: {  	v5 =	vsel vm13, $0x280, v5;
	v7 =	vimm.s32 $0x308;
	v6 =	vsel vm13, $0x300, v6  }
0x14: {  	vm7 =	vcmask $0x1B18;
	vm8 =	vcmask $0x1F1C;
	vm9 =	vcmask $0x2320  }
0x15: {  	vm10 =	vcmask $0x2724;
	vm11 =	vcmask $0x2B28;
	vm12 =	vcmask $0x2F2C  }
0x16: {  	v11 =	vshrl.u32 v20, $0x3;
	v45 =	vmul.u32 $0xC8, v20;
	v14 =	vunpack.c.l.s4.s8 v13  }
0x17: {  	v13 =	vimm.s32 $0x6543210F;
	v15 =	vunpack.c.l.s4.s8 v15;
	v17 =	vunpack.c.l.s4.s8 v17  }
0x18: {  	[tilespmem:$0x1FD80] =	vst v2;
	v2 =	vsel vm13, $0x100, v9;
	v7 =	vsel vm13, $0x380, v7;
	v0 =	vsel vm14, $0x80, v0  }
0x19: {  	v1 =	vsel vm14, $0x100, v1;
	v3 =	vsel vm14, $0x200, v3;
	v4 =	vsel vm14, $0x280, v4  }
0x1a: {  	v5 =	vsel vm14, $0x300, v5;
	v6 =	vsel vm14, $0x380, v6;
	vm13 =	vcmask $0x3330  }
0x1b: {  	v12 =	vmul.u32 $0xFFFFFC00, v11;
	v33 =	vmul.u32 $0x400, v11;
	v11 =	vimm.s32 $0x43210FED  }
0x1c: {  	v13 =	vunpack.c.l.s4.s8 v13;
	v2 =	vsel vm14, $0x180, v2;
	v7 =	vsel vm14, $0x0, v7  }
0x1d: {  	v0 =	vsel vm15, $0x100, v0;
	v1 =	vsel vm15, $0x180, v1;
	v3 =	vsel vm15, $0x280, v3  }
0x1e: {  	v4 =	vsel vm15, $0x300, v4;
	v5 =	vsel vm15, $0x380, v5;
	v6 =	vsel vm15, $0x0, v6  }
0x1f: {  	vm14 =	vcmask $0x3734;
	v11 =	vunpack.c.l.s4.s8 v11;
	v15 =	vunpack.c.0.s8.s32 v15  }
0x20: {  	v18 =	vunpack.c.0.s8.s32 v17;
	v2 =	vsel vm15, $0x200, v2;
	v7 =	vsel vm15, $0x80, v7  }
0x21: {  	v0 =	vsel vm4, $0x180, v0;
	v1 =	vsel vm4, $0x200, v1;
	v3 =	vsel vm4, $0x300, v3  }
0x22: {  	v4 =	vsel vm4, $0x380, v4;
	v5 =	vsel vm4, $0x0, v5;
	v6 =	vsel vm4, $0x80, v6  }
0x23: {  	vm15 =	vcmask $0x3B38;
	v29 =	vadd.s32 $0x400, v12;
	v12 =	vimm.s32 $0xCBA98765  }
0x24: {  	v13 =	vunpack.c.0.s8.s32 v13;
	v2 =	vsel vm4, $0x280, v2;
	v7 =	vsel vm4, $0x100, v7  }
0x25: {  	v0 =	vsel vm5, $0x200, v0;
	v1 =	vsel vm5, $0x280, v1;
	v3 =	vsel vm5, $0x380, v3  }
0x26: {  	v4 =	vsel vm5, $0x0, v4;
	v5 =	vsel vm5, $0x80, v5;
	v6 =	vsel vm5, $0x100, v6  }
0x27: {  	v51 =	vunpack.c.l.s4.s8 v12;
	v54 =	vunpack.c.0.s8.s32 v11;
	v11 =	vunpack.c.l.s4.s8 v55  }
0x28: {  	v12 =	vunpack.c.l.s4.s8 v57;
	v2 =	vsel vm5, $0x300, v2;
	v7 =	vsel vm5, $0x180, v7  }
0x29: {  	v0 =	vsel vm6, $0x280, v0;
	v1 =	vsel vm6, $0x300, v1;
	v3 =	vsel vm6, $0x0, v3  }
0x2a: {  	v4 =	vsel vm6, $0x80, v4;
	v5 =	vsel vm6, $0x100, v5;
	v6 =	vsel vm6, $0x180, v6  }
0x2b: {  	v2 =	vsel vm6, $0x380, v2;
	v7 =	vsel vm6, $0x200, v7;
	v0 =	vsel vm7, $0x300, v0  }
0x2c: {  	v1 =	vsel vm7, $0x380, v1;
	v3 =	vsel vm7, $0x80, v3;
	v4 =	vsel vm7, $0x100, v4  }
0x2d: {  	v5 =	vsel vm7, $0x180, v5;
	v6 =	vsel vm7, $0x200, v6;
	v11 =	vunpack.c.0.s8.s32 v11  }
0x2e: {  	v12 =	vunpack.c.0.s8.s32 v12;
	v2 =	vsel vm7, $0x0, v2;
	v7 =	vsel vm7, $0x280, v7  }
0x2f: {  	v0 =	vsel vm8, $0x380, v0;
	v1 =	vsel vm8, $0x0, v1;
	v3 =	vsel vm8, $0x100, v3  }
0x30: {  	v4 =	vsel vm8, $0x180, v4;
	v5 =	vsel vm8, $0x200, v5;
	v6 =	vsel vm8, $0x280, v6  }
0x31: {  	v2 =	vsel vm8, $0x80, v2;
	v7 =	vsel vm8, $0x300, v7;
	v0 =	vsel vm9, $0x8, v0  }
0x32: {  	v1 =	vsel vm9, $0x88, v1;
	v3 =	vsel vm9, $0x188, v3;
	v4 =	vsel vm9, $0x208, v4  }
0x33: {  	v5 =	vsel vm9, $0x288, v5;
	v6 =	vsel vm9, $0x308, v6;
	v2 =	vsel vm9, $0x108, v2  }
0x34: {  	v7 =	vsel vm9, $0x388, v7;
	v0 =	vsel vm10, $0x88, v0;
	v1 =	vsel vm10, $0x108, v1  }
0x35: {  	v3 =	vsel vm10, $0x208, v3;
	v4 =	vsel vm10, $0x288, v4;
	v5 =	vsel vm10, $0x308, v5  }
0x36: {  	v6 =	vsel vm10, $0x388, v6;
	v2 =	vsel vm10, $0x188, v2;
	v7 =	vsel vm10, $0x8, v7  }
0x37: {  	v0 =	vsel vm11, $0x108, v0;
	v1 =	vsel vm11, $0x188, v1;
	v3 =	vsel vm11, $0x288, v3  }
0x38: {  	v4 =	vsel vm11, $0x308, v4;
	v5 =	vsel vm11, $0x388, v5;
	v6 =	vsel vm11, $0x8, v6  }
0x39: {  	v2 =	vsel vm11, $0x208, v2;
	v7 =	vsel vm11, $0x88, v7;
	v0 =	vsel vm12, $0x188, v0  }
0x3a: {  	v1 =	vsel vm12, $0x208, v1;
	v3 =	vsel vm12, $0x308, v3;
	v4 =	vsel vm12, $0x388, v4  }
0x3b: {  	v5 =	vsel vm12, $0x8, v5;
	v6 =	vsel vm12, $0x88, v6;
	v2 =	vsel vm12, $0x288, v2  }
0x3c: {  	v7 =	vsel vm12, $0x108, v7;
	v0 =	vsel vm13, $0x208, v0;
	v1 =	vsel vm13, $0x288, v1  }
0x3d: {  	v3 =	vsel vm13, $0x388, v3;
	v4 =	vsel vm13, $0x8, v4;
	v5 =	vsel vm13, $0x88, v5  }
0x3e: {  	v6 =	vsel vm13, $0x108, v6;
	v2 =	vsel vm13, $0x308, v2;
	v7 =	vsel vm13, $0x188, v7  }
0x3f: {  	v0 =	vsel vm14, $0x288, v0;
	v1 =	vsel vm14, $0x308, v1;
	v3 =	vsel vm14, $0x8, v3  }
0x40: {  	v4 =	vsel vm14, $0x88, v4;
	v5 =	vsel vm14, $0x108, v5;
	v6 =	vsel vm14, $0x188, v6  }
0x41: {  	v2 =	vsel vm14, $0x388, v2;
	v7 =	vsel vm14, $0x208, v7;
	v43 =	vsel vm15, $0x308, v0  }
0x42: {  	v41 =	vsel vm15, $0x388, v1;
	v37 =	vsel vm15, $0x88, v3;
	v62 =	vsel vm15, $0x108, v4  }
0x43: {  	v25 =	vsel vm15, $0x188, v5;
	v4 =	vunpack.c.l.s4.s8 v40;
	v5 =	vunpack.c.l.s4.s8 v47  }
0x44: {  	v10 =	vsel vm15, $0x208, v6;
	v0 =	vunpack.c.0.s8.s32 v14;
	v1 =	vunpack.c.l.s4.s8 v32  }
0x45: {  	v14 =	vimm.s32 $0xEDCBA987;
	v4 =	vunpack.c.0.s8.s32 v4;
	v5 =	vunpack.c.0.s8.s32 v5  }
0x46: {  	v3 =	vunpack.c.l.s4.s8 v39;
	v6 =	vunpack.c.l.s4.s8 v48;
	v14 =	vunpack.c.l.s4.s8 v14  }
0x47: {  	v42 =	vsel vm15, $0x8, v2;
	[tilespmem:$0x1FD90] =	vst v10;
	v19 =	vsel vm15, $0x288, v7;
	v10 =	vcombine.low v5, v4  }
0x48: {  	v2 =	vunpack.c.l.s4.s8 v35;
	v7 =	vunpack.c.l.s4.s8 v49;
	v14 =	vunpack.c.0.s8.s32 v14  }
0x49: {  	s0 =	rddreg [dreg:$0x0];
	s2 =	simm.s32 $0x0;
	v1 =	vunpack.c.0.s8.s32 v1;
	v3 =	vunpack.c.0.s8.s32 v3;
	v52 =	vand.u32 $0xF, v10  }
0x4a: {  	[smem:$0x7FF] =	sst s2;
	v6 =	vunpack.c.0.s8.s32 v6;
	v2 =	vunpack.c.0.s8.s32 v2;
	v26 =	vcombine.low v14, v13;
	[tilespmem:$0x1FDA0] =	vst v52  }
0x4b: {  	s1 =	rddreg [dreg:$0x1];
	v7 =	vunpack.c.0.s8.s32 v7;
	v8 =	vcombine.low v1, v0;
	v0 =	vcombine.low v0, v1;
	_ =	strace $0x80000047;
	[tilespmem:$0x1FDC0] =	vst v22  }
0x4c: {  	v15 =	vand.u32 $0xF, v15;
	v61 =	vcombine.low v2, v3;
	v30 =	vand.u32 $0xF, v26;
	[tilespmem:$0x1FDD0] =	vst v45  }
0x4d: {  	v57 =	vcombine.low v11, v12;
	v32 =	vcombine.low v6, v7;
	v49 =	vand.u32 $0xF, v0;
	[tilespmem:$0x1FDF0] =	vst v30  }
0x4e: {  	v59 =	vand.u32 $0xF, v8;
	v8 =	vunpack.c.0.s8.s32 v51;
	v51 =	vand.u32 $0xF, v61;
	[tilespmem:$0x1FE00] =	vst v49  }
0x4f: {  	v39 =	vcombine.low v15, v18;
	v18 =	vand.u32 $0xF, v32;
	[tilespmem:$0x1FE10] =	vst v51  }
0x50: {  	v55 =	vand.u32 $0xF, v57;
	[tilespmem:$0x1FE30] =	vst v18  }
0x51: {  	[tilespmem:$0x1FE50] =	vst v55  }
0x52: {  	[tilespmem:$0x1FE60] =	vst v19  }
0x53: {  	[tilespmem:$0x1FE70] =	vst v42  }
0x54: {  	[tilespmem:$0x1FE80] =	vst v43  }
0x55: {  	[tilespmem:$0x1FE90] =	vst v46  }
0x56: {  	[tilespmem:$0x1FEA0] =	vst v44  }
0x57: {  	[tilespmem:$0x1FEB0] =	vst v38  }
0x58: {  	[tilespmem:$0x1FEC0] =	vst v56  }
0x59: {  	[tilespmem:$0x1FED0] =	vst v39  }
0x5a: {  	[tilespmem:$0x1FEE0] =	vst v16  }
0x5b: {  	v17 =	vcombine.low v12, v11;
	[tilespmem:$0x1FEF0] =	vst v36  }
0x5c: {  	[tilespmem:$0x1FF00] =	vst v24  }
0x5d: {  	v47 =	vand.u32 $0xF, v17;
	[tilespmem:$0x1FF10] =	vst v29  }
0x5e: {  	v53 =	vcombine.low v7, v6;
	[tilespmem:$0x1FF20] =	vst v47  }
0x5f: {  	[tilespmem:$0x1FF30] =	vst v58  }
0x60: {  	v40 =	vand.u32 $0xF, v53;
	[tilespmem:$0x1FF40] =	vst v34  }
0x61: {  	[tilespmem:$0x1FF50] =	vst v40  }
0x62: {  	s3 =	srdreg.scid;
	[tilespmem:$0x1FF60] =	vst v25  }
0x63: {  	s4 =	stileid.u32;
	s12 =	simm.s32 $0x1;
	s13 =	simm.s32 $0x80;
	[tilespmem:$0x1FF70] =	vst v62  }
0x64: {  	s15 =	simm.s32 $0x7080;
	s17 =	simm.s32 $0xB080;
	s18 =	simm.s32 $0xF080;
	v9 =	vcombine.low v3, v2;
	[tilespmem:$0x1FF80] =	vst v63  }
0x65: {  	s19 =	simm.s32 $0x2;
	s20 =	simm.s32 $0x13080;
	s3 =	sand.u32 $0x1, s3;
	[tilespmem:$0x1FF90] =	vst v37  }
0x66: {  	s4 =	sshll.u32 s4, $0x1;
	s7 =	sadd.s32 $0xF42A00, s0;
	s6 =	ssub.s32 $0x2, s3;
	v28 =	vand.u32 $0xF, v9;
	[tilespmem:$0x1FFA0] =	vst v41  }
0x67: {  	s5 =	sadd.s32 $0xF5BA00, s0;
	s3 =	sor.u32 s3, s4;
	s25 =	sshrl.u32 s6, $0x1;
	[tilespmem:$0x1FFB0] =	vst v28  }
0x68: {  	s4 =	sshll.u32 s3, $0x7;
	s0 =	ssub.s32 s6, s25;
	s6 =	sshll.u32 s3, $0xA;
	[tilespmem:$0x1FFC0] =	vst v23  }
0x69: {  	s21 =	simm.s32 $0x400;
	v50 =	vmul.u32 $0x80, v20;
	s4 =	sadd.s32 s4, s1;
	s26 =	sor.u32 $0x40000, s6;
	v60 =	vcombine.low v8, v54;
	[tilespmem:$0x1FFD0] =	vst v59  }
0x6a: {  	s22 =	simm.s32 $0x8000;
	s30 =	sadd.s32 $0x630000, s4;
	[dreg:$0x5] =	wrdreg s26;
	v35 =	vcombine.low v54, v8;
	[tilespmem:$0x1FFE0] =	vst v33  }
0x6b: {  	s23 =	simm.s32 $0x5;
	s31 =	sadd.s32 $0x638000, s4;
	[dreg:$0x6] =	wrdreg s30;
	[tilespmem:$0x1FFF0] =	vst v50;
	v9 =	vand.u32 $0xF, v60;
	v60 =	vcombine.low v13, v14  }
0x6c: {  	s24 =	simm.s32 $0x3;
	s0 =	smax.u32 s0, $0x1;
	[dreg:$0x7] =	wrdreg s31;
	v17 =	vand.u32 $0xF, v35;
	[tilespmem:$0x1FDB0] =	vst v9;
	v9 =	vcombine.low v4, v5  }
0x6d: {  	s28 =	simm.s32 $0x4;
	s8 =	smul.u32 $0xC8, s3;
	[dreg:$0x8] =	wrdreg s0;
	[tilespmem:$0x1FE40] =	vst v17;
	v61 =	vand.u32 $0xF, v60  }
0x6e: {  	s29 =	simm.s32 $0x17080;
	s25 =	simm.s32 $0x15080;
	[dreg:$0x3] =	wrdreg s7;
	v52 =	vand.u32 $0xF, v9;
	[tilespmem:$0x1FDE0] =	vst v61  }
0x6f: {  	v27 =	vand.u32 $0x7, v20;
	s3 =	simm.s32 $0x0;
	s26 =	simm.s32 $0x6;
	[dreg:$0x4] =	wrdreg s8;
	v26 =	vmov v29;
	[tilespmem:$0x1FE20] =	vst v52  }
.LBB2_1:
0x70: {  	v60 =	vld [tilespmem:$0x1FD90]  }
0x71: {  	v18 =	vld [tilespmem:$0x1FDA0]  }
0x72: {  	[dreg:$0x9] =	wrdreg s3;
	s0 =	simm.s32 $0xD80;
	s3 =	simm.s32 $0x0;
	v17 =	vld [tilespmem:$0x1FDB0]  }
.LBB2_2:
0x73: {  	s4 =	smul.u32 $0x19, s3;
	s9 =	simm.s32 $0x0;
	s10 =	simm.s32 $0x1  }
0x74: {  	s11 =	simm.s32 $0x2;
	v0 =	vmov s9;
	v1 =	vadd.s32 s9, v45;
	v2 =	vmov s10  }
0x75: {  	s14 =	simm.s32 $0x6;
	v3 =	vmov s11;
	v4 =	vadd.s32 s11, v45;
	v5 =	vadd.s32 s10, v45;
	s4 =	sadd.s32 s8, s4  }
0x76: {  	v7 =	vmov s14;
	v3 =	vand.u32 $0x6, v3;
	v4 =	vand.u32 $0x1FF8, v4;
	s4 =	sshll.u32 s4, $0x4  }
0x77: {  	s11 =	simm.s32 $0x5;
	v2 =	vand.u32 $0x5, v2;
	v5 =	vand.u32 $0x1FF8, v5;
	v3 =	vor.u32 v3, v4;
	s4 =	sadd.s32 s7, s4  }
0x78: {  	v0 =	vand.u32 $0x4, v0;
	v1 =	vand.u32 $0x1FF8, v1;
	v2 =	vor.u32 v2, v5;
	[tilespmem:s9], [sflag:$0x1] =	stream.linear.gather [hbm4b:s4+s9], $0xC80, $0x38;
	[tilespmem:$0x19080] =	vst v63  }
0x79: {  	v8 =	vadd.s32 s14, v45;
	v6 =	vmov s11;
	v0 =	vor.u32 v0, v1;
	_ =	swait.ge [sflag:s12], $0xC80  }
0x7a: {  	s10 =	simm.s32 $0x3;
	v9 =	vadd.s32 s11, v45;
	v7 =	vand.u32 $0x6, v7;
	v8 =	vand.u32 $0x1FF8, v8;
	[sflag:s12] =	ssyncset.done $0x0  }
0x7b: {  	v5 =	vadd.s32 s10, v45;
	v6 =	vand.u32 $0x5, v6;
	v9 =	vand.u32 $0x1FF8, v9;
	s9 =	simm.s32 $0x4;
	[sflag:s12] =	ssyncadd.s32 $0xFFFFF380  }
0x7c: {  	v7 =	vor.u32 v7, v8;
	v1 =	vmov s9;
	v4 =	vadd.s32 s9, v45;
	v3 =	vld.idx.msk [tilespmem:v3+s2+$0x0], $0xffff  }
0x7d: {  	s31 =	simm.s32 $0xA;
	v1 =	vand.u32 $0x4, v1;
	v8 =	vld.idx.msk [tilespmem:v2+s2+$0x0], $0xffff;
	v2 =	vand.u32 $0x1FF8, v4;
	v4 =	vor.u32 v6, v9  }
0x7e: {  	s30 =	simm.s32 $0x9;
	v12 =	vadd.s32 s31, v45;
	v9 =	vld.idx.msk [tilespmem:v0+s2+$0x0], $0xffff;
	v10 =	vor.u32 v1, v2  }
0x7f: {  	s16 =	simm.s32 $0x7;
	v13 =	vadd.s32 s30, v45;
	v12 =	vand.u32 $0x1FF8, v12  }
0x80: {  	v13 =	vand.u32 $0x1FF8, v13;
	s4 =	simm.s32 $0x8;
	v0 =	vld.idx.msk [tilespmem:v5+s2+$0x0], $0xffff;
	v2 =	vadd.s32 s16, v45;
	v1 =	vmov s31  }
0x81: {  	v6 =	vmov s4;
	v5 =	vmov s30;
	v14 =	vand.u32 $0x6, v1;
	v1 =	vld.idx.msk [tilespmem:v7+s2+$0x0], $0xffff;
	[tilespmem:s0+$0x0] =	vst v3  }
0x82: {  	v11 =	vadd.s32 s4, v45;
	v15 =	vand.u32 $0x5, v5;
	v7 =	vand.u32 $0x4, v6;
	v3 =	vld.idx.msk [tilespmem:v4+s2+$0x0], $0xffff;
	[tilespmem:s0+$0xFFFFFF80] =	vst v8  }
0x83: {  	s10 =	simm.s32 $0xC;
	s9 =	smov.u32 s0;
	v6 =	vor.u32 v15, v13;
	v5 =	vor.u32 v14, v12;
	v8 =	vand.u32 $0x1FF8, v11;
	[tilespmem:s0+$0xFFFFFF00] =	vst v9;
	v4 =	vld.idx.msk [tilespmem:v10+s2+$0x0], $0xffff  }
.LBB2_3:
0x84: {  	s11 =	sadd.s32 $0x1, s10  }
0x85: {  	v9 =	vor.u32 v7, v8;
	s14 =	sadd.s32 $0x3, s4;
	[tilespmem:s9+$0x80] =	vst v0;
	v0 =	vld.idx.msk [tilespmem:v2+s2+$0x0], $0xffff;
	s4 =	smov.u32 s10;
	p0 =	slt.u32 s10, $0xC4  }
.Ltmp0:
0x86: {  	s10 =	sadd.s32 $0x4, s10;
	v7 =	vmov s4;
	v8 =	vadd.s32 s4, v45;
	s16 =	sadd.s32 $0x2, s4;
	v2 =	vadd.s32 s14, v45;
	(pc) =	sbr.rel @p0 .LBB2_3-.Ltmp0, $4  }
0x87: {  	s9 =	sadd.s32 $0x200, s9;
	v10 =	vmov s11;
	v11 =	vmov s16;
	v12 =	vadd.s32 s16, v45  }
0x88: {  	v13 =	vadd.s32 s11, v45;
	v11 =	vand.u32 $0x6, v11;
	v12 =	vand.u32 $0x1FF8, v12;
	[tilespmem:s9+$0x0] =	vst v1;
	v1 =	vld.idx.msk [tilespmem:v5+s2+$0x0], $0xffff  }
0x89: {  	v10 =	vand.u32 $0x5, v10;
	v13 =	vand.u32 $0x1FF8, v13;
	v5 =	vor.u32 v11, v12;
	[tilespmem:s9+$0xFFFFFF80] =	vst v3;
	v3 =	vld.idx.msk [tilespmem:v6+s2+$0x0], $0xffff  }
0x8a: {  	v7 =	vand.u32 $0x4, v7;
	v8 =	vand.u32 $0x1FF8, v8;
	v6 =	vor.u32 v10, v13;
	[tilespmem:s9+$0xFFFFFF00] =	vst v4;
	v4 =	vld.idx.msk [tilespmem:v9+s2+$0x0], $0xffff  }
0x8b: {  	_ =	sdelay $0x1  }
0x8c: {  	v7 =	vor.u32 v7, v8;
	s4 =	sadd.s32 $0x3, s4  }
0x8d: {  	v54 =	vadd.s32 s4, v45  }
0x8e: {  	v2 =	vld.idx.msk [tilespmem:v2+s2+$0x0], $0xffff  }
0x8f: {  	[tilespmem:s9+$0x80] =	vst v0;
	s31 =	sadd.s32 $0x200, s9;
	v55 =	vld.idx.msk [tilespmem:v5+s2+$0x0], $0xffff  }
0x90: {  	v56 =	vld.idx.msk [tilespmem:v6+s2+$0x0], $0xffff;
	[tilespmem:s31+$0x0] =	vst v1  }
0x91: {  	s3 =	sadd.s32 $0x1, s3;
	[tilespmem:s31+$0xFFFFFF80] =	vst v3;
	v57 =	vld.idx.msk [tilespmem:v7+s2+$0x0], $0xffff  }
0x92: {  	p0 =	sne.s32 s3, $0x8;
	[tilespmem:s31+$0xFFFFFF00] =	vst v4;
	v61 =	vld.idx.msk [tilespmem:v54+s2+$0x0], $0xffff  }
.Ltmp1:
0x93: {  	s4 =	sadd.s32 $0x200, s31;
	[tilespmem:s31+$0x80] =	vst v2;
	(pc) =	sbr.rel @p0 .LBB2_2-.Ltmp1, $4  }
0x94: {  	[tilespmem:s4+$0x0] =	vst v55  }
0x95: {  	[tilespmem:s4+$0xFFFFFF80] =	vst v56  }
0x96: {  	[tilespmem:s4+$0xFFFFFF00] =	vst v57  }
0x97: {  	s0 =	sadd.s32 $0x10, s0;
	[tilespmem:s4+$0x80] =	vst v61  }
0x98: {  	s0 =	simm.s32 $0xC80  }
0x99: {  	[tilespmem:s15], [sflag:$0x2] =	stream.indirect.gather [hbm4b:s5+s13], $0x80, s0, s13, $0xb8;
	[tilespmem:$0x19080] =	vst v63  }
0x9a: {  	s31 =	simm.s32 $0xD00;
	s3 =	simm.s32 $0x0;
	s0 =	simm.s32 $0x0  }
0x9b: {  	v51 =	vmov v24;
	[tilespmem:s17], [sflag:$0x3] =	stream.indirect.gather [hbm4b:s5+s13], $0x80, s31, s13, $0xb8;
	[tilespmem:$0x19080] =	vst v63  }
.LBB2_6:
0x9c: {  	s4 =	smul.u32 $0x3, s3  }
0x9d: {  	p0 =	seq.s32 s3, $0x0  }
0x9e: {  	s14 =	sadd.s32 $0x2, s4;
	s4 =	simm.s32 @!p0 $0x7  }
0x9f: {  	s9 =	sand.u32 $0x70, s0;
	_ =	swait.ge @!p0 [sflag:s4], $0x2000;
	s11 =	sshll.u32 s14, $0x7  }
0xa0: {  	s10 =	sand.u32 $0x3, s0;
	v0 =	vmov s9;
	[sflag:s4] =	ssyncset.done @!p0 $0x0;
	s11 =	sand.u32 $0x3FFFFF80, s11  }
0xa1: {  	s16 =	sshll.u32 s10, $0x4;
	v0 =	vshll.u32 v0, $0x7;
	[sflag:s4] =	ssyncadd.s32 @!p0 $0xFFFFE000;
	s7 =	sadd.s32 $0xC80, s11  }
0xa2: {  	v0 =	vor.u32 v50, v0;
	[tilespmem:s18], [sflag:$0x4] =	stream.indirect.gather [hbm4b:s5+s13], $0x80, s7, s13, $0xb8;
	[tilespmem:$0x19080] =	vst v63  }
0xa3: {  	v44 =	vor.u32 s16, v0;
	_ =	swait.ge [sflag:s19], $0x4000  }
0xa4: {  	v19 =	vmov v16;
	v0 =	vor.u32 v20, v44;
	v16 =	vld [tilespmem:$0x1FE80];
	_ =	sdelay $0x1  }
0xa5: {  	s8 =	sshll.u32 s10, $0x1  }
0xa6: {  	v1 =	vmov s8;
	[sflag:s19] =	ssyncset.done $0x0  }
0xa7: {  	v46 =	vshll.u32 v1, $0xA;
	[sflag:s19] =	ssyncadd.s32 $0xFFFFC000  }
0xa8: {  	v1 =	vor.u32 v33, v46;
	v0 =	vld.idx.msk [tilespmem:v0+s15+$0x0], $0xffff;
	v7 =	vor.u32 s9, v16  }
0xa9: {  	v1 =	vor.u32 v7, v1  }
0xaa: {  	v1 =	vor.u32 v27, v1  }
0xab: {  	v2 =	vor.u32 v59, v44;
	_ =	sdelay $0x1  }
0xac: {  	v0 =	vmul.f32 $8.000000000e+00, v0;
	_ =	sdelay $0x1  }
0xad: {  	[tilespmem:v1+s20+$0x0] =	vst.idx.msk $0xffff, v0  }
0xae: {  	v6 =	vor.u32 s9, v41;
	v1 =	vor.u32 v23, v46;
	v0 =	vld.idx.msk [tilespmem:v2+s15+$0x0], $0xffff  }
0xaf: {  	v1 =	vor.u32 v6, v1  }
0xb0: {  	v1 =	vor.u32 v27, v1;
	_ =	sdelay $0x2  }
0xb1: {  	v0 =	vmul.f32 $8.000000000e+00, v0;
	_ =	sdelay $0x1  }
0xb2: {  	[tilespmem:v1+s20+$0x0] =	vst.idx.msk $0xffff, v0  }
0xb3: {  	v38 =	vld [tilespmem:$0x1FE70]  }
0xb4: {  	v2 =	vor.u32 v28, v44;
	v31 =	vld [tilespmem:$0x1FE90];
	_ =	sdelay $0x4  }
0xb5: {  	v0 =	vld.idx.msk [tilespmem:v2+s15+$0x0], $0xffff;
	v1 =	vor.u32 s9, v38;
	v2 =	vor.u32 v31, v46  }
0xb6: {  	s10 =	simm.s32 $0x4;
	v2 =	vor.u32 v1, v2  }
0xb7: {  	s10 =	sand.u32 $0x70, s10;
	v2 =	vor.u32 v27, v2  }
0xb8: {  	v3 =	vmov s10;
	s11 =	simm.s32 $0x1;
	v4 =	vor.u32 v18, v44  }
0xb9: {  	v3 =	vshll.u32 v3, $0x7;
	s4 =	sand.u32 $0x3, s11  }
0xba: {  	v3 =	vor.u32 v50, v3;
	s16 =	sshll.u32 s4, $0x4;
	v0 =	vmul.f32 $8.000000000e+00, v0  }
0xbb: {  	v45 =	vor.u32 s16, v3  }
0xbc: {  	[tilespmem:v2+s20+$0x0] =	vst.idx.msk $0xffff, v0;
	v0 =	vor.u32 v20, v45  }
0xbd: {  	v5 =	vor.u32 s9, v37;
	v2 =	vor.u32 v63, v46;
	v4 =	vld.idx.msk [tilespmem:v4+s15+$0x0], $0xffff  }
0xbe: {  	s4 =	sshll.u32 s4, $0x1;
	v2 =	vor.u32 v5, v2  }
0xbf: {  	v3 =	vmov s4;
	v2 =	vor.u32 v27, v2  }
0xc0: {  	v8 =	vor.u32 v40, v44;
	v43 =	vshll.u32 v3, $0xA  }
0xc1: {  	v3 =	vor.u32 s10, v16;
	v9 =	vld.idx.msk [tilespmem:v0+s15+$0x0], $0xffff;
	v0 =	vor.u32 v33, v43  }
0xc2: {  	v4 =	vmul.f32 $8.000000000e+00, v4;
	v0 =	vor.u32 v3, v0  }
0xc3: {  	v10 =	vor.u32 v27, v0  }
0xc4: {  	[tilespmem:v2+s20+$0x0] =	vst.idx.msk $0xffff, v4  }
0xc5: {  	v0 =	vor.u32 s9, v62;
	v4 =	vor.u32 v58, v46;
	v8 =	vld.idx.msk [tilespmem:v8+s15+$0x0], $0xffff  }
0xc6: {  	v4 =	vor.u32 v0, v4;
	v9 =	vmul.f32 $8.000000000e+00, v9  }
0xc7: {  	v2 =	vor.u32 v59, v45;
	v4 =	vor.u32 v27, v4  }
0xc8: {  	[tilespmem:v10+s20+$0x0] =	vst.idx.msk $0xffff, v9;
	v9 =	vor.u32 v17, v44;
	_ =	sdelay $0x1  }
0xc9: {  	v8 =	vmul.f32 $8.000000000e+00, v8;
	_ =	sdelay $0x1  }
0xca: {  	v11 =	vor.u32 v23, v43;
	v10 =	vld.idx.msk [tilespmem:v2+s15+$0x0], $0xffff;
	v2 =	vor.u32 s10, v41;
	[tilespmem:v4+s20+$0x0] =	vst.idx.msk $0xffff, v8  }
0xcb: {  	v12 =	vor.u32 v34, v46;
	v11 =	vor.u32 v2, v11;
	v4 =	vor.u32 s9, v25;
	v9 =	vld.idx.msk [tilespmem:v9+s15+$0x0], $0xffff  }
0xcc: {  	v11 =	vor.u32 v27, v11;
	v12 =	vor.u32 v4, v12  }
0xcd: {  	v8 =	vor.u32 v28, v45;
	v12 =	vor.u32 v27, v12;
	_ =	sdelay $0x1  }
0xce: {  	v10 =	vmul.f32 $8.000000000e+00, v10  }
0xcf: {  	[tilespmem:$0x1FD70] =	vst v4;
	v9 =	vmul.f32 $8.000000000e+00, v9  }
0xd0: {  	[tilespmem:v11+s20+$0x0] =	vst.idx.msk $0xffff, v10  }
0xd1: {  	v8 =	vld.idx.msk [tilespmem:v8+s15+$0x0], $0xffff;
	[tilespmem:v12+s20+$0x0] =	vst.idx.msk $0xffff, v9  }
0xd2: {  	v57 =	vor.u32 s10, v38;
	v10 =	vor.u32 v47, v44;
	v11 =	vor.u32 v31, v43;
	v30 =	vld [tilespmem:$0x1FEA0]  }
0xd3: {  	v11 =	vor.u32 v57, v11  }
0xd4: {  	v11 =	vor.u32 v27, v11;
	_ =	sdelay $0x1  }
0xd5: {  	v9 =	vor.u32 v18, v45  }
0xd6: {  	v53 =	vor.u32 s9, v60;
	v10 =	vld.idx.msk [tilespmem:v10+s15+$0x0], $0xffff;
	v8 =	vmul.f32 $8.000000000e+00, v8;
	v12 =	vor.u32 v30, v46  }
0xd7: {  	v12 =	vor.u32 v53, v12  }
0xd8: {  	[tilespmem:v11+s20+$0x0] =	vst.idx.msk $0xffff, v8;
	v12 =	vor.u32 v27, v12  }
0xd9: {  	s31 =	simm.s32 $0x8;
	v4 =	vld [tilespmem:$0x1FDF0]  }
0xda: {  	v56 =	vor.u32 s10, v37;
	s4 =	sand.u32 $0x70, s31;
	v11 =	vor.u32 v63, v43;
	v9 =	vld.idx.msk [tilespmem:v9+s15+$0x0], $0xffff  }
0xdb: {  	s7 =	simm.s32 $0x2;
	v13 =	vmov s4;
	v11 =	vor.u32 v56, v11;
	v10 =	vmul.f32 $8.000000000e+00, v10  }
0xdc: {  	s11 =	sand.u32 $0x3, s7;
	v13 =	vshll.u32 v13, $0x7;
	v11 =	vor.u32 v27, v11  }
0xdd: {  	s8 =	sshll.u32 s11, $0x4;
	v13 =	vor.u32 v50, v13;
	[tilespmem:v12+s20+$0x0] =	vst.idx.msk $0xffff, v10;
	v10 =	vor.u32 v40, v45  }
0xde: {  	v48 =	vor.u32 s8, v13;
	v8 =	vor.u32 v4, v44;
	v35 =	vld [tilespmem:$0x1FE60]  }
0xdf: {  	v13 =	vor.u32 v20, v48;
	v9 =	vmul.f32 $8.000000000e+00, v9;
	_ =	sdelay $0x1  }
0xe0: {  	v15 =	vmov v62;
	v14 =	vor.u32 v21, v46;
	s11 =	sshll.u32 s11, $0x1;
	v61 =	vor.u32 s4, v16;
	[tilespmem:v11+s20+$0x0] =	vst.idx.msk $0xffff, v9  }
0xe1: {  	v62 =	vmovc v58;
	v12 =	vmov s11;
	v11 =	vor.u32 v58, v43;
	v58 =	vor.u32 s10, v15;
	v10 =	vld.idx.msk [tilespmem:v10+s15+$0x0], $0xffff  }
0xe2: {  	v42 =	vmovc v18;
	v18 =	vmovc v47;
	v47 =	vshll.u32 v12, $0xA;
	v8 =	vld.idx.msk [tilespmem:v8+s15+$0x0], $0xffff;
	v11 =	vor.u32 v58, v11;
	v49 =	vor.u32 s9, v35  }
0xe3: {  	v13 =	vld.idx.msk [tilespmem:v13+s15+$0x0], $0xffff;
	v11 =	vor.u32 v27, v11;
	v12 =	vor.u32 v49, v14;
	v14 =	vor.u32 v33, v47  }
0xe4: {  	v12 =	vor.u32 v27, v12;
	v14 =	vor.u32 v61, v14  }
0xe5: {  	v9 =	vor.u32 v39, v44;
	v14 =	vor.u32 v27, v14  }
0xe6: {  	v10 =	vmul.f32 $8.000000000e+00, v10  }
0xe7: {  	v52 =	vmovc v36;
	v36 =	vmovc v39;
	v39 =	vmov v15;
	v15 =	vor.u32 v59, v48;
	v8 =	vmul.f32 $8.000000000e+00, v8  }
0xe8: {  	v13 =	vmul.f32 $8.000000000e+00, v13;
	[tilespmem:v11+s20+$0x0] =	vst.idx.msk $0xffff, v10  }
0xe9: {  	[tilespmem:v12+s20+$0x0] =	vst.idx.msk $0xffff, v8  }
0xea: {  	v9 =	vld.idx.msk [tilespmem:v9+s15+$0x0], $0xffff;
	[tilespmem:v14+s20+$0x0] =	vst.idx.msk $0xffff, v13  }
0xeb: {  	v22 =	vmov v41;
	v12 =	vor.u32 v26, v46;
	v32 =	vld [tilespmem:$0x1FE00]  }
0xec: {  	v29 =	vmovc v60;
	v60 =	vor.u32 s4, v22;
	v7 =	vor.u32 v7, v12;
	v13 =	vor.u32 v23, v47;
	v12 =	vld.idx.msk [tilespmem:v15+s15+$0x0], $0xffff  }
0xed: {  	v7 =	vor.u32 v27, v7;
	v13 =	vor.u32 v60, v13  }
0xee: {  	v8 =	vor.u32 v17, v45;
	v11 =	vor.u32 v27, v13  }
0xef: {  	v41 =	vmov v34  }
0xf0: {  	v34 =	vmovc v37;
	v37 =	vmovc v33;
	v33 =	vmov v28;
	v9 =	vmul.f32 $8.000000000e+00, v9;
	v10 =	vor.u32 v32, v44  }
0xf1: {  	v14 =	vor.u32 v33, v48;
	v12 =	vmul.f32 $8.000000000e+00, v12  }
0xf2: {  	[tilespmem:v7+s20+$0x0] =	vst.idx.msk $0xffff, v9  }
0xf3: {  	v55 =	vor.u32 s10, v25;
	v13 =	vor.u32 v41, v43;
	v8 =	vld.idx.msk [tilespmem:v8+s15+$0x0], $0xffff;
	[tilespmem:v11+s20+$0x0] =	vst.idx.msk $0xffff, v12  }
0xf4: {  	v28 =	vmov v25;
	v13 =	vor.u32 v55, v13;
	v24 =	vld [tilespmem:$0x1FE10]  }
0xf5: {  	v25 =	vmovc v63;
	v63 =	vor.u32 s4, v38;
	v13 =	vor.u32 v27, v13;
	v9 =	vld.idx.msk [tilespmem:v10+s15+$0x0], $0xffff;
	v10 =	vor.u32 v51, v46  }
0xf6: {  	v7 =	vor.u32 v18, v45;
	v11 =	vor.u32 v31, v47;
	v6 =	vor.u32 v6, v10;
	v10 =	vld.idx.msk [tilespmem:v14+s15+$0x0], $0xffff  }
0xf7: {  	v11 =	vor.u32 v63, v11;
	v6 =	vor.u32 v27, v6  }
0xf8: {  	v8 =	vmul.f32 $8.000000000e+00, v8;
	v11 =	vor.u32 v27, v11;
	_ =	sdelay $0x1  }
0xf9: {  	s31 =	simm.s32 $0xC;
	[tilespmem:v13+s20+$0x0] =	vst.idx.msk $0xffff, v8;
	v9 =	vmul.f32 $8.000000000e+00, v9  }
0xfa: {  	s9 =	sand.u32 $0x70, s31;
	v7 =	vld.idx.msk [tilespmem:v7+s15+$0x0], $0xffff;
	v12 =	vor.u32 v24, v44;
	v10 =	vmul.f32 $8.000000000e+00, v10  }
0xfb: {  	v54 =	vor.u32 s10, v29;
	v8 =	vmov s9;
	[tilespmem:v6+s20+$0x0] =	vst.idx.msk $0xffff, v9  }
0xfc: {  	v13 =	vor.u32 v30, v43;
	v14 =	vor.u32 v42, v48;
	v8 =	vshll.u32 v8, $0x7;
	[tilespmem:v11+s20+$0x0] =	vst.idx.msk $0xffff, v10  }
0xfd: {  	s7 =	simm.s32 $0x3;
	v13 =	vor.u32 v54, v13;
	v6 =	vor.u32 v50, v8;
	v8 =	vor.u32 v4, v45;
	v4 =	vld [tilespmem:$0x1FE20]  }
0xfe: {  	s11 =	sand.u32 $0x3, s7;
	v13 =	vor.u32 v27, v13  }
0xff: {  	s8 =	sshll.u32 s11, $0x4;
	v7 =	vmul.f32 $8.000000000e+00, v7;
	v9 =	vor.u32 v52, v46;
	v15 =	vld.idx.msk [tilespmem:v12+s15+$0x0], $0xffff  }
0x100: {  	v52 =	vor.u32 s8, v6;
	v1 =	vor.u32 v1, v9;
	v9 =	vor.u32 v25, v47  }
0x101: {  	v12 =	vor.u32 s4, v34;
	v6 =	vor.u32 v20, v52;
	v11 =	vor.u32 v27, v1  }
0x102: {  	s31 =	sshll.u32 s11, $0x1;
	v10 =	vld.idx.msk [tilespmem:v14+s15+$0x0], $0xffff;
	v1 =	vor.u32 v12, v9;
	v9 =	vor.u32 v4, v44  }
0x103: {  	v30 =	vmovc v26;
	v26 =	vmovc v50;
	v50 =	vor.u32 s10, v35;
	v14 =	vmov s31;
	[tilespmem:v13+s20+$0x0] =	vst.idx.msk $0xffff, v7;
	v13 =	vor.u32 v40, v48  }
0x104: {  	v7 =	vor.u32 v27, v1;
	v1 =	vor.u32 v21, v43;
	v15 =	vmul.f32 $8.000000000e+00, v15  }
0x105: {  	v34 =	vmovc v51;
	v51 =	vshll.u32 v14, $0xA;
	v14 =	vor.u32 v50, v1;
	v1 =	vor.u32 s9, v16;
	v8 =	vld.idx.msk [tilespmem:v8+s15+$0x0], $0xffff  }
0x106: {  	v16 =	vor.u32 v37, v51;
	v14 =	vor.u32 v27, v14;
	v6 =	vld.idx.msk [tilespmem:v6+s15+$0x0], $0xffff;
	[tilespmem:v11+s20+$0x0] =	vst.idx.msk $0xffff, v15  }
0x107: {  	v10 =	vmul.f32 $8.000000000e+00, v10;
	v11 =	vor.u32 v1, v16;
	v16 =	vor.u32 v19, v46;
	v9 =	vld.idx.msk [tilespmem:v9+s15+$0x0], $0xffff  }
0x108: {  	v11 =	vor.u32 v27, v11;
	v5 =	vor.u32 v5, v16  }
0x109: {  	[tilespmem:v7+s20+$0x0] =	vst.idx.msk $0xffff, v10;
	v5 =	vor.u32 v27, v5  }
0x10a: {  	v8 =	vmul.f32 $8.000000000e+00, v8;
	v4 =	vld [tilespmem:$0x1FE30]  }
0x10b: {  	v15 =	vor.u32 v36, v45;
	v36 =	vmov v62;
	v6 =	vmul.f32 $8.000000000e+00, v6  }
0x10c: {  	v10 =	vor.u32 v62, v47;
	v62 =	vor.u32 s4, v39;
	v13 =	vld.idx.msk [tilespmem:v13+s15+$0x0], $0xffff;
	[tilespmem:v14+s20+$0x0] =	vst.idx.msk $0xffff, v8;
	v9 =	vmul.f32 $8.000000000e+00, v9  }
0x10d: {  	v10 =	vor.u32 v62, v10;
	[tilespmem:v11+s20+$0x0] =	vst.idx.msk $0xffff, v6  }
0x10e: {  	v8 =	vor.u32 v27, v10;
	[tilespmem:v5+s20+$0x0] =	vst.idx.msk $0xffff, v9  }
0x10f: {  	v16 =	vor.u32 v4, v44;
	v4 =	vld [tilespmem:$0x1FEC0]  }
0x110: {  	v7 =	vor.u32 v59, v52  }
0x111: {  	v13 =	vmul.f32 $8.000000000e+00, v13  }
0x112: {  	v14 =	vor.u32 v30, v43;
	v10 =	vld.idx.msk [tilespmem:v15+s15+$0x0], $0xffff;
	v6 =	vor.u32 v17, v48  }
0x113: {  	v11 =	vor.u32 v3, v14;
	v3 =	vor.u32 s9, v22;
	v14 =	vor.u32 v23, v51;
	[tilespmem:v8+s20+$0x0] =	vst.idx.msk $0xffff, v13  }
0x114: {  	v5 =	vor.u32 v3, v14;
	v14 =	vor.u32 v4, v46;
	v4 =	vld [tilespmem:$0x1FE40]  }
0x115: {  	v7 =	vld.idx.msk [tilespmem:v7+s15+$0x0], $0xffff  }
0x116: {  	v11 =	vor.u32 v27, v11;
	v15 =	vld.idx.msk [tilespmem:v16+s15+$0x0], $0xffff;
	v5 =	vor.u32 v27, v5;
	v0 =	vor.u32 v0, v14  }
0x117: {  	v6 =	vld.idx.msk [tilespmem:v6+s15+$0x0], $0xffff;
	v14 =	vor.u32 v41, v47;
	v13 =	vor.u32 v27, v0;
	v0 =	vor.u32 s4, v28  }
0x118: {  	v14 =	vor.u32 v0, v14  }
0x119: {  	v19 =	vmovc v39;
	v39 =	vmovc v17;
	v10 =	vmul.f32 $8.000000000e+00, v10;
	v17 =	vor.u32 v4, v44;
	v4 =	vor.u32 v27, v14  }
0x11a: {  	v7 =	vmul.f32 $8.000000000e+00, v7  }
0x11b: {  	[tilespmem:v11+s20+$0x0] =	vst.idx.msk $0xffff, v10;
	v14 =	vmul.f32 $8.000000000e+00, v15  }
0x11c: {  	[tilespmem:v5+s20+$0x0] =	vst.idx.msk $0xffff, v7;
	v6 =	vmul.f32 $8.000000000e+00, v6  }
0x11d: {  	v9 =	vor.u32 v32, v45;
	[tilespmem:v13+s20+$0x0] =	vst.idx.msk $0xffff, v14  }
0x11e: {  	v8 =	vor.u32 v33, v52;
	v13 =	vld [tilespmem:$0x1FEB0];
	[tilespmem:v4+s20+$0x0] =	vst.idx.msk $0xffff, v6  }
0x11f: {  	v4 =	vld [tilespmem:$0x1FD70]  }
0x120: {  	s11 =	simm.s32 $0x10  }
0x121: {  	s10 =	sand.u32 $0x70, s11  }
0x122: {  	v5 =	vmov s10;
	v11 =	vld.idx.msk [tilespmem:v9+s15+$0x0], $0xffff;
	v9 =	vor.u32 v34, v43  }
0x123: {  	v7 =	vor.u32 v31, v51;
	v16 =	vld.idx.msk [tilespmem:v8+s15+$0x0], $0xffff;
	v9 =	vor.u32 v2, v9;
	v13 =	vor.u32 v13, v46  }
0x124: {  	v8 =	vor.u32 s9, v38;
	v10 =	vor.u32 v27, v9;
	v6 =	vor.u32 v4, v13;
	v4 =	vld.idx.msk [tilespmem:v17+s15+$0x0], $0xffff  }
0x125: {  	v7 =	vor.u32 v8, v7;
	v17 =	vshll.u32 v5, $0x7;
	v5 =	vld [tilespmem:$0x1FE50]  }
0x126: {  	v14 =	vor.u32 v27, v7;
	v7 =	vor.u32 v27, v6;
	v6 =	vld [tilespmem:$0x1FEA0]  }
0x127: {  	v11 =	vmul.f32 $8.000000000e+00, v11;
	_ =	sdelay $0x1  }
0x128: {  	[tilespmem:v10+s20+$0x0] =	vst.idx.msk $0xffff, v11  }
0x129: {  	v32 =	vmov v40;
	v10 =	vld [tilespmem:$0x1FEF0]  }
0x12a: {  	v40 =	vmovc v18;
	v18 =	vor.u32 v18, v48;
	v13 =	vor.u32 v6, v47;
	v6 =	vor.u32 v5, v44;
	v5 =	vld [tilespmem:$0x1FD80];
	_ =	sdelay $0x1  }
0x12b: {  	v9 =	vor.u32 v24, v45  }
0x12c: {  	v30 =	vmov v37;
	v37 =	vmov v59;
	v59 =	vor.u32 s4, v35  }
0x12d: {  	v35 =	vmovc v22;
	v22 =	vmovc v19;
	v2 =	vor.u32 s4, v29;
	v15 =	vor.u32 v42, v52;
	v16 =	vmul.f32 $8.000000000e+00, v16;
	v38 =	vld [tilespmem:$0x1FF90]  }
0x12e: {  	s30 =	simm.s32 $0x4;
	s16 =	simm.s32 $0x5;
	v11 =	vld.idx.msk [tilespmem:v18+s15+$0x0], $0xffff;
	v13 =	vor.u32 v2, v13;
	v10 =	vor.u32 v10, v43;
	v5 =	vor.u32 v5, v46  }
.LBB2_7:
0x12f: {  	_ = 	snop  }
0x130: {  	v9 =	vld.idx.msk [tilespmem:v9+s15+$0x0], $0xffff  }
0x131: {  	v4 =	vmul.f32 $8.000000000e+00, v4;
	[tilespmem:v14+s20+$0x0] =	vst.idx.msk $0xffff, v16;
	v16 =	vld [tilespmem:$0x1FDF0]  }
0x132: {  	s4 =	sand.u32 $0x3, s30;
	v18 =	vor.u32 v25, v51;
	v14 =	vor.u32 s9, v38;
	v15 =	vld.idx.msk [tilespmem:v15+s15+$0x0], $0xffff  }
0x133: {  	v17 =	vor.u32 v26, v17;
	s31 =	sshll.u32 s4, $0x4;
	[tilespmem:v7+s20+$0x0] =	vst.idx.msk $0xffff, v4;
	v7 =	vmul.f32 $8.000000000e+00, v11;
	v11 =	vor.u32 v14, v18;
	v18 =	vld [tilespmem:$0x1FE20]  }
0x134: {  	v13 =	vor.u32 v27, v13;
	v17 =	vor.u32 s31, v17  }
0x135: {  	v4 =	vor.u32 v20, v17  }
0x136: {  	v10 =	vor.u32 v57, v10;
	v16 =	vor.u32 v16, v48  }
0x137: {  	v19 =	vld [tilespmem:$0x1FE80];
	v10 =	vor.u32 v27, v10  }
0x138: {  	v6 =	vld.idx.msk [tilespmem:v6+s15+$0x0], $0xffff;
	v18 =	vor.u32 v18, v45  }
0x139: {  	v20 =	vld [tilespmem:$0x1FEE0];
	v11 =	vor.u32 v27, v11;
	[tilespmem:v13+s20+$0x0] =	vst.idx.msk $0xffff, v7  }
0x13a: {  	v9 =	vmul.f32 $8.000000000e+00, v9;
	v4 =	vld.idx.msk [tilespmem:v4+s15+$0x0], $0xffff  }
0x13b: {  	v13 =	vld.idx.msk [tilespmem:v16+s15+$0x0], $0xffff;
	v16 =	vor.u32 v21, v47  }
0x13c: {  	v24 =	vmov v21;
	v15 =	vmul.f32 $8.000000000e+00, v15;
	v21 =	vld [tilespmem:$0x1FDE0];
	[tilespmem:v10+s20+$0x0] =	vst.idx.msk $0xffff, v9;
	v16 =	vor.u32 v59, v16  }
0x13d: {  	v10 =	vor.u32 v27, v16;
	v16 =	vld.idx.msk [tilespmem:v18+s15+$0x0], $0xffff  }
0x13e: {  	[tilespmem:v11+s20+$0x0] =	vst.idx.msk $0xffff, v15;
	v15 =	vld [tilespmem:$0x1FED0]  }
0x13f: {  	v5 =	vor.u32 v53, v5;
	s4 =	sshll.u32 s4, $0x1  }
0x140: {  	v57 =	vmovc v63;
	v63 =	vmovc v8;
	v5 =	vor.u32 v27, v5;
	v8 =	vmov s4;
	v7 =	vor.u32 v32, v52  }
0x141: {  	v8 =	vshll.u32 v8, $0xA;
	v20 =	vor.u32 v20, v43  }
0x142: {  	v19 =	vor.u32 s10, v19;
	v9 =	vor.u32 v30, v8;
	v21 =	vor.u32 v21, v44;
	v44 =	vmovc v45;
	v45 =	vmovc v48  }
0x143: {  	v6 =	vmul.f32 $8.000000000e+00, v6;
	v9 =	vor.u32 v19, v9;
	v15 =	vor.u32 v15, v45  }
0x144: {  	v9 =	vor.u32 v27, v9;
	v18 =	vor.u32 v56, v20;
	v56 =	vmov v12;
	v12 =	vld [tilespmem:$0x1FE30]  }
0x145: {  	v7 =	vld.idx.msk [tilespmem:v7+s15+$0x0], $0xffff;
	[tilespmem:v5+s20+$0x0] =	vst.idx.msk $0xffff, v6;
	v6 =	vmul.f32 $8.000000000e+00, v13;
	_ =	sdelay $0x1  }
0x146: {  	v4 =	vmul.f32 $8.000000000e+00, v4;
	v13 =	vor.u32 v27, v18;
	v18 =	vld.idx.msk [tilespmem:v21+s15+$0x0], $0xffff;
	[tilespmem:v10+s20+$0x0] =	vst.idx.msk $0xffff, v6  }
0x147: {  	v10 =	vld.idx.msk [tilespmem:v15+s15+$0x0], $0xffff  }
0x148: {  	[tilespmem:v9+s20+$0x0] =	vst.idx.msk $0xffff, v4;
	v9 =	vld [tilespmem:$0x1FF10]  }
0x149: {  	v20 =	vor.u32 v12, v44;
	v12 =	vld [tilespmem:$0x1FDC0];
	_ =	sdelay $0x2  }
0x14a: {  	v53 =	vmovc v54;
	v54 =	vmovc v2;
	v2 =	vor.u32 v36, v51;
	v11 =	vor.u32 s9, v22;
	v5 =	vor.u32 v37, v17  }
0x14b: {  	v2 =	vor.u32 v11, v2;
	v9 =	vor.u32 v9, v47  }
0x14c: {  	v2 =	vor.u32 v27, v2;
	v21 =	vor.u32 v12, v46;
	v9 =	vor.u32 v61, v9;
	v61 =	vmovc v1;
	v1 =	vld [tilespmem:$0x1FE00]  }
0x14d: {  	v12 =	vmov v14;
	v14 =	vmul.f32 $8.000000000e+00, v16;
	v6 =	vor.u32 v49, v21  }
0x14e: {  	v48 =	vmov v52;
	v6 =	vor.u32 v27, v6  }
0x14f: {  	v7 =	vmul.f32 $8.000000000e+00, v7;
	v4 =	vor.u32 v39, v48;
	v5 =	vld.idx.msk [tilespmem:v5+s15+$0x0], $0xffff;
	[tilespmem:v13+s20+$0x0] =	vst.idx.msk $0xffff, v14  }
0x150: {  	v52 =	vmovc v17;
	v16 =	vor.u32 s10, v35;
	v13 =	vor.u32 v23, v8;
	v14 =	vld.idx.msk [tilespmem:v20+s15+$0x0], $0xffff;
	v9 =	vor.u32 v27, v9  }
0x151: {  	v17 =	vmul.f32 $8.000000000e+00, v18;
	v13 =	vor.u32 v16, v13;
	[tilespmem:v2+s20+$0x0] =	vst.idx.msk $0xffff, v7;
	v2 =	vor.u32 v1, v45  }
0x152: {  	v7 =	vor.u32 v27, v13  }
0x153: {  	v10 =	vmul.f32 $8.000000000e+00, v10;
	[tilespmem:v6+s20+$0x0] =	vst.idx.msk $0xffff, v17;
	v6 =	vor.u32 v33, v52  }
0x154: {  	v15 =	vld [tilespmem:$0x1FEC0]  }
0x155: {  	v5 =	vmul.f32 $8.000000000e+00, v5;
	v4 =	vld.idx.msk [tilespmem:v4+s15+$0x0], $0xffff;
	[tilespmem:v9+s20+$0x0] =	vst.idx.msk $0xffff, v10  }
0x156: {  	v1 =	vmov v19;
	v19 =	vld.idx.msk [tilespmem:v2+s15+$0x0], $0xffff  }
0x157: {  	v2 =	vld [tilespmem:$0x1FE60];
	[tilespmem:v7+s20+$0x0] =	vst.idx.msk $0xffff, v5  }
0x158: {  	v20 =	vld.idx.msk [tilespmem:v6+s15+$0x0], $0xffff  }
0x159: {  	v6 =	vld [tilespmem:$0x1FE70]  }
0x15a: {  	v15 =	vor.u32 v15, v43  }
0x15b: {  	v18 =	vor.u32 s9, v28;
	v13 =	vor.u32 v58, v15;
	v15 =	vor.u32 v41, v51  }
0x15c: {  	v46 =	vmovc v43;
	v43 =	vmovc v47;
	v47 =	vmov v51;
	v51 =	vmov v8;
	v8 =	vor.u32 v18, v15  }
0x15d: {  	v49 =	vmovc v50;
	v50 =	vmovc v59;
	v7 =	vor.u32 v34, v43;
	v59 =	vor.u32 s9, v2;
	v2 =	vor.u32 s9, v29;
	s9 =	smov.u32 s10  }
0x15e: {  	v10 =	vor.u32 v27, v8;
	v8 =	vor.u32 s9, v6;
	v6 =	vor.u32 v60, v7;
	v60 =	vmovc v3;
	v3 =	vld [tilespmem:$0x1FE90];
	_ =	sdelay $0x4  }
0x15f: {  	v7 =	vor.u32 v3, v51  }
0x160: {  	v13 =	vor.u32 v27, v13;
	v21 =	vor.u32 v27, v6;
	v6 =	vor.u32 v8, v7;
	v7 =	vld [tilespmem:$0x1FE10];
	_ =	sdelay $0x2  }
0x161: {  	v9 =	vmul.f32 $8.000000000e+00, v14  }
0x162: {  	v17 =	vld [tilespmem:$0x1FE40]  }
0x163: {  	[tilespmem:v13+s20+$0x0] =	vst.idx.msk $0xffff, v9;
	v9 =	vor.u32 v7, v45;
	v7 =	vld [tilespmem:$0x1FEB0];
	_ =	sdelay $0x4  }
0x164: {  	v17 =	vor.u32 v17, v44;
	v7 =	vor.u32 v7, v46  }
0x165: {  	v14 =	vor.u32 v27, v6;
	v6 =	vor.u32 v55, v7;
	v55 =	vmov v0;
	v0 =	vld [tilespmem:$0x1FEA0];
	_ =	sdelay $0x2  }
0x166: {  	v5 =	vor.u32 v40, v48;
	v13 =	vmul.f32 $8.000000000e+00, v4  }
0x167: {  	v4 =	vld.idx.msk [tilespmem:v17+s15+$0x0], $0xffff  }
0x168: {  	s11 =	sadd.s32 $0x4, s11;
	[tilespmem:v10+s20+$0x0] =	vst.idx.msk $0xffff, v13;
	v13 =	vor.u32 v0, v47;
	v0 =	vld [tilespmem:$0x1FE50]  }
0x169: {  	s10 =	sand.u32 $0x70, s11  }
0x16a: {  	v58 =	vmovc v62;
	v62 =	vmov v11;
	v10 =	vmul.f32 $8.000000000e+00, v19;
	v11 =	vmov s10  }
0x16b: {  	v17 =	vshll.u32 v11, $0x7;
	v11 =	vld.idx.msk [tilespmem:v5+s15+$0x0], $0xffff  }
0x16c: {  	[tilespmem:v21+s20+$0x0] =	vst.idx.msk $0xffff, v10;
	v10 =	vld [tilespmem:$0x1FEF0]  }
0x16d: {  	p0 =	sne.s32 s16, $0x1F;
	v7 =	vor.u32 v27, v6;
	v6 =	vor.u32 v0, v44;
	v0 =	vld [tilespmem:$0x1FD80]  }
.Ltmp2:
0x16e: {  	_ = 	snop;
	(pc) =	sbr.rel @p0 .LBB2_7-.Ltmp2, $3  }
0x16f: {  	_ =	sdelay $0x1  }
0x170: {  	v15 =	vor.u32 v42, v52;
	v3 =	vmovc v16;
	v16 =	vmul.f32 $8.000000000e+00, v20;
	v20 =	vlaneseq.u32;
	v21 =	vmovc v24  }
0x171: {  	s30 =	smov.u32 s16;
	s16 =	sadd.s32 $0x1, s16;
	v10 =	vor.u32 v10, v43;
	v13 =	vor.u32 v2, v13;
	v5 =	vor.u32 v0, v46;
	v0 =	vmovc v18  }
0x172: {  	s4 =	sand.u32 $0x3, s30  }
0x173: {  	s11 =	sshll.u32 s4, $0x4;
	s4 =	sshll.u32 s4, $0x1  }
0x174: {  	v18 =	vmov s4  }
0x175: {  	v17 =	vor.u32 v26, v17;
	v31 =	vshll.u32 v18, $0xA;
	v18 =	vld [tilespmem:$0x1FE80]  }
0x176: {  	v17 =	vor.u32 s11, v17  }
0x177: {  	v19 =	vor.u32 v20, v17;
	_ =	sdelay $0x1  }
0x178: {  	[tilespmem:$0x1FC30] =	vst v17  }
0x179: {  	[tilespmem:$0x1FC10] =	vst v31;
	v20 =	vor.u32 s10, v18  }
0x17a: {  	[tilespmem:$0x1FC20] =	vst v20  }
0x17b: {  	v18 =	vld.idx.msk [tilespmem:v19+s15+$0x0], $0xffff;
	_ =	sdelay $0x4  }
0x17c: {  	v19 =	vor.u32 v30, v31;
	[tilespmem:$0x1FAE0] =	vst v18  }
0x17d: {  	v19 =	vor.u32 v20, v19;
	v20 =	vor.u32 v37, v17;
	v17 =	vld [tilespmem:$0x1FAE0];
	_ =	sdelay $0x1  }
0x17e: {  	v19 =	vor.u32 v27, v19;
	_ =	sdelay $0x2  }
0x17f: {  	v17 =	vmul.f32 $8.000000000e+00, v17;
	_ =	sdelay $0x1  }
0x180: {  	[tilespmem:v19+s20+$0x0] =	vst.idx.msk $0xffff, v17  }
0x181: {  	v19 =	vor.u32 v23, v31;
	v17 =	vld.idx.msk [tilespmem:v20+s15+$0x0], $0xffff;
	v20 =	vor.u32 s10, v35  }
0x182: {  	[tilespmem:$0x1FC40] =	vst v20;
	v19 =	vor.u32 v20, v19;
	v20 =	vld [tilespmem:$0x1FC30];
	_ =	sdelay $0x2  }
0x183: {  	v19 =	vor.u32 v27, v19;
	_ =	sdelay $0x1  }
0x184: {  	v20 =	vor.u32 v33, v20  }
0x185: {  	v17 =	vmul.f32 $8.000000000e+00, v17;
	_ =	sdelay $0x1  }
0x186: {  	[tilespmem:v19+s20+$0x0] =	vst.idx.msk $0xffff, v17  }
0x187: {  	v18 =	vld [tilespmem:$0x1FE70]  }
0x188: {  	v17 =	vld.idx.msk [tilespmem:v20+s15+$0x0], $0xffff;
	_ =	sdelay $0x3  }
0x189: {  	v20 =	vor.u32 s10, v18;
	v18 =	vld [tilespmem:$0x1FE90]  }
0x18a: {  	[tilespmem:$0x1FAF0] =	vst v17;
	v17 =	vld [tilespmem:$0x1FC30];
	_ =	sdelay $0x4  }
0x18b: {  	[tilespmem:$0x1FC50] =	vst v20;
	v19 =	vor.u32 v18, v31;
	v18 =	vor.u32 v42, v17  }
0x18c: {  	[tilespmem:$0x1FB00] =	vst v18  }
0x18d: {  	[tilespmem:v14+s20+$0x0] =	vst.idx.msk $0xffff, v16  }
0x18e: {  	v19 =	vor.u32 v20, v19;
	v20 =	vld [tilespmem:$0x1FAF0];
	_ =	sdelay $0x1  }
0x18f: {  	v19 =	vor.u32 v27, v19;
	_ =	sdelay $0x2  }
0x190: {  	v18 =	vor.u32 s9, v38;
	v20 =	vmul.f32 $8.000000000e+00, v20  }
0x191: {  	[tilespmem:$0x1FC60] =	vst v18  }
0x192: {  	[tilespmem:v19+s20+$0x0] =	vst.idx.msk $0xffff, v20  }
0x193: {  	v20 =	vld [tilespmem:$0x1FB00];
	_ =	sdelay $0x4  }
0x194: {  	v15 =	vld.idx.msk [tilespmem:v15+s15+$0x0], $0xffff;
	v19 =	vor.u32 v32, v52  }
0x195: {  	v16 =	vor.u32 s10, v38;
	[tilespmem:$0x1FB10] =	vst v19;
	v19 =	vld [tilespmem:$0x1FC10]  }
0x196: {  	[tilespmem:$0x1FC70] =	vst v16  }
0x197: {  	v14 =	vor.u32 v25, v51;
	v20 =	vld.idx.msk [tilespmem:v20+s15+$0x0], $0xffff  }
0x198: {  	v14 =	vor.u32 v18, v14  }
0x199: {  	v14 =	vor.u32 v27, v14  }
0x19a: {  	v31 =	vor.u32 v25, v19  }
0x19b: {  	v16 =	vor.u32 v16, v31  }
0x19c: {  	v15 =	vmul.f32 $8.000000000e+00, v15;
	[tilespmem:$0x1FB20] =	vst v20;
	v20 =	vor.u32 v27, v16;
	v16 =	vor.u32 v32, v17  }
0x19d: {  	[tilespmem:$0x1FB30] =	vst v16  }
0x19e: {  	[tilespmem:v14+s20+$0x0] =	vst.idx.msk $0xffff, v15  }
0x19f: {  	v16 =	vld [tilespmem:$0x1FB10];
	_ =	sdelay $0x5  }
0x1a0: {  	v18 =	vor.u32 s9, v22  }
0x1a1: {  	[tilespmem:$0x1FC80] =	vst v18  }
0x1a2: {  	v16 =	vld.idx.msk [tilespmem:v16+s15+$0x0], $0xffff;
	_ =	sdelay $0x4  }
0x1a3: {  	[tilespmem:$0x1FB40] =	vst v16;
	v16 =	vld [tilespmem:$0x1FB20];
	_ =	sdelay $0x2  }
0x1a4: {  	v14 =	vor.u32 v36, v51  }
0x1a5: {  	v14 =	vor.u32 v18, v14  }
0x1a6: {  	v14 =	vor.u32 v27, v14;
	v16 =	vmul.f32 $8.000000000e+00, v16  }
0x1a7: {  	[tilespmem:$0x1FB50] =	vst v14  }
0x1a8: {  	[tilespmem:v20+s20+$0x0] =	vst.idx.msk $0xffff, v16  }
0x1a9: {  	v16 =	vld [tilespmem:$0x1FB30];
	_ =	sdelay $0x5  }
0x1aa: {  	v15 =	vor.u32 s10, v22  }
0x1ab: {  	[tilespmem:$0x1FC90] =	vst v15  }
0x1ac: {  	v17 =	vor.u32 v36, v19;
	v20 =	vmov v19;
	v19 =	vld.idx.msk [tilespmem:v16+s15+$0x0], $0xffff  }
0x1ad: {  	v16 =	vld [tilespmem:$0x1FC30];
	_ =	sdelay $0x4  }
0x1ae: {  	v18 =	vor.u32 v39, v16  }
0x1af: {  	[tilespmem:$0x1FB60] =	vst v18;
	v18 =	vld [tilespmem:$0x1FB50]  }
0x1b0: {  	v17 =	vor.u32 v15, v17;
	v15 =	vld [tilespmem:$0x1FB40];
	_ =	sdelay $0x2  }
0x1b1: {  	v14 =	vor.u32 v39, v52;
	_ =	sdelay $0x1  }
0x1b2: {  	v15 =	vmul.f32 $8.000000000e+00, v15;
	_ =	sdelay $0x1  }
0x1b3: {  	[tilespmem:v18+s20+$0x0] =	vst.idx.msk $0xffff, v15  }
0x1b4: {  	v14 =	vld.idx.msk [tilespmem:v14+s15+$0x0], $0xffff  }
0x1b5: {  	v17 =	vor.u32 v27, v17;
	_ =	sdelay $0x1  }
0x1b6: {  	v18 =	vor.u32 s9, v28  }
0x1b7: {  	v19 =	vmul.f32 $8.000000000e+00, v19;
	[tilespmem:$0x1FCA0] =	vst v18  }
0x1b8: {  	[tilespmem:$0x1FB70] =	vst v14  }
0x1b9: {  	[tilespmem:v17+s20+$0x0] =	vst.idx.msk $0xffff, v19  }
0x1ba: {  	v19 =	vld [tilespmem:$0x1FB60];
	_ =	sdelay $0x7  }
0x1bb: {  	v19 =	vld.idx.msk [tilespmem:v19+s15+$0x0], $0xffff;
	_ =	sdelay $0x4  }
0x1bc: {  	v14 =	vor.u32 s10, v28;
	[tilespmem:$0x1FB80] =	vst v19;
	v19 =	vor.u32 v41, v20  }
0x1bd: {  	v15 =	vor.u32 v41, v51;
	[tilespmem:$0x1FCB0] =	vst v14;
	v19 =	vor.u32 v14, v19;
	v14 =	vld [tilespmem:$0x1FB70]  }
0x1be: {  	v15 =	vor.u32 v18, v15  }
0x1bf: {  	v15 =	vor.u32 v27, v15;
	_ =	sdelay $0x1  }
0x1c0: {  	v17 =	vor.u32 v40, v52  }
0x1c1: {  	v14 =	vmul.f32 $8.000000000e+00, v14;
	_ =	sdelay $0x1  }
0x1c2: {  	v31 =	vor.u32 s9, v29;
	[tilespmem:v15+s20+$0x0] =	vst.idx.msk $0xffff, v14  }
0x1c3: {  	v18 =	vor.u32 v40, v16;
	[tilespmem:$0x1FCC0] =	vst v31;
	v16 =	vld [tilespmem:$0x1FEA0]  }
0x1c4: {  	v15 =	vld.idx.msk [tilespmem:v17+s15+$0x0], $0xffff;
	_ =	sdelay $0x4  }
0x1c5: {  	[tilespmem:$0x1FB90] =	vst v15;
	v15 =	vor.u32 v16, v51  }
0x1c6: {  	v15 =	vor.u32 v31, v15;
	v31 =	vld [tilespmem:$0x1FDF0]  }
0x1c7: {  	v17 =	vld [tilespmem:$0x1FB80];
	_ =	sdelay $0x1  }
0x1c8: {  	v19 =	vor.u32 v27, v19  }
0x1c9: {  	v13 =	vor.u32 v27, v13  }
0x1ca: {  	[tilespmem:$0x1FBA0] =	vst v13;
	v13 =	vor.u32 v31, v48  }
0x1cb: {  	v17 =	vmul.f32 $8.000000000e+00, v17;
	[tilespmem:$0x1FBB0] =	vst v13;
	v13 =	vor.u32 v31, v52;
	_ =	sdelay $0x1  }
0x1cc: {  	[tilespmem:v19+s20+$0x0] =	vst.idx.msk $0xffff, v17  }
0x1cd: {  	[tilespmem:$0x1FBC0] =	vst v13;
	v13 =	vmov v20;
	v20 =	vor.u32 v16, v20;
	v16 =	vld [tilespmem:$0x1FBA0];
	_ =	sdelay $0x5  }
0x1ce: {  	v11 =	vmul.f32 $8.000000000e+00, v11;
	v14 =	vor.u32 s10, v29  }
0x1cf: {  	[tilespmem:$0x1FCD0] =	vst v14  }
0x1d0: {  	v20 =	vor.u32 v14, v20;
	v14 =	vld [tilespmem:$0x1FB90];
	[tilespmem:v16+s20+$0x0] =	vst.idx.msk $0xffff, v11  }
0x1d1: {  	v11 =	vld [tilespmem:$0x1FC30];
	_ =	sdelay $0x4  }
0x1d2: {  	v19 =	vld.idx.msk [tilespmem:v18+s15+$0x0], $0xffff;
	v17 =	vor.u32 v31, v11  }
0x1d3: {  	[tilespmem:$0x1FBD0] =	vst v17;
	v17 =	vld [tilespmem:$0x1FBB0];
	_ =	sdelay $0x7  }
0x1d4: {  	v17 =	vld.idx.msk [tilespmem:v17+s15+$0x0], $0xffff  }
0x1d5: {  	v15 =	vor.u32 v27, v15;
	_ =	sdelay $0x2  }
0x1d6: {  	v14 =	vmul.f32 $8.000000000e+00, v14  }
0x1d7: {  	[tilespmem:$0x1FBE0] =	vst v17  }
0x1d8: {  	[tilespmem:v15+s20+$0x0] =	vst.idx.msk $0xffff, v14  }
0x1d9: {  	v18 =	vld [tilespmem:$0x1FE60];
	_ =	sdelay $0x3  }
0x1da: {  	v14 =	vld [tilespmem:$0x1FBC0]  }
0x1db: {  	v15 =	vor.u32 v21, v51;
	v31 =	vor.u32 s9, v18  }
0x1dc: {  	[tilespmem:$0x1FCE0] =	vst v31;
	v15 =	vor.u32 v31, v15;
	v31 =	vld [tilespmem:$0x1FED0];
	_ =	sdelay $0x1  }
0x1dd: {  	v20 =	vor.u32 v27, v20  }
0x1de: {  	v16 =	vor.u32 v21, v47  }
0x1df: {  	v17 =	vor.u32 v59, v16  }
0x1e0: {  	v16 =	vmul.f32 $8.000000000e+00, v19;
	v19 =	vor.u32 v27, v17;
	v17 =	vor.u32 v31, v48  }
0x1e1: {  	v14 =	vld.idx.msk [tilespmem:v14+s15+$0x0], $0xffff;
	[tilespmem:$0x1FBF0] =	vst v17  }
0x1e2: {  	[tilespmem:v20+s20+$0x0] =	vst.idx.msk $0xffff, v16  }
0x1e3: {  	v17 =	vld [tilespmem:$0x1FBD0];
	_ =	sdelay $0x5  }
0x1e4: {  	v18 =	vor.u32 s10, v18  }
0x1e5: {  	v20 =	vor.u32 v21, v13;
	[tilespmem:$0x1FCF0] =	vst v18;
	v13 =	vld [tilespmem:$0x1FBE0]  }
0x1e6: {  	v17 =	vld.idx.msk [tilespmem:v17+s15+$0x0], $0xffff  }
0x1e7: {  	v15 =	vor.u32 v27, v15;
	_ =	sdelay $0x2  }
0x1e8: {  	v14 =	vmul.f32 $8.000000000e+00, v14  }
0x1e9: {  	[tilespmem:$0x1FC00] =	vst v17;
	v17 =	vmul.f32 $8.000000000e+00, v13  }
0x1ea: {  	[tilespmem:v15+s20+$0x0] =	vst.idx.msk $0xffff, v14  }
0x1eb: {  	[tilespmem:v19+s20+$0x0] =	vst.idx.msk $0xffff, v17  }
0x1ec: {  	v19 =	vor.u32 v31, v11;
	v11 =	vld [tilespmem:$0x1FBF0];
	_ =	sdelay $0x7  }
0x1ed: {  	v14 =	vld.idx.msk [tilespmem:v11+s15+$0x0], $0xffff  }
0x1ee: {  	v11 =	vld [tilespmem:$0x1FC00]  }
0x1ef: {  	v20 =	vor.u32 v18, v20  }
0x1f0: {  	v20 =	vor.u32 v27, v20;
	v18 =	vld [tilespmem:$0x1FF10];
	_ =	sdelay $0x2  }
0x1f1: {  	v13 =	vmul.f32 $8.000000000e+00, v11;
	_ =	sdelay $0x1  }
0x1f2: {  	v16 =	vor.u32 v31, v52;
	v31 =	vld [tilespmem:$0x1FE00];
	v15 =	vor.u32 v18, v47;
	[tilespmem:v20+s20+$0x0] =	vst.idx.msk $0xffff, v13  }
0x1f3: {  	v15 =	vor.u32 v61, v15;
	v61 =	vld [tilespmem:$0x1FC10];
	_ =	sdelay $0x3  }
0x1f4: {  	v11 =	vld.idx.msk [tilespmem:v19+s15+$0x0], $0xffff  }
0x1f5: {  	v17 =	vor.u32 v18, v51;
	v15 =	vor.u32 v27, v15;
	v19 =	vor.u32 v18, v61;
	v18 =	vld [tilespmem:$0x1FC20]  }
0x1f6: {  	v16 =	vld.idx.msk [tilespmem:v16+s15+$0x0], $0xffff  }
0x1f7: {  	v1 =	vor.u32 v1, v17  }
0x1f8: {  	v17 =	vor.u32 v31, v48;
	v1 =	vor.u32 v27, v1;
	v14 =	vmul.f32 $8.000000000e+00, v14  }
0x1f9: {  	v13 =	vor.u32 v31, v52  }
0x1fa: {  	[tilespmem:v15+s20+$0x0] =	vst.idx.msk $0xffff, v14;
	v18 =	vor.u32 v18, v19  }
0x1fb: {  	v16 =	vmul.f32 $8.000000000e+00, v16;
	v20 =	vld [tilespmem:$0x1FC30];
	v18 =	vor.u32 v27, v18;
	_ =	sdelay $0x1  }
0x1fc: {  	v15 =	vor.u32 v34, v47;
	[tilespmem:v1+s20+$0x0] =	vst.idx.msk $0xffff, v16;
	v1 =	vld.idx.msk [tilespmem:v17+s15+$0x0], $0xffff  }
0x1fd: {  	v11 =	vmul.f32 $8.000000000e+00, v11;
	v15 =	vor.u32 v60, v15;
	v13 =	vld.idx.msk [tilespmem:v13+s15+$0x0], $0xffff  }
0x1fe: {  	v16 =	vor.u32 v34, v51;
	v15 =	vor.u32 v27, v15;
	v17 =	vld [tilespmem:$0x1FE10]  }
0x1ff: {  	v3 =	vor.u32 v3, v16;
	v14 =	vor.u32 v31, v20;
	[tilespmem:v18+s20+$0x0] =	vst.idx.msk $0xffff, v11  }
0x200: {  	v3 =	vor.u32 v27, v3;
	v19 =	vld [tilespmem:$0x1FC40];
	_ =	sdelay $0x1  }
0x201: {  	v1 =	vmul.f32 $8.000000000e+00, v1  }
0x202: {  	v16 =	vor.u32 v17, v48;
	v13 =	vmul.f32 $8.000000000e+00, v13;
	v11 =	vor.u32 v17, v52  }
0x203: {  	v18 =	vmov v17;
	v17 =	vor.u32 v34, v61;
	v14 =	vld.idx.msk [tilespmem:v14+s15+$0x0], $0xffff;
	[tilespmem:v15+s20+$0x0] =	vst.idx.msk $0xffff, v1  }
0x204: {  	v1 =	vld.idx.msk [tilespmem:v9+s15+$0x0], $0xffff;
	[tilespmem:v3+s20+$0x0] =	vst.idx.msk $0xffff, v13;
	v17 =	vor.u32 v19, v17  }
0x205: {  	v9 =	vor.u32 v57, v10;
	v10 =	vor.u32 v18, v20;
	v18 =	vld [tilespmem:$0x1FEF0];
	v17 =	vor.u32 v27, v17;
	_ =	sdelay $0x2  }
0x206: {  	v14 =	vmul.f32 $8.000000000e+00, v14;
	v19 =	vld [tilespmem:$0x1FE20]  }
0x207: {  	v13 =	vld.idx.msk [tilespmem:v16+s15+$0x0], $0xffff  }
0x208: {  	v3 =	vor.u32 v27, v9;
	v11 =	vld.idx.msk [tilespmem:v11+s15+$0x0], $0xffff;
	v9 =	vor.u32 v18, v47;
	[tilespmem:v17+s20+$0x0] =	vst.idx.msk $0xffff, v14  }
0x209: {  	v15 =	vor.u32 v18, v51;
	v9 =	vor.u32 v63, v9;
	v17 =	vld [tilespmem:$0x1FC50]  }
0x20a: {  	v8 =	vor.u32 v8, v15;
	v9 =	vor.u32 v27, v9  }
0x20b: {  	v8 =	vor.u32 v27, v8;
	v15 =	vor.u32 v19, v45  }
0x20c: {  	v1 =	vmul.f32 $8.000000000e+00, v1  }
0x20d: {  	v16 =	vor.u32 v18, v61;
	v13 =	vmul.f32 $8.000000000e+00, v13;
	v10 =	vld.idx.msk [tilespmem:v10+s15+$0x0], $0xffff  }
0x20e: {  	[tilespmem:v3+s20+$0x0] =	vst.idx.msk $0xffff, v1;
	v3 =	vmul.f32 $8.000000000e+00, v11;
	v16 =	vor.u32 v17, v16  }
0x20f: {  	[tilespmem:v9+s20+$0x0] =	vst.idx.msk $0xffff, v13;
	v11 =	vor.u32 v27, v16  }
0x210: {  	[tilespmem:v8+s20+$0x0] =	vst.idx.msk $0xffff, v3;
	v9 =	vld.idx.msk [tilespmem:v15+s15+$0x0], $0xffff  }
0x211: {  	v15 =	vld [tilespmem:$0x1FEE0]  }
0x212: {  	v10 =	vmul.f32 $8.000000000e+00, v10  }
0x213: {  	v14 =	vor.u32 v19, v48  }
0x214: {  	v1 =	vor.u32 v19, v52;
	v17 =	vld [tilespmem:$0x1FE30];
	[tilespmem:v11+s20+$0x0] =	vst.idx.msk $0xffff, v10  }
0x215: {  	v11 =	vld [tilespmem:$0x1FC60]  }
0x216: {  	v13 =	vor.u32 v19, v20;
	v3 =	vor.u32 v53, v5;
	v5 =	vor.u32 v15, v43  }
0x217: {  	v5 =	vor.u32 v56, v5;
	v16 =	vld [tilespmem:$0x1FC70]  }
0x218: {  	v14 =	vld.idx.msk [tilespmem:v14+s15+$0x0], $0xffff;
	v8 =	vor.u32 v15, v47;
	v5 =	vor.u32 v27, v5  }
0x219: {  	v1 =	vld.idx.msk [tilespmem:v1+s15+$0x0], $0xffff;
	v9 =	vmul.f32 $8.000000000e+00, v9;
	v8 =	vor.u32 v12, v8;
	v10 =	vor.u32 v15, v51  }
0x21a: {  	v12 =	vor.u32 v17, v45;
	v8 =	vor.u32 v27, v8;
	v10 =	vor.u32 v11, v10  }
0x21b: {  	v13 =	vld.idx.msk [tilespmem:v13+s15+$0x0], $0xffff;
	v11 =	vor.u32 v15, v61;
	v15 =	vor.u32 v17, v48;
	v10 =	vor.u32 v27, v10  }
0x21c: {  	v11 =	vor.u32 v16, v11  }
0x21d: {  	v14 =	vmul.f32 $8.000000000e+00, v14;
	[tilespmem:v5+s20+$0x0] =	vst.idx.msk $0xffff, v9;
	v16 =	vor.u32 v17, v52;
	v11 =	vor.u32 v27, v11  }
0x21e: {  	v1 =	vmul.f32 $8.000000000e+00, v1;
	v18 =	vld [tilespmem:$0x1FEC0]  }
0x21f: {  	[tilespmem:v8+s20+$0x0] =	vst.idx.msk $0xffff, v14;
	v8 =	vld.idx.msk [tilespmem:v12+s15+$0x0], $0xffff  }
0x220: {  	v12 =	vmul.f32 $8.000000000e+00, v13;
	v13 =	vld.idx.msk [tilespmem:v15+s15+$0x0], $0xffff;
	[tilespmem:v10+s20+$0x0] =	vst.idx.msk $0xffff, v1  }
0x221: {  	v9 =	vor.u32 v17, v20;
	v17 =	vld [tilespmem:$0x1FE40]  }
0x222: {  	v15 =	vld.idx.msk [tilespmem:v16+s15+$0x0], $0xffff;
	[tilespmem:v11+s20+$0x0] =	vst.idx.msk $0xffff, v12  }
0x223: {  	v11 =	vld [tilespmem:$0x1FC80]  }
0x224: {  	v16 =	vld [tilespmem:$0x1FC90]  }
0x225: {  	v5 =	vor.u32 v18, v43  }
0x226: {  	v4 =	vmul.f32 $8.000000000e+00, v4;
	v5 =	vor.u32 v58, v5;
	v10 =	vor.u32 v18, v47  }
0x227: {  	v14 =	vor.u32 v18, v51;
	v5 =	vor.u32 v27, v5;
	v10 =	vor.u32 v62, v10  }
0x228: {  	v12 =	vor.u32 v18, v61;
	v10 =	vor.u32 v27, v10;
	v9 =	vld.idx.msk [tilespmem:v9+s15+$0x0], $0xffff;
	v11 =	vor.u32 v11, v14  }
0x229: {  	v12 =	vor.u32 v16, v12;
	v11 =	vor.u32 v27, v11  }
0x22a: {  	[tilespmem:v7+s20+$0x0] =	vst.idx.msk $0xffff, v4;
	v4 =	vmul.f32 $8.000000000e+00, v8;
	v8 =	vor.u32 v27, v12  }
0x22b: {  	v18 =	vld [tilespmem:$0x1FEB0];
	v13 =	vmul.f32 $8.000000000e+00, v13  }
0x22c: {  	v62 =	vld [tilespmem:$0x1FDE0];
	[tilespmem:v5+s20+$0x0] =	vst.idx.msk $0xffff, v4;
	v5 =	vmul.f32 $8.000000000e+00, v15  }
0x22d: {  	v1 =	vor.u32 v17, v45;
	[tilespmem:v10+s20+$0x0] =	vst.idx.msk $0xffff, v13;
	v9 =	vmul.f32 $8.000000000e+00, v9  }
0x22e: {  	v14 =	vor.u32 v17, v48;
	v15 =	vld [tilespmem:$0x1FE50];
	[tilespmem:v11+s20+$0x0] =	vst.idx.msk $0xffff, v5  }
0x22f: {  	v6 =	vld.idx.msk [tilespmem:v6+s15+$0x0], $0xffff;
	v7 =	vor.u32 v17, v52;
	[tilespmem:v8+s20+$0x0] =	vst.idx.msk $0xffff, v9  }
0x230: {  	v16 =	vor.u32 v17, v20;
	v13 =	vor.u32 v18, v47;
	v8 =	vld [tilespmem:$0x1FCA0]  }
0x231: {  	v0 =	vor.u32 v0, v13;
	v13 =	vld [tilespmem:$0x1FCB0]  }
0x232: {  	v12 =	vor.u32 v18, v43;
	v1 =	vld.idx.msk [tilespmem:v1+s15+$0x0], $0xffff  }
0x233: {  	v4 =	vor.u32 v55, v12;
	v12 =	vld.idx.msk [tilespmem:v14+s15+$0x0], $0xffff  }
0x234: {  	v4 =	vor.u32 v27, v4;
	v5 =	vld.idx.msk [tilespmem:v7+s15+$0x0], $0xffff;
	v7 =	vor.u32 v18, v51  }
0x235: {  	v0 =	vor.u32 v27, v0;
	v9 =	vor.u32 v18, v61;
	v7 =	vor.u32 v8, v7;
	v8 =	vld.idx.msk [tilespmem:v16+s15+$0x0], $0xffff  }
0x236: {  	v10 =	vor.u32 v15, v45;
	v18 =	vld [tilespmem:$0x1FD80];
	v9 =	vor.u32 v13, v9;
	v7 =	vor.u32 v27, v7  }
0x237: {  	v1 =	vmul.f32 $8.000000000e+00, v1;
	v9 =	vor.u32 v27, v9  }
0x238: {  	v12 =	vmul.f32 $8.000000000e+00, v12  }
0x239: {  	v63 =	vld [tilespmem:$0x1FDC0];
	[tilespmem:v4+s20+$0x0] =	vst.idx.msk $0xffff, v1;
	v4 =	vmul.f32 $8.000000000e+00, v5  }
0x23a: {  	v11 =	vor.u32 v15, v48;
	[tilespmem:v0+s20+$0x0] =	vst.idx.msk $0xffff, v12;
	v0 =	vmul.f32 $8.000000000e+00, v8  }
0x23b: {  	v5 =	vmul.f32 $8.000000000e+00, v6;
	v6 =	vld.idx.msk [tilespmem:v10+s15+$0x0], $0xffff;
	v10 =	vor.u32 v18, v47;
	[tilespmem:v7+s20+$0x0] =	vst.idx.msk $0xffff, v4  }
0x23c: {  	v13 =	vor.u32 v15, v52;
	v2 =	vor.u32 v2, v10;
	[tilespmem:v9+s20+$0x0] =	vst.idx.msk $0xffff, v0  }
0x23d: {  	v15 =	vor.u32 v15, v20;
	v0 =	vor.u32 v27, v2;
	v2 =	vld [tilespmem:$0x1FCC0]  }
0x23e: {  	v12 =	vld [tilespmem:$0x1FCD0]  }
0x23f: {  	v3 =	vor.u32 v27, v3;
	v14 =	vor.u32 v18, v43  }
0x240: {  	v1 =	vor.u32 v54, v14;
	v11 =	vld.idx.msk [tilespmem:v11+s15+$0x0], $0xffff  }
0x241: {  	v1 =	vor.u32 v27, v1;
	v4 =	vor.u32 v18, v51;
	v7 =	vld.idx.msk [tilespmem:v13+s15+$0x0], $0xffff  }
0x242: {  	v9 =	vld.idx.msk [tilespmem:v15+s15+$0x0], $0xffff;
	v2 =	vor.u32 v2, v4;
	v4 =	vor.u32 v18, v61  }
0x243: {  	v2 =	vor.u32 v27, v2;
	v4 =	vor.u32 v12, v4  }
0x244: {  	v17 =	vor.u32 v62, v44;
	[tilespmem:v3+s20+$0x0] =	vst.idx.msk $0xffff, v5;
	v3 =	vmul.f32 $8.000000000e+00, v6;
	v4 =	vor.u32 v27, v4  }
0x245: {  	v11 =	vmul.f32 $8.000000000e+00, v11  }
0x246: {  	[tilespmem:v1+s20+$0x0] =	vst.idx.msk $0xffff, v3;
	v3 =	vmul.f32 $8.000000000e+00, v7  }
0x247: {  	v8 =	vor.u32 v62, v45;
	[tilespmem:v0+s20+$0x0] =	vst.idx.msk $0xffff, v11;
	v0 =	vmul.f32 $8.000000000e+00, v9  }
0x248: {  	v10 =	vor.u32 v62, v48;
	v9 =	vor.u32 v63, v47;
	[tilespmem:v2+s20+$0x0] =	vst.idx.msk $0xffff, v3  }
0x249: {  	v5 =	vor.u32 v62, v52;
	v6 =	vld.idx.msk [tilespmem:v17+s15+$0x0], $0xffff;
	v2 =	vor.u32 v59, v9;
	[tilespmem:v4+s20+$0x0] =	vst.idx.msk $0xffff, v0  }
0x24a: {  	v13 =	vor.u32 v62, v20;
	v0 =	vor.u32 v27, v2;
	v2 =	vld [tilespmem:$0x1FCE0]  }
0x24b: {  	v16 =	vor.u32 v63, v46;
	v9 =	vld [tilespmem:$0x1FCF0]  }
0x24c: {  	v1 =	vor.u32 v63, v43;
	v7 =	vld.idx.msk [tilespmem:v8+s15+$0x0], $0xffff;
	v12 =	vor.u32 v49, v16  }
0x24d: {  	v1 =	vor.u32 v50, v1;
	v8 =	vld.idx.msk [tilespmem:v10+s15+$0x0], $0xffff;
	v12 =	vor.u32 v27, v12  }
0x24e: {  	v1 =	vor.u32 v27, v1;
	v3 =	vld.idx.msk [tilespmem:v5+s15+$0x0], $0xffff;
	v5 =	vor.u32 v63, v51  }
0x24f: {  	v4 =	vld.idx.msk [tilespmem:v13+s15+$0x0], $0xffff;
	v2 =	vor.u32 v2, v5;
	v5 =	vor.u32 v63, v61  }
0x250: {  	v6 =	vmul.f32 $8.000000000e+00, v6;
	v2 =	vor.u32 v27, v2;
	v5 =	vor.u32 v9, v5  }
0x251: {  	v7 =	vmul.f32 $8.000000000e+00, v7;
	v5 =	vor.u32 v27, v5  }
0x252: {  	s16 =	smul.u32 $0xC0000, s3;
	[tilespmem:v12+s20+$0x0] =	vst.idx.msk $0xffff, v6;
	v6 =	vmul.f32 $8.000000000e+00, v8  }
0x253: {  	[tilespmem:v1+s20+$0x0] =	vst.idx.msk $0xffff, v7;
	v1 =	vmul.f32 $8.000000000e+00, v3  }
0x254: {  	s7 =	sor.u32 s6, s16;
	[tilespmem:v0+s20+$0x0] =	vst.idx.msk $0xffff, v6;
	v0 =	vmul.f32 $8.000000000e+00, v4  }
0x255: {  	s4 =	sshrl.u32 s7, $0x3;
	[tilespmem:v2+s20+$0x0] =	vst.idx.msk $0xffff, v1  }
0x256: {  	s4 =	sadd.s32 s1, s4;
	[tilespmem:v5+s20+$0x0] =	vst.idx.msk $0xffff, v0  }
0x257: {  	[hbm4b:s4+s21] =	stream.strided.scatter [tilespmem:s20], [sflag:$0x5], $0x2000, s22, s21, $0x38;
	[tilespmem:$0x19080] =	vst v63  }
0x258: {  	_ =	swait.ge [sflag:s23], $0x2000  }
0x259: {  	s11 =	smul.u32 $0x600, s3;
	v51 =	vld [tilespmem:$0x1FFF0]  }
0x25a: {  	s8 =	simm.s32 $0x0  }
0x25b: {  	s10 =	sand.u32 $0x70, s8;
	s9 =	sshra.s32 s11, $0x2;
	[sflag:s23] =	ssyncset.done $0x0  }
0x25c: {  	s7 =	sand.u32 $0x3, s8;
	v0 =	vmov s10;
	s4 =	sadd.s32 $0xE00, s9;
	[sflag:s23] =	ssyncadd.s32 $0xFFFFE000  }
0x25d: {  	v0 =	vshll.u32 v0, $0x7;
	[tilespmem:s15], [sflag:$0x2] =	stream.indirect.gather [hbm4b:s5+s13], $0x80, s4, s13, $0xb8;
	[tilespmem:$0x19080] =	vst v63  }
0x25e: {  	s30 =	sshll.u32 s7, $0x4;
	_ =	swait.ge [sflag:s24], $0x4000;
	v0 =	vor.u32 v51, v0  }
0x25f: {  	v6 =	vlaneseq.u32;
	v16 =	vld [tilespmem:$0x1FE80];
	v44 =	vor.u32 s30, v0  }
0x260: {  	v59 =	vld [tilespmem:$0x1FFE0];
	v0 =	vor.u32 v6, v44;
	_ =	sdelay $0x1  }
0x261: {  	s8 =	sshll.u32 s7, $0x1  }
0x262: {  	v1 =	vmov s8;
	[sflag:s24] =	ssyncset.done $0x0  }
0x263: {  	v46 =	vshll.u32 v1, $0xA;
	[sflag:s24] =	ssyncadd.s32 $0xFFFFC000  }
0x264: {  	v7 =	vor.u32 s10, v16;
	v1 =	vor.u32 v59, v46;
	v0 =	vld.idx.msk [tilespmem:v0+s17+$0x0], $0xffff  }
0x265: {  	v1 =	vor.u32 v7, v1  }
0x266: {  	v1 =	vor.u32 v27, v1;
	_ =	sdelay $0x1  }
0x267: {  	v60 =	vld [tilespmem:$0x1FFD0]  }
0x268: {  	v0 =	vmul.f32 $8.000000000e+00, v0;
	_ =	sdelay $0x1  }
0x269: {  	[tilespmem:v1+s25+$0x0] =	vst.idx.msk $0xffff, v0  }
0x26a: {  	v55 =	vld [tilespmem:$0x1FFA0]  }
0x26b: {  	v2 =	vor.u32 v60, v44;
	v15 =	vld [tilespmem:$0x1FFC0];
	_ =	sdelay $0x4  }
0x26c: {  	v0 =	vld.idx.msk [tilespmem:v2+s17+$0x0], $0xffff;
	v1 =	vor.u32 s10, v55;
	v2 =	vor.u32 v15, v46  }
0x26d: {  	v2 =	vor.u32 v1, v2  }
0x26e: {  	v2 =	vor.u32 v27, v2;
	_ =	sdelay $0x1  }
0x26f: {  	v63 =	vld [tilespmem:$0x1FFB0]  }
0x270: {  	v0 =	vmul.f32 $8.000000000e+00, v0  }
0x271: {  	[tilespmem:$0x1FD00] =	vst v1  }
0x272: {  	[tilespmem:v2+s25+$0x0] =	vst.idx.msk $0xffff, v0  }
0x273: {  	v14 =	vld [tilespmem:$0x1FE70]  }
0x274: {  	v3 =	vor.u32 v63, v44;
	v54 =	vld [tilespmem:$0x1FE90];
	_ =	sdelay $0x4  }
0x275: {  	v2 =	vld.idx.msk [tilespmem:v3+s17+$0x0], $0xffff;
	v0 =	vor.u32 s10, v14;
	v3 =	vor.u32 v54, v46  }
0x276: {  	v3 =	vor.u32 v0, v3  }
0x277: {  	v3 =	vor.u32 v27, v3;
	_ =	sdelay $0x2  }
0x278: {  	v31 =	vld [tilespmem:$0x1FDA0];
	v2 =	vmul.f32 $8.000000000e+00, v2  }
0x279: {  	[tilespmem:$0x1FD10] =	vst v0  }
0x27a: {  	s11 =	simm.s32 $0x4;
	[tilespmem:v3+s25+$0x0] =	vst.idx.msk $0xffff, v2  }
0x27b: {  	s11 =	sand.u32 $0x70, s11;
	v47 =	vld [tilespmem:$0x1FF90]  }
0x27c: {  	s7 =	simm.s32 $0x1;
	v4 =	vmov s11  }
0x27d: {  	v4 =	vshll.u32 v4, $0x7;
	s4 =	sand.u32 $0x3, s7;
	v5 =	vor.u32 v31, v44;
	v0 =	vld [tilespmem:$0x1FF80]  }
0x27e: {  	v4 =	vor.u32 v51, v4;
	s30 =	sshll.u32 s4, $0x4  }
0x27f: {  	v45 =	vor.u32 s30, v4  }
0x280: {  	v2 =	vor.u32 v6, v45;
	v6 =	vor.u32 s10, v47  }
0x281: {  	[tilespmem:$0x1FD20] =	vst v6  }
0x282: {  	v3 =	vor.u32 v0, v46;
	v4 =	vld.idx.msk [tilespmem:v5+s17+$0x0], $0xffff  }
0x283: {  	v3 =	vor.u32 v6, v3  }
0x284: {  	v8 =	vor.u32 v27, v3;
	_ =	sdelay $0x2  }
0x285: {  	v62 =	vld [tilespmem:$0x1FF50];
	v3 =	vor.u32 s11, v16;
	v4 =	vmul.f32 $8.000000000e+00, v4  }
0x286: {  	[tilespmem:$0x1FD30] =	vst v3  }
0x287: {  	[tilespmem:v8+s25+$0x0] =	vst.idx.msk $0xffff, v4  }
0x288: {  	s4 =	sshll.u32 s4, $0x1;
	v18 =	vld [tilespmem:$0x1FF70]  }
0x289: {  	v5 =	vmov s4  }
0x28a: {  	v9 =	vor.u32 v62, v44;
	v43 =	vshll.u32 v5, $0xA;
	v52 =	vld [tilespmem:$0x1FF30]  }
0x28b: {  	v2 =	vld.idx.msk [tilespmem:v2+s17+$0x0], $0xffff;
	v5 =	vor.u32 v59, v43  }
0x28c: {  	v5 =	vor.u32 v3, v5  }
0x28d: {  	v10 =	vor.u32 v27, v5;
	v3 =	vor.u32 s10, v18  }
0x28e: {  	[tilespmem:$0x1FD40] =	vst v3  }
0x28f: {  	v8 =	vor.u32 v52, v46;
	v9 =	vld.idx.msk [tilespmem:v9+s17+$0x0], $0xffff  }
0x290: {  	v4 =	vor.u32 v60, v45;
	v2 =	vmul.f32 $8.000000000e+00, v2;
	v8 =	vor.u32 v3, v8  }
0x291: {  	v8 =	vor.u32 v27, v8  }
0x292: {  	[tilespmem:v10+s25+$0x0] =	vst.idx.msk $0xffff, v2  }
0x293: {  	v19 =	vld [tilespmem:$0x1FDB0]  }
0x294: {  	v2 =	vor.u32 s11, v55;
	v9 =	vmul.f32 $8.000000000e+00, v9  }
0x295: {  	v11 =	vld.idx.msk [tilespmem:v4+s17+$0x0], $0xffff;
	[tilespmem:$0x1FD50] =	vst v2  }
0x296: {  	v4 =	vor.u32 v15, v43;
	[tilespmem:v8+s25+$0x0] =	vst.idx.msk $0xffff, v9  }
0x297: {  	v4 =	vor.u32 v2, v4;
	v20 =	vld [tilespmem:$0x1FF60]  }
0x298: {  	v12 =	vor.u32 v27, v4;
	v10 =	vor.u32 v19, v44;
	v4 =	vld [tilespmem:$0x1FF40];
	_ =	sdelay $0x4  }
0x299: {  	v9 =	vld.idx.msk [tilespmem:v10+s17+$0x0], $0xffff;
	v2 =	vor.u32 s10, v20;
	v10 =	vor.u32 v4, v46  }
0x29a: {  	v11 =	vmul.f32 $8.000000000e+00, v11;
	v10 =	vor.u32 v2, v10  }
0x29b: {  	v8 =	vor.u32 v63, v45;
	[tilespmem:$0x1FD60] =	vst v2;
	v10 =	vor.u32 v27, v10  }
0x29c: {  	[tilespmem:v12+s25+$0x0] =	vst.idx.msk $0xffff, v11  }
0x29d: {  	v50 =	vld [tilespmem:$0x1FF20]  }
0x29e: {  	v9 =	vmul.f32 $8.000000000e+00, v9;
	_ =	sdelay $0x1  }
0x29f: {  	v8 =	vld.idx.msk [tilespmem:v8+s17+$0x0], $0xffff;
	[tilespmem:v10+s25+$0x0] =	vst.idx.msk $0xffff, v9  }
0x2a0: {  	v57 =	vor.u32 s11, v14;
	v17 =	vld [tilespmem:$0x1FD90]  }
0x2a1: {  	v5 =	vmovc v31;
	v12 =	vor.u32 v54, v43;
	v9 =	vor.u32 v31, v45;
	v11 =	vor.u32 v50, v44;
	v31 =	vld [tilespmem:$0x1FEA0]  }
0x2a2: {  	v12 =	vor.u32 v57, v12  }
0x2a3: {  	v12 =	vor.u32 v27, v12;
	_ =	sdelay $0x2  }
0x2a4: {  	v8 =	vmul.f32 $8.000000000e+00, v8;
	v53 =	vor.u32 s10, v17;
	v10 =	vld.idx.msk [tilespmem:v11+s17+$0x0], $0xffff;
	v11 =	vor.u32 v31, v46  }
0x2a5: {  	v11 =	vor.u32 v53, v11  }
0x2a6: {  	[tilespmem:v12+s25+$0x0] =	vst.idx.msk $0xffff, v8;
	v11 =	vor.u32 v27, v11  }
0x2a7: {  	v3 =	vld [tilespmem:$0x1FDF0];
	_ =	sdelay $0x1  }
0x2a8: {  	v10 =	vmul.f32 $8.000000000e+00, v10;
	_ =	sdelay $0x1  }
0x2a9: {  	s8 =	simm.s32 $0x8;
	v9 =	vld.idx.msk [tilespmem:v9+s17+$0x0], $0xffff;
	[tilespmem:v11+s25+$0x0] =	vst.idx.msk $0xffff, v10  }
0x2aa: {  	v56 =	vor.u32 s11, v47;
	s4 =	sand.u32 $0x70, s8;
	v12 =	vor.u32 v0, v43;
	v8 =	vor.u32 v3, v44;
	v0 =	vld [tilespmem:$0x1FE60]  }
0x2ab: {  	s30 =	simm.s32 $0x2;
	v13 =	vmov s4;
	v12 =	vor.u32 v56, v12  }
0x2ac: {  	s30 =	sand.u32 $0x3, s30;
	v13 =	vshll.u32 v13, $0x7;
	v12 =	vor.u32 v27, v12  }
0x2ad: {  	s31 =	sshll.u32 s30, $0x4;
	v13 =	vor.u32 v51, v13  }
0x2ae: {  	v61 =	vlaneseq.u32;
	s30 =	sshll.u32 s30, $0x1;
	v48 =	vor.u32 s31, v13;
	v2 =	vmovc v14;
	v14 =	vor.u32 v21, v46  }
0x2af: {  	v9 =	vmul.f32 $8.000000000e+00, v9;
	v11 =	vmov s30;
	v8 =	vld.idx.msk [tilespmem:v8+s17+$0x0], $0xffff;
	v49 =	vor.u32 s10, v0  }
0x2b0: {  	v13 =	vor.u32 v61, v48;
	v47 =	vshll.u32 v11, $0xA;
	v11 =	vor.u32 v49, v14  }
0x2b1: {  	v10 =	vor.u32 v62, v45;
	[tilespmem:v12+s25+$0x0] =	vst.idx.msk $0xffff, v9;
	v11 =	vor.u32 v27, v11  }
0x2b2: {  	v6 =	vld [tilespmem:$0x1FED0];
	_ =	sdelay $0x1  }
0x2b3: {  	v8 =	vmul.f32 $8.000000000e+00, v8  }
0x2b4: {  	v61 =	vor.u32 s4, v16;
	v13 =	vld.idx.msk [tilespmem:v13+s17+$0x0], $0xffff;
	v14 =	vor.u32 v59, v47  }
0x2b5: {  	v58 =	vor.u32 s11, v18;
	v10 =	vld.idx.msk [tilespmem:v10+s17+$0x0], $0xffff;
	v14 =	vor.u32 v61, v14;
	[tilespmem:v11+s25+$0x0] =	vst.idx.msk $0xffff, v8  }
0x2b6: {  	v12 =	vor.u32 v52, v43;
	v9 =	vor.u32 v6, v44;
	v14 =	vor.u32 v27, v14;
	v18 =	vld [tilespmem:$0x1FF10]  }
0x2b7: {  	v1 =	vmov v15;
	v15 =	vor.u32 v60, v48;
	v12 =	vor.u32 v58, v12  }
0x2b8: {  	v12 =	vor.u32 v27, v12  }
0x2b9: {  	v13 =	vmul.f32 $8.000000000e+00, v13;
	_ =	sdelay $0x1  }
0x2ba: {  	v10 =	vmul.f32 $8.000000000e+00, v10;
	v9 =	vld.idx.msk [tilespmem:v9+s17+$0x0], $0xffff;
	[tilespmem:v14+s25+$0x0] =	vst.idx.msk $0xffff, v13;
	v11 =	vor.u32 v18, v46  }
0x2bb: {  	v60 =	vor.u32 s4, v55;
	v13 =	vor.u32 v1, v47;
	v7 =	vor.u32 v7, v11;
	v11 =	vld.idx.msk [tilespmem:v15+s17+$0x0], $0xffff  }
0x2bc: {  	[tilespmem:v12+s25+$0x0] =	vst.idx.msk $0xffff, v10;
	v13 =	vor.u32 v60, v13;
	v7 =	vor.u32 v27, v7  }
0x2bd: {  	v8 =	vor.u32 v19, v45;
	v19 =	vld [tilespmem:$0x1FE00];
	v12 =	vor.u32 v27, v13;
	_ =	sdelay $0x1  }
0x2be: {  	v9 =	vmul.f32 $8.000000000e+00, v9  }
0x2bf: {  	v11 =	vmul.f32 $8.000000000e+00, v11  }
0x2c0: {  	[tilespmem:v7+s25+$0x0] =	vst.idx.msk $0xffff, v9  }
0x2c1: {  	v13 =	vor.u32 v4, v43;
	v10 =	vor.u32 v19, v44;
	v4 =	vld [tilespmem:$0x1FF00];
	[tilespmem:v12+s25+$0x0] =	vst.idx.msk $0xffff, v11  }
0x2c2: {  	v1 =	vld [tilespmem:$0x1FD00];
	_ =	sdelay $0x2  }
0x2c3: {  	v55 =	vor.u32 s11, v20;
	v8 =	vld.idx.msk [tilespmem:v8+s17+$0x0], $0xffff  }
0x2c4: {  	v14 =	vor.u32 v63, v48;
	v13 =	vor.u32 v55, v13;
	v9 =	vld.idx.msk [tilespmem:v10+s17+$0x0], $0xffff;
	v10 =	vor.u32 v4, v46  }
0x2c5: {  	v13 =	vor.u32 v27, v13;
	v1 =	vor.u32 v1, v10  }
0x2c6: {  	v1 =	vor.u32 v27, v1;
	_ =	sdelay $0x1  }
0x2c7: {  	v8 =	vmul.f32 $8.000000000e+00, v8  }
0x2c8: {  	v20 =	vmovc v63;
	v63 =	vor.u32 s4, v2;
	v11 =	vor.u32 v54, v47;
	v9 =	vmul.f32 $8.000000000e+00, v9;
	v10 =	vld.idx.msk [tilespmem:v14+s17+$0x0], $0xffff  }
0x2c9: {  	v54 =	vor.u32 s11, v17;
	v11 =	vor.u32 v63, v11;
	v17 =	vld [tilespmem:$0x1FE10];
	[tilespmem:v13+s25+$0x0] =	vst.idx.msk $0xffff, v8  }
0x2ca: {  	v11 =	vor.u32 v27, v11;
	[tilespmem:v1+s25+$0x0] =	vst.idx.msk $0xffff, v9  }
0x2cb: {  	v2 =	vmov v0;
	v7 =	vor.u32 v50, v45;
	v50 =	vor.u32 s11, v0;
	v0 =	vld [tilespmem:$0x1FEF0];
	_ =	sdelay $0x1  }
0x2cc: {  	v10 =	vmul.f32 $8.000000000e+00, v10;
	_ =	sdelay $0x1  }
0x2cd: {  	[tilespmem:v11+s25+$0x0] =	vst.idx.msk $0xffff, v10  }
0x2ce: {  	s7 =	simm.s32 $0xC;
	v9 =	vor.u32 v0, v46;
	v0 =	vld [tilespmem:$0x1FD10]  }
0x2cf: {  	s10 =	sand.u32 $0x70, s7  }
0x2d0: {  	s30 =	simm.s32 $0x3;
	v8 =	vmov s10  }
0x2d1: {  	s30 =	sand.u32 $0x3, s30;
	v8 =	vshll.u32 v8, $0x7  }
0x2d2: {  	s31 =	sshll.u32 s30, $0x4;
	v12 =	vor.u32 v17, v44;
	v1 =	vor.u32 v51, v8  }
0x2d3: {  	v52 =	vor.u32 s31, v1;
	v1 =	vor.u32 v0, v9;
	v0 =	vlaneseq.u32  }
0x2d4: {  	v9 =	vor.u32 v0, v52;
	v0 =	vld [tilespmem:$0x1FF80];
	_ =	sdelay $0x1  }
0x2d5: {  	v14 =	vor.u32 v5, v48  }
0x2d6: {  	v7 =	vld.idx.msk [tilespmem:v7+s17+$0x0], $0xffff  }
0x2d7: {  	v13 =	vor.u32 v31, v43;
	v12 =	vld.idx.msk [tilespmem:v12+s17+$0x0], $0xffff  }
0x2d8: {  	v13 =	vor.u32 v54, v13;
	v10 =	vor.u32 v0, v47;
	v0 =	vld [tilespmem:$0x1FF90]  }
0x2d9: {  	v13 =	vor.u32 v27, v13  }
0x2da: {  	v11 =	vld.idx.msk [tilespmem:v14+s17+$0x0], $0xffff;
	v14 =	vor.u32 v27, v1;
	_ =	sdelay $0x1  }
0x2db: {  	v7 =	vmul.f32 $8.000000000e+00, v7  }
0x2dc: {  	v12 =	vmul.f32 $8.000000000e+00, v12;
	v0 =	vor.u32 s4, v0  }
0x2dd: {  	v1 =	vor.u32 v0, v10;
	v10 =	vld [tilespmem:$0x1FE20];
	[tilespmem:v13+s25+$0x0] =	vst.idx.msk $0xffff, v7  }
0x2de: {  	[tilespmem:v14+s25+$0x0] =	vst.idx.msk $0xffff, v12;
	v7 =	vor.u32 v27, v1  }
0x2df: {  	v8 =	vor.u32 v3, v45;
	v3 =	vld [tilespmem:$0x1FEE0]  }
0x2e0: {  	s8 =	sshll.u32 s30, $0x1  }
0x2e1: {  	v15 =	vmov s8;
	v11 =	vmul.f32 $8.000000000e+00, v11  }
0x2e2: {  	v51 =	vshll.u32 v15, $0xA;
	v1 =	vor.u32 v21, v43  }
0x2e3: {  	v15 =	vor.u32 v50, v1;
	v1 =	vor.u32 s10, v16;
	v16 =	vor.u32 v59, v51;
	[tilespmem:v7+s25+$0x0] =	vst.idx.msk $0xffff, v11  }
0x2e4: {  	v12 =	vor.u32 v1, v16;
	v16 =	vor.u32 v3, v46;
	v3 =	vld [tilespmem:$0x1FD20];
	_ =	sdelay $0x4  }
0x2e5: {  	v14 =	vor.u32 v6, v45;
	v6 =	vor.u32 v3, v16;
	v3 =	vld [tilespmem:$0x1FFD0];
	_ =	sdelay $0x4  }
0x2e6: {  	v7 =	vor.u32 v3, v52;
	v3 =	vld [tilespmem:$0x1FF30];
	_ =	sdelay $0x4  }
0x2e7: {  	v11 =	vor.u32 v3, v47;
	v3 =	vld [tilespmem:$0x1FF70]  }
0x2e8: {  	v8 =	vld.idx.msk [tilespmem:v8+s17+$0x0], $0xffff  }
0x2e9: {  	v9 =	vld.idx.msk [tilespmem:v9+s17+$0x0], $0xffff  }
0x2ea: {  	v15 =	vor.u32 v27, v15  }
0x2eb: {  	v12 =	vor.u32 v27, v12  }
0x2ec: {  	v13 =	vor.u32 v62, v48;
	v62 =	vor.u32 s4, v3;
	v3 =	vld [tilespmem:$0x1FE30]  }
0x2ed: {  	v8 =	vmul.f32 $8.000000000e+00, v8  }
0x2ee: {  	v9 =	vmul.f32 $8.000000000e+00, v9  }
0x2ef: {  	v10 =	vor.u32 v10, v44;
	[tilespmem:v15+s25+$0x0] =	vst.idx.msk $0xffff, v8  }
0x2f0: {  	[tilespmem:v12+s25+$0x0] =	vst.idx.msk $0xffff, v9  }
0x2f1: {  	v16 =	vor.u32 v3, v44;
	v3 =	vld [tilespmem:$0x1FDB0];
	_ =	sdelay $0x2  }
0x2f2: {  	v10 =	vld.idx.msk [tilespmem:v10+s17+$0x0], $0xffff;
	_ =	sdelay $0x1  }
0x2f3: {  	v6 =	vor.u32 v27, v6;
	v9 =	vor.u32 v3, v48;
	v3 =	vld [tilespmem:$0x1FD30]  }
0x2f4: {  	v5 =	vld [tilespmem:$0x1FFC0];
	_ =	sdelay $0x1  }
0x2f5: {  	v13 =	vld.idx.msk [tilespmem:v13+s17+$0x0], $0xffff;
	v10 =	vmul.f32 $8.000000000e+00, v10;
	v11 =	vor.u32 v62, v11  }
0x2f6: {  	v8 =	vor.u32 v27, v11;
	v11 =	vld.idx.msk [tilespmem:v14+s17+$0x0], $0xffff;
	v14 =	vor.u32 v18, v43  }
0x2f7: {  	v12 =	vor.u32 v3, v14;
	v3 =	vld [tilespmem:$0x1FFA0];
	[tilespmem:v6+s25+$0x0] =	vst.idx.msk $0xffff, v10  }
0x2f8: {  	v14 =	vor.u32 v5, v51;
	v5 =	vld [tilespmem:$0x1FEC0];
	_ =	sdelay $0x1  }
0x2f9: {  	v15 =	vor.u32 v27, v12;
	v12 =	vmul.f32 $8.000000000e+00, v13;
	_ =	sdelay $0x1  }
0x2fa: {  	[tilespmem:v8+s25+$0x0] =	vst.idx.msk $0xffff, v12  }
0x2fb: {  	v13 =	vor.u32 v5, v46;
	v5 =	vld [tilespmem:$0x1FD40]  }
0x2fc: {  	v7 =	vld.idx.msk [tilespmem:v7+s17+$0x0], $0xffff  }
0x2fd: {  	v12 =	vld [tilespmem:$0x1FF60];
	v3 =	vor.u32 s10, v3  }
0x2fe: {  	v11 =	vmul.f32 $8.000000000e+00, v11;
	v6 =	vor.u32 v3, v14;
	v14 =	vld.idx.msk [tilespmem:v16+s17+$0x0], $0xffff  }
0x2ff: {  	v16 =	vld [tilespmem:$0x1FE40]  }
0x300: {  	v5 =	vor.u32 v5, v13;
	v13 =	vld [tilespmem:$0x1FF40];
	[tilespmem:v15+s25+$0x0] =	vst.idx.msk $0xffff, v11  }
0x301: {  	v59 =	vor.u32 s4, v2;
	v6 =	vor.u32 v27, v6;
	v2 =	vld [tilespmem:$0x1FF20];
	_ =	sdelay $0x2  }
0x302: {  	v7 =	vmul.f32 $8.000000000e+00, v7;
	v8 =	vor.u32 v20, v52  }
0x303: {  	v12 =	vor.u32 s4, v12;
	v5 =	vor.u32 v27, v5;
	v13 =	vor.u32 v13, v47  }
0x304: {  	v13 =	vor.u32 v12, v13;
	v18 =	vor.u32 v2, v48;
	v2 =	vld [tilespmem:$0x1FD50];
	[tilespmem:v6+s25+$0x0] =	vst.idx.msk $0xffff, v7  }
0x305: {  	v11 =	vor.u32 v27, v13;
	v13 =	vor.u32 v4, v43;
	v4 =	vld [tilespmem:$0x1FE70];
	_ =	sdelay $0x1  }
0x306: {  	v14 =	vmul.f32 $8.000000000e+00, v14  }
0x307: {  	v10 =	vor.u32 v19, v45;
	v19 =	vld.idx.msk [tilespmem:v8+s17+$0x0], $0xffff  }
0x308: {  	v13 =	vor.u32 v2, v13;
	v2 =	vld [tilespmem:$0x1FD90];
	[tilespmem:v5+s25+$0x0] =	vst.idx.msk $0xffff, v14  }
0x309: {  	v8 =	vor.u32 s10, v4;
	v4 =	vld [tilespmem:$0x1FE90];
	_ =	sdelay $0x1  }
0x30a: {  	v9 =	vld.idx.msk [tilespmem:v9+s17+$0x0], $0xffff;
	_ =	sdelay $0x2  }
0x30b: {  	v5 =	vor.u32 v4, v51;
	v4 =	vld [tilespmem:$0x1FEB0];
	_ =	sdelay $0x1  }
0x30c: {  	v7 =	vmul.f32 $8.000000000e+00, v9;
	_ =	sdelay $0x1  }
0x30d: {  	[tilespmem:v11+s25+$0x0] =	vst.idx.msk $0xffff, v7  }
0x30e: {  	v15 =	vor.u32 v4, v46;
	v4 =	vld [tilespmem:$0x1FD60]  }
0x30f: {  	v7 =	vld [tilespmem:$0x1FDA0];
	_ =	sdelay $0x2  }
0x310: {  	v5 =	vor.u32 v8, v5  }
0x311: {  	v14 =	vor.u32 v27, v5;
	v5 =	vor.u32 v4, v15  }
0x312: {  	v15 =	vor.u32 v7, v52;
	v7 =	vor.u32 v27, v5;
	v5 =	vld [tilespmem:$0x1FEA0]  }
0x313: {  	v10 =	vld.idx.msk [tilespmem:v10+s17+$0x0], $0xffff;
	_ =	sdelay $0x1  }
0x314: {  	v13 =	vor.u32 v27, v13;
	_ =	sdelay $0x1  }
0x315: {  	v20 =	vor.u32 v5, v47;
	v5 =	vld [tilespmem:$0x1FE50]  }
0x316: {  	v10 =	vmul.f32 $8.000000000e+00, v10  }
0x317: {  	s30 =	simm.s32 $0x10  }
0x318: {  	s11 =	sand.u32 $0x70, s30;
	v16 =	vor.u32 v16, v44;
	[tilespmem:v13+s25+$0x0] =	vst.idx.msk $0xffff, v10  }
0x319: {  	v6 =	vmov s11;
	v10 =	vld [tilespmem:$0x1FEF0]  }
0x31a: {  	v9 =	vor.u32 v17, v45;
	v17 =	vshll.u32 v6, $0x7;
	v6 =	vor.u32 v5, v44;
	v5 =	vld [tilespmem:$0x1FD80];
	_ =	sdelay $0x2  }
0x31b: {  	v4 =	vld.idx.msk [tilespmem:v16+s17+$0x0], $0xffff  }
0x31c: {  	v31 =	vlaneseq.u32;
	v2 =	vor.u32 s4, v2;
	v16 =	vmul.f32 $8.000000000e+00, v19  }
0x31d: {  	s31 =	simm.s32 $0x5;
	s4 =	simm.s32 $0x4;
	v11 =	vld.idx.msk [tilespmem:v18+s17+$0x0], $0xffff;
	v13 =	vor.u32 v2, v20;
	v10 =	vor.u32 v10, v43;
	v5 =	vor.u32 v5, v46  }
.LBB2_9:
0x31e: {  	_ = 	snop  }
0x31f: {  	v9 =	vld.idx.msk [tilespmem:v9+s17+$0x0], $0xffff  }
0x320: {  	v4 =	vmul.f32 $8.000000000e+00, v4;
	[tilespmem:v14+s25+$0x0] =	vst.idx.msk $0xffff, v16;
	v16 =	vld [tilespmem:$0x1FDF0]  }
0x321: {  	s7 =	sand.u32 $0x3, s4;
	v18 =	vor.u32 v25, v51;
	v14 =	vor.u32 s10, v38;
	v15 =	vld.idx.msk [tilespmem:v15+s17+$0x0], $0xffff  }
0x322: {  	v17 =	vor.u32 v26, v17;
	s8 =	sshll.u32 s7, $0x4;
	[tilespmem:v7+s25+$0x0] =	vst.idx.msk $0xffff, v4;
	v7 =	vmul.f32 $8.000000000e+00, v11;
	v11 =	vor.u32 v14, v18;
	v18 =	vld [tilespmem:$0x1FE20]  }
0x323: {  	v13 =	vor.u32 v27, v13;
	v17 =	vor.u32 s8, v17  }
0x324: {  	v4 =	vor.u32 v31, v17  }
0x325: {  	v10 =	vor.u32 v57, v10;
	v16 =	vor.u32 v16, v48  }
0x326: {  	v19 =	vld [tilespmem:$0x1FE80];
	v10 =	vor.u32 v27, v10  }
0x327: {  	v20 =	vld [tilespmem:$0x1FEE0];
	v18 =	vor.u32 v18, v45  }
0x328: {  	v6 =	vld.idx.msk [tilespmem:v6+s17+$0x0], $0xffff;
	v11 =	vor.u32 v27, v11;
	[tilespmem:v13+s25+$0x0] =	vst.idx.msk $0xffff, v7  }
0x329: {  	v9 =	vmul.f32 $8.000000000e+00, v9;
	v4 =	vld.idx.msk [tilespmem:v4+s17+$0x0], $0xffff  }
0x32a: {  	v13 =	vld.idx.msk [tilespmem:v16+s17+$0x0], $0xffff;
	v16 =	vor.u32 v21, v47  }
0x32b: {  	v15 =	vmul.f32 $8.000000000e+00, v15;
	v21 =	vld [tilespmem:$0x1FDE0];
	[tilespmem:v10+s25+$0x0] =	vst.idx.msk $0xffff, v9;
	v16 =	vor.u32 v59, v16  }
0x32c: {  	v10 =	vor.u32 v27, v16;
	v16 =	vld.idx.msk [tilespmem:v18+s17+$0x0], $0xffff  }
0x32d: {  	[tilespmem:v11+s25+$0x0] =	vst.idx.msk $0xffff, v15;
	v15 =	vld [tilespmem:$0x1FED0]  }
0x32e: {  	v5 =	vor.u32 v53, v5;
	s7 =	sshll.u32 s7, $0x1  }
0x32f: {  	v57 =	vmovc v63;
	v63 =	vmovc v8;
	v5 =	vor.u32 v27, v5;
	v8 =	vmov s7;
	v7 =	vor.u32 v32, v52  }
0x330: {  	v8 =	vshll.u32 v8, $0xA;
	v20 =	vor.u32 v20, v43  }
0x331: {  	v19 =	vor.u32 s11, v19;
	v9 =	vor.u32 v30, v8;
	v21 =	vor.u32 v21, v44;
	v44 =	vmovc v45;
	v45 =	vmovc v48  }
0x332: {  	v6 =	vmul.f32 $8.000000000e+00, v6;
	v9 =	vor.u32 v19, v9;
	v15 =	vor.u32 v15, v45  }
0x333: {  	v9 =	vor.u32 v27, v9;
	v18 =	vor.u32 v56, v20;
	v56 =	vmov v0;
	v0 =	vld [tilespmem:$0x1FE30]  }
0x334: {  	v7 =	vld.idx.msk [tilespmem:v7+s17+$0x0], $0xffff;
	[tilespmem:v5+s25+$0x0] =	vst.idx.msk $0xffff, v6;
	v6 =	vmul.f32 $8.000000000e+00, v13;
	_ =	sdelay $0x1  }
0x335: {  	v4 =	vmul.f32 $8.000000000e+00, v4;
	v13 =	vor.u32 v27, v18;
	v18 =	vld.idx.msk [tilespmem:v21+s17+$0x0], $0xffff;
	[tilespmem:v10+s25+$0x0] =	vst.idx.msk $0xffff, v6  }
0x336: {  	v10 =	vld.idx.msk [tilespmem:v15+s17+$0x0], $0xffff  }
0x337: {  	[tilespmem:v9+s25+$0x0] =	vst.idx.msk $0xffff, v4;
	v9 =	vld [tilespmem:$0x1FF10]  }
0x338: {  	v20 =	vor.u32 v0, v44;
	v0 =	vld [tilespmem:$0x1FDC0];
	_ =	sdelay $0x2  }
0x339: {  	v53 =	vmovc v54;
	v54 =	vmovc v2;
	v2 =	vor.u32 v36, v51;
	v11 =	vor.u32 s10, v22;
	v5 =	vor.u32 v37, v17  }
0x33a: {  	v2 =	vor.u32 v11, v2;
	v9 =	vor.u32 v9, v47  }
0x33b: {  	v2 =	vor.u32 v27, v2;
	v21 =	vor.u32 v0, v46;
	v9 =	vor.u32 v61, v9;
	v61 =	vmovc v1;
	v1 =	vld [tilespmem:$0x1FE00]  }
0x33c: {  	v0 =	vmov v14;
	v14 =	vmul.f32 $8.000000000e+00, v16;
	v6 =	vor.u32 v49, v21  }
0x33d: {  	v48 =	vmov v52;
	v6 =	vor.u32 v27, v6  }
0x33e: {  	v7 =	vmul.f32 $8.000000000e+00, v7;
	v4 =	vor.u32 v39, v48;
	v5 =	vld.idx.msk [tilespmem:v5+s17+$0x0], $0xffff;
	[tilespmem:v13+s25+$0x0] =	vst.idx.msk $0xffff, v14  }
0x33f: {  	v52 =	vmovc v17;
	v16 =	vor.u32 s11, v35;
	v13 =	vor.u32 v23, v8;
	v14 =	vld.idx.msk [tilespmem:v20+s17+$0x0], $0xffff;
	v9 =	vor.u32 v27, v9  }
0x340: {  	v17 =	vmul.f32 $8.000000000e+00, v18;
	v13 =	vor.u32 v16, v13;
	[tilespmem:v2+s25+$0x0] =	vst.idx.msk $0xffff, v7;
	v2 =	vor.u32 v1, v45  }
0x341: {  	v7 =	vor.u32 v27, v13  }
0x342: {  	v15 =	vld [tilespmem:$0x1FEC0];
	v10 =	vmul.f32 $8.000000000e+00, v10;
	[tilespmem:v6+s25+$0x0] =	vst.idx.msk $0xffff, v17;
	v6 =	vor.u32 v33, v52  }
0x343: {  	v17 =	vld [tilespmem:$0x1FE40]  }
0x344: {  	v5 =	vmul.f32 $8.000000000e+00, v5;
	v4 =	vld.idx.msk [tilespmem:v4+s17+$0x0], $0xffff;
	[tilespmem:v9+s25+$0x0] =	vst.idx.msk $0xffff, v10  }
0x345: {  	v1 =	vmov v19;
	v19 =	vld.idx.msk [tilespmem:v2+s17+$0x0], $0xffff  }
0x346: {  	v2 =	vld [tilespmem:$0x1FE60];
	[tilespmem:v7+s25+$0x0] =	vst.idx.msk $0xffff, v5  }
0x347: {  	v20 =	vld.idx.msk [tilespmem:v6+s17+$0x0], $0xffff  }
0x348: {  	v6 =	vld [tilespmem:$0x1FE70]  }
0x349: {  	v46 =	vmov v43;
	v15 =	vor.u32 v15, v43  }
0x34a: {  	v18 =	vor.u32 s10, v28;
	v43 =	vmovc v47;
	v47 =	vmovc v51;
	v13 =	vor.u32 v58, v15;
	v15 =	vor.u32 v41, v51  }
0x34b: {  	v51 =	vmovc v8;
	v13 =	vor.u32 v27, v13;
	v8 =	vor.u32 v18, v15;
	v17 =	vor.u32 v17, v44  }
0x34c: {  	v49 =	vmovc v50;
	v50 =	vmovc v59;
	v7 =	vor.u32 v34, v43;
	v59 =	vor.u32 s10, v2;
	v2 =	vor.u32 s10, v29;
	s10 =	smov.u32 s11  }
0x34d: {  	v10 =	vor.u32 v27, v8;
	v8 =	vor.u32 s10, v6;
	v6 =	vor.u32 v60, v7;
	v60 =	vmovc v3;
	v3 =	vld [tilespmem:$0x1FE90];
	_ =	sdelay $0x1  }
0x34e: {  	v9 =	vmul.f32 $8.000000000e+00, v14;
	v5 =	vor.u32 v40, v48;
	_ =	sdelay $0x1  }
0x34f: {  	s30 =	sadd.s32 $0x4, s30;
	[tilespmem:v13+s25+$0x0] =	vst.idx.msk $0xffff, v9;
	v13 =	vmul.f32 $8.000000000e+00, v4  }
0x350: {  	v58 =	vmov v62;
	v4 =	vld.idx.msk [tilespmem:v17+s17+$0x0], $0xffff;
	s11 =	sand.u32 $0x70, s30;
	v7 =	vor.u32 v3, v51  }
0x351: {  	v62 =	vmovc v11;
	[tilespmem:v10+s25+$0x0] =	vst.idx.msk $0xffff, v13;
	v11 =	vmov s11;
	v21 =	vor.u32 v27, v6;
	v6 =	vor.u32 v8, v7;
	v7 =	vld [tilespmem:$0x1FE10]  }
0x352: {  	v17 =	vshll.u32 v11, $0x7;
	v11 =	vld.idx.msk [tilespmem:v5+s17+$0x0], $0xffff  }
0x353: {  	v5 =	vld [tilespmem:$0x1FEA0];
	_ =	sdelay $0x2  }
0x354: {  	v9 =	vor.u32 v7, v45;
	v7 =	vld [tilespmem:$0x1FEB0];
	_ =	sdelay $0x1  }
0x355: {  	v13 =	vor.u32 v5, v47;
	v5 =	vld [tilespmem:$0x1FE50];
	_ =	sdelay $0x1  }
0x356: {  	v10 =	vmul.f32 $8.000000000e+00, v19  }
0x357: {  	v7 =	vor.u32 v7, v46  }
0x358: {  	[tilespmem:v21+s25+$0x0] =	vst.idx.msk $0xffff, v10;
	v10 =	vld [tilespmem:$0x1FEF0];
	v14 =	vor.u32 v27, v6;
	v6 =	vor.u32 v55, v7  }
0x359: {  	p0 =	sne.s32 s31, $0x1F;
	v7 =	vor.u32 v27, v6;
	v6 =	vor.u32 v5, v44;
	v5 =	vld [tilespmem:$0x1FD80]  }
.Ltmp3:
0x35a: {  	_ = 	snop;
	(pc) =	sbr.rel @p0 .LBB2_9-.Ltmp3, $3  }
0x35b: {  	_ =	sdelay $0x1  }
0x35c: {  	v15 =	vor.u32 v42, v52;
	v3 =	vmovc v16;
	v16 =	vmul.f32 $8.000000000e+00, v20;
	v13 =	vor.u32 v2, v13  }
0x35d: {  	s4 =	smov.u32 s31;
	s31 =	sadd.s32 $0x1, s31;
	v21 =	vmovc v24;
	v10 =	vor.u32 v10, v43;
	v55 =	vmovc v12;
	v12 =	vmov v18;
	v5 =	vor.u32 v5, v46  }
0x35e: {  	s4 =	sand.u32 $0x3, s4  }
0x35f: {  	v17 =	vor.u32 v26, v17;
	s7 =	sshll.u32 s4, $0x4  }
0x360: {  	v18 =	vor.u32 s7, v17;
	v17 =	vlaneseq.u32;
	_ =	sdelay $0x1  }
0x361: {  	s4 =	sshll.u32 s4, $0x1  }
0x362: {  	v19 =	vor.u32 v17, v18;
	[tilespmem:$0x1F9A0] =	vst v18;
	v17 =	vmov v18;
	v18 =	vmov s4  }
0x363: {  	v31 =	vshll.u32 v18, $0xA;
	v18 =	vld [tilespmem:$0x1FE80];
	_ =	sdelay $0x4  }
0x364: {  	[tilespmem:$0x1F980] =	vst v31;
	v20 =	vor.u32 s11, v18  }
0x365: {  	[tilespmem:$0x1F990] =	vst v20  }
0x366: {  	v18 =	vld.idx.msk [tilespmem:v19+s17+$0x0], $0xffff;
	_ =	sdelay $0x4  }
0x367: {  	v19 =	vor.u32 v30, v31;
	[tilespmem:$0x1F850] =	vst v18  }
0x368: {  	v19 =	vor.u32 v20, v19;
	v20 =	vor.u32 v37, v17;
	v17 =	vld [tilespmem:$0x1F850];
	_ =	sdelay $0x1  }
0x369: {  	v19 =	vor.u32 v27, v19;
	_ =	sdelay $0x2  }
0x36a: {  	v17 =	vmul.f32 $8.000000000e+00, v17;
	_ =	sdelay $0x1  }
0x36b: {  	[tilespmem:v19+s25+$0x0] =	vst.idx.msk $0xffff, v17  }
0x36c: {  	v19 =	vor.u32 v23, v31;
	v17 =	vld.idx.msk [tilespmem:v20+s17+$0x0], $0xffff;
	v20 =	vor.u32 s11, v35  }
0x36d: {  	[tilespmem:$0x1F9B0] =	vst v20;
	v19 =	vor.u32 v20, v19;
	v20 =	vld [tilespmem:$0x1F9A0];
	_ =	sdelay $0x2  }
0x36e: {  	v19 =	vor.u32 v27, v19;
	_ =	sdelay $0x1  }
0x36f: {  	v20 =	vor.u32 v33, v20  }
0x370: {  	v17 =	vmul.f32 $8.000000000e+00, v17;
	_ =	sdelay $0x1  }
0x371: {  	[tilespmem:v19+s25+$0x0] =	vst.idx.msk $0xffff, v17  }
0x372: {  	v18 =	vld [tilespmem:$0x1FE70]  }
0x373: {  	v17 =	vld.idx.msk [tilespmem:v20+s17+$0x0], $0xffff;
	_ =	sdelay $0x3  }
0x374: {  	v20 =	vor.u32 s11, v18;
	v18 =	vld [tilespmem:$0x1FE90]  }
0x375: {  	[tilespmem:$0x1F860] =	vst v17;
	v17 =	vld [tilespmem:$0x1F9A0];
	_ =	sdelay $0x4  }
0x376: {  	[tilespmem:$0x1F9C0] =	vst v20;
	v19 =	vor.u32 v18, v31;
	v18 =	vor.u32 v42, v17  }
0x377: {  	[tilespmem:$0x1F870] =	vst v18  }
0x378: {  	[tilespmem:v14+s25+$0x0] =	vst.idx.msk $0xffff, v16  }
0x379: {  	v19 =	vor.u32 v20, v19;
	v20 =	vld [tilespmem:$0x1F860];
	_ =	sdelay $0x1  }
0x37a: {  	v19 =	vor.u32 v27, v19;
	_ =	sdelay $0x2  }
0x37b: {  	v18 =	vor.u32 s10, v38;
	v20 =	vmul.f32 $8.000000000e+00, v20  }
0x37c: {  	[tilespmem:$0x1F9D0] =	vst v18  }
0x37d: {  	[tilespmem:v19+s25+$0x0] =	vst.idx.msk $0xffff, v20  }
0x37e: {  	v20 =	vld [tilespmem:$0x1F870];
	_ =	sdelay $0x4  }
0x37f: {  	v15 =	vld.idx.msk [tilespmem:v15+s17+$0x0], $0xffff;
	v19 =	vor.u32 v32, v52  }
0x380: {  	v16 =	vor.u32 s11, v38;
	[tilespmem:$0x1F880] =	vst v19;
	v19 =	vld [tilespmem:$0x1F980]  }
0x381: {  	[tilespmem:$0x1F9E0] =	vst v16  }
0x382: {  	v14 =	vor.u32 v25, v51;
	v20 =	vld.idx.msk [tilespmem:v20+s17+$0x0], $0xffff  }
0x383: {  	v14 =	vor.u32 v18, v14  }
0x384: {  	v14 =	vor.u32 v27, v14  }
0x385: {  	v31 =	vor.u32 v25, v19  }
0x386: {  	v16 =	vor.u32 v16, v31  }
0x387: {  	v15 =	vmul.f32 $8.000000000e+00, v15;
	[tilespmem:$0x1F890] =	vst v20;
	v20 =	vor.u32 v27, v16;
	v16 =	vor.u32 v32, v17  }
0x388: {  	[tilespmem:$0x1F8A0] =	vst v16  }
0x389: {  	[tilespmem:v14+s25+$0x0] =	vst.idx.msk $0xffff, v15  }
0x38a: {  	v16 =	vld [tilespmem:$0x1F880];
	_ =	sdelay $0x5  }
0x38b: {  	v18 =	vor.u32 s10, v22  }
0x38c: {  	[tilespmem:$0x1F9F0] =	vst v18  }
0x38d: {  	v16 =	vld.idx.msk [tilespmem:v16+s17+$0x0], $0xffff;
	_ =	sdelay $0x4  }
0x38e: {  	[tilespmem:$0x1F8B0] =	vst v16;
	v16 =	vld [tilespmem:$0x1F890];
	_ =	sdelay $0x2  }
0x38f: {  	v14 =	vor.u32 v36, v51  }
0x390: {  	v14 =	vor.u32 v18, v14  }
0x391: {  	v14 =	vor.u32 v27, v14;
	v16 =	vmul.f32 $8.000000000e+00, v16  }
0x392: {  	[tilespmem:$0x1F8C0] =	vst v14  }
0x393: {  	[tilespmem:v20+s25+$0x0] =	vst.idx.msk $0xffff, v16  }
0x394: {  	v16 =	vld [tilespmem:$0x1F8A0];
	_ =	sdelay $0x5  }
0x395: {  	v15 =	vor.u32 s11, v22  }
0x396: {  	[tilespmem:$0x1FA00] =	vst v15  }
0x397: {  	v17 =	vor.u32 v36, v19;
	v20 =	vmov v19;
	v19 =	vld.idx.msk [tilespmem:v16+s17+$0x0], $0xffff  }
0x398: {  	v16 =	vld [tilespmem:$0x1F9A0];
	_ =	sdelay $0x4  }
0x399: {  	v18 =	vor.u32 v39, v16  }
0x39a: {  	[tilespmem:$0x1F8D0] =	vst v18;
	v18 =	vld [tilespmem:$0x1F8C0]  }
0x39b: {  	v17 =	vor.u32 v15, v17;
	v15 =	vld [tilespmem:$0x1F8B0];
	_ =	sdelay $0x2  }
0x39c: {  	v14 =	vor.u32 v39, v52;
	_ =	sdelay $0x1  }
0x39d: {  	v15 =	vmul.f32 $8.000000000e+00, v15;
	_ =	sdelay $0x1  }
0x39e: {  	[tilespmem:v18+s25+$0x0] =	vst.idx.msk $0xffff, v15  }
0x39f: {  	v14 =	vld.idx.msk [tilespmem:v14+s17+$0x0], $0xffff  }
0x3a0: {  	v17 =	vor.u32 v27, v17;
	_ =	sdelay $0x1  }
0x3a1: {  	v18 =	vor.u32 s10, v28  }
0x3a2: {  	v19 =	vmul.f32 $8.000000000e+00, v19;
	[tilespmem:$0x1FA10] =	vst v18  }
0x3a3: {  	[tilespmem:$0x1F8E0] =	vst v14  }
0x3a4: {  	[tilespmem:v17+s25+$0x0] =	vst.idx.msk $0xffff, v19  }
0x3a5: {  	v19 =	vld [tilespmem:$0x1F8D0];
	_ =	sdelay $0x7  }
0x3a6: {  	v19 =	vld.idx.msk [tilespmem:v19+s17+$0x0], $0xffff;
	_ =	sdelay $0x4  }
0x3a7: {  	v14 =	vor.u32 s11, v28;
	[tilespmem:$0x1F8F0] =	vst v19;
	v19 =	vor.u32 v41, v20  }
0x3a8: {  	v15 =	vor.u32 v41, v51;
	[tilespmem:$0x1FA20] =	vst v14;
	v19 =	vor.u32 v14, v19;
	v14 =	vld [tilespmem:$0x1F8E0]  }
0x3a9: {  	v15 =	vor.u32 v18, v15  }
0x3aa: {  	v15 =	vor.u32 v27, v15;
	_ =	sdelay $0x1  }
0x3ab: {  	v17 =	vor.u32 v40, v52  }
0x3ac: {  	v14 =	vmul.f32 $8.000000000e+00, v14;
	_ =	sdelay $0x1  }
0x3ad: {  	v31 =	vor.u32 s10, v29;
	[tilespmem:v15+s25+$0x0] =	vst.idx.msk $0xffff, v14  }
0x3ae: {  	v18 =	vor.u32 v40, v16;
	[tilespmem:$0x1FA30] =	vst v31;
	v16 =	vld [tilespmem:$0x1FEA0]  }
0x3af: {  	v15 =	vld.idx.msk [tilespmem:v17+s17+$0x0], $0xffff;
	_ =	sdelay $0x4  }
0x3b0: {  	[tilespmem:$0x1F900] =	vst v15;
	v15 =	vor.u32 v16, v51  }
0x3b1: {  	v15 =	vor.u32 v31, v15;
	v31 =	vld [tilespmem:$0x1FDF0]  }
0x3b2: {  	v17 =	vld [tilespmem:$0x1F8F0];
	_ =	sdelay $0x1  }
0x3b3: {  	v19 =	vor.u32 v27, v19  }
0x3b4: {  	v13 =	vor.u32 v27, v13  }
0x3b5: {  	[tilespmem:$0x1F910] =	vst v13;
	v13 =	vor.u32 v31, v48  }
0x3b6: {  	v17 =	vmul.f32 $8.000000000e+00, v17;
	[tilespmem:$0x1F920] =	vst v13;
	v13 =	vor.u32 v31, v52;
	_ =	sdelay $0x1  }
0x3b7: {  	[tilespmem:v19+s25+$0x0] =	vst.idx.msk $0xffff, v17  }
0x3b8: {  	[tilespmem:$0x1F930] =	vst v13;
	v13 =	vmov v20;
	v20 =	vor.u32 v16, v20;
	v16 =	vld [tilespmem:$0x1F910];
	_ =	sdelay $0x5  }
0x3b9: {  	v11 =	vmul.f32 $8.000000000e+00, v11;
	v14 =	vor.u32 s11, v29  }
0x3ba: {  	[tilespmem:$0x1FA40] =	vst v14  }
0x3bb: {  	v20 =	vor.u32 v14, v20;
	v14 =	vld [tilespmem:$0x1F900];
	[tilespmem:v16+s25+$0x0] =	vst.idx.msk $0xffff, v11  }
0x3bc: {  	v11 =	vld [tilespmem:$0x1F9A0];
	_ =	sdelay $0x4  }
0x3bd: {  	v19 =	vld.idx.msk [tilespmem:v18+s17+$0x0], $0xffff;
	v17 =	vor.u32 v31, v11  }
0x3be: {  	[tilespmem:$0x1F940] =	vst v17;
	v17 =	vld [tilespmem:$0x1F920];
	_ =	sdelay $0x7  }
0x3bf: {  	v17 =	vld.idx.msk [tilespmem:v17+s17+$0x0], $0xffff  }
0x3c0: {  	v15 =	vor.u32 v27, v15;
	_ =	sdelay $0x2  }
0x3c1: {  	v14 =	vmul.f32 $8.000000000e+00, v14  }
0x3c2: {  	[tilespmem:$0x1F950] =	vst v17  }
0x3c3: {  	[tilespmem:v15+s25+$0x0] =	vst.idx.msk $0xffff, v14  }
0x3c4: {  	v18 =	vld [tilespmem:$0x1FE60];
	_ =	sdelay $0x3  }
0x3c5: {  	v14 =	vld [tilespmem:$0x1F930]  }
0x3c6: {  	v15 =	vor.u32 v21, v51;
	v31 =	vor.u32 s10, v18  }
0x3c7: {  	[tilespmem:$0x1FA50] =	vst v31;
	v15 =	vor.u32 v31, v15;
	v31 =	vld [tilespmem:$0x1FED0];
	_ =	sdelay $0x1  }
0x3c8: {  	v20 =	vor.u32 v27, v20  }
0x3c9: {  	v16 =	vor.u32 v21, v47  }
0x3ca: {  	v17 =	vor.u32 v59, v16  }
0x3cb: {  	v16 =	vmul.f32 $8.000000000e+00, v19;
	v19 =	vor.u32 v27, v17;
	v17 =	vor.u32 v31, v48  }
0x3cc: {  	v14 =	vld.idx.msk [tilespmem:v14+s17+$0x0], $0xffff;
	[tilespmem:$0x1F960] =	vst v17  }
0x3cd: {  	[tilespmem:v20+s25+$0x0] =	vst.idx.msk $0xffff, v16  }
0x3ce: {  	v17 =	vld [tilespmem:$0x1F940];
	_ =	sdelay $0x5  }
0x3cf: {  	v18 =	vor.u32 s11, v18  }
0x3d0: {  	v20 =	vor.u32 v21, v13;
	[tilespmem:$0x1FA60] =	vst v18;
	v13 =	vld [tilespmem:$0x1F950]  }
0x3d1: {  	v17 =	vld.idx.msk [tilespmem:v17+s17+$0x0], $0xffff  }
0x3d2: {  	v15 =	vor.u32 v27, v15;
	_ =	sdelay $0x2  }
0x3d3: {  	v14 =	vmul.f32 $8.000000000e+00, v14  }
0x3d4: {  	[tilespmem:$0x1F970] =	vst v17;
	v17 =	vmul.f32 $8.000000000e+00, v13  }
0x3d5: {  	[tilespmem:v15+s25+$0x0] =	vst.idx.msk $0xffff, v14  }
0x3d6: {  	[tilespmem:v19+s25+$0x0] =	vst.idx.msk $0xffff, v17  }
0x3d7: {  	v19 =	vor.u32 v31, v11;
	v11 =	vld [tilespmem:$0x1F960];
	_ =	sdelay $0x7  }
0x3d8: {  	v14 =	vld.idx.msk [tilespmem:v11+s17+$0x0], $0xffff  }
0x3d9: {  	v11 =	vld [tilespmem:$0x1F970]  }
0x3da: {  	v20 =	vor.u32 v18, v20  }
0x3db: {  	v20 =	vor.u32 v27, v20;
	v18 =	vld [tilespmem:$0x1FF10];
	_ =	sdelay $0x2  }
0x3dc: {  	v13 =	vmul.f32 $8.000000000e+00, v11  }
0x3dd: {  	v16 =	vor.u32 v31, v52  }
0x3de: {  	v31 =	vld [tilespmem:$0x1FE00];
	v15 =	vor.u32 v18, v47;
	[tilespmem:v20+s25+$0x0] =	vst.idx.msk $0xffff, v13  }
0x3df: {  	v15 =	vor.u32 v61, v15;
	v61 =	vld [tilespmem:$0x1F980];
	_ =	sdelay $0x2  }
0x3e0: {  	v16 =	vld.idx.msk [tilespmem:v16+s17+$0x0], $0xffff;
	v17 =	vor.u32 v18, v51;
	v15 =	vor.u32 v27, v15  }
0x3e1: {  	v1 =	vor.u32 v1, v17;
	v11 =	vld.idx.msk [tilespmem:v19+s17+$0x0], $0xffff  }
0x3e2: {  	v17 =	vor.u32 v31, v48;
	v1 =	vor.u32 v27, v1;
	v19 =	vor.u32 v18, v61;
	v18 =	vld [tilespmem:$0x1F990]  }
0x3e3: {  	v14 =	vmul.f32 $8.000000000e+00, v14;
	v13 =	vor.u32 v31, v52;
	_ =	sdelay $0x1  }
0x3e4: {  	v16 =	vmul.f32 $8.000000000e+00, v16;
	[tilespmem:v15+s25+$0x0] =	vst.idx.msk $0xffff, v14  }
0x3e5: {  	v20 =	vld [tilespmem:$0x1F9A0]  }
0x3e6: {  	v15 =	vor.u32 v34, v47;
	[tilespmem:v1+s25+$0x0] =	vst.idx.msk $0xffff, v16;
	v1 =	vld.idx.msk [tilespmem:v17+s17+$0x0], $0xffff;
	v18 =	vor.u32 v18, v19  }
0x3e7: {  	v15 =	vor.u32 v60, v15;
	v16 =	vor.u32 v34, v51;
	v13 =	vld.idx.msk [tilespmem:v13+s17+$0x0], $0xffff;
	v18 =	vor.u32 v27, v18  }
0x3e8: {  	v15 =	vor.u32 v27, v15;
	v3 =	vor.u32 v3, v16  }
0x3e9: {  	v17 =	vld [tilespmem:$0x1FE10];
	v3 =	vor.u32 v27, v3  }
0x3ea: {  	v11 =	vmul.f32 $8.000000000e+00, v11  }
0x3eb: {  	v1 =	vmul.f32 $8.000000000e+00, v1  }
0x3ec: {  	v14 =	vor.u32 v31, v20;
	v13 =	vmul.f32 $8.000000000e+00, v13;
	[tilespmem:v18+s25+$0x0] =	vst.idx.msk $0xffff, v11  }
0x3ed: {  	v19 =	vld [tilespmem:$0x1F9B0];
	[tilespmem:v15+s25+$0x0] =	vst.idx.msk $0xffff, v1  }
0x3ee: {  	v18 =	vmov v17;
	v1 =	vld.idx.msk [tilespmem:v9+s17+$0x0], $0xffff;
	[tilespmem:v3+s25+$0x0] =	vst.idx.msk $0xffff, v13  }
0x3ef: {  	v16 =	vor.u32 v17, v48;
	v9 =	vor.u32 v57, v10;
	v10 =	vor.u32 v18, v20;
	v18 =	vld [tilespmem:$0x1FEF0]  }
0x3f0: {  	v11 =	vor.u32 v17, v52  }
0x3f1: {  	v17 =	vor.u32 v34, v61;
	v14 =	vld.idx.msk [tilespmem:v14+s17+$0x0], $0xffff  }
0x3f2: {  	v17 =	vor.u32 v19, v17;
	v19 =	vld [tilespmem:$0x1FE20];
	_ =	sdelay $0x1  }
0x3f3: {  	v3 =	vor.u32 v27, v9;
	v13 =	vld.idx.msk [tilespmem:v16+s17+$0x0], $0xffff;
	v17 =	vor.u32 v27, v17;
	v9 =	vor.u32 v18, v47  }
0x3f4: {  	v11 =	vld.idx.msk [tilespmem:v11+s17+$0x0], $0xffff;
	v15 =	vor.u32 v18, v51;
	v9 =	vor.u32 v63, v9  }
0x3f5: {  	v8 =	vor.u32 v8, v15;
	v9 =	vor.u32 v27, v9  }
0x3f6: {  	v14 =	vmul.f32 $8.000000000e+00, v14;
	v8 =	vor.u32 v27, v8;
	v15 =	vor.u32 v19, v45  }
0x3f7: {  	v1 =	vmul.f32 $8.000000000e+00, v1  }
0x3f8: {  	v13 =	vmul.f32 $8.000000000e+00, v13;
	[tilespmem:v17+s25+$0x0] =	vst.idx.msk $0xffff, v14  }
0x3f9: {  	v17 =	vld [tilespmem:$0x1F9C0];
	[tilespmem:v3+s25+$0x0] =	vst.idx.msk $0xffff, v1;
	v3 =	vmul.f32 $8.000000000e+00, v11  }
0x3fa: {  	[tilespmem:v9+s25+$0x0] =	vst.idx.msk $0xffff, v13  }
0x3fb: {  	[tilespmem:v8+s25+$0x0] =	vst.idx.msk $0xffff, v3;
	v9 =	vld.idx.msk [tilespmem:v15+s17+$0x0], $0xffff  }
0x3fc: {  	v15 =	vld [tilespmem:$0x1FEE0]  }
0x3fd: {  	v16 =	vor.u32 v18, v61;
	v10 =	vld.idx.msk [tilespmem:v10+s17+$0x0], $0xffff  }
0x3fe: {  	v16 =	vor.u32 v17, v16  }
0x3ff: {  	v11 =	vor.u32 v27, v16;
	_ =	sdelay $0x1  }
0x400: {  	v14 =	vor.u32 v19, v48;
	v3 =	vor.u32 v53, v5;
	v5 =	vor.u32 v15, v43  }
0x401: {  	v10 =	vmul.f32 $8.000000000e+00, v10;
	v5 =	vor.u32 v56, v5  }
0x402: {  	v1 =	vor.u32 v19, v52;
	v5 =	vor.u32 v27, v5  }
0x403: {  	v17 =	vld [tilespmem:$0x1FE30];
	[tilespmem:v11+s25+$0x0] =	vst.idx.msk $0xffff, v10  }
0x404: {  	v11 =	vld [tilespmem:$0x1F9D0]  }
0x405: {  	v13 =	vor.u32 v19, v20;
	v14 =	vld.idx.msk [tilespmem:v14+s17+$0x0], $0xffff;
	v9 =	vmul.f32 $8.000000000e+00, v9  }
0x406: {  	v16 =	vld [tilespmem:$0x1F9E0]  }
0x407: {  	v1 =	vld.idx.msk [tilespmem:v1+s17+$0x0], $0xffff;
	v8 =	vor.u32 v15, v47;
	[tilespmem:v5+s25+$0x0] =	vst.idx.msk $0xffff, v9  }
0x408: {  	v0 =	vor.u32 v0, v8;
	v10 =	vor.u32 v15, v51;
	v18 =	vld [tilespmem:$0x1FEC0]  }
0x409: {  	v8 =	vor.u32 v17, v45;
	v0 =	vor.u32 v27, v0;
	v10 =	vor.u32 v11, v10  }
0x40a: {  	v13 =	vld.idx.msk [tilespmem:v13+s17+$0x0], $0xffff;
	v11 =	vor.u32 v15, v61;
	v15 =	vor.u32 v17, v48;
	v10 =	vor.u32 v27, v10  }
0x40b: {  	v11 =	vor.u32 v16, v11  }
0x40c: {  	v14 =	vmul.f32 $8.000000000e+00, v14;
	v16 =	vor.u32 v17, v52;
	v11 =	vor.u32 v27, v11  }
0x40d: {  	v1 =	vmul.f32 $8.000000000e+00, v1;
	v5 =	vor.u32 v18, v43  }
0x40e: {  	[tilespmem:v0+s25+$0x0] =	vst.idx.msk $0xffff, v14;
	v0 =	vor.u32 v58, v5;
	v5 =	vld.idx.msk [tilespmem:v8+s17+$0x0], $0xffff  }
0x40f: {  	v8 =	vmul.f32 $8.000000000e+00, v13;
	v13 =	vld.idx.msk [tilespmem:v15+s17+$0x0], $0xffff;
	[tilespmem:v10+s25+$0x0] =	vst.idx.msk $0xffff, v1  }
0x410: {  	v9 =	vor.u32 v17, v20;
	v10 =	vor.u32 v18, v47;
	v17 =	vld [tilespmem:$0x1FE40]  }
0x411: {  	v10 =	vor.u32 v62, v10;
	v15 =	vld.idx.msk [tilespmem:v16+s17+$0x0], $0xffff;
	[tilespmem:v11+s25+$0x0] =	vst.idx.msk $0xffff, v8  }
0x412: {  	v8 =	vor.u32 v27, v10;
	v10 =	vld [tilespmem:$0x1F9F0]  }
0x413: {  	v16 =	vld [tilespmem:$0x1FA00];
	_ =	sdelay $0x2  }
0x414: {  	v14 =	vor.u32 v18, v51;
	v0 =	vor.u32 v27, v0  }
0x415: {  	v4 =	vmul.f32 $8.000000000e+00, v4;
	v11 =	vor.u32 v18, v61;
	v9 =	vld.idx.msk [tilespmem:v9+s17+$0x0], $0xffff;
	v10 =	vor.u32 v10, v14  }
0x416: {  	v11 =	vor.u32 v16, v11;
	v10 =	vor.u32 v27, v10  }
0x417: {  	[tilespmem:v7+s25+$0x0] =	vst.idx.msk $0xffff, v4;
	v4 =	vmul.f32 $8.000000000e+00, v5;
	v7 =	vor.u32 v27, v11  }
0x418: {  	v18 =	vld [tilespmem:$0x1FEB0];
	v13 =	vmul.f32 $8.000000000e+00, v13  }
0x419: {  	v58 =	vld [tilespmem:$0x1FDE0];
	[tilespmem:v0+s25+$0x0] =	vst.idx.msk $0xffff, v4;
	v4 =	vmul.f32 $8.000000000e+00, v15  }
0x41a: {  	v1 =	vor.u32 v17, v45;
	[tilespmem:v8+s25+$0x0] =	vst.idx.msk $0xffff, v13;
	v8 =	vmul.f32 $8.000000000e+00, v9  }
0x41b: {  	v14 =	vor.u32 v17, v48;
	v15 =	vld [tilespmem:$0x1FE50];
	[tilespmem:v10+s25+$0x0] =	vst.idx.msk $0xffff, v4  }
0x41c: {  	v5 =	vor.u32 v17, v52;
	[tilespmem:v7+s25+$0x0] =	vst.idx.msk $0xffff, v8  }
0x41d: {  	v16 =	vor.u32 v17, v20;
	v13 =	vor.u32 v18, v47;
	v7 =	vld [tilespmem:$0x1FA10]  }
0x41e: {  	v4 =	vor.u32 v12, v13;
	v13 =	vld [tilespmem:$0x1FA20]  }
0x41f: {  	v11 =	vor.u32 v18, v43;
	v1 =	vld.idx.msk [tilespmem:v1+s17+$0x0], $0xffff  }
0x420: {  	v0 =	vor.u32 v55, v11;
	v11 =	vld.idx.msk [tilespmem:v14+s17+$0x0], $0xffff  }
0x421: {  	v0 =	vor.u32 v27, v0;
	v10 =	vor.u32 v18, v51;
	v5 =	vld.idx.msk [tilespmem:v5+s17+$0x0], $0xffff  }
0x422: {  	v4 =	vor.u32 v27, v4;
	v8 =	vld.idx.msk [tilespmem:v16+s17+$0x0], $0xffff;
	v7 =	vor.u32 v7, v10;
	v10 =	vor.u32 v18, v61  }
0x423: {  	v7 =	vor.u32 v27, v7;
	v10 =	vor.u32 v13, v10  }
0x424: {  	v12 =	vor.u32 v15, v48;
	v1 =	vmul.f32 $8.000000000e+00, v1;
	v10 =	vor.u32 v27, v10  }
0x425: {  	v60 =	vld [tilespmem:$0x1FDC0];
	v11 =	vmul.f32 $8.000000000e+00, v11  }
0x426: {  	v18 =	vld [tilespmem:$0x1FD80];
	[tilespmem:v0+s25+$0x0] =	vst.idx.msk $0xffff, v1;
	v1 =	vmul.f32 $8.000000000e+00, v5  }
0x427: {  	v6 =	vld.idx.msk [tilespmem:v6+s17+$0x0], $0xffff;
	v9 =	vor.u32 v15, v45;
	[tilespmem:v4+s25+$0x0] =	vst.idx.msk $0xffff, v11;
	v4 =	vmul.f32 $8.000000000e+00, v8  }
0x428: {  	[tilespmem:v7+s25+$0x0] =	vst.idx.msk $0xffff, v1  }
0x429: {  	v13 =	vor.u32 v15, v52;
	v11 =	vld.idx.msk [tilespmem:v12+s17+$0x0], $0xffff;
	[tilespmem:v10+s25+$0x0] =	vst.idx.msk $0xffff, v4  }
0x42a: {  	v15 =	vor.u32 v15, v20;
	v4 =	vld [tilespmem:$0x1FA30]  }
0x42b: {  	v12 =	vld [tilespmem:$0x1FA40]  }
0x42c: {  	v3 =	vor.u32 v27, v3;
	v5 =	vmul.f32 $8.000000000e+00, v6;
	v6 =	vld.idx.msk [tilespmem:v9+s17+$0x0], $0xffff;
	v14 =	vor.u32 v18, v43  }
0x42d: {  	v17 =	vor.u32 v58, v44;
	v9 =	vor.u32 v18, v47;
	v0 =	vor.u32 v54, v14  }
0x42e: {  	v1 =	vor.u32 v2, v9;
	v2 =	vor.u32 v18, v51;
	v0 =	vor.u32 v27, v0;
	v7 =	vld.idx.msk [tilespmem:v13+s17+$0x0], $0xffff  }
0x42f: {  	v1 =	vor.u32 v27, v1;
	v9 =	vld.idx.msk [tilespmem:v15+s17+$0x0], $0xffff;
	v2 =	vor.u32 v4, v2;
	v4 =	vor.u32 v18, v61  }
0x430: {  	v8 =	vor.u32 v58, v45;
	v2 =	vor.u32 v27, v2;
	v4 =	vor.u32 v12, v4  }
0x431: {  	v10 =	vor.u32 v58, v48;
	[tilespmem:v3+s25+$0x0] =	vst.idx.msk $0xffff, v5;
	v3 =	vmul.f32 $8.000000000e+00, v6;
	v4 =	vor.u32 v27, v4  }
0x432: {  	v11 =	vmul.f32 $8.000000000e+00, v11  }
0x433: {  	[tilespmem:v0+s25+$0x0] =	vst.idx.msk $0xffff, v3;
	v3 =	vmul.f32 $8.000000000e+00, v7  }
0x434: {  	v16 =	vor.u32 v60, v46;
	v6 =	vld.idx.msk [tilespmem:v17+s17+$0x0], $0xffff;
	[tilespmem:v1+s25+$0x0] =	vst.idx.msk $0xffff, v11;
	v1 =	vmul.f32 $8.000000000e+00, v9  }
0x435: {  	v13 =	vor.u32 v58, v20;
	v7 =	vld.idx.msk [tilespmem:v8+s17+$0x0], $0xffff;
	v9 =	vor.u32 v60, v47;
	[tilespmem:v2+s25+$0x0] =	vst.idx.msk $0xffff, v3  }
0x436: {  	v5 =	vor.u32 v58, v52;
	v8 =	vld.idx.msk [tilespmem:v10+s17+$0x0], $0xffff;
	v2 =	vor.u32 v59, v9;
	[tilespmem:v4+s25+$0x0] =	vst.idx.msk $0xffff, v1  }
0x437: {  	v0 =	vor.u32 v60, v43;
	v12 =	vor.u32 v49, v16;
	v1 =	vor.u32 v27, v2;
	v2 =	vld [tilespmem:$0x1FA50]  }
0x438: {  	v0 =	vor.u32 v50, v0;
	v12 =	vor.u32 v27, v12;
	v9 =	vld [tilespmem:$0x1FA60]  }
0x439: {  	v0 =	vor.u32 v27, v0;
	_ =	sdelay $0x1  }
0x43a: {  	v6 =	vmul.f32 $8.000000000e+00, v6;
	v3 =	vld.idx.msk [tilespmem:v5+s17+$0x0], $0xffff;
	v5 =	vor.u32 v60, v51  }
0x43b: {  	v7 =	vmul.f32 $8.000000000e+00, v7;
	v4 =	vld.idx.msk [tilespmem:v13+s17+$0x0], $0xffff;
	v2 =	vor.u32 v2, v5;
	v5 =	vor.u32 v60, v61  }
0x43c: {  	[tilespmem:v12+s25+$0x0] =	vst.idx.msk $0xffff, v6;
	v6 =	vmul.f32 $8.000000000e+00, v8;
	v2 =	vor.u32 v27, v2;
	v5 =	vor.u32 v9, v5  }
0x43d: {  	[tilespmem:v0+s25+$0x0] =	vst.idx.msk $0xffff, v7;
	v5 =	vor.u32 v27, v5  }
0x43e: {  	[tilespmem:v1+s25+$0x0] =	vst.idx.msk $0xffff, v6  }
0x43f: {  	v0 =	vmul.f32 $8.000000000e+00, v3;
	s30 =	rddreg [dreg:$0x5]  }
0x440: {  	v1 =	vmul.f32 $8.000000000e+00, v4;
	s4 =	sadd.s32 s30, s16  }
0x441: {  	s4 =	sshrl.u32 s4, $0x3;
	[tilespmem:v2+s25+$0x0] =	vst.idx.msk $0xffff, v0  }
0x442: {  	s4 =	sadd.s32 s1, s4;
	[tilespmem:v5+s25+$0x0] =	vst.idx.msk $0xffff, v1  }
0x443: {  	[hbm4b:s4+s21] =	stream.strided.scatter [tilespmem:s25], [sflag:$0x6], $0x2000, s22, s21, $0x38;
	[tilespmem:$0x19080] =	vst v63  }
0x444: {  	_ =	swait.ge [sflag:s26], $0x2000  }
0x445: {  	v63 =	vld [tilespmem:$0x1FFF0]  }
0x446: {  	s31 =	simm.s32 $0x0  }
0x447: {  	s11 =	sand.u32 $0x70, s31;
	[sflag:s26] =	ssyncset.done $0x0  }
0x448: {  	s8 =	sand.u32 $0x3, s31;
	s10 =	sadd.s32 $0xE80, s9;
	v0 =	vmov s11;
	[sflag:s26] =	ssyncadd.s32 $0xFFFFE000  }
0x449: {  	v0 =	vshll.u32 v0, $0x7;
	[tilespmem:s17], [sflag:$0x3] =	stream.indirect.gather [hbm4b:s5+s13], $0x80, s10, s13, $0xb8;
	[tilespmem:$0x19080] =	vst v63  }
0x44a: {  	s7 =	sshll.u32 s8, $0x4;
	_ =	swait.ge [sflag:s28], $0x4000;
	v0 =	vor.u32 v63, v0  }
0x44b: {  	v5 =	vlaneseq.u32;
	v58 =	vld [tilespmem:$0x1FE80];
	v43 =	vor.u32 s7, v0  }
0x44c: {  	v6 =	vld [tilespmem:$0x1FFE0];
	v0 =	vor.u32 v5, v43;
	_ =	sdelay $0x1  }
0x44d: {  	s4 =	sshll.u32 s8, $0x1  }
0x44e: {  	v1 =	vmov s4;
	[sflag:s28] =	ssyncset.done $0x0  }
0x44f: {  	v44 =	vshll.u32 v1, $0xA;
	[sflag:s28] =	ssyncadd.s32 $0xFFFFC000  }
0x450: {  	v7 =	vor.u32 s11, v58;
	v1 =	vor.u32 v6, v44;
	v0 =	vld.idx.msk [tilespmem:v0+s18+$0x0], $0xffff  }
0x451: {  	v1 =	vor.u32 v7, v1  }
0x452: {  	v1 =	vor.u32 v27, v1;
	_ =	sdelay $0x1  }
0x453: {  	v60 =	vld [tilespmem:$0x1FFD0]  }
0x454: {  	v0 =	vmul.f32 $8.000000000e+00, v0;
	_ =	sdelay $0x1  }
0x455: {  	[tilespmem:v1+s29+$0x0] =	vst.idx.msk $0xffff, v0  }
0x456: {  	v55 =	vld [tilespmem:$0x1FFA0]  }
0x457: {  	v2 =	vor.u32 v60, v43;
	v15 =	vld [tilespmem:$0x1FFC0];
	_ =	sdelay $0x4  }
0x458: {  	v0 =	vld.idx.msk [tilespmem:v2+s18+$0x0], $0xffff;
	v2 =	vor.u32 s11, v55;
	v1 =	vor.u32 v15, v44  }
0x459: {  	v1 =	vor.u32 v2, v1  }
0x45a: {  	v1 =	vor.u32 v27, v1;
	_ =	sdelay $0x1  }
0x45b: {  	v62 =	vld [tilespmem:$0x1FFB0]  }
0x45c: {  	v0 =	vmul.f32 $8.000000000e+00, v0  }
0x45d: {  	[tilespmem:$0x1FA70] =	vst v2  }
0x45e: {  	[tilespmem:v1+s29+$0x0] =	vst.idx.msk $0xffff, v0  }
0x45f: {  	v16 =	vld [tilespmem:$0x1FE70]  }
0x460: {  	v2 =	vor.u32 v62, v43;
	v17 =	vld [tilespmem:$0x1FE90];
	_ =	sdelay $0x4  }
0x461: {  	v0 =	vld.idx.msk [tilespmem:v2+s18+$0x0], $0xffff;
	v1 =	vor.u32 s11, v16;
	v2 =	vor.u32 v17, v44  }
0x462: {  	v2 =	vor.u32 v1, v2  }
0x463: {  	v2 =	vor.u32 v27, v2;
	_ =	sdelay $0x2  }
0x464: {  	v59 =	vld [tilespmem:$0x1FDA0];
	v0 =	vmul.f32 $8.000000000e+00, v0  }
0x465: {  	[tilespmem:$0x1FA80] =	vst v1  }
0x466: {  	[tilespmem:v2+s29+$0x0] =	vst.idx.msk $0xffff, v0  }
0x467: {  	v19 =	vld [tilespmem:$0x1FF90];
	_ =	sdelay $0x1  }
0x468: {  	s16 =	simm.s32 $0x4;
	v4 =	vor.u32 v59, v43;
	v20 =	vld [tilespmem:$0x1FF80]  }
0x469: {  	s10 =	sand.u32 $0x70, s16  }
0x46a: {  	s30 =	simm.s32 $0x1;
	v3 =	vmov s10  }
0x46b: {  	s4 =	sand.u32 $0x3, s30;
	v3 =	vshll.u32 v3, $0x7;
	v0 =	vor.u32 s11, v19  }
0x46c: {  	s31 =	sshll.u32 s4, $0x4;
	v3 =	vor.u32 v63, v3;
	[tilespmem:$0x1FA90] =	vst v0  }
0x46d: {  	v46 =	vor.u32 s31, v3;
	v3 =	vor.u32 v20, v44;
	v4 =	vld.idx.msk [tilespmem:v4+s18+$0x0], $0xffff  }
0x46e: {  	v3 =	vor.u32 v0, v3  }
0x46f: {  	v8 =	vor.u32 v27, v3;
	_ =	sdelay $0x2  }
0x470: {  	v0 =	vor.u32 s10, v58;
	v3 =	vld [tilespmem:$0x1FF50];
	v4 =	vmul.f32 $8.000000000e+00, v4  }
0x471: {  	s4 =	sshll.u32 s4, $0x1;
	v2 =	vor.u32 v5, v46;
	[tilespmem:$0x1FAA0] =	vst v0  }
0x472: {  	v5 =	vmov s4;
	[tilespmem:v8+s29+$0x0] =	vst.idx.msk $0xffff, v4  }
0x473: {  	v45 =	vshll.u32 v5, $0xA;
	v54 =	vld [tilespmem:$0x1FF70]  }
0x474: {  	v5 =	vor.u32 v6, v45  }
0x475: {  	v5 =	vor.u32 v0, v5;
	v9 =	vor.u32 v3, v43;
	v0 =	vld [tilespmem:$0x1FF30]  }
0x476: {  	v2 =	vld.idx.msk [tilespmem:v2+s18+$0x0], $0xffff;
	_ =	sdelay $0x1  }
0x477: {  	v10 =	vor.u32 v27, v5;
	v1 =	vor.u32 s11, v54  }
0x478: {  	[tilespmem:$0x1FAB0] =	vst v1  }
0x479: {  	v8 =	vor.u32 v0, v44;
	v9 =	vld.idx.msk [tilespmem:v9+s18+$0x0], $0xffff  }
0x47a: {  	v2 =	vmul.f32 $8.000000000e+00, v2;
	v4 =	vor.u32 v60, v46;
	v8 =	vor.u32 v1, v8  }
0x47b: {  	v8 =	vor.u32 v27, v8  }
0x47c: {  	[tilespmem:v10+s29+$0x0] =	vst.idx.msk $0xffff, v2  }
0x47d: {  	v2 =	vld [tilespmem:$0x1FDB0]  }
0x47e: {  	v1 =	vor.u32 s10, v55;
	v9 =	vmul.f32 $8.000000000e+00, v9  }
0x47f: {  	v11 =	vld.idx.msk [tilespmem:v4+s18+$0x0], $0xffff;
	[tilespmem:$0x1FAC0] =	vst v1  }
0x480: {  	v4 =	vor.u32 v15, v45;
	[tilespmem:v8+s29+$0x0] =	vst.idx.msk $0xffff, v9  }
0x481: {  	v4 =	vor.u32 v1, v4;
	v52 =	vld [tilespmem:$0x1FF60]  }
0x482: {  	v12 =	vor.u32 v27, v4;
	v10 =	vor.u32 v2, v43;
	v4 =	vld [tilespmem:$0x1FF40];
	_ =	sdelay $0x4  }
0x483: {  	v9 =	vld.idx.msk [tilespmem:v10+s18+$0x0], $0xffff;
	v1 =	vor.u32 s11, v52;
	v10 =	vor.u32 v4, v44  }
0x484: {  	v11 =	vmul.f32 $8.000000000e+00, v11;
	v10 =	vor.u32 v1, v10  }
0x485: {  	v8 =	vor.u32 v62, v46;
	[tilespmem:$0x1FAD0] =	vst v1;
	v10 =	vor.u32 v27, v10  }
0x486: {  	[tilespmem:v12+s29+$0x0] =	vst.idx.msk $0xffff, v11  }
0x487: {  	v53 =	vld [tilespmem:$0x1FF20]  }
0x488: {  	v9 =	vmul.f32 $8.000000000e+00, v9;
	_ =	sdelay $0x1  }
0x489: {  	v8 =	vld.idx.msk [tilespmem:v8+s18+$0x0], $0xffff;
	[tilespmem:v10+s29+$0x0] =	vst.idx.msk $0xffff, v9  }
0x48a: {  	v31 =	vld [tilespmem:$0x1FD90]  }
0x48b: {  	v57 =	vor.u32 s10, v16;
	v12 =	vor.u32 v17, v45;
	v11 =	vor.u32 v53, v43;
	v51 =	vld [tilespmem:$0x1FEA0]  }
0x48c: {  	v12 =	vor.u32 v57, v12  }
0x48d: {  	v12 =	vor.u32 v27, v12;
	_ =	sdelay $0x2  }
0x48e: {  	v8 =	vmul.f32 $8.000000000e+00, v8;
	v48 =	vor.u32 s11, v31;
	v10 =	vld.idx.msk [tilespmem:v11+s18+$0x0], $0xffff;
	v11 =	vor.u32 v51, v44  }
0x48f: {  	v11 =	vor.u32 v48, v11  }
0x490: {  	v9 =	vor.u32 v59, v46;
	[tilespmem:v12+s29+$0x0] =	vst.idx.msk $0xffff, v8;
	v11 =	vor.u32 v27, v11  }
0x491: {  	v18 =	vld [tilespmem:$0x1FDF0];
	_ =	sdelay $0x1  }
0x492: {  	v10 =	vmul.f32 $8.000000000e+00, v10;
	_ =	sdelay $0x1  }
0x493: {  	s8 =	simm.s32 $0x8;
	v9 =	vld.idx.msk [tilespmem:v9+s18+$0x0], $0xffff;
	[tilespmem:v11+s29+$0x0] =	vst.idx.msk $0xffff, v10  }
0x494: {  	s4 =	sand.u32 $0x70, s8;
	v56 =	vor.u32 s10, v19;
	v12 =	vor.u32 v20, v45;
	v8 =	vor.u32 v18, v43;
	v1 =	vld [tilespmem:$0x1FE60]  }
0x495: {  	s9 =	simm.s32 $0x2;
	v13 =	vmov s4;
	v12 =	vor.u32 v56, v12  }
0x496: {  	s7 =	sand.u32 $0x3, s9;
	v13 =	vshll.u32 v13, $0x7;
	v12 =	vor.u32 v27, v12  }
0x497: {  	s8 =	sshll.u32 s7, $0x4;
	v13 =	vor.u32 v63, v13  }
0x498: {  	v61 =	vlaneseq.u32;
	v14 =	vor.u32 v21, v44;
	s7 =	sshll.u32 s7, $0x1;
	v49 =	vor.u32 s8, v13  }
0x499: {  	v9 =	vmul.f32 $8.000000000e+00, v9;
	v11 =	vmov s7;
	v8 =	vld.idx.msk [tilespmem:v8+s18+$0x0], $0xffff;
	v50 =	vor.u32 s11, v1  }
0x49a: {  	v13 =	vor.u32 v61, v49;
	v47 =	vshll.u32 v11, $0xA;
	v11 =	vor.u32 v50, v14  }
0x49b: {  	v10 =	vor.u32 v3, v46;
	[tilespmem:v12+s29+$0x0] =	vst.idx.msk $0xffff, v9;
	v11 =	vor.u32 v27, v11  }
0x49c: {  	v3 =	vld [tilespmem:$0x1FED0];
	_ =	sdelay $0x1  }
0x49d: {  	v8 =	vmul.f32 $8.000000000e+00, v8  }
0x49e: {  	v61 =	vor.u32 s4, v58;
	v58 =	vor.u32 s10, v54;
	v13 =	vld.idx.msk [tilespmem:v13+s18+$0x0], $0xffff;
	v14 =	vor.u32 v6, v47  }
0x49f: {  	v12 =	vor.u32 v0, v45;
	v10 =	vld.idx.msk [tilespmem:v10+s18+$0x0], $0xffff;
	v14 =	vor.u32 v61, v14;
	[tilespmem:v11+s29+$0x0] =	vst.idx.msk $0xffff, v8  }
0x4a0: {  	v9 =	vor.u32 v3, v43;
	v14 =	vor.u32 v27, v14;
	v8 =	vor.u32 v2, v46;
	v2 =	vld [tilespmem:$0x1FF10]  }
0x4a1: {  	v5 =	vmov v15;
	v15 =	vor.u32 v60, v49;
	v12 =	vor.u32 v58, v12  }
0x4a2: {  	v12 =	vor.u32 v27, v12  }
0x4a3: {  	v13 =	vmul.f32 $8.000000000e+00, v13;
	_ =	sdelay $0x1  }
0x4a4: {  	v10 =	vmul.f32 $8.000000000e+00, v10;
	v9 =	vld.idx.msk [tilespmem:v9+s18+$0x0], $0xffff;
	[tilespmem:v14+s29+$0x0] =	vst.idx.msk $0xffff, v13;
	v11 =	vor.u32 v2, v44  }
0x4a5: {  	v0 =	vmovc v60;
	v60 =	vor.u32 s4, v55;
	v13 =	vor.u32 v5, v47;
	v7 =	vor.u32 v7, v11;
	v11 =	vld.idx.msk [tilespmem:v15+s18+$0x0], $0xffff  }
0x4a6: {  	[tilespmem:v12+s29+$0x0] =	vst.idx.msk $0xffff, v10;
	v13 =	vor.u32 v60, v13;
	v7 =	vor.u32 v27, v7  }
0x4a7: {  	v19 =	vld [tilespmem:$0x1FE00];
	v12 =	vor.u32 v27, v13;
	_ =	sdelay $0x1  }
0x4a8: {  	v9 =	vmul.f32 $8.000000000e+00, v9  }
0x4a9: {  	v11 =	vmul.f32 $8.000000000e+00, v11  }
0x4aa: {  	[tilespmem:v7+s29+$0x0] =	vst.idx.msk $0xffff, v9  }
0x4ab: {  	v13 =	vor.u32 v4, v45;
	v10 =	vor.u32 v19, v43;
	v4 =	vld [tilespmem:$0x1FF00];
	[tilespmem:v12+s29+$0x0] =	vst.idx.msk $0xffff, v11  }
0x4ac: {  	v14 =	vor.u32 v62, v49;
	v5 =	vld [tilespmem:$0x1FA70];
	_ =	sdelay $0x2  }
0x4ad: {  	v55 =	vor.u32 s10, v52;
	v8 =	vld.idx.msk [tilespmem:v8+s18+$0x0], $0xffff  }
0x4ae: {  	v62 =	vor.u32 s4, v16;
	v13 =	vor.u32 v55, v13;
	v9 =	vld.idx.msk [tilespmem:v10+s18+$0x0], $0xffff;
	v10 =	vor.u32 v4, v44  }
0x4af: {  	v13 =	vor.u32 v27, v13;
	v11 =	vor.u32 v17, v47;
	v6 =	vor.u32 v5, v10;
	v10 =	vld.idx.msk [tilespmem:v14+s18+$0x0], $0xffff  }
0x4b0: {  	v11 =	vor.u32 v62, v11;
	v6 =	vor.u32 v27, v6  }
0x4b1: {  	v11 =	vor.u32 v27, v11  }
0x4b2: {  	s16 =	simm.s32 $0xC;
	v8 =	vmul.f32 $8.000000000e+00, v8  }
0x4b3: {  	s9 =	sand.u32 $0x70, s16;
	v9 =	vmul.f32 $8.000000000e+00, v9  }
0x4b4: {  	s30 =	simm.s32 $0x3;
	v54 =	vor.u32 s10, v31;
	v31 =	vld [tilespmem:$0x1FE10];
	[tilespmem:v13+s29+$0x0] =	vst.idx.msk $0xffff, v8;
	v8 =	vmov s9;
	v10 =	vmul.f32 $8.000000000e+00, v10  }
0x4b5: {  	s7 =	sand.u32 $0x3, s30;
	v7 =	vor.u32 v53, v46;
	v8 =	vshll.u32 v8, $0x7;
	[tilespmem:v6+s29+$0x0] =	vst.idx.msk $0xffff, v9  }
0x4b6: {  	s31 =	sshll.u32 s7, $0x4;
	v13 =	vor.u32 v51, v45;
	v51 =	vor.u32 s10, v1;
	v6 =	vor.u32 v63, v8;
	v20 =	vld [tilespmem:$0x1FEF0];
	[tilespmem:v11+s29+$0x0] =	vst.idx.msk $0xffff, v10  }
0x4b7: {  	v5 =	vlaneseq.u32;
	v8 =	vor.u32 v18, v46;
	v18 =	vmovc v1;
	v53 =	vor.u32 s31, v6;
	v1 =	vld [tilespmem:$0x1FA80]  }
0x4b8: {  	v6 =	vor.u32 v5, v53;
	v5 =	vld [tilespmem:$0x1FF80];
	_ =	sdelay $0x3  }
0x4b9: {  	v13 =	vor.u32 v54, v13;
	v7 =	vld.idx.msk [tilespmem:v7+s18+$0x0], $0xffff;
	v9 =	vor.u32 v20, v44  }
0x4ba: {  	v12 =	vor.u32 v31, v43;
	v1 =	vor.u32 v1, v9;
	v9 =	vor.u32 v5, v47;
	v5 =	vld [tilespmem:$0x1FF90]  }
0x4bb: {  	v13 =	vor.u32 v27, v13;
	_ =	sdelay $0x2  }
0x4bc: {  	v7 =	vmul.f32 $8.000000000e+00, v7  }
0x4bd: {  	v14 =	vor.u32 v59, v49;
	v15 =	vld.idx.msk [tilespmem:v12+s18+$0x0], $0xffff;
	v12 =	vor.u32 s4, v5  }
0x4be: {  	v11 =	vor.u32 v27, v1;
	v5 =	vld [tilespmem:$0x1FE20];
	[tilespmem:v13+s29+$0x0] =	vst.idx.msk $0xffff, v7;
	v1 =	vor.u32 v12, v9  }
0x4bf: {  	v7 =	vor.u32 v27, v1;
	v1 =	vld [tilespmem:$0x1FF50];
	_ =	sdelay $0x2  }
0x4c0: {  	s7 =	sshll.u32 s7, $0x1;
	v10 =	vld.idx.msk [tilespmem:v14+s18+$0x0], $0xffff  }
0x4c1: {  	v14 =	vmov s7;
	v15 =	vmul.f32 $8.000000000e+00, v15  }
0x4c2: {  	v9 =	vor.u32 v5, v43;
	v5 =	vld [tilespmem:$0x1FFE0];
	v13 =	vor.u32 v1, v49;
	v1 =	vor.u32 v21, v45  }
0x4c3: {  	v52 =	vshll.u32 v14, $0xA;
	v14 =	vor.u32 v51, v1;
	v1 =	vld [tilespmem:$0x1FE80];
	[tilespmem:v11+s29+$0x0] =	vst.idx.msk $0xffff, v15  }
0x4c4: {  	v15 =	vor.u32 v3, v46;
	v3 =	vld [tilespmem:$0x1FEE0]  }
0x4c5: {  	v10 =	vmul.f32 $8.000000000e+00, v10  }
0x4c6: {  	v6 =	vld.idx.msk [tilespmem:v6+s18+$0x0], $0xffff  }
0x4c7: {  	v8 =	vld.idx.msk [tilespmem:v8+s18+$0x0], $0xffff;
	[tilespmem:v7+s29+$0x0] =	vst.idx.msk $0xffff, v10  }
0x4c8: {  	v10 =	vor.u32 v0, v53;
	v16 =	vor.u32 v5, v52;
	v0 =	vld [tilespmem:$0x1FF30];
	v1 =	vor.u32 s9, v1  }
0x4c9: {  	v11 =	vor.u32 v1, v16;
	v16 =	vor.u32 v3, v44;
	v3 =	vld [tilespmem:$0x1FA90]  }
0x4ca: {  	v14 =	vor.u32 v27, v14  }
0x4cb: {  	v11 =	vor.u32 v27, v11;
	_ =	sdelay $0x1  }
0x4cc: {  	v8 =	vmul.f32 $8.000000000e+00, v8  }
0x4cd: {  	v6 =	vmul.f32 $8.000000000e+00, v6;
	v7 =	vor.u32 v3, v16;
	v16 =	vor.u32 v0, v47;
	v0 =	vld [tilespmem:$0x1FF70]  }
0x4ce: {  	v3 =	vld [tilespmem:$0x1FE30];
	[tilespmem:v14+s29+$0x0] =	vst.idx.msk $0xffff, v8  }
0x4cf: {  	v14 =	vld.idx.msk [tilespmem:v15+s18+$0x0], $0xffff;
	[tilespmem:v11+s29+$0x0] =	vst.idx.msk $0xffff, v6  }
0x4d0: {  	v15 =	vor.u32 v2, v45;
	v2 =	vld [tilespmem:$0x1FDB0];
	_ =	sdelay $0x4  }
0x4d1: {  	v6 =	vor.u32 v2, v49;
	v2 =	vld [tilespmem:$0x1FAA0];
	_ =	sdelay $0x4  }
0x4d2: {  	v11 =	vor.u32 v2, v15;
	v2 =	vld [tilespmem:$0x1FFA0];
	_ =	sdelay $0x1  }
0x4d3: {  	v9 =	vld.idx.msk [tilespmem:v9+s18+$0x0], $0xffff;
	_ =	sdelay $0x1  }
0x4d4: {  	v7 =	vor.u32 v27, v7  }
0x4d5: {  	v17 =	vor.u32 v3, v43;
	v3 =	vor.u32 s9, v2;
	v2 =	vld [tilespmem:$0x1FFC0];
	_ =	sdelay $0x1  }
0x4d6: {  	v13 =	vld.idx.msk [tilespmem:v13+s18+$0x0], $0xffff;
	v9 =	vmul.f32 $8.000000000e+00, v9;
	v0 =	vor.u32 s4, v0  }
0x4d7: {  	v16 =	vor.u32 v0, v16  }
0x4d8: {  	v8 =	vor.u32 v27, v16;
	[tilespmem:v7+s29+$0x0] =	vst.idx.msk $0xffff, v9  }
0x4d9: {  	v15 =	vor.u32 v2, v52;
	v2 =	vld [tilespmem:$0x1FEC0];
	_ =	sdelay $0x1  }
0x4da: {  	v13 =	vmul.f32 $8.000000000e+00, v13;
	_ =	sdelay $0x1  }
0x4db: {  	[tilespmem:v8+s29+$0x0] =	vst.idx.msk $0xffff, v13  }
0x4dc: {  	v7 =	vor.u32 v3, v15;
	v15 =	vor.u32 v2, v44;
	v2 =	vld [tilespmem:$0x1FAB0];
	_ =	sdelay $0x4  }
0x4dd: {  	v5 =	vor.u32 v2, v15;
	v2 =	vld [tilespmem:$0x1FFB0];
	_ =	sdelay $0x4  }
0x4de: {  	v8 =	vor.u32 v2, v53;
	v2 =	vld [tilespmem:$0x1FF60];
	_ =	sdelay $0x4  }
0x4df: {  	v63 =	vor.u32 s4, v2;
	v2 =	vld [tilespmem:$0x1FF40];
	_ =	sdelay $0x3  }
0x4e0: {  	v11 =	vor.u32 v27, v11  }
0x4e1: {  	v13 =	vmul.f32 $8.000000000e+00, v14;
	v14 =	vor.u32 v2, v47;
	v2 =	vld [tilespmem:$0x1FE40];
	_ =	sdelay $0x2  }
0x4e2: {  	v10 =	vld.idx.msk [tilespmem:v10+s18+$0x0], $0xffff  }
0x4e3: {  	v9 =	vor.u32 v19, v46;
	v16 =	vld.idx.msk [tilespmem:v17+s18+$0x0], $0xffff;
	[tilespmem:v11+s29+$0x0] =	vst.idx.msk $0xffff, v13  }
0x4e4: {  	v7 =	vor.u32 v27, v7;
	v15 =	vor.u32 v2, v43;
	v2 =	vld [tilespmem:$0x1FF20];
	_ =	sdelay $0x2  }
0x4e5: {  	v10 =	vmul.f32 $8.000000000e+00, v10  }
0x4e6: {  	v5 =	vor.u32 v27, v5;
	v14 =	vor.u32 v63, v14;
	v13 =	vld.idx.msk [tilespmem:v9+s18+$0x0], $0xffff  }
0x4e7: {  	v11 =	vor.u32 v27, v14;
	v14 =	vmul.f32 $8.000000000e+00, v16;
	v16 =	vor.u32 v2, v49;
	v2 =	vld [tilespmem:$0x1FAC0];
	[tilespmem:v7+s29+$0x0] =	vst.idx.msk $0xffff, v10  }
0x4e8: {  	v9 =	vor.u32 v4, v45;
	v4 =	vld [tilespmem:$0x1FE70];
	_ =	sdelay $0x2  }
0x4e9: {  	v19 =	vld.idx.msk [tilespmem:v8+s18+$0x0], $0xffff  }
0x4ea: {  	v9 =	vor.u32 v2, v9;
	v2 =	vld [tilespmem:$0x1FD90];
	[tilespmem:v5+s29+$0x0] =	vst.idx.msk $0xffff, v14  }
0x4eb: {  	v8 =	vor.u32 s9, v4;
	v4 =	vld [tilespmem:$0x1FE90];
	_ =	sdelay $0x1  }
0x4ec: {  	v6 =	vld.idx.msk [tilespmem:v6+s18+$0x0], $0xffff;
	_ =	sdelay $0x2  }
0x4ed: {  	v5 =	vor.u32 v4, v52;
	v4 =	vld [tilespmem:$0x1FEB0];
	_ =	sdelay $0x1  }
0x4ee: {  	v6 =	vmul.f32 $8.000000000e+00, v6;
	_ =	sdelay $0x1  }
0x4ef: {  	[tilespmem:v11+s29+$0x0] =	vst.idx.msk $0xffff, v6  }
0x4f0: {  	v7 =	vor.u32 v4, v44;
	v4 =	vld [tilespmem:$0x1FAD0];
	_ =	sdelay $0x4  }
0x4f1: {  	v4 =	vor.u32 v4, v7  }
0x4f2: {  	v6 =	vor.u32 v27, v4;
	v4 =	vld [tilespmem:$0x1FEA0];
	_ =	sdelay $0x2  }
0x4f3: {  	v5 =	vor.u32 v8, v5  }
0x4f4: {  	v59 =	vor.u32 s4, v18;
	v18 =	vor.u32 v27, v9;
	v14 =	vor.u32 v27, v5;
	v5 =	vld [tilespmem:$0x1FDA0]  }
0x4f5: {  	v11 =	vmul.f32 $8.000000000e+00, v13;
	v13 =	vor.u32 v4, v47;
	v4 =	vld [tilespmem:$0x1FE50];
	_ =	sdelay $0x3  }
0x4f6: {  	v7 =	vld.idx.msk [tilespmem:v15+s18+$0x0], $0xffff;
	[tilespmem:v18+s29+$0x0] =	vst.idx.msk $0xffff, v11  }
0x4f7: {  	s11 =	simm.s32 $0x10;
	v15 =	vor.u32 v5, v53;
	v5 =	vor.u32 v4, v43;
	v4 =	vld [tilespmem:$0x1FD80]  }
0x4f8: {  	s10 =	sand.u32 $0x70, s11  }
0x4f9: {  	v10 =	vmov s10  }
0x4fa: {  	v17 =	vshll.u32 v10, $0x7;
	v10 =	vor.u32 v20, v45  }
0x4fb: {  	v20 =	vlaneseq.u32;
	v9 =	vor.u32 v31, v46;
	v2 =	vor.u32 s4, v2  }
0x4fc: {  	s16 =	simm.s32 $0x5;
	s4 =	simm.s32 $0x4;
	v11 =	vld.idx.msk [tilespmem:v16+s18+$0x0], $0xffff;
	v16 =	vmul.f32 $8.000000000e+00, v19;
	v13 =	vor.u32 v2, v13;
	v4 =	vor.u32 v4, v44  }
.LBB2_11:
0x4fd: {  	_ =	sdelay $0x3  }
0x4fe: {  	v9 =	vld.idx.msk [tilespmem:v9+s18+$0x0], $0xffff  }
0x4ff: {  	v7 =	vmul.f32 $8.000000000e+00, v7;
	[tilespmem:v14+s29+$0x0] =	vst.idx.msk $0xffff, v16;
	v16 =	vld [tilespmem:$0x1FDF0]  }
0x500: {  	s7 =	sand.u32 $0x3, s4;
	v18 =	vor.u32 v25, v52;
	v14 =	vor.u32 s9, v38;
	v15 =	vld.idx.msk [tilespmem:v15+s18+$0x0], $0xffff  }
0x501: {  	v17 =	vor.u32 v26, v17;
	s8 =	sshll.u32 s7, $0x4;
	[tilespmem:v6+s29+$0x0] =	vst.idx.msk $0xffff, v7;
	v7 =	vmul.f32 $8.000000000e+00, v11;
	v11 =	vor.u32 v14, v18;
	v18 =	vld [tilespmem:$0x1FE20]  }
0x502: {  	v13 =	vor.u32 v27, v13;
	v17 =	vor.u32 s8, v17  }
0x503: {  	v6 =	vor.u32 v20, v17  }
0x504: {  	v10 =	vor.u32 v57, v10;
	v16 =	vor.u32 v16, v49  }
0x505: {  	v19 =	vld [tilespmem:$0x1FE80];
	v10 =	vor.u32 v27, v10  }
0x506: {  	v5 =	vld.idx.msk [tilespmem:v5+s18+$0x0], $0xffff;
	v18 =	vor.u32 v18, v46  }
0x507: {  	v20 =	vld [tilespmem:$0x1FEE0];
	v11 =	vor.u32 v27, v11;
	[tilespmem:v13+s29+$0x0] =	vst.idx.msk $0xffff, v7  }
0x508: {  	v9 =	vmul.f32 $8.000000000e+00, v9;
	v6 =	vld.idx.msk [tilespmem:v6+s18+$0x0], $0xffff  }
0x509: {  	v13 =	vld.idx.msk [tilespmem:v16+s18+$0x0], $0xffff;
	v16 =	vor.u32 v21, v47  }
0x50a: {  	v15 =	vmul.f32 $8.000000000e+00, v15;
	v21 =	vld [tilespmem:$0x1FDE0];
	[tilespmem:v10+s29+$0x0] =	vst.idx.msk $0xffff, v9;
	v16 =	vor.u32 v59, v16  }
0x50b: {  	v10 =	vor.u32 v27, v16;
	v16 =	vld.idx.msk [tilespmem:v18+s18+$0x0], $0xffff  }
0x50c: {  	[tilespmem:v11+s29+$0x0] =	vst.idx.msk $0xffff, v15;
	v15 =	vld [tilespmem:$0x1FED0]  }
0x50d: {  	v4 =	vor.u32 v48, v4;
	s7 =	sshll.u32 s7, $0x1  }
0x50e: {  	v57 =	vmovc v62;
	v62 =	vmovc v8;
	v4 =	vor.u32 v27, v4;
	v8 =	vmov s7;
	v7 =	vor.u32 v32, v53  }
0x50f: {  	v8 =	vshll.u32 v8, $0xA;
	v20 =	vor.u32 v20, v45  }
0x510: {  	v19 =	vor.u32 s10, v19;
	v9 =	vor.u32 v30, v8;
	v21 =	vor.u32 v21, v43;
	v43 =	vmovc v46;
	v46 =	vmovc v49  }
0x511: {  	v5 =	vmul.f32 $8.000000000e+00, v5;
	v9 =	vor.u32 v19, v9;
	v15 =	vor.u32 v15, v46  }
0x512: {  	v9 =	vor.u32 v27, v9;
	v18 =	vor.u32 v56, v20;
	v56 =	vmov v12;
	v12 =	vld [tilespmem:$0x1FE30]  }
0x513: {  	v7 =	vld.idx.msk [tilespmem:v7+s18+$0x0], $0xffff;
	[tilespmem:v4+s29+$0x0] =	vst.idx.msk $0xffff, v5;
	v5 =	vmul.f32 $8.000000000e+00, v13;
	_ =	sdelay $0x1  }
0x514: {  	v6 =	vmul.f32 $8.000000000e+00, v6;
	v13 =	vor.u32 v27, v18;
	v18 =	vld.idx.msk [tilespmem:v21+s18+$0x0], $0xffff;
	[tilespmem:v10+s29+$0x0] =	vst.idx.msk $0xffff, v5  }
0x515: {  	v10 =	vld.idx.msk [tilespmem:v15+s18+$0x0], $0xffff  }
0x516: {  	[tilespmem:v9+s29+$0x0] =	vst.idx.msk $0xffff, v6;
	v9 =	vld [tilespmem:$0x1FF10]  }
0x517: {  	v20 =	vor.u32 v12, v43;
	v12 =	vld [tilespmem:$0x1FDC0];
	_ =	sdelay $0x2  }
0x518: {  	v48 =	vmovc v54;
	v54 =	vmovc v2;
	v2 =	vor.u32 v36, v52;
	v11 =	vor.u32 s9, v22;
	v4 =	vor.u32 v37, v17  }
0x519: {  	v2 =	vor.u32 v11, v2;
	v9 =	vor.u32 v9, v47  }
0x51a: {  	v2 =	vor.u32 v27, v2;
	v21 =	vor.u32 v12, v44;
	v9 =	vor.u32 v61, v9;
	v61 =	vmovc v1;
	v1 =	vld [tilespmem:$0x1FE00]  }
0x51b: {  	v12 =	vmov v14;
	v14 =	vmul.f32 $8.000000000e+00, v16;
	v5 =	vor.u32 v50, v21  }
0x51c: {  	v49 =	vmov v53;
	v5 =	vor.u32 v27, v5  }
0x51d: {  	v7 =	vmul.f32 $8.000000000e+00, v7;
	v6 =	vor.u32 v39, v49;
	v4 =	vld.idx.msk [tilespmem:v4+s18+$0x0], $0xffff;
	[tilespmem:v13+s29+$0x0] =	vst.idx.msk $0xffff, v14  }
0x51e: {  	v53 =	vmovc v17;
	v16 =	vor.u32 s10, v35;
	v13 =	vor.u32 v23, v8;
	v14 =	vld.idx.msk [tilespmem:v20+s18+$0x0], $0xffff;
	v9 =	vor.u32 v27, v9  }
0x51f: {  	v15 =	vld [tilespmem:$0x1FEC0];
	v17 =	vmul.f32 $8.000000000e+00, v18;
	v13 =	vor.u32 v16, v13;
	[tilespmem:v2+s29+$0x0] =	vst.idx.msk $0xffff, v7;
	v2 =	vor.u32 v1, v46  }
0x520: {  	v7 =	vor.u32 v27, v13  }
0x521: {  	v10 =	vmul.f32 $8.000000000e+00, v10;
	[tilespmem:v5+s29+$0x0] =	vst.idx.msk $0xffff, v17;
	v5 =	vor.u32 v33, v53  }
0x522: {  	v17 =	vld [tilespmem:$0x1FE40]  }
0x523: {  	v4 =	vmul.f32 $8.000000000e+00, v4;
	v6 =	vld.idx.msk [tilespmem:v6+s18+$0x0], $0xffff;
	[tilespmem:v9+s29+$0x0] =	vst.idx.msk $0xffff, v10  }
0x524: {  	v15 =	vor.u32 v15, v45;
	v1 =	vmov v19;
	v19 =	vld.idx.msk [tilespmem:v2+s18+$0x0], $0xffff  }
0x525: {  	v13 =	vor.u32 v58, v15;
	v2 =	vld [tilespmem:$0x1FE60];
	[tilespmem:v7+s29+$0x0] =	vst.idx.msk $0xffff, v4  }
0x526: {  	v18 =	vor.u32 s9, v28;
	v15 =	vor.u32 v41, v52;
	v13 =	vor.u32 v27, v13;
	v20 =	vld.idx.msk [tilespmem:v5+s18+$0x0], $0xffff  }
0x527: {  	v44 =	vmovc v45;
	v45 =	vmovc v47;
	v47 =	vmov v52;
	v52 =	vmov v8;
	v8 =	vor.u32 v18, v15;
	v5 =	vld [tilespmem:$0x1FE70]  }
0x528: {  	v17 =	vor.u32 v17, v43;
	v10 =	vor.u32 v27, v8  }
0x529: {  	v9 =	vmul.f32 $8.000000000e+00, v14;
	v4 =	vor.u32 v40, v49  }
0x52a: {  	v50 =	vmov v51;
	v6 =	vmul.f32 $8.000000000e+00, v6  }
0x52b: {  	s11 =	sadd.s32 $0x4, s11;
	v51 =	vmovc v59;
	v7 =	vor.u32 v34, v45;
	[tilespmem:v13+s29+$0x0] =	vst.idx.msk $0xffff, v9;
	v13 =	vld [tilespmem:$0x1FEB0];
	v59 =	vor.u32 s9, v2;
	v2 =	vor.u32 s9, v29;
	s9 =	smov.u32 s10  }
0x52c: {  	s10 =	sand.u32 $0x70, s11;
	v8 =	vor.u32 s9, v5;
	v5 =	vor.u32 v60, v7;
	v60 =	vmov v3;
	v3 =	vld [tilespmem:$0x1FE90]  }
0x52d: {  	v58 =	vmov v0;
	v0 =	vmov v11;
	v11 =	vmov s10;
	v7 =	vld.idx.msk [tilespmem:v17+s18+$0x0], $0xffff;
	[tilespmem:v10+s29+$0x0] =	vst.idx.msk $0xffff, v6  }
0x52e: {  	v17 =	vshll.u32 v11, $0x7;
	v11 =	vld.idx.msk [tilespmem:v4+s18+$0x0], $0xffff  }
0x52f: {  	v4 =	vld [tilespmem:$0x1FEA0];
	_ =	sdelay $0x2  }
0x530: {  	v9 =	vor.u32 v3, v52  }
0x531: {  	v13 =	vor.u32 v13, v44;
	v21 =	vor.u32 v27, v5;
	v5 =	vor.u32 v8, v9  }
0x532: {  	v14 =	vor.u32 v27, v5;
	v5 =	vor.u32 v55, v13;
	v13 =	vor.u32 v4, v47;
	v4 =	vld [tilespmem:$0x1FE50];
	_ =	sdelay $0x1  }
0x533: {  	v10 =	vmul.f32 $8.000000000e+00, v19  }
0x534: {  	v9 =	vld [tilespmem:$0x1FE10]  }
0x535: {  	[tilespmem:v21+s29+$0x0] =	vst.idx.msk $0xffff, v10;
	v10 =	vld [tilespmem:$0x1FEF0]  }
0x536: {  	p0 =	sne.s32 s16, $0x1F;
	v6 =	vor.u32 v27, v5;
	v5 =	vor.u32 v4, v43;
	v4 =	vld [tilespmem:$0x1FD80]  }
.Ltmp4:
0x537: {  	_ = 	snop;
	(pc) =	sbr.rel @p0 .LBB2_11-.Ltmp4, $4  }
0x538: {  	_ = 	snop  }
0x539: {  	v15 =	vor.u32 v42, v53;
	v3 =	vmov v16  }
0x53a: {  	v16 =	vmul.f32 $8.000000000e+00, v20;
	v20 =	vlaneseq.u32;
	v21 =	vmovc v24;
	v55 =	vmovc v63;
	v13 =	vor.u32 v2, v13  }
0x53b: {  	s4 =	smov.u32 s16;
	s16 =	sadd.s32 $0x1, s16;
	v63 =	vmovc v18;
	v9 =	vor.u32 v9, v46;
	v10 =	vor.u32 v10, v45;
	v4 =	vor.u32 v4, v44  }
0x53c: {  	s4 =	sand.u32 $0x3, s4  }
0x53d: {  	s7 =	sshll.u32 s4, $0x4;
	s4 =	sshll.u32 s4, $0x1  }
0x53e: {  	v18 =	vmov s4  }
0x53f: {  	v17 =	vor.u32 v26, v17;
	v26 =	vshll.u32 v18, $0xA;
	v18 =	vld [tilespmem:$0x1FE80]  }
0x540: {  	v31 =	vor.u32 s7, v17  }
0x541: {  	v17 =	vor.u32 v20, v31;
	_ =	sdelay $0x2  }
0x542: {  	v18 =	vor.u32 s10, v18  }
0x543: {  	[tilespmem:$0x1F7C0] =	vst v18  }
0x544: {  	v19 =	vor.u32 v30, v26;
	v17 =	vld.idx.msk [tilespmem:v17+s18+$0x0], $0xffff  }
0x545: {  	v19 =	vor.u32 v18, v19  }
0x546: {  	v19 =	vor.u32 v27, v19  }
0x547: {  	v20 =	vor.u32 v37, v31;
	_ =	sdelay $0x1  }
0x548: {  	v17 =	vmul.f32 $8.000000000e+00, v17;
	_ =	sdelay $0x1  }
0x549: {  	[tilespmem:v19+s29+$0x0] =	vst.idx.msk $0xffff, v17  }
0x54a: {  	v30 =	vor.u32 s10, v35;
	v19 =	vor.u32 v23, v26;
	v17 =	vld.idx.msk [tilespmem:v20+s18+$0x0], $0xffff  }
0x54b: {  	v19 =	vor.u32 v30, v19  }
0x54c: {  	v19 =	vor.u32 v27, v19;
	_ =	sdelay $0x2  }
0x54d: {  	v17 =	vmul.f32 $8.000000000e+00, v17;
	_ =	sdelay $0x1  }
0x54e: {  	v20 =	vor.u32 v33, v31;
	[tilespmem:v19+s29+$0x0] =	vst.idx.msk $0xffff, v17  }
0x54f: {  	v18 =	vld [tilespmem:$0x1FE70];
	_ =	sdelay $0x3  }
0x550: {  	v17 =	vld.idx.msk [tilespmem:v20+s18+$0x0], $0xffff  }
0x551: {  	v20 =	vor.u32 s10, v18;
	v18 =	vld [tilespmem:$0x1FE90];
	_ =	sdelay $0x4  }
0x552: {  	v19 =	vor.u32 v18, v26  }
0x553: {  	[tilespmem:$0x1F7D0] =	vst v20;
	v19 =	vor.u32 v20, v19  }
0x554: {  	[tilespmem:v14+s29+$0x0] =	vst.idx.msk $0xffff, v16;
	v18 =	vor.u32 s9, v38;
	v19 =	vor.u32 v27, v19  }
0x555: {  	[tilespmem:$0x1F7E0] =	vst v18  }
0x556: {  	v35 =	vor.u32 v25, v52;
	v20 =	vor.u32 v42, v31;
	v15 =	vld.idx.msk [tilespmem:v15+s18+$0x0], $0xffff  }
0x557: {  	v16 =	vmul.f32 $8.000000000e+00, v17;
	v14 =	vor.u32 v18, v35  }
0x558: {  	v14 =	vor.u32 v27, v14  }
0x559: {  	v18 =	vor.u32 s10, v38;
	[tilespmem:v19+s29+$0x0] =	vst.idx.msk $0xffff, v16  }
0x55a: {  	v23 =	vmov v26;
	v16 =	vor.u32 v32, v53;
	[tilespmem:$0x1F7F0] =	vst v18  }
0x55b: {  	v17 =	vor.u32 v25, v23;
	v15 =	vmul.f32 $8.000000000e+00, v15;
	v19 =	vld.idx.msk [tilespmem:v20+s18+$0x0], $0xffff  }
0x55c: {  	v17 =	vor.u32 v18, v17  }
0x55d: {  	v17 =	vor.u32 v27, v17;
	v18 =	vor.u32 s9, v22;
	[tilespmem:v14+s29+$0x0] =	vst.idx.msk $0xffff, v15  }
0x55e: {  	[tilespmem:$0x1F800] =	vst v18  }
0x55f: {  	v38 =	vor.u32 v36, v52;
	v20 =	vor.u32 v32, v31;
	v15 =	vld.idx.msk [tilespmem:v16+s18+$0x0], $0xffff  }
0x560: {  	v14 =	vor.u32 v18, v38;
	v16 =	vmul.f32 $8.000000000e+00, v19  }
0x561: {  	v14 =	vor.u32 v27, v14  }
0x562: {  	[tilespmem:v17+s29+$0x0] =	vst.idx.msk $0xffff, v16;
	v16 =	vor.u32 v39, v53;
	_ =	sdelay $0x1  }
0x563: {  	v38 =	vor.u32 s10, v22;
	v17 =	vor.u32 v36, v23;
	v19 =	vld.idx.msk [tilespmem:v20+s18+$0x0], $0xffff;
	v15 =	vmul.f32 $8.000000000e+00, v15  }
0x564: {  	v17 =	vor.u32 v38, v17  }
0x565: {  	v17 =	vor.u32 v27, v17;
	[tilespmem:v14+s29+$0x0] =	vst.idx.msk $0xffff, v15  }
0x566: {  	v18 =	vor.u32 s9, v28;
	v20 =	vor.u32 v39, v31;
	v15 =	vor.u32 v41, v52;
	v14 =	vld.idx.msk [tilespmem:v16+s18+$0x0], $0xffff  }
0x567: {  	v15 =	vor.u32 v18, v15  }
0x568: {  	v15 =	vor.u32 v27, v15;
	v16 =	vmul.f32 $8.000000000e+00, v19  }
0x569: {  	[tilespmem:$0x1F810] =	vst v18  }
0x56a: {  	[tilespmem:v17+s29+$0x0] =	vst.idx.msk $0xffff, v16;
	v16 =	vor.u32 v40, v53  }
0x56b: {  	v17 =	vld.idx.msk [tilespmem:v20+s18+$0x0], $0xffff;
	v14 =	vmul.f32 $8.000000000e+00, v14;
	_ =	sdelay $0x1  }
0x56c: {  	v18 =	vor.u32 s9, v29;
	[tilespmem:v15+s29+$0x0] =	vst.idx.msk $0xffff, v14  }
0x56d: {  	[tilespmem:$0x1F820] =	vst v18;
	v14 =	vld [tilespmem:$0x1FEA0]  }
0x56e: {  	v33 =	vmov v22;
	v22 =	vld.idx.msk [tilespmem:v16+s18+$0x0], $0xffff  }
0x56f: {  	v16 =	vmul.f32 $8.000000000e+00, v17;
	v17 =	vor.u32 v27, v13;
	v13 =	vld [tilespmem:$0x1FDF0]  }
0x570: {  	v37 =	vmovc v25;
	v25 =	vmov v28;
	v28 =	vor.u32 s10, v28;
	v19 =	vor.u32 v41, v23  }
0x571: {  	v19 =	vor.u32 v28, v19  }
0x572: {  	v19 =	vor.u32 v27, v19;
	v15 =	vor.u32 v14, v52  }
0x573: {  	v15 =	vor.u32 v18, v15  }
0x574: {  	v18 =	vor.u32 v13, v49;
	v15 =	vor.u32 v27, v15;
	_ =	sdelay $0x1  }
0x575: {  	v11 =	vmul.f32 $8.000000000e+00, v11  }
0x576: {  	v20 =	vor.u32 v40, v31;
	[tilespmem:v19+s29+$0x0] =	vst.idx.msk $0xffff, v16;
	v40 =	vmul.f32 $8.000000000e+00, v22  }
0x577: {  	[tilespmem:v17+s29+$0x0] =	vst.idx.msk $0xffff, v11  }
0x578: {  	v17 =	vld.idx.msk [tilespmem:v18+s18+$0x0], $0xffff;
	[tilespmem:v15+s29+$0x0] =	vst.idx.msk $0xffff, v40  }
0x579: {  	v18 =	vld [tilespmem:$0x1FE60];
	_ =	sdelay $0x1  }
0x57a: {  	v16 =	vor.u32 v13, v53  }
0x57b: {  	v42 =	vor.u32 s10, v29;
	v19 =	vld.idx.msk [tilespmem:v20+s18+$0x0], $0xffff;
	v20 =	vor.u32 v14, v23  }
0x57c: {  	v20 =	vor.u32 v42, v20  }
0x57d: {  	v20 =	vor.u32 v27, v20;
	v22 =	vor.u32 s9, v18  }
0x57e: {  	v35 =	vmov v32;
	v32 =	vmov v39;
	v39 =	vor.u32 v21, v47;
	[tilespmem:$0x1F830] =	vst v22  }
0x57f: {  	v13 =	vor.u32 v13, v31;
	v11 =	vor.u32 v59, v39;
	v15 =	vor.u32 v21, v52;
	v14 =	vld.idx.msk [tilespmem:v16+s18+$0x0], $0xffff  }
0x580: {  	v11 =	vor.u32 v27, v11;
	v15 =	vor.u32 v22, v15;
	v16 =	vmul.f32 $8.000000000e+00, v19  }
0x581: {  	v39 =	vld [tilespmem:$0x1FED0];
	v15 =	vor.u32 v27, v15  }
0x582: {  	v18 =	vor.u32 s10, v18;
	[tilespmem:v20+s29+$0x0] =	vst.idx.msk $0xffff, v16  }
0x583: {  	v17 =	vmul.f32 $8.000000000e+00, v17;
	[tilespmem:$0x1F840] =	vst v18  }
0x584: {  	v20 =	vor.u32 v21, v23;
	v13 =	vld.idx.msk [tilespmem:v13+s18+$0x0], $0xffff;
	v14 =	vmul.f32 $8.000000000e+00, v14  }
0x585: {  	v20 =	vor.u32 v18, v20;
	[tilespmem:v11+s29+$0x0] =	vst.idx.msk $0xffff, v17  }
0x586: {  	v19 =	vor.u32 v39, v49;
	v20 =	vor.u32 v27, v20;
	[tilespmem:v15+s29+$0x0] =	vst.idx.msk $0xffff, v14  }
0x587: {  	v22 =	vld [tilespmem:$0x1FF10]  }
0x588: {  	v16 =	vor.u32 v39, v53  }
0x589: {  	v13 =	vmul.f32 $8.000000000e+00, v13  }
0x58a: {  	v40 =	vld [tilespmem:$0x1FE00]  }
0x58b: {  	v11 =	vor.u32 v39, v31;
	v14 =	vld.idx.msk [tilespmem:v19+s18+$0x0], $0xffff;
	[tilespmem:v20+s29+$0x0] =	vst.idx.msk $0xffff, v13  }
0x58c: {  	v18 =	vld [tilespmem:$0x1F7C0];
	v15 =	vor.u32 v22, v47  }
0x58d: {  	v16 =	vld.idx.msk [tilespmem:v16+s18+$0x0], $0xffff;
	v17 =	vor.u32 v22, v52;
	v15 =	vor.u32 v61, v15  }
0x58e: {  	v1 =	vor.u32 v1, v17;
	v15 =	vor.u32 v27, v15  }
0x58f: {  	v17 =	vor.u32 v40, v49;
	v1 =	vor.u32 v27, v1  }
0x590: {  	v11 =	vld.idx.msk [tilespmem:v11+s18+$0x0], $0xffff;
	v13 =	vor.u32 v40, v53;
	v19 =	vor.u32 v22, v23  }
0x591: {  	v14 =	vmul.f32 $8.000000000e+00, v14;
	v18 =	vor.u32 v18, v19  }
0x592: {  	v16 =	vmul.f32 $8.000000000e+00, v16;
	v18 =	vor.u32 v27, v18  }
0x593: {  	v61 =	vor.u32 v40, v31;
	[tilespmem:v15+s29+$0x0] =	vst.idx.msk $0xffff, v14  }
0x594: {  	[tilespmem:v1+s29+$0x0] =	vst.idx.msk $0xffff, v16;
	v15 =	vor.u32 v34, v47;
	v40 =	vld.idx.msk [tilespmem:v17+s18+$0x0], $0xffff  }
0x595: {  	v11 =	vmul.f32 $8.000000000e+00, v11;
	v16 =	vor.u32 v34, v52;
	v15 =	vor.u32 v60, v15;
	v13 =	vld.idx.msk [tilespmem:v13+s18+$0x0], $0xffff  }
0x596: {  	v3 =	vor.u32 v3, v16;
	v15 =	vor.u32 v27, v15  }
0x597: {  	v19 =	vld [tilespmem:$0x1FE10];
	v3 =	vor.u32 v27, v3;
	[tilespmem:v18+s29+$0x0] =	vst.idx.msk $0xffff, v11  }
0x598: {  	v17 =	vor.u32 v34, v23;
	v14 =	vld.idx.msk [tilespmem:v61+s18+$0x0], $0xffff  }
0x599: {  	v17 =	vor.u32 v30, v17;
	v1 =	vmul.f32 $8.000000000e+00, v40  }
0x59a: {  	v17 =	vor.u32 v27, v17;
	v13 =	vmul.f32 $8.000000000e+00, v13  }
0x59b: {  	[tilespmem:v15+s29+$0x0] =	vst.idx.msk $0xffff, v1  }
0x59c: {  	v1 =	vld.idx.msk [tilespmem:v9+s18+$0x0], $0xffff;
	[tilespmem:v3+s29+$0x0] =	vst.idx.msk $0xffff, v13  }
0x59d: {  	v16 =	vor.u32 v19, v49;
	v40 =	vld [tilespmem:$0x1FEF0];
	v14 =	vmul.f32 $8.000000000e+00, v14  }
0x59e: {  	v26 =	vmov v31;
	v60 =	vor.u32 v57, v10;
	v11 =	vor.u32 v19, v53  }
0x59f: {  	v61 =	vor.u32 v19, v26;
	v9 =	vor.u32 v27, v60;
	v18 =	vld [tilespmem:$0x1FE20];
	[tilespmem:v17+s29+$0x0] =	vst.idx.msk $0xffff, v14  }
0x5a0: {  	v19 =	vld [tilespmem:$0x1F7D0];
	_ =	sdelay $0x1  }
0x5a1: {  	v31 =	vmov v34;
	v57 =	vld.idx.msk [tilespmem:v16+s18+$0x0], $0xffff;
	v1 =	vmul.f32 $8.000000000e+00, v1;
	v34 =	vor.u32 v40, v47  }
0x5a2: {  	v11 =	vld.idx.msk [tilespmem:v11+s18+$0x0], $0xffff;
	v15 =	vor.u32 v40, v52;
	v17 =	vor.u32 v40, v23;
	v3 =	vor.u32 v62, v34  }
0x5a3: {  	v10 =	vld.idx.msk [tilespmem:v61+s18+$0x0], $0xffff;
	v8 =	vor.u32 v8, v15;
	[tilespmem:v9+s29+$0x0] =	vst.idx.msk $0xffff, v1;
	v3 =	vor.u32 v27, v3  }
0x5a4: {  	v16 =	vor.u32 v18, v46;
	v8 =	vor.u32 v27, v8;
	v17 =	vor.u32 v19, v17;
	v19 =	vld [tilespmem:$0x1FEE0];
	_ =	sdelay $0x1  }
0x5a5: {  	v13 =	vmul.f32 $8.000000000e+00, v57;
	v62 =	vor.u32 v27, v17  }
0x5a6: {  	v61 =	vmul.f32 $8.000000000e+00, v11  }
0x5a7: {  	[tilespmem:v3+s29+$0x0] =	vst.idx.msk $0xffff, v13  }
0x5a8: {  	v10 =	vmul.f32 $8.000000000e+00, v10;
	v34 =	vld.idx.msk [tilespmem:v16+s18+$0x0], $0xffff;
	[tilespmem:v8+s29+$0x0] =	vst.idx.msk $0xffff, v61;
	v60 =	vor.u32 v19, v45  }
0x5a9: {  	v15 =	vor.u32 v18, v49;
	v17 =	vld [tilespmem:$0x1FE30];
	v1 =	vor.u32 v56, v60  }
0x5aa: {  	v14 =	vor.u32 v18, v53;
	v16 =	vld [tilespmem:$0x1F7E0];
	[tilespmem:v62+s29+$0x0] =	vst.idx.msk $0xffff, v10;
	v1 =	vor.u32 v27, v1  }
0x5ab: {  	v56 =	vor.u32 v18, v26;
	v18 =	vld [tilespmem:$0x1F7F0];
	_ =	sdelay $0x1  }
0x5ac: {  	v57 =	vor.u32 v19, v47;
	v3 =	vmul.f32 $8.000000000e+00, v34  }
0x5ad: {  	v61 =	vor.u32 v19, v52;
	v60 =	vld.idx.msk [tilespmem:v15+s18+$0x0], $0xffff;
	v8 =	vor.u32 v12, v57  }
0x5ae: {  	v14 =	vld.idx.msk [tilespmem:v14+s18+$0x0], $0xffff;
	v62 =	vor.u32 v19, v23;
	v8 =	vor.u32 v27, v8;
	[tilespmem:v1+s29+$0x0] =	vst.idx.msk $0xffff, v3  }
0x5af: {  	v15 =	vor.u32 v17, v46;
	v12 =	vor.u32 v16, v61;
	v11 =	vor.u32 v18, v62;
	v18 =	vld [tilespmem:$0x1FEC0]  }
0x5b0: {  	v12 =	vor.u32 v27, v12;
	_ =	sdelay $0x1  }
0x5b1: {  	v13 =	vld.idx.msk [tilespmem:v56+s18+$0x0], $0xffff;
	v9 =	vmul.f32 $8.000000000e+00, v60  }
0x5b2: {  	v16 =	vor.u32 v17, v49;
	v56 =	vmul.f32 $8.000000000e+00, v14  }
0x5b3: {  	v11 =	vor.u32 v27, v11;
	[tilespmem:v8+s29+$0x0] =	vst.idx.msk $0xffff, v9;
	v57 =	vld.idx.msk [tilespmem:v15+s18+$0x0], $0xffff;
	v34 =	vor.u32 v18, v45  }
0x5b4: {  	v10 =	vor.u32 v17, v53;
	[tilespmem:v12+s29+$0x0] =	vst.idx.msk $0xffff, v56;
	v1 =	vor.u32 v58, v34  }
0x5b5: {  	v15 =	vld [tilespmem:$0x1F800];
	v1 =	vor.u32 v27, v1  }
0x5b6: {  	v13 =	vmul.f32 $8.000000000e+00, v13  }
0x5b7: {  	v61 =	vld.idx.msk [tilespmem:v16+s18+$0x0], $0xffff  }
0x5b8: {  	v16 =	vld [tilespmem:$0x1FE40];
	v60 =	vor.u32 v18, v47;
	v62 =	vor.u32 v18, v52;
	[tilespmem:v11+s29+$0x0] =	vst.idx.msk $0xffff, v13;
	v8 =	vmul.f32 $8.000000000e+00, v57  }
0x5b9: {  	v10 =	vld.idx.msk [tilespmem:v10+s18+$0x0], $0xffff;
	v56 =	vor.u32 v18, v23;
	v58 =	vor.u32 v17, v26;
	v0 =	vor.u32 v0, v60  }
0x5ba: {  	v0 =	vor.u32 v27, v0;
	v3 =	vor.u32 v15, v62;
	[tilespmem:v1+s29+$0x0] =	vst.idx.msk $0xffff, v8  }
0x5bb: {  	v13 =	vor.u32 v38, v56;
	v3 =	vor.u32 v27, v3;
	v38 =	vld [tilespmem:$0x1FEB0];
	_ =	sdelay $0x1  }
0x5bc: {  	v12 =	vmul.f32 $8.000000000e+00, v61  }
0x5bd: {  	v34 =	vor.u32 v16, v46;
	v9 =	vld.idx.msk [tilespmem:v58+s18+$0x0], $0xffff;
	v58 =	vmul.f32 $8.000000000e+00, v10  }
0x5be: {  	v15 =	vor.u32 v16, v49;
	[tilespmem:v0+s29+$0x0] =	vst.idx.msk $0xffff, v12  }
0x5bf: {  	v11 =	vor.u32 v16, v53;
	[tilespmem:v3+s29+$0x0] =	vst.idx.msk $0xffff, v58;
	v57 =	vor.u32 v38, v45  }
0x5c0: {  	v60 =	vor.u32 v27, v13;
	v1 =	vor.u32 v55, v57;
	v57 =	vld [tilespmem:$0x1F810];
	_ =	sdelay $0x1  }
0x5c1: {  	v62 =	vor.u32 v16, v26;
	v61 =	vld.idx.msk [tilespmem:v34+s18+$0x0], $0xffff  }
0x5c2: {  	v34 =	vld.idx.msk [tilespmem:v15+s18+$0x0], $0xffff;
	v9 =	vmul.f32 $8.000000000e+00, v9;
	v55 =	vor.u32 v38, v47  }
0x5c3: {  	v11 =	vld.idx.msk [tilespmem:v11+s18+$0x0], $0xffff;
	v56 =	vor.u32 v38, v52;
	v1 =	vor.u32 v27, v1;
	v8 =	vor.u32 v63, v55  }
0x5c4: {  	[tilespmem:v60+s29+$0x0] =	vst.idx.msk $0xffff, v9;
	v8 =	vor.u32 v27, v8;
	v13 =	vor.u32 v57, v56  }
0x5c5: {  	v7 =	vmul.f32 $8.000000000e+00, v7;
	v58 =	vld [tilespmem:$0x1FE50];
	v13 =	vor.u32 v27, v13  }
0x5c6: {  	v0 =	vmul.f32 $8.000000000e+00, v61;
	v61 =	vor.u32 v38, v23;
	v10 =	vld.idx.msk [tilespmem:v62+s18+$0x0], $0xffff  }
0x5c7: {  	v3 =	vmul.f32 $8.000000000e+00, v34;
	[tilespmem:v6+s29+$0x0] =	vst.idx.msk $0xffff, v7;
	v62 =	vor.u32 v28, v61  }
0x5c8: {  	v34 =	vmul.f32 $8.000000000e+00, v11;
	v6 =	vor.u32 v27, v62;
	[tilespmem:v1+s29+$0x0] =	vst.idx.msk $0xffff, v0  }
0x5c9: {  	[tilespmem:v8+s29+$0x0] =	vst.idx.msk $0xffff, v3  }
0x5ca: {  	[tilespmem:v13+s29+$0x0] =	vst.idx.msk $0xffff, v34  }
0x5cb: {  	v60 =	vor.u32 v58, v46;
	v10 =	vmul.f32 $8.000000000e+00, v10;
	v56 =	vld [tilespmem:$0x1FD80]  }
0x5cc: {  	v63 =	vor.u32 v58, v49  }
0x5cd: {  	v12 =	vor.u32 v58, v53;
	[tilespmem:v6+s29+$0x0] =	vst.idx.msk $0xffff, v10  }
0x5ce: {  	v10 =	vld [tilespmem:$0x1F820]  }
0x5cf: {  	v55 =	vld.idx.msk [tilespmem:v5+s18+$0x0], $0xffff  }
0x5d0: {  	v4 =	vor.u32 v48, v4;
	v38 =	vor.u32 v58, v26;
	v58 =	vld.idx.msk [tilespmem:v60+s18+$0x0], $0xffff;
	v57 =	vor.u32 v56, v45  }
0x5d1: {  	v4 =	vor.u32 v27, v4;
	v7 =	vld.idx.msk [tilespmem:v63+s18+$0x0], $0xffff;
	v60 =	vor.u32 v56, v47;
	v5 =	vor.u32 v54, v57  }
0x5d2: {  	v0 =	vld.idx.msk [tilespmem:v12+s18+$0x0], $0xffff;
	v61 =	vor.u32 v56, v52;
	v2 =	vor.u32 v2, v60;
	v5 =	vor.u32 v27, v5  }
0x5d3: {  	v63 =	vld [tilespmem:$0x1FDE0];
	v6 =	vor.u32 v10, v61;
	v2 =	vor.u32 v27, v2  }
0x5d4: {  	v1 =	vmul.f32 $8.000000000e+00, v55;
	v6 =	vor.u32 v27, v6  }
0x5d5: {  	v8 =	vmul.f32 $8.000000000e+00, v58;
	v62 =	vor.u32 v56, v23  }
0x5d6: {  	v3 =	vld.idx.msk [tilespmem:v38+s18+$0x0], $0xffff;
	[tilespmem:v4+s29+$0x0] =	vst.idx.msk $0xffff, v1;
	v9 =	vor.u32 v42, v62;
	v42 =	vmul.f32 $8.000000000e+00, v7  }
0x5d7: {  	v0 =	vmul.f32 $8.000000000e+00, v0;
	[tilespmem:v5+s29+$0x0] =	vst.idx.msk $0xffff, v8  }
0x5d8: {  	v14 =	vor.u32 v63, v43;
	v9 =	vor.u32 v27, v9;
	[tilespmem:v2+s29+$0x0] =	vst.idx.msk $0xffff, v42  }
0x5d9: {  	[tilespmem:v6+s29+$0x0] =	vst.idx.msk $0xffff, v0  }
0x5da: {  	v38 =	vor.u32 v63, v49;
	v49 =	vld [tilespmem:$0x1FDC0]  }
0x5db: {  	v34 =	vor.u32 v63, v46;
	v3 =	vmul.f32 $8.000000000e+00, v3;
	_ =	sdelay $0x1  }
0x5dc: {  	v43 =	vor.u32 v63, v53;
	v48 =	vld.idx.msk [tilespmem:v14+s18+$0x0], $0xffff;
	[tilespmem:v9+s29+$0x0] =	vst.idx.msk $0xffff, v3  }
0x5dd: {  	v46 =	vor.u32 v63, v26;
	v9 =	vld [tilespmem:$0x1F830]  }
0x5de: {  	v60 =	vld [tilespmem:$0x1F840];
	v53 =	vor.u32 v49, v44  }
0x5df: {  	v55 =	vld.idx.msk [tilespmem:v34+s18+$0x0], $0xffff;
	v56 =	vor.u32 v49, v45;
	v54 =	vor.u32 v50, v53  }
0x5e0: {  	v1 =	vld.idx.msk [tilespmem:v38+s18+$0x0], $0xffff;
	v57 =	vor.u32 v49, v47;
	v6 =	vor.u32 v51, v56;
	v3 =	vor.u32 v27, v54  }
0x5e1: {  	v5 =	vld.idx.msk [tilespmem:v43+s18+$0x0], $0xffff;
	v58 =	vor.u32 v49, v52;
	v7 =	vor.u32 v59, v57;
	v6 =	vor.u32 v27, v6  }
0x5e2: {  	v2 =	vld.idx.msk [tilespmem:v46+s18+$0x0], $0xffff;
	v8 =	vor.u32 v9, v58;
	v59 =	vor.u32 v49, v23;
	v7 =	vor.u32 v27, v7  }
0x5e3: {  	v0 =	vmul.f32 $8.000000000e+00, v48;
	v9 =	vor.u32 v60, v59;
	v8 =	vor.u32 v27, v8  }
0x5e4: {  	v4 =	vmul.f32 $8.000000000e+00, v55;
	v9 =	vor.u32 v27, v9  }
0x5e5: {  	v61 =	vmul.f32 $8.000000000e+00, v1;
	[tilespmem:v3+s29+$0x0] =	vst.idx.msk $0xffff, v0  }
0x5e6: {  	v62 =	vmul.f32 $8.000000000e+00, v5;
	[tilespmem:v6+s29+$0x0] =	vst.idx.msk $0xffff, v4  }
0x5e7: {  	v63 =	vmul.f32 $8.000000000e+00, v2;
	[tilespmem:v7+s29+$0x0] =	vst.idx.msk $0xffff, v61  }
0x5e8: {  	[tilespmem:v8+s29+$0x0] =	vst.idx.msk $0xffff, v62  }
0x5e9: {  	[tilespmem:v9+s29+$0x0] =	vst.idx.msk $0xffff, v63  }
0x5ea: {  	v23 =	vld [tilespmem:$0x1FFC0]  }
0x5eb: {  	v34 =	vmov v41;
	v41 =	vld [tilespmem:$0x1FFA0]  }
0x5ec: {  	s3 =	sadd.s32 $0x1, s3;
	v63 =	vmov v37;
	v37 =	vld [tilespmem:$0x1FF90]  }
0x5ed: {  	p0 =	sne.s32 s3, $0x42;
	v50 =	vld [tilespmem:$0x1FFF0]  }
.Ltmp5:
0x5ee: {  	s31 =	sshll.u32 s14, $0x12;
	v62 =	vmov v33;
	v33 =	vld [tilespmem:$0x1FFE0];
	(pc) =	sbr.rel @p0 .LBB2_6-.Ltmp5, $4  }
0x5ef: {  	s4 =	sor.u32 s6, s31;
	v59 =	vld [tilespmem:$0x1FFD0]  }
0x5f0: {  	s4 =	sshrl.u32 s4, $0x3;
	v28 =	vld [tilespmem:$0x1FFB0]  }
0x5f1: {  	s4 =	sadd.s32 s1, s4;
	v20 =	vlaneseq.u32;
	v17 =	vmovc v32;
	v16 =	vmov v19;
	v26 =	vmov v22;
	v18 =	vld [tilespmem:$0x1FDA0]  }
0x5f2: {  	v51 =	vmovc v31;
	v60 =	vmovc v29;
	v58 =	vmov v36;
	v36 =	vmov v40;
	v40 =	vmov v35;
	[hbm4b:s4+s21] =	stream.strided.scatter [tilespmem:s29], [sflag:$0x7], $0x2000, s22, s21, $0x38;
	v47 =	vld [tilespmem:$0x1FF20]  }
0x5f3: {  	s3 =	simm.s32 $0x0  }
0x5f4: {  	s0 =	sand.u32 $0x70, s3  }
0x5f5: {  	v0 =	vmov s0  }
0x5f6: {  	s3 =	sand.u32 $0x3, s3;
	v0 =	vshll.u32 v0, $0x7  }
0x5f7: {  	s4 =	sshll.u32 s3, $0x4;
	v0 =	vor.u32 v50, v0  }
0x5f8: {  	_ =	swait.ge [sflag:s19], $0x4000;
	v44 =	vor.u32 s4, v0  }
0x5f9: {  	v38 =	vld [tilespmem:$0x1FE80];
	v0 =	vor.u32 v20, v44;
	_ =	sdelay $0x1  }
0x5fa: {  	s3 =	sshll.u32 s3, $0x1  }
0x5fb: {  	[sflag:s19] =	ssyncset.done $0x0;
	v1 =	vmov s3  }
0x5fc: {  	[sflag:s19] =	ssyncadd.s32 $0xFFFFC000;
	v46 =	vshll.u32 v1, $0xA  }
0x5fd: {  	v1 =	vor.u32 v33, v46;
	v7 =	vor.u32 s0, v38;
	v0 =	vld.idx.msk [tilespmem:v0+s15+$0x0], $0xffff  }
0x5fe: {  	v1 =	vor.u32 v7, v1  }
0x5ff: {  	v1 =	vor.u32 v27, v1  }
0x600: {  	v2 =	vor.u32 v59, v44;
	_ =	sdelay $0x1  }
0x601: {  	v0 =	vmul.f32 $8.000000000e+00, v0;
	_ =	sdelay $0x1  }
0x602: {  	[tilespmem:v1+s20+$0x0] =	vst.idx.msk $0xffff, v0  }
0x603: {  	v1 =	vor.u32 s0, v41;
	v0 =	vld.idx.msk [tilespmem:v2+s15+$0x0], $0xffff;
	v2 =	vor.u32 v23, v46  }
0x604: {  	v2 =	vor.u32 v1, v2  }
0x605: {  	v2 =	vor.u32 v27, v2;
	_ =	sdelay $0x2  }
0x606: {  	v0 =	vmul.f32 $8.000000000e+00, v0;
	_ =	sdelay $0x1  }
0x607: {  	[tilespmem:v2+s20+$0x0] =	vst.idx.msk $0xffff, v0  }
0x608: {  	v30 =	vld [tilespmem:$0x1FE70]  }
0x609: {  	v3 =	vor.u32 v28, v44;
	v14 =	vld [tilespmem:$0x1FE90];
	_ =	sdelay $0x4  }
0x60a: {  	v2 =	vld.idx.msk [tilespmem:v3+s15+$0x0], $0xffff;
	v0 =	vor.u32 s0, v30;
	v3 =	vor.u32 v14, v46  }
0x60b: {  	s8 =	simm.s32 $0x4;
	v3 =	vor.u32 v0, v3  }
0x60c: {  	s3 =	sand.u32 $0x70, s8;
	v3 =	vor.u32 v27, v3  }
0x60d: {  	s9 =	simm.s32 $0x1;
	v4 =	vmov s3;
	v5 =	vor.u32 v18, v44  }
0x60e: {  	v4 =	vshll.u32 v4, $0x7;
	s4 =	sand.u32 $0x3, s9  }
0x60f: {  	s7 =	sshll.u32 s4, $0x4;
	v4 =	vor.u32 v50, v4;
	v2 =	vmul.f32 $8.000000000e+00, v2  }
0x610: {  	v45 =	vor.u32 s7, v4  }
0x611: {  	[tilespmem:v3+s20+$0x0] =	vst.idx.msk $0xffff, v2;
	v2 =	vor.u32 v20, v45  }
0x612: {  	v6 =	vor.u32 s0, v37;
	v3 =	vor.u32 v63, v46;
	v4 =	vld.idx.msk [tilespmem:v5+s15+$0x0], $0xffff  }
0x613: {  	s4 =	sshll.u32 s4, $0x1;
	v3 =	vor.u32 v6, v3  }
0x614: {  	v5 =	vmov s4;
	v8 =	vor.u32 v27, v3;
	v3 =	vor.u32 s3, v38  }
0x615: {  	v9 =	vor.u32 v40, v44;
	v43 =	vshll.u32 v5, $0xA;
	[tilespmem:$0x1F780] =	vst v3  }
0x616: {  	v5 =	vor.u32 v33, v43;
	v2 =	vld.idx.msk [tilespmem:v2+s15+$0x0], $0xffff  }
0x617: {  	v5 =	vor.u32 v3, v5;
	v4 =	vmul.f32 $8.000000000e+00, v4  }
0x618: {  	v10 =	vor.u32 v27, v5  }
0x619: {  	[tilespmem:v8+s20+$0x0] =	vst.idx.msk $0xffff, v4  }
0x61a: {  	v5 =	vor.u32 s0, v62;
	v8 =	vor.u32 v58, v46;
	v9 =	vld.idx.msk [tilespmem:v9+s15+$0x0], $0xffff  }
0x61b: {  	v4 =	vor.u32 v59, v45;
	v8 =	vor.u32 v5, v8;
	v2 =	vmul.f32 $8.000000000e+00, v2  }
0x61c: {  	v8 =	vor.u32 v27, v8  }
0x61d: {  	[tilespmem:v10+s20+$0x0] =	vst.idx.msk $0xffff, v2;
	v10 =	vor.u32 v17, v44;
	_ =	sdelay $0x1  }
0x61e: {  	v2 =	vor.u32 s3, v41;
	v9 =	vmul.f32 $8.000000000e+00, v9  }
0x61f: {  	v11 =	vld.idx.msk [tilespmem:v4+s15+$0x0], $0xffff;
	[tilespmem:$0x1F790] =	vst v2  }
0x620: {  	v4 =	vor.u32 v23, v43;
	[tilespmem:v8+s20+$0x0] =	vst.idx.msk $0xffff, v9  }
0x621: {  	v4 =	vor.u32 v2, v4;
	v2 =	vor.u32 s0, v25;
	v9 =	vld.idx.msk [tilespmem:v10+s15+$0x0], $0xffff;
	v10 =	vor.u32 v34, v46  }
0x622: {  	v12 =	vor.u32 v27, v4;
	v10 =	vor.u32 v2, v10  }
0x623: {  	v8 =	vor.u32 v28, v45;
	v10 =	vor.u32 v27, v10;
	_ =	sdelay $0x1  }
0x624: {  	v11 =	vmul.f32 $8.000000000e+00, v11  }
0x625: {  	[tilespmem:$0x1F7A0] =	vst v2;
	v9 =	vmul.f32 $8.000000000e+00, v9  }
0x626: {  	[tilespmem:v12+s20+$0x0] =	vst.idx.msk $0xffff, v11  }
0x627: {  	v8 =	vld.idx.msk [tilespmem:v8+s15+$0x0], $0xffff;
	[tilespmem:v10+s20+$0x0] =	vst.idx.msk $0xffff, v9  }
0x628: {  	v57 =	vor.u32 s3, v30;
	v11 =	vor.u32 v47, v44;
	v12 =	vor.u32 v14, v43;
	v4 =	vld [tilespmem:$0x1FEA0]  }
0x629: {  	v12 =	vor.u32 v57, v12  }
0x62a: {  	v12 =	vor.u32 v27, v12;
	_ =	sdelay $0x2  }
0x62b: {  	v53 =	vor.u32 s0, v60;
	v10 =	vld.idx.msk [tilespmem:v11+s15+$0x0], $0xffff;
	v8 =	vmul.f32 $8.000000000e+00, v8;
	v11 =	vor.u32 v4, v46  }
0x62c: {  	v9 =	vor.u32 v18, v45;
	v11 =	vor.u32 v53, v11  }
0x62d: {  	[tilespmem:v12+s20+$0x0] =	vst.idx.msk $0xffff, v8;
	v11 =	vor.u32 v27, v11  }
0x62e: {  	s10 =	simm.s32 $0x8;
	v19 =	vld [tilespmem:$0x1FDF0]  }
0x62f: {  	s4 =	sand.u32 $0x70, s10  }
0x630: {  	s11 =	simm.s32 $0x2;
	v13 =	vmov s4;
	v10 =	vmul.f32 $8.000000000e+00, v10  }
0x631: {  	v56 =	vor.u32 s3, v37;
	s7 =	sand.u32 $0x3, s11;
	v13 =	vshll.u32 v13, $0x7;
	v12 =	vor.u32 v63, v43;
	v9 =	vld.idx.msk [tilespmem:v9+s15+$0x0], $0xffff  }
0x632: {  	s8 =	sshll.u32 s7, $0x4;
	v13 =	vor.u32 v50, v13;
	v12 =	vor.u32 v56, v12;
	[tilespmem:v11+s20+$0x0] =	vst.idx.msk $0xffff, v10  }
0x633: {  	v48 =	vor.u32 s8, v13;
	v12 =	vor.u32 v27, v12;
	v8 =	vor.u32 v19, v44;
	v29 =	vld [tilespmem:$0x1FE60]  }
0x634: {  	v13 =	vor.u32 v20, v48  }
0x635: {  	v10 =	vor.u32 v40, v45  }
0x636: {  	s7 =	sshll.u32 s7, $0x1;
	v9 =	vmul.f32 $8.000000000e+00, v9  }
0x637: {  	v42 =	vmovc v34;
	v61 =	vor.u32 s4, v38;
	v34 =	vmovc v14;
	v2 =	vmov v47;
	v11 =	vmov s7  }
0x638: {  	v14 =	vor.u32 v21, v46;
	v47 =	vshll.u32 v11, $0xA;
	[tilespmem:v12+s20+$0x0] =	vst.idx.msk $0xffff, v9;
	v8 =	vld.idx.msk [tilespmem:v8+s15+$0x0], $0xffff;
	v49 =	vor.u32 s0, v29  }
0x639: {  	v13 =	vld.idx.msk [tilespmem:v13+s15+$0x0], $0xffff;
	v12 =	vor.u32 v58, v43;
	v11 =	vor.u32 v49, v14;
	v14 =	vor.u32 v33, v47  }
0x63a: {  	v3 =	vmovc v58;
	v58 =	vor.u32 s3, v62;
	v10 =	vld.idx.msk [tilespmem:v10+s15+$0x0], $0xffff;
	v11 =	vor.u32 v27, v11;
	v14 =	vor.u32 v61, v14  }
0x63b: {  	v9 =	vor.u32 v39, v44;
	v12 =	vor.u32 v58, v12;
	v14 =	vor.u32 v27, v14  }
0x63c: {  	v15 =	vor.u32 v59, v48;
	v12 =	vor.u32 v27, v12  }
0x63d: {  	v8 =	vmul.f32 $8.000000000e+00, v8  }
0x63e: {  	v13 =	vmul.f32 $8.000000000e+00, v13  }
0x63f: {  	v10 =	vmul.f32 $8.000000000e+00, v10;
	[tilespmem:v11+s20+$0x0] =	vst.idx.msk $0xffff, v8  }
0x640: {  	v11 =	vor.u32 v26, v46;
	v9 =	vld.idx.msk [tilespmem:v9+s15+$0x0], $0xffff;
	[tilespmem:v14+s20+$0x0] =	vst.idx.msk $0xffff, v13  }
0x641: {  	[tilespmem:v12+s20+$0x0] =	vst.idx.msk $0xffff, v10;
	v7 =	vor.u32 v7, v11;
	v11 =	vld.idx.msk [tilespmem:v15+s15+$0x0], $0xffff  }
0x642: {  	v13 =	vor.u32 v23, v47;
	v15 =	vmov v60;
	v60 =	vor.u32 s4, v41;
	v22 =	vld [tilespmem:$0x1FE00]  }
0x643: {  	v7 =	vor.u32 v27, v7;
	v13 =	vor.u32 v60, v13  }
0x644: {  	v8 =	vor.u32 v17, v45;
	v12 =	vor.u32 v27, v13;
	_ =	sdelay $0x1  }
0x645: {  	v9 =	vmul.f32 $8.000000000e+00, v9  }
0x646: {  	v10 =	vor.u32 v22, v44;
	v11 =	vmul.f32 $8.000000000e+00, v11  }
0x647: {  	v55 =	vor.u32 s3, v25;
	[tilespmem:v7+s20+$0x0] =	vst.idx.msk $0xffff, v9  }
0x648: {  	v14 =	vor.u32 v28, v48;
	v13 =	vor.u32 v42, v43;
	v8 =	vld.idx.msk [tilespmem:v8+s15+$0x0], $0xffff;
	[tilespmem:v12+s20+$0x0] =	vst.idx.msk $0xffff, v11  }
0x649: {  	v13 =	vor.u32 v55, v13;
	v12 =	vld [tilespmem:$0x1FE10]  }
0x64a: {  	v13 =	vor.u32 v27, v13  }
0x64b: {  	v7 =	vor.u32 v2, v45;
	v9 =	vld.idx.msk [tilespmem:v10+s15+$0x0], $0xffff;
	v10 =	vor.u32 v51, v46  }
0x64c: {  	v2 =	vmov v63;
	v63 =	vor.u32 s4, v30;
	v1 =	vor.u32 v1, v10  }
0x64d: {  	s14 =	simm.s32 $0xC;
	v11 =	vor.u32 v34, v47;
	v8 =	vmul.f32 $8.000000000e+00, v8;
	v10 =	vld.idx.msk [tilespmem:v14+s15+$0x0], $0xffff;
	v1 =	vor.u32 v27, v1  }
0x64e: {  	s0 =	sand.u32 $0x70, s14;
	v11 =	vor.u32 v63, v11;
	v12 =	vor.u32 v12, v44  }
0x64f: {  	v54 =	vor.u32 s3, v15;
	v11 =	vor.u32 v27, v11;
	[tilespmem:v13+s20+$0x0] =	vst.idx.msk $0xffff, v8;
	v8 =	vmov s0  }
0x650: {  	s16 =	simm.s32 $0x3;
	v13 =	vor.u32 v4, v43;
	v7 =	vld.idx.msk [tilespmem:v7+s15+$0x0], $0xffff;
	v14 =	vor.u32 v18, v48;
	v9 =	vmul.f32 $8.000000000e+00, v9  }
0x651: {  	s7 =	sand.u32 $0x3, s16;
	v13 =	vor.u32 v54, v13;
	v8 =	vshll.u32 v8, $0x7  }
0x652: {  	s30 =	sshll.u32 s7, $0x4;
	v13 =	vor.u32 v27, v13;
	v10 =	vmul.f32 $8.000000000e+00, v10;
	[tilespmem:v1+s20+$0x0] =	vst.idx.msk $0xffff, v9;
	v1 =	vor.u32 v50, v8  }
0x653: {  	v8 =	vor.u32 v19, v45;
	v9 =	vor.u32 v36, v46;
	v12 =	vld.idx.msk [tilespmem:v12+s15+$0x0], $0xffff;
	v52 =	vor.u32 s30, v1  }
0x654: {  	[tilespmem:v11+s20+$0x0] =	vst.idx.msk $0xffff, v10;
	v1 =	vor.u32 v0, v9;
	v9 =	vor.u32 v20, v52  }
0x655: {  	s31 =	sshll.u32 s7, $0x1;
	v7 =	vmul.f32 $8.000000000e+00, v7;
	v11 =	vld.idx.msk [tilespmem:v14+s15+$0x0], $0xffff;
	v14 =	vor.u32 v27, v1  }
0x656: {  	v31 =	vmovc v50;
	v15 =	vmov s31;
	v10 =	vor.u32 v2, v47;
	v0 =	vor.u32 s4, v37  }
0x657: {  	v50 =	vor.u32 s3, v29;
	v19 =	vmovc v51;
	v51 =	vshll.u32 v15, $0xA;
	v1 =	vor.u32 v0, v10;
	v10 =	vld [tilespmem:$0x1FE20];
	[tilespmem:v13+s20+$0x0] =	vst.idx.msk $0xffff, v7  }
0x658: {  	v7 =	vor.u32 v27, v1;
	v1 =	vor.u32 v21, v43;
	v8 =	vld.idx.msk [tilespmem:v8+s15+$0x0], $0xffff;
	v12 =	vmul.f32 $8.000000000e+00, v12  }
0x659: {  	v20 =	vor.u32 v33, v51;
	v15 =	vor.u32 v50, v1;
	v1 =	vor.u32 s0, v38;
	v9 =	vld.idx.msk [tilespmem:v9+s15+$0x0], $0xffff  }
0x65a: {  	v15 =	vor.u32 v27, v15;
	[tilespmem:v14+s20+$0x0] =	vst.idx.msk $0xffff, v12;
	v12 =	vor.u32 v1, v20  }
0x65b: {  	v12 =	vor.u32 v27, v12  }
0x65c: {  	v11 =	vmul.f32 $8.000000000e+00, v11  }
0x65d: {  	v10 =	vor.u32 v10, v44;
	v8 =	vmul.f32 $8.000000000e+00, v8  }
0x65e: {  	v16 =	vor.u32 v16, v46;
	v13 =	vor.u32 v40, v48;
	[tilespmem:v7+s20+$0x0] =	vst.idx.msk $0xffff, v11;
	v9 =	vmul.f32 $8.000000000e+00, v9  }
0x65f: {  	v6 =	vor.u32 v6, v16;
	v14 =	vor.u32 v39, v45;
	v16 =	vld [tilespmem:$0x1FE30];
	[tilespmem:v15+s20+$0x0] =	vst.idx.msk $0xffff, v8  }
0x660: {  	[tilespmem:v12+s20+$0x0] =	vst.idx.msk $0xffff, v9  }
0x661: {  	v32 =	vmovc v25;
	v25 =	vmov v23;
	v23 =	vmov v3;
	v11 =	vor.u32 v3, v47;
	v3 =	vld [tilespmem:$0x1F780]  }
0x662: {  	v18 =	vmov v62;
	v62 =	vor.u32 s4, v62;
	v10 =	vld.idx.msk [tilespmem:v10+s15+$0x0], $0xffff  }
0x663: {  	v13 =	vld.idx.msk [tilespmem:v13+s15+$0x0], $0xffff;
	v11 =	vor.u32 v62, v11  }
0x664: {  	v6 =	vor.u32 v27, v6;
	v7 =	vor.u32 v59, v52;
	v8 =	vor.u32 v27, v11;
	v11 =	vld.idx.msk [tilespmem:v14+s15+$0x0], $0xffff  }
0x665: {  	v14 =	vor.u32 v26, v43  }
0x666: {  	v16 =	vor.u32 v16, v44;
	v12 =	vor.u32 v3, v14  }
0x667: {  	v10 =	vmul.f32 $8.000000000e+00, v10;
	v15 =	vor.u32 v27, v12;
	_ =	sdelay $0x1  }
0x668: {  	v7 =	vld.idx.msk [tilespmem:v7+s15+$0x0], $0xffff;
	v11 =	vmul.f32 $8.000000000e+00, v11;
	[tilespmem:v6+s20+$0x0] =	vst.idx.msk $0xffff, v10;
	v12 =	vmul.f32 $8.000000000e+00, v13  }
0x669: {  	v10 =	vor.u32 v22, v45;
	v3 =	vor.u32 s0, v41;
	v14 =	vor.u32 v25, v51;
	v22 =	vld [tilespmem:$0x1FEC0]  }
0x66a: {  	v6 =	vor.u32 v3, v14;
	v14 =	vld.idx.msk [tilespmem:v16+s15+$0x0], $0xffff;
	[tilespmem:v8+s20+$0x0] =	vst.idx.msk $0xffff, v12  }
0x66b: {  	v16 =	vld [tilespmem:$0x1FE40];
	[tilespmem:v15+s20+$0x0] =	vst.idx.msk $0xffff, v11  }
0x66c: {  	v34 =	vmov v26;
	v26 =	vmov v2;
	v9 =	vor.u32 v17, v48;
	v2 =	vld [tilespmem:$0x1FF20];
	_ =	sdelay $0x1  }
0x66d: {  	v6 =	vor.u32 v27, v6;
	_ =	sdelay $0x1  }
0x66e: {  	v35 =	vmov v37;
	v37 =	vmov v59;
	v59 =	vor.u32 s4, v29  }
0x66f: {  	v7 =	vmul.f32 $8.000000000e+00, v7;
	v9 =	vld.idx.msk [tilespmem:v9+s15+$0x0], $0xffff;
	v13 =	vor.u32 v22, v46;
	v29 =	vmovc v2;
	v2 =	vor.u32 v2, v48  }
0x670: {  	v5 =	vor.u32 v5, v13;
	v10 =	vld.idx.msk [tilespmem:v10+s15+$0x0], $0xffff;
	[tilespmem:$0x1F7B0] =	vst v2  }
0x671: {  	v4 =	vmov v32;
	v8 =	vor.u32 v28, v52;
	v5 =	vor.u32 v27, v5;
	v2 =	vld [tilespmem:$0x1F790];
	[tilespmem:v6+s20+$0x0] =	vst.idx.msk $0xffff, v7  }
0x672: {  	v30 =	vmov v33;
	v33 =	vmov v4;
	v4 =	vld [tilespmem:$0x1FE70]  }
0x673: {  	v12 =	vor.u32 s4, v32;
	v32 =	vmov v40;
	v40 =	vld [tilespmem:$0x1FD90]  }
0x674: {  	v13 =	vor.u32 v42, v47;
	v14 =	vmul.f32 $8.000000000e+00, v14;
	v20 =	vor.u32 v16, v44;
	v16 =	vld [tilespmem:$0x1FD80]  }
0x675: {  	v38 =	vmov v36;
	v36 =	vmov v23;
	v13 =	vor.u32 v12, v13;
	v23 =	vld [tilespmem:$0x1FDA0]  }
0x676: {  	v11 =	vor.u32 v27, v13;
	v13 =	vor.u32 v19, v43;
	v19 =	vld.idx.msk [tilespmem:v8+s15+$0x0], $0xffff;
	[tilespmem:v5+s20+$0x0] =	vst.idx.msk $0xffff, v14  }
0x677: {  	v8 =	vor.u32 s0, v4;
	v4 =	vld [tilespmem:$0x1FE90];
	_ =	sdelay $0x4  }
0x678: {  	v5 =	vor.u32 v4, v51;
	v4 =	vld [tilespmem:$0x1FE10];
	_ =	sdelay $0x1  }
0x679: {  	v7 =	vmul.f32 $8.000000000e+00, v9;
	_ =	sdelay $0x1  }
0x67a: {  	v39 =	vmov v28;
	v28 =	vmov v18;
	v18 =	vld [tilespmem:$0x1FEB0];
	[tilespmem:v11+s20+$0x0] =	vst.idx.msk $0xffff, v7  }
0x67b: {  	v9 =	vor.u32 v4, v45;
	v4 =	vld [tilespmem:$0x1F7A0];
	_ =	sdelay $0x3  }
0x67c: {  	v15 =	vor.u32 v18, v46;
	v5 =	vor.u32 v8, v5  }
0x67d: {  	v13 =	vor.u32 v2, v13;
	v14 =	vor.u32 v27, v5;
	v5 =	vor.u32 v4, v15  }
0x67e: {  	v13 =	vor.u32 v27, v13;
	v7 =	vor.u32 v27, v5;
	v5 =	vld [tilespmem:$0x1FEA0];
	_ =	sdelay $0x2  }
0x67f: {  	v10 =	vmul.f32 $8.000000000e+00, v10  }
0x680: {  	v4 =	vld.idx.msk [tilespmem:v20+s15+$0x0], $0xffff  }
0x681: {  	v20 =	vor.u32 v5, v47;
	v5 =	vld [tilespmem:$0x1FE50];
	[tilespmem:v13+s20+$0x0] =	vst.idx.msk $0xffff, v10  }
0x682: {  	v10 =	vld [tilespmem:$0x1F7B0];
	_ =	sdelay $0x2  }
0x683: {  	s9 =	simm.s32 $0x10  }
0x684: {  	s3 =	sand.u32 $0x70, s9  }
0x685: {  	v22 =	vmov v41;
	v6 =	vmov s3  }
0x686: {  	v41 =	vlaneseq.u32;
	v2 =	vor.u32 s4, v40;
	v18 =	vmovc v38;
	v38 =	vmovc v17;
	v17 =	vshll.u32 v6, $0x7  }
0x687: {  	v15 =	vor.u32 v23, v52;
	v13 =	vor.u32 v2, v20;
	v6 =	vor.u32 v5, v44  }
0x688: {  	s10 =	simm.s32 $0x5;
	s4 =	simm.s32 $0x4;
	v5 =	vor.u32 v16, v46;
	v16 =	vmul.f32 $8.000000000e+00, v19;
	v11 =	vld.idx.msk [tilespmem:v10+s15+$0x0], $0xffff;
	v10 =	vor.u32 v18, v43  }
.LBB2_14:
0x689: {  	_ = 	snop  }
0x68a: {  	v9 =	vld.idx.msk [tilespmem:v9+s15+$0x0], $0xffff  }
0x68b: {  	v4 =	vmul.f32 $8.000000000e+00, v4;
	[tilespmem:v14+s20+$0x0] =	vst.idx.msk $0xffff, v16;
	v16 =	vld [tilespmem:$0x1FDF0]  }
0x68c: {  	s7 =	sand.u32 $0x3, s4;
	v18 =	vor.u32 v26, v51;
	v14 =	vor.u32 s0, v35;
	v15 =	vld.idx.msk [tilespmem:v15+s15+$0x0], $0xffff  }
0x68d: {  	v17 =	vor.u32 v31, v17;
	s8 =	sshll.u32 s7, $0x4;
	[tilespmem:v7+s20+$0x0] =	vst.idx.msk $0xffff, v4;
	v7 =	vmul.f32 $8.000000000e+00, v11;
	v11 =	vor.u32 v14, v18;
	v18 =	vld [tilespmem:$0x1FE20]  }
0x68e: {  	v13 =	vor.u32 v27, v13;
	v17 =	vor.u32 s8, v17  }
0x68f: {  	v4 =	vor.u32 v41, v17  }
0x690: {  	v10 =	vor.u32 v57, v10;
	v16 =	vor.u32 v16, v48  }
0x691: {  	v19 =	vld [tilespmem:$0x1FE80];
	v10 =	vor.u32 v27, v10  }
0x692: {  	v20 =	vld [tilespmem:$0x1FEE0];
	v18 =	vor.u32 v18, v45  }
0x693: {  	v6 =	vld.idx.msk [tilespmem:v6+s15+$0x0], $0xffff;
	v11 =	vor.u32 v27, v11;
	[tilespmem:v13+s20+$0x0] =	vst.idx.msk $0xffff, v7  }
0x694: {  	v9 =	vmul.f32 $8.000000000e+00, v9;
	v4 =	vld.idx.msk [tilespmem:v4+s15+$0x0], $0xffff  }
0x695: {  	v13 =	vld.idx.msk [tilespmem:v16+s15+$0x0], $0xffff;
	v16 =	vor.u32 v21, v47  }
0x696: {  	v15 =	vmul.f32 $8.000000000e+00, v15;
	v21 =	vld [tilespmem:$0x1FDE0];
	[tilespmem:v10+s20+$0x0] =	vst.idx.msk $0xffff, v9;
	v16 =	vor.u32 v59, v16  }
0x697: {  	v10 =	vor.u32 v27, v16;
	v16 =	vld.idx.msk [tilespmem:v18+s15+$0x0], $0xffff  }
0x698: {  	v5 =	vor.u32 v53, v5;
	s7 =	sshll.u32 s7, $0x1;
	[tilespmem:v11+s20+$0x0] =	vst.idx.msk $0xffff, v15;
	v15 =	vld [tilespmem:$0x1FED0]  }
0x699: {  	v57 =	vmovc v63;
	v63 =	vmovc v8;
	v8 =	vmov s7;
	v20 =	vor.u32 v20, v43;
	v7 =	vor.u32 v32, v52  }
0x69a: {  	v5 =	vor.u32 v27, v5;
	v8 =	vshll.u32 v8, $0xA;
	v18 =	vor.u32 v56, v20;
	v56 =	vmovc v0;
	v0 =	vld [tilespmem:$0x1FE30]  }
0x69b: {  	v19 =	vor.u32 s3, v19;
	v9 =	vor.u32 v30, v8  }
0x69c: {  	v9 =	vor.u32 v19, v9;
	v21 =	vor.u32 v21, v44;
	v44 =	vmovc v45;
	v45 =	vmov v48  }
0x69d: {  	v6 =	vmul.f32 $8.000000000e+00, v6;
	v9 =	vor.u32 v27, v9;
	v15 =	vor.u32 v15, v45  }
0x69e: {  	v7 =	vld.idx.msk [tilespmem:v7+s15+$0x0], $0xffff  }
0x69f: {  	[tilespmem:v5+s20+$0x0] =	vst.idx.msk $0xffff, v6;
	v6 =	vmul.f32 $8.000000000e+00, v13;
	v20 =	vor.u32 v0, v44;
	v0 =	vld [tilespmem:$0x1FDC0]  }
0x6a0: {  	v53 =	vmovc v54;
	v54 =	vmovc v2;
	v2 =	vor.u32 v36, v51;
	v11 =	vor.u32 s0, v28;
	v4 =	vmul.f32 $8.000000000e+00, v4  }
0x6a1: {  	v5 =	vor.u32 v37, v17;
	v13 =	vor.u32 v27, v18;
	v18 =	vld.idx.msk [tilespmem:v21+s15+$0x0], $0xffff;
	[tilespmem:v10+s20+$0x0] =	vst.idx.msk $0xffff, v6  }
0x6a2: {  	v2 =	vor.u32 v11, v2;
	v10 =	vld.idx.msk [tilespmem:v15+s15+$0x0], $0xffff;
	[tilespmem:v9+s20+$0x0] =	vst.idx.msk $0xffff, v4;
	v9 =	vor.u32 v34, v47  }
0x6a3: {  	v2 =	vor.u32 v27, v2;
	v9 =	vor.u32 v61, v9;
	v61 =	vmov v1;
	v1 =	vld [tilespmem:$0x1FE00]  }
0x6a4: {  	v21 =	vor.u32 v0, v46  }
0x6a5: {  	v48 =	vmovc v52;
	v0 =	vmov v14;
	v14 =	vmul.f32 $8.000000000e+00, v16;
	v6 =	vor.u32 v49, v21  }
0x6a6: {  	v7 =	vmul.f32 $8.000000000e+00, v7;
	v4 =	vor.u32 v38, v48;
	v6 =	vor.u32 v27, v6  }
0x6a7: {  	v16 =	vor.u32 s3, v22;
	v5 =	vld.idx.msk [tilespmem:v5+s15+$0x0], $0xffff;
	[tilespmem:v13+s20+$0x0] =	vst.idx.msk $0xffff, v14;
	v9 =	vor.u32 v27, v9  }
0x6a8: {  	v13 =	vor.u32 v25, v8;
	v14 =	vld.idx.msk [tilespmem:v20+s15+$0x0], $0xffff;
	[tilespmem:v2+s20+$0x0] =	vst.idx.msk $0xffff, v7;
	v2 =	vor.u32 v1, v45  }
0x6a9: {  	v52 =	vmov v17;
	v17 =	vmul.f32 $8.000000000e+00, v18;
	v13 =	vor.u32 v16, v13  }
0x6aa: {  	v15 =	vld [tilespmem:$0x1FEC0];
	v7 =	vor.u32 v27, v13;
	v10 =	vmul.f32 $8.000000000e+00, v10  }
0x6ab: {  	[tilespmem:v6+s20+$0x0] =	vst.idx.msk $0xffff, v17;
	v6 =	vor.u32 v39, v52;
	v17 =	vld [tilespmem:$0x1FE40]  }
0x6ac: {  	v4 =	vld.idx.msk [tilespmem:v4+s15+$0x0], $0xffff;
	[tilespmem:v9+s20+$0x0] =	vst.idx.msk $0xffff, v10  }
0x6ad: {  	v1 =	vmov v19;
	v5 =	vmul.f32 $8.000000000e+00, v5;
	v19 =	vld.idx.msk [tilespmem:v2+s15+$0x0], $0xffff  }
0x6ae: {  	v2 =	vld [tilespmem:$0x1FE60]  }
0x6af: {  	[tilespmem:v7+s20+$0x0] =	vst.idx.msk $0xffff, v5;
	v7 =	vld [tilespmem:$0x1FF00]  }
0x6b0: {  	v20 =	vld.idx.msk [tilespmem:v6+s15+$0x0], $0xffff  }
0x6b1: {  	v15 =	vor.u32 v15, v43;
	v6 =	vld [tilespmem:$0x1FE70]  }
0x6b2: {  	v18 =	vor.u32 s0, v33;
	v13 =	vor.u32 v58, v15;
	v15 =	vor.u32 v42, v51  }
0x6b3: {  	v46 =	vmovc v43;
	v43 =	vmovc v47;
	v47 =	vmov v51;
	v51 =	vmov v8;
	v8 =	vor.u32 v18, v15  }
0x6b4: {  	v13 =	vor.u32 v27, v13;
	v10 =	vor.u32 v27, v8  }
0x6b5: {  	v49 =	vmovc v50;
	v50 =	vmovc v59;
	v59 =	vor.u32 s0, v2;
	v2 =	vor.u32 s0, v40;
	v7 =	vor.u32 v7, v43;
	s0 =	smov.u32 s3  }
0x6b6: {  	v17 =	vor.u32 v17, v44;
	v8 =	vor.u32 s0, v6;
	v6 =	vor.u32 v60, v7;
	v60 =	vmovc v3;
	v3 =	vld [tilespmem:$0x1FE90];
	_ =	sdelay $0x1  }
0x6b7: {  	v9 =	vmul.f32 $8.000000000e+00, v14;
	v5 =	vor.u32 v29, v48;
	_ =	sdelay $0x1  }
0x6b8: {  	s9 =	sadd.s32 $0x4, s9;
	[tilespmem:v13+s20+$0x0] =	vst.idx.msk $0xffff, v9;
	v13 =	vmul.f32 $8.000000000e+00, v4  }
0x6b9: {  	v58 =	vmov v62;
	s3 =	sand.u32 $0x70, s9;
	v4 =	vld.idx.msk [tilespmem:v17+s15+$0x0], $0xffff;
	v7 =	vor.u32 v3, v51  }
0x6ba: {  	v62 =	vmovc v11;
	v11 =	vmov s3;
	[tilespmem:v10+s20+$0x0] =	vst.idx.msk $0xffff, v13;
	v21 =	vor.u32 v27, v6;
	v6 =	vor.u32 v8, v7;
	v7 =	vld [tilespmem:$0x1FE10]  }
0x6bb: {  	v17 =	vshll.u32 v11, $0x7;
	v11 =	vld.idx.msk [tilespmem:v5+s15+$0x0], $0xffff  }
0x6bc: {  	v5 =	vld [tilespmem:$0x1FEA0];
	_ =	sdelay $0x2  }
0x6bd: {  	v9 =	vor.u32 v7, v45;
	v7 =	vld [tilespmem:$0x1FEB0];
	_ =	sdelay $0x1  }
0x6be: {  	v13 =	vor.u32 v5, v47;
	v5 =	vld [tilespmem:$0x1FE50];
	_ =	sdelay $0x1  }
0x6bf: {  	v10 =	vmul.f32 $8.000000000e+00, v19  }
0x6c0: {  	v7 =	vor.u32 v7, v46  }
0x6c1: {  	[tilespmem:v21+s20+$0x0] =	vst.idx.msk $0xffff, v10;
	v10 =	vld [tilespmem:$0x1FEF0];
	v14 =	vor.u32 v27, v6;
	v6 =	vor.u32 v55, v7  }
0x6c2: {  	p0 =	sne.s32 s10, $0x1F;
	v7 =	vor.u32 v27, v6;
	v6 =	vor.u32 v5, v44;
	v5 =	vld [tilespmem:$0x1FD80]  }
.Ltmp6:
0x6c3: {  	_ = 	snop;
	(pc) =	sbr.rel @p0 .LBB2_14-.Ltmp6, $3  }
0x6c4: {  	_ =	sdelay $0x1  }
0x6c5: {  	v15 =	vor.u32 v23, v52;
	v3 =	vmovc v16;
	v16 =	vmul.f32 $8.000000000e+00, v20;
	v13 =	vor.u32 v2, v13  }
0x6c6: {  	s4 =	smov.u32 s10;
	s10 =	sadd.s32 $0x1, s10;
	v21 =	vmovc v24;
	v10 =	vor.u32 v10, v43;
	v55 =	vmovc v12;
	v12 =	vmov v18;
	v5 =	vor.u32 v5, v46  }
0x6c7: {  	s4 =	sand.u32 $0x3, s4  }
0x6c8: {  	v17 =	vor.u32 v31, v17;
	s7 =	sshll.u32 s4, $0x4  }
0x6c9: {  	v18 =	vor.u32 s7, v17;
	v17 =	vlaneseq.u32;
	_ =	sdelay $0x1  }
0x6ca: {  	s4 =	sshll.u32 s4, $0x1  }
0x6cb: {  	v19 =	vor.u32 v17, v18;
	[tilespmem:$0x1F640] =	vst v18;
	v17 =	vmov v18;
	v18 =	vmov s4  }
0x6cc: {  	v41 =	vshll.u32 v18, $0xA;
	v18 =	vld [tilespmem:$0x1FE80];
	_ =	sdelay $0x4  }
0x6cd: {  	[tilespmem:$0x1F5F0] =	vst v41;
	v20 =	vor.u32 s3, v18  }
0x6ce: {  	[tilespmem:$0x1F630] =	vst v20  }
0x6cf: {  	v18 =	vld.idx.msk [tilespmem:v19+s15+$0x0], $0xffff;
	_ =	sdelay $0x4  }
0x6d0: {  	v19 =	vor.u32 v30, v41;
	[tilespmem:$0x1F520] =	vst v18  }
0x6d1: {  	v19 =	vor.u32 v20, v19;
	v20 =	vor.u32 v37, v17;
	v17 =	vld [tilespmem:$0x1F520];
	_ =	sdelay $0x1  }
0x6d2: {  	v19 =	vor.u32 v27, v19;
	_ =	sdelay $0x2  }
0x6d3: {  	v17 =	vmul.f32 $8.000000000e+00, v17;
	_ =	sdelay $0x1  }
0x6d4: {  	[tilespmem:v19+s20+$0x0] =	vst.idx.msk $0xffff, v17  }
0x6d5: {  	v19 =	vor.u32 v25, v41;
	v17 =	vld.idx.msk [tilespmem:v20+s15+$0x0], $0xffff;
	v20 =	vor.u32 s3, v22  }
0x6d6: {  	v19 =	vor.u32 v20, v19  }
0x6d7: {  	[tilespmem:$0x1F660] =	vst v20;
	v20 =	vld [tilespmem:$0x1F640];
	v19 =	vor.u32 v27, v19;
	_ =	sdelay $0x2  }
0x6d8: {  	v17 =	vmul.f32 $8.000000000e+00, v17;
	_ =	sdelay $0x1  }
0x6d9: {  	v20 =	vor.u32 v39, v20;
	[tilespmem:v19+s20+$0x0] =	vst.idx.msk $0xffff, v17  }
0x6da: {  	v18 =	vld [tilespmem:$0x1FE70];
	_ =	sdelay $0x3  }
0x6db: {  	v17 =	vld.idx.msk [tilespmem:v20+s15+$0x0], $0xffff  }
0x6dc: {  	v20 =	vor.u32 s3, v18;
	v18 =	vld [tilespmem:$0x1FE90];
	_ =	sdelay $0x4  }
0x6dd: {  	v19 =	vor.u32 v18, v41  }
0x6de: {  	v19 =	vor.u32 v20, v19  }
0x6df: {  	[tilespmem:$0x1F530] =	vst v17;
	v17 =	vor.u32 v27, v19;
	v19 =	vld [tilespmem:$0x1F640];
	_ =	sdelay $0x4  }
0x6e0: {  	[tilespmem:$0x1F670] =	vst v20;
	v18 =	vor.u32 v23, v19  }
0x6e1: {  	[tilespmem:$0x1F540] =	vst v18  }
0x6e2: {  	[tilespmem:v14+s20+$0x0] =	vst.idx.msk $0xffff, v16  }
0x6e3: {  	v20 =	vld [tilespmem:$0x1F530];
	_ =	sdelay $0x4  }
0x6e4: {  	v18 =	vor.u32 s0, v35;
	v20 =	vmul.f32 $8.000000000e+00, v20  }
0x6e5: {  	[tilespmem:$0x1F680] =	vst v18  }
0x6e6: {  	[tilespmem:v17+s20+$0x0] =	vst.idx.msk $0xffff, v20  }
0x6e7: {  	v20 =	vld [tilespmem:$0x1F540];
	_ =	sdelay $0x4  }
0x6e8: {  	v17 =	vor.u32 v32, v52  }
0x6e9: {  	v16 =	vor.u32 s3, v35;
	v15 =	vld.idx.msk [tilespmem:v15+s15+$0x0], $0xffff;
	[tilespmem:$0x1F550] =	vst v17  }
0x6ea: {  	v14 =	vor.u32 v26, v51;
	v17 =	vld [tilespmem:$0x1F5F0];
	[tilespmem:$0x1F690] =	vst v16  }
0x6eb: {  	v14 =	vor.u32 v18, v14;
	v20 =	vld.idx.msk [tilespmem:v20+s15+$0x0], $0xffff  }
0x6ec: {  	v14 =	vor.u32 v27, v14;
	_ =	sdelay $0x2  }
0x6ed: {  	v15 =	vmul.f32 $8.000000000e+00, v15  }
0x6ee: {  	v41 =	vor.u32 v26, v17;
	[tilespmem:$0x1F560] =	vst v20  }
0x6ef: {  	v16 =	vor.u32 v16, v41;
	[tilespmem:v14+s20+$0x0] =	vst.idx.msk $0xffff, v15  }
0x6f0: {  	v20 =	vor.u32 v27, v16;
	v16 =	vld [tilespmem:$0x1F550];
	_ =	sdelay $0x5  }
0x6f1: {  	v15 =	vor.u32 s0, v28  }
0x6f2: {  	[tilespmem:$0x1F6A0] =	vst v15  }
0x6f3: {  	v16 =	vld.idx.msk [tilespmem:v16+s15+$0x0], $0xffff;
	_ =	sdelay $0x4  }
0x6f4: {  	[tilespmem:$0x1F570] =	vst v16;
	v16 =	vld [tilespmem:$0x1F560];
	_ =	sdelay $0x2  }
0x6f5: {  	v14 =	vor.u32 v36, v51  }
0x6f6: {  	v14 =	vor.u32 v15, v14  }
0x6f7: {  	v14 =	vor.u32 v27, v14;
	v16 =	vmul.f32 $8.000000000e+00, v16  }
0x6f8: {  	[tilespmem:$0x1F580] =	vst v14  }
0x6f9: {  	v18 =	vor.u32 v36, v17;
	v15 =	vor.u32 s3, v28;
	[tilespmem:v20+s20+$0x0] =	vst.idx.msk $0xffff, v16  }
0x6fa: {  	v17 =	vor.u32 v15, v18;
	v18 =	vld [tilespmem:$0x1F580]  }
0x6fb: {  	[tilespmem:$0x1F6B0] =	vst v15;
	v15 =	vld [tilespmem:$0x1F570];
	_ =	sdelay $0x1  }
0x6fc: {  	v19 =	vor.u32 v32, v19  }
0x6fd: {  	v14 =	vor.u32 v38, v52;
	_ =	sdelay $0x1  }
0x6fe: {  	v15 =	vmul.f32 $8.000000000e+00, v15  }
0x6ff: {  	v16 =	vld [tilespmem:$0x1F640]  }
0x700: {  	v19 =	vld.idx.msk [tilespmem:v19+s15+$0x0], $0xffff;
	[tilespmem:v18+s20+$0x0] =	vst.idx.msk $0xffff, v15  }
0x701: {  	v14 =	vld.idx.msk [tilespmem:v14+s15+$0x0], $0xffff  }
0x702: {  	v17 =	vor.u32 v27, v17;
	v18 =	vor.u32 s0, v33;
	v15 =	vor.u32 v42, v51  }
0x703: {  	v15 =	vor.u32 v18, v15  }
0x704: {  	[tilespmem:$0x1F6C0] =	vst v18;
	v15 =	vor.u32 v27, v15  }
0x705: {  	v19 =	vmul.f32 $8.000000000e+00, v19;
	[tilespmem:$0x1F5A0] =	vst v15  }
0x706: {  	[tilespmem:$0x1F590] =	vst v14  }
0x707: {  	v20 =	vor.u32 v38, v16;
	[tilespmem:v17+s20+$0x0] =	vst.idx.msk $0xffff, v19  }
0x708: {  	v15 =	vld [tilespmem:$0x1F5F0];
	_ =	sdelay $0x3  }
0x709: {  	v20 =	vld.idx.msk [tilespmem:v20+s15+$0x0], $0xffff  }
0x70a: {  	v18 =	vor.u32 v29, v16;
	v14 =	vor.u32 s3, v33;
	v16 =	vld [tilespmem:$0x1F5A0];
	v19 =	vor.u32 v42, v15  }
0x70b: {  	[tilespmem:$0x1F6D0] =	vst v14;
	v19 =	vor.u32 v14, v19;
	v14 =	vld [tilespmem:$0x1F590];
	_ =	sdelay $0x3  }
0x70c: {  	v17 =	vor.u32 v29, v52  }
0x70d: {  	v14 =	vmul.f32 $8.000000000e+00, v14;
	_ =	sdelay $0x1  }
0x70e: {  	v41 =	vor.u32 s0, v40;
	[tilespmem:v16+s20+$0x0] =	vst.idx.msk $0xffff, v14  }
0x70f: {  	[tilespmem:$0x1F6E0] =	vst v41;
	v16 =	vld [tilespmem:$0x1FEA0]  }
0x710: {  	v14 =	vld.idx.msk [tilespmem:v17+s15+$0x0], $0xffff;
	_ =	sdelay $0x3  }
0x711: {  	v17 =	vor.u32 v16, v51  }
0x712: {  	v19 =	vor.u32 v27, v19;
	[tilespmem:$0x1F5B0] =	vst v14;
	v14 =	vmul.f32 $8.000000000e+00, v20;
	v20 =	vor.u32 v41, v17;
	v41 =	vld [tilespmem:$0x1FDF0];
	_ =	sdelay $0x2  }
0x713: {  	v13 =	vor.u32 v27, v13;
	v20 =	vor.u32 v27, v20  }
0x714: {  	[tilespmem:$0x1F5C0] =	vst v20  }
0x715: {  	[tilespmem:v19+s20+$0x0] =	vst.idx.msk $0xffff, v14;
	v14 =	vor.u32 v41, v52  }
0x716: {  	v11 =	vmul.f32 $8.000000000e+00, v11;
	[tilespmem:$0x1F5D0] =	vst v14;
	v14 =	vor.u32 s3, v40  }
0x717: {  	v20 =	vor.u32 v16, v15;
	[tilespmem:$0x1F6F0] =	vst v14  }
0x718: {  	v20 =	vor.u32 v14, v20;
	v14 =	vld [tilespmem:$0x1F5B0];
	[tilespmem:v13+s20+$0x0] =	vst.idx.msk $0xffff, v11  }
0x719: {  	v11 =	vld [tilespmem:$0x1F640];
	_ =	sdelay $0x4  }
0x71a: {  	v15 =	vor.u32 v21, v47;
	v19 =	vld.idx.msk [tilespmem:v18+s15+$0x0], $0xffff;
	v13 =	vor.u32 v41, v11  }
0x71b: {  	[tilespmem:$0x1F5E0] =	vst v13;
	v13 =	vor.u32 v59, v15;
	v15 =	vld [tilespmem:$0x1F5C0];
	_ =	sdelay $0x5  }
0x71c: {  	v14 =	vmul.f32 $8.000000000e+00, v14;
	_ =	sdelay $0x1  }
0x71d: {  	[tilespmem:v15+s20+$0x0] =	vst.idx.msk $0xffff, v14  }
0x71e: {  	v17 =	vor.u32 v41, v48;
	v18 =	vld [tilespmem:$0x1FE60];
	_ =	sdelay $0x2  }
0x71f: {  	v14 =	vld [tilespmem:$0x1F5D0];
	_ =	sdelay $0x1  }
0x720: {  	v17 =	vld.idx.msk [tilespmem:v17+s15+$0x0], $0xffff;
	v15 =	vor.u32 v21, v51;
	v41 =	vor.u32 s0, v18  }
0x721: {  	v20 =	vor.u32 v27, v20;
	[tilespmem:$0x1F700] =	vst v41;
	v15 =	vor.u32 v41, v15;
	v41 =	vld [tilespmem:$0x1FED0];
	_ =	sdelay $0x2  }
0x722: {  	v16 =	vmul.f32 $8.000000000e+00, v19;
	_ =	sdelay $0x1  }
0x723: {  	[tilespmem:v20+s20+$0x0] =	vst.idx.msk $0xffff, v16;
	v14 =	vld.idx.msk [tilespmem:v14+s15+$0x0], $0xffff;
	v16 =	vor.u32 v41, v52  }
0x724: {  	[tilespmem:$0x1F600] =	vst v16;
	v16 =	vld [tilespmem:$0x1F5E0];
	_ =	sdelay $0x5  }
0x725: {  	v18 =	vor.u32 s3, v18  }
0x726: {  	[tilespmem:$0x1F710] =	vst v18  }
0x727: {  	v16 =	vld.idx.msk [tilespmem:v16+s15+$0x0], $0xffff;
	_ =	sdelay $0x1  }
0x728: {  	v13 =	vor.u32 v27, v13;
	_ =	sdelay $0x1  }
0x729: {  	v15 =	vor.u32 v27, v15  }
0x72a: {  	v17 =	vmul.f32 $8.000000000e+00, v17;
	[tilespmem:$0x1F610] =	vst v16;
	v16 =	vld [tilespmem:$0x1F5F0];
	_ =	sdelay $0x1  }
0x72b: {  	v11 =	vor.u32 v41, v11;
	v14 =	vmul.f32 $8.000000000e+00, v14;
	[tilespmem:v13+s20+$0x0] =	vst.idx.msk $0xffff, v17  }
0x72c: {  	[tilespmem:$0x1F620] =	vst v11  }
0x72d: {  	[tilespmem:v15+s20+$0x0] =	vst.idx.msk $0xffff, v14  }
0x72e: {  	v19 =	vor.u32 v41, v48;
	v13 =	vld [tilespmem:$0x1F610];
	v20 =	vor.u32 v21, v16  }
0x72f: {  	v20 =	vor.u32 v18, v20  }
0x730: {  	v20 =	vor.u32 v27, v20;
	_ =	sdelay $0x2  }
0x731: {  	v14 =	vld.idx.msk [tilespmem:v19+s15+$0x0], $0xffff;
	v13 =	vmul.f32 $8.000000000e+00, v13  }
0x732: {  	v11 =	vld [tilespmem:$0x1F600]  }
0x733: {  	v41 =	vld [tilespmem:$0x1FE00];
	[tilespmem:v20+s20+$0x0] =	vst.idx.msk $0xffff, v13  }
0x734: {  	v19 =	vld [tilespmem:$0x1F620];
	_ =	sdelay $0x6  }
0x735: {  	v15 =	vor.u32 v34, v47;
	v11 =	vld.idx.msk [tilespmem:v11+s15+$0x0], $0xffff  }
0x736: {  	v17 =	vor.u32 v34, v51;
	v15 =	vor.u32 v61, v15;
	v19 =	vld.idx.msk [tilespmem:v19+s15+$0x0], $0xffff  }
0x737: {  	v1 =	vor.u32 v1, v17;
	v15 =	vor.u32 v27, v15  }
0x738: {  	v1 =	vor.u32 v27, v1  }
0x739: {  	v18 =	vld [tilespmem:$0x1F630]  }
0x73a: {  	v14 =	vmul.f32 $8.000000000e+00, v14  }
0x73b: {  	v61 =	vmov v16;
	[tilespmem:$0x1F650] =	vst v19;
	v19 =	vor.u32 v34, v16;
	v16 =	vmul.f32 $8.000000000e+00, v11  }
0x73c: {  	[tilespmem:v15+s20+$0x0] =	vst.idx.msk $0xffff, v14  }
0x73d: {  	v17 =	vor.u32 v41, v48;
	v20 =	vld [tilespmem:$0x1F640];
	[tilespmem:v1+s20+$0x0] =	vst.idx.msk $0xffff, v16  }
0x73e: {  	v18 =	vor.u32 v18, v19;
	v19 =	vld [tilespmem:$0x1FF00]  }
0x73f: {  	v13 =	vor.u32 v41, v52  }
0x740: {  	v11 =	vld [tilespmem:$0x1F650];
	_ =	sdelay $0x1  }
0x741: {  	v18 =	vor.u32 v27, v18;
	v1 =	vld.idx.msk [tilespmem:v17+s15+$0x0], $0xffff  }
0x742: {  	v17 =	vld [tilespmem:$0x1FE10];
	v15 =	vor.u32 v19, v47  }
0x743: {  	v13 =	vld.idx.msk [tilespmem:v13+s15+$0x0], $0xffff;
	v14 =	vor.u32 v41, v20;
	v16 =	vor.u32 v19, v51;
	v15 =	vor.u32 v60, v15  }
0x744: {  	v11 =	vmul.f32 $8.000000000e+00, v11;
	v3 =	vor.u32 v3, v16;
	v15 =	vor.u32 v27, v15  }
0x745: {  	v3 =	vor.u32 v27, v3  }
0x746: {  	v1 =	vmul.f32 $8.000000000e+00, v1;
	[tilespmem:v18+s20+$0x0] =	vst.idx.msk $0xffff, v11  }
0x747: {  	v16 =	vor.u32 v17, v48;
	v11 =	vor.u32 v17, v52;
	v18 =	vmovc v17;
	v17 =	vor.u32 v19, v61;
	v19 =	vld [tilespmem:$0x1F660]  }
0x748: {  	v13 =	vmul.f32 $8.000000000e+00, v13  }
0x749: {  	v14 =	vld.idx.msk [tilespmem:v14+s15+$0x0], $0xffff;
	[tilespmem:v15+s20+$0x0] =	vst.idx.msk $0xffff, v1  }
0x74a: {  	v1 =	vld.idx.msk [tilespmem:v9+s15+$0x0], $0xffff;
	[tilespmem:v3+s20+$0x0] =	vst.idx.msk $0xffff, v13  }
0x74b: {  	v9 =	vor.u32 v57, v10;
	v10 =	vor.u32 v18, v20;
	v18 =	vld [tilespmem:$0x1FEF0]  }
0x74c: {  	v17 =	vor.u32 v19, v17  }
0x74d: {  	v17 =	vor.u32 v27, v17  }
0x74e: {  	v19 =	vld [tilespmem:$0x1FE20];
	_ =	sdelay $0x1  }
0x74f: {  	v3 =	vor.u32 v27, v9;
	v13 =	vld.idx.msk [tilespmem:v16+s15+$0x0], $0xffff;
	v14 =	vmul.f32 $8.000000000e+00, v14;
	v9 =	vor.u32 v18, v47  }
0x750: {  	v11 =	vld.idx.msk [tilespmem:v11+s15+$0x0], $0xffff;
	v15 =	vor.u32 v18, v51;
	v9 =	vor.u32 v63, v9  }
0x751: {  	v8 =	vor.u32 v8, v15;
	[tilespmem:v17+s20+$0x0] =	vst.idx.msk $0xffff, v14;
	v9 =	vor.u32 v27, v9  }
0x752: {  	v15 =	vor.u32 v19, v45;
	v8 =	vor.u32 v27, v8;
	v17 =	vld [tilespmem:$0x1F670]  }
0x753: {  	v1 =	vmul.f32 $8.000000000e+00, v1  }
0x754: {  	v13 =	vmul.f32 $8.000000000e+00, v13  }
0x755: {  	[tilespmem:v3+s20+$0x0] =	vst.idx.msk $0xffff, v1;
	v3 =	vmul.f32 $8.000000000e+00, v11  }
0x756: {  	v16 =	vor.u32 v18, v61;
	v10 =	vld.idx.msk [tilespmem:v10+s15+$0x0], $0xffff;
	[tilespmem:v9+s20+$0x0] =	vst.idx.msk $0xffff, v13  }
0x757: {  	v16 =	vor.u32 v17, v16;
	v9 =	vld.idx.msk [tilespmem:v15+s15+$0x0], $0xffff;
	[tilespmem:v8+s20+$0x0] =	vst.idx.msk $0xffff, v3  }
0x758: {  	v11 =	vor.u32 v27, v16;
	v15 =	vld [tilespmem:$0x1FEE0];
	_ =	sdelay $0x2  }
0x759: {  	v14 =	vor.u32 v19, v48;
	v10 =	vmul.f32 $8.000000000e+00, v10  }
0x75a: {  	v1 =	vor.u32 v19, v52  }
0x75b: {  	v3 =	vor.u32 v53, v5;
	v17 =	vld [tilespmem:$0x1FE30];
	v5 =	vor.u32 v15, v43;
	[tilespmem:v11+s20+$0x0] =	vst.idx.msk $0xffff, v10  }
0x75c: {  	v5 =	vor.u32 v56, v5;
	v11 =	vld [tilespmem:$0x1F680]  }
0x75d: {  	v5 =	vor.u32 v27, v5  }
0x75e: {  	v14 =	vld.idx.msk [tilespmem:v14+s15+$0x0], $0xffff  }
0x75f: {  	v13 =	vor.u32 v19, v20;
	v1 =	vld.idx.msk [tilespmem:v1+s15+$0x0], $0xffff;
	v8 =	vor.u32 v15, v47  }
0x760: {  	v9 =	vmul.f32 $8.000000000e+00, v9;
	v10 =	vor.u32 v15, v51;
	v0 =	vor.u32 v0, v8;
	v16 =	vld [tilespmem:$0x1F690]  }
0x761: {  	v0 =	vor.u32 v27, v0;
	v10 =	vor.u32 v11, v10  }
0x762: {  	v10 =	vor.u32 v27, v10;
	[tilespmem:v5+s20+$0x0] =	vst.idx.msk $0xffff, v9  }
0x763: {  	v18 =	vld [tilespmem:$0x1FEC0]  }
0x764: {  	v14 =	vmul.f32 $8.000000000e+00, v14;
	v8 =	vor.u32 v17, v45;
	v13 =	vld.idx.msk [tilespmem:v13+s15+$0x0], $0xffff;
	v11 =	vor.u32 v15, v61  }
0x765: {  	v1 =	vmul.f32 $8.000000000e+00, v1;
	v15 =	vor.u32 v17, v48;
	v11 =	vor.u32 v16, v11  }
0x766: {  	v16 =	vor.u32 v17, v52;
	v11 =	vor.u32 v27, v11;
	[tilespmem:v0+s20+$0x0] =	vst.idx.msk $0xffff, v14  }
0x767: {  	[tilespmem:v10+s20+$0x0] =	vst.idx.msk $0xffff, v1  }
0x768: {  	v9 =	vor.u32 v17, v20;
	v5 =	vor.u32 v18, v43;
	v17 =	vld [tilespmem:$0x1FE40]  }
0x769: {  	v0 =	vor.u32 v58, v5;
	v5 =	vld.idx.msk [tilespmem:v8+s15+$0x0], $0xffff;
	v8 =	vmul.f32 $8.000000000e+00, v13  }
0x76a: {  	v10 =	vor.u32 v18, v47;
	v13 =	vld.idx.msk [tilespmem:v15+s15+$0x0], $0xffff  }
0x76b: {  	v10 =	vor.u32 v62, v10;
	v15 =	vld.idx.msk [tilespmem:v16+s15+$0x0], $0xffff;
	[tilespmem:v11+s20+$0x0] =	vst.idx.msk $0xffff, v8  }
0x76c: {  	v8 =	vor.u32 v27, v10;
	v10 =	vld [tilespmem:$0x1F6A0]  }
0x76d: {  	v16 =	vld [tilespmem:$0x1F6B0];
	_ =	sdelay $0x2  }
0x76e: {  	v14 =	vor.u32 v18, v51;
	v0 =	vor.u32 v27, v0  }
0x76f: {  	v4 =	vmul.f32 $8.000000000e+00, v4;
	v11 =	vor.u32 v18, v61;
	v9 =	vld.idx.msk [tilespmem:v9+s15+$0x0], $0xffff;
	v10 =	vor.u32 v10, v14  }
0x770: {  	v11 =	vor.u32 v16, v11;
	v10 =	vor.u32 v27, v10  }
0x771: {  	[tilespmem:v7+s20+$0x0] =	vst.idx.msk $0xffff, v4;
	v4 =	vmul.f32 $8.000000000e+00, v5;
	v7 =	vor.u32 v27, v11  }
0x772: {  	v18 =	vld [tilespmem:$0x1FEB0];
	v13 =	vmul.f32 $8.000000000e+00, v13  }
0x773: {  	v62 =	vld [tilespmem:$0x1FDE0];
	[tilespmem:v0+s20+$0x0] =	vst.idx.msk $0xffff, v4;
	v4 =	vmul.f32 $8.000000000e+00, v15  }
0x774: {  	v1 =	vor.u32 v17, v45;
	[tilespmem:v8+s20+$0x0] =	vst.idx.msk $0xffff, v13;
	v8 =	vmul.f32 $8.000000000e+00, v9  }
0x775: {  	v14 =	vor.u32 v17, v48;
	v15 =	vld [tilespmem:$0x1FE50];
	[tilespmem:v10+s20+$0x0] =	vst.idx.msk $0xffff, v4  }
0x776: {  	v5 =	vor.u32 v17, v52;
	[tilespmem:v7+s20+$0x0] =	vst.idx.msk $0xffff, v8  }
0x777: {  	v16 =	vor.u32 v17, v20;
	v13 =	vor.u32 v18, v47;
	v7 =	vld [tilespmem:$0x1F6C0]  }
0x778: {  	v4 =	vor.u32 v12, v13;
	v13 =	vld [tilespmem:$0x1F6D0]  }
0x779: {  	v11 =	vor.u32 v18, v43;
	v1 =	vld.idx.msk [tilespmem:v1+s15+$0x0], $0xffff  }
0x77a: {  	v0 =	vor.u32 v55, v11;
	v11 =	vld.idx.msk [tilespmem:v14+s15+$0x0], $0xffff  }
0x77b: {  	v0 =	vor.u32 v27, v0;
	v10 =	vor.u32 v18, v51;
	v5 =	vld.idx.msk [tilespmem:v5+s15+$0x0], $0xffff  }
0x77c: {  	v4 =	vor.u32 v27, v4;
	v8 =	vld.idx.msk [tilespmem:v16+s15+$0x0], $0xffff;
	v7 =	vor.u32 v7, v10;
	v10 =	vor.u32 v18, v61  }
0x77d: {  	v7 =	vor.u32 v27, v7;
	v10 =	vor.u32 v13, v10  }
0x77e: {  	v12 =	vor.u32 v15, v48;
	v1 =	vmul.f32 $8.000000000e+00, v1;
	v10 =	vor.u32 v27, v10  }
0x77f: {  	v63 =	vld [tilespmem:$0x1FDC0];
	v11 =	vmul.f32 $8.000000000e+00, v11  }
0x780: {  	v18 =	vld [tilespmem:$0x1FD80];
	[tilespmem:v0+s20+$0x0] =	vst.idx.msk $0xffff, v1;
	v1 =	vmul.f32 $8.000000000e+00, v5  }
0x781: {  	v6 =	vld.idx.msk [tilespmem:v6+s15+$0x0], $0xffff;
	v9 =	vor.u32 v15, v45;
	[tilespmem:v4+s20+$0x0] =	vst.idx.msk $0xffff, v11;
	v4 =	vmul.f32 $8.000000000e+00, v8  }
0x782: {  	[tilespmem:v7+s20+$0x0] =	vst.idx.msk $0xffff, v1  }
0x783: {  	v13 =	vor.u32 v15, v52;
	v11 =	vld.idx.msk [tilespmem:v12+s15+$0x0], $0xffff;
	[tilespmem:v10+s20+$0x0] =	vst.idx.msk $0xffff, v4  }
0x784: {  	v15 =	vor.u32 v15, v20;
	v4 =	vld [tilespmem:$0x1F6E0]  }
0x785: {  	v12 =	vld [tilespmem:$0x1F6F0]  }
0x786: {  	v3 =	vor.u32 v27, v3;
	v5 =	vmul.f32 $8.000000000e+00, v6;
	v6 =	vld.idx.msk [tilespmem:v9+s15+$0x0], $0xffff;
	v14 =	vor.u32 v18, v43  }
0x787: {  	v9 =	vor.u32 v18, v47;
	v0 =	vor.u32 v54, v14  }
0x788: {  	v1 =	vor.u32 v2, v9;
	v2 =	vor.u32 v18, v51;
	v0 =	vor.u32 v27, v0;
	v7 =	vld.idx.msk [tilespmem:v13+s15+$0x0], $0xffff  }
0x789: {  	v1 =	vor.u32 v27, v1;
	v9 =	vld.idx.msk [tilespmem:v15+s15+$0x0], $0xffff;
	v2 =	vor.u32 v4, v2;
	v4 =	vor.u32 v18, v61  }
0x78a: {  	v17 =	vor.u32 v62, v44;
	v2 =	vor.u32 v27, v2;
	v4 =	vor.u32 v12, v4  }
0x78b: {  	v8 =	vor.u32 v62, v45;
	[tilespmem:v3+s20+$0x0] =	vst.idx.msk $0xffff, v5;
	v3 =	vmul.f32 $8.000000000e+00, v6;
	v4 =	vor.u32 v27, v4  }
0x78c: {  	v11 =	vmul.f32 $8.000000000e+00, v11  }
0x78d: {  	[tilespmem:v0+s20+$0x0] =	vst.idx.msk $0xffff, v3;
	v3 =	vmul.f32 $8.000000000e+00, v7  }
0x78e: {  	v10 =	vor.u32 v62, v48;
	[tilespmem:v1+s20+$0x0] =	vst.idx.msk $0xffff, v11;
	v1 =	vmul.f32 $8.000000000e+00, v9  }
0x78f: {  	v6 =	vld.idx.msk [tilespmem:v17+s15+$0x0], $0xffff;
	v9 =	vor.u32 v63, v47;
	[tilespmem:v2+s20+$0x0] =	vst.idx.msk $0xffff, v3  }
0x790: {  	v5 =	vor.u32 v62, v52;
	v7 =	vld.idx.msk [tilespmem:v8+s15+$0x0], $0xffff;
	v2 =	vor.u32 v59, v9;
	[tilespmem:v4+s20+$0x0] =	vst.idx.msk $0xffff, v1  }
0x791: {  	v16 =	vor.u32 v63, v46;
	v13 =	vor.u32 v62, v20;
	v1 =	vor.u32 v27, v2;
	v2 =	vld [tilespmem:$0x1F700]  }
0x792: {  	v0 =	vor.u32 v63, v43;
	v12 =	vor.u32 v49, v16;
	v9 =	vld [tilespmem:$0x1F710]  }
0x793: {  	v0 =	vor.u32 v50, v0;
	v8 =	vld.idx.msk [tilespmem:v10+s15+$0x0], $0xffff;
	v12 =	vor.u32 v27, v12  }
0x794: {  	v0 =	vor.u32 v27, v0  }
0x795: {  	v3 =	vld.idx.msk [tilespmem:v5+s15+$0x0], $0xffff;
	v5 =	vor.u32 v63, v51  }
0x796: {  	v6 =	vmul.f32 $8.000000000e+00, v6;
	v4 =	vld.idx.msk [tilespmem:v13+s15+$0x0], $0xffff;
	v2 =	vor.u32 v2, v5;
	v5 =	vor.u32 v63, v61  }
0x797: {  	v7 =	vmul.f32 $8.000000000e+00, v7;
	v2 =	vor.u32 v27, v2;
	v5 =	vor.u32 v9, v5  }
0x798: {  	[tilespmem:v12+s20+$0x0] =	vst.idx.msk $0xffff, v6;
	v6 =	vmul.f32 $8.000000000e+00, v8;
	v5 =	vor.u32 v27, v5  }
0x799: {  	[tilespmem:v0+s20+$0x0] =	vst.idx.msk $0xffff, v7  }
0x79a: {  	v0 =	vmul.f32 $8.000000000e+00, v3;
	[tilespmem:v1+s20+$0x0] =	vst.idx.msk $0xffff, v6  }
0x79b: {  	v1 =	vmul.f32 $8.000000000e+00, v4;
	v63 =	vld [tilespmem:$0x1FFF0]  }
0x79c: {  	s14 =	simm.s32 $0x0;
	[tilespmem:v2+s20+$0x0] =	vst.idx.msk $0xffff, v0  }
0x79d: {  	s16 =	sand.u32 $0x70, s14;
	[tilespmem:v5+s20+$0x0] =	vst.idx.msk $0xffff, v1  }
0x79e: {  	s3 =	sand.u32 $0x3, s14;
	v8 =	vmov s16;
	s31 =	rddreg [dreg:$0x6]  }
0x79f: {  	v3 =	vshll.u32 v8, $0x7;
	[hbm4b:s31+s21] =	stream.strided.scatter [tilespmem:s20], [sflag:$0x5], $0x2000, s22, s21, $0x38;
	[tilespmem:$0x19080] =	vst v63  }
0x7a0: {  	s30 =	sshll.u32 s3, $0x4;
	v3 =	vor.u32 v63, v3;
	_ =	swait.ge [sflag:s24], $0x4000  }
0x7a1: {  	v43 =	vor.u32 s30, v3;
	v5 =	vlaneseq.u32;
	v58 =	vld [tilespmem:$0x1FE80]  }
0x7a2: {  	v0 =	vor.u32 v5, v43;
	v6 =	vld [tilespmem:$0x1FFE0];
	_ =	sdelay $0x1  }
0x7a3: {  	s3 =	sshll.u32 s3, $0x1  }
0x7a4: {  	v1 =	vmov s3;
	[sflag:s24] =	ssyncset.done $0x0  }
0x7a5: {  	v44 =	vshll.u32 v1, $0xA;
	[sflag:s24] =	ssyncadd.s32 $0xFFFFC000  }
0x7a6: {  	v0 =	vld.idx.msk [tilespmem:v0+s17+$0x0], $0xffff;
	v7 =	vor.u32 s16, v58;
	v1 =	vor.u32 v6, v44  }
0x7a7: {  	v1 =	vor.u32 v7, v1  }
0x7a8: {  	v1 =	vor.u32 v27, v1;
	_ =	sdelay $0x1  }
0x7a9: {  	v60 =	vld [tilespmem:$0x1FFD0]  }
0x7aa: {  	v0 =	vmul.f32 $8.000000000e+00, v0;
	_ =	sdelay $0x1  }
0x7ab: {  	[tilespmem:v1+s25+$0x0] =	vst.idx.msk $0xffff, v0  }
0x7ac: {  	v12 =	vld [tilespmem:$0x1FFA0]  }
0x7ad: {  	v2 =	vor.u32 v60, v43;
	v54 =	vld [tilespmem:$0x1FFC0];
	_ =	sdelay $0x4  }
0x7ae: {  	v0 =	vld.idx.msk [tilespmem:v2+s17+$0x0], $0xffff;
	v20 =	vor.u32 s16, v12;
	v1 =	vor.u32 v54, v44  }
0x7af: {  	v1 =	vor.u32 v20, v1  }
0x7b0: {  	v1 =	vor.u32 v27, v1;
	_ =	sdelay $0x1  }
0x7b1: {  	v59 =	vld [tilespmem:$0x1FFB0]  }
0x7b2: {  	v0 =	vmul.f32 $8.000000000e+00, v0;
	_ =	sdelay $0x1  }
0x7b3: {  	[tilespmem:v1+s25+$0x0] =	vst.idx.msk $0xffff, v0  }
0x7b4: {  	v13 =	vld [tilespmem:$0x1FE70]  }
0x7b5: {  	v2 =	vor.u32 v59, v43;
	v41 =	vld [tilespmem:$0x1FE90];
	_ =	sdelay $0x4  }
0x7b6: {  	v0 =	vld.idx.msk [tilespmem:v2+s17+$0x0], $0xffff;
	v1 =	vor.u32 s16, v13;
	v2 =	vor.u32 v41, v44  }
0x7b7: {  	v2 =	vor.u32 v1, v2  }
0x7b8: {  	v2 =	vor.u32 v27, v2;
	_ =	sdelay $0x2  }
0x7b9: {  	v0 =	vmul.f32 $8.000000000e+00, v0  }
0x7ba: {  	[tilespmem:$0x1F720] =	vst v1  }
0x7bb: {  	[tilespmem:v2+s25+$0x0] =	vst.idx.msk $0xffff, v0  }
0x7bc: {  	v0 =	vld [tilespmem:$0x1FF90];
	_ =	sdelay $0x1  }
0x7bd: {  	s7 =	simm.s32 $0x4;
	v4 =	vor.u32 v23, v43;
	v19 =	vld [tilespmem:$0x1FF80]  }
0x7be: {  	s3 =	sand.u32 $0x70, s7  }
0x7bf: {  	s8 =	simm.s32 $0x1;
	v3 =	vmov s3  }
0x7c0: {  	s4 =	sand.u32 $0x3, s8;
	v3 =	vshll.u32 v3, $0x7;
	v1 =	vor.u32 s16, v0  }
0x7c1: {  	s9 =	sshll.u32 s4, $0x4;
	v3 =	vor.u32 v63, v3;
	[tilespmem:$0x1F730] =	vst v1  }
0x7c2: {  	v46 =	vor.u32 s9, v3;
	v3 =	vor.u32 v19, v44;
	v4 =	vld.idx.msk [tilespmem:v4+s17+$0x0], $0xffff  }
0x7c3: {  	v3 =	vor.u32 v1, v3  }
0x7c4: {  	v8 =	vor.u32 v27, v3;
	_ =	sdelay $0x2  }
0x7c5: {  	v1 =	vor.u32 s3, v58;
	v3 =	vld [tilespmem:$0x1FF50];
	v4 =	vmul.f32 $8.000000000e+00, v4  }
0x7c6: {  	[tilespmem:$0x1F740] =	vst v1  }
0x7c7: {  	[tilespmem:v8+s25+$0x0] =	vst.idx.msk $0xffff, v4  }
0x7c8: {  	v2 =	vor.u32 v5, v46;
	v17 =	vld [tilespmem:$0x1FF70]  }
0x7c9: {  	s4 =	sshll.u32 s4, $0x1  }
0x7ca: {  	v5 =	vmov s4;
	v9 =	vor.u32 v3, v43;
	v15 =	vld [tilespmem:$0x1FF30]  }
0x7cb: {  	v45 =	vshll.u32 v5, $0xA  }
0x7cc: {  	v5 =	vor.u32 v6, v45  }
0x7cd: {  	v5 =	vor.u32 v1, v5;
	v2 =	vld.idx.msk [tilespmem:v2+s17+$0x0], $0xffff;
	v1 =	vor.u32 s16, v17  }
0x7ce: {  	[tilespmem:$0x1F750] =	vst v1  }
0x7cf: {  	v10 =	vor.u32 v27, v5;
	v8 =	vor.u32 v15, v44;
	v9 =	vld.idx.msk [tilespmem:v9+s17+$0x0], $0xffff  }
0x7d0: {  	v4 =	vor.u32 v60, v46;
	v8 =	vor.u32 v1, v8  }
0x7d1: {  	v8 =	vor.u32 v27, v8  }
0x7d2: {  	v2 =	vmul.f32 $8.000000000e+00, v2;
	_ =	sdelay $0x1  }
0x7d3: {  	[tilespmem:v10+s25+$0x0] =	vst.idx.msk $0xffff, v2;
	v2 =	vor.u32 s3, v12;
	v9 =	vmul.f32 $8.000000000e+00, v9  }
0x7d4: {  	v11 =	vld.idx.msk [tilespmem:v4+s17+$0x0], $0xffff;
	[tilespmem:$0x1F760] =	vst v2  }
0x7d5: {  	v4 =	vor.u32 v54, v45;
	[tilespmem:v8+s25+$0x0] =	vst.idx.msk $0xffff, v9  }
0x7d6: {  	v4 =	vor.u32 v2, v4;
	v52 =	vld [tilespmem:$0x1FF60]  }
0x7d7: {  	v5 =	vmov v12;
	v10 =	vor.u32 v38, v43;
	v12 =	vor.u32 v27, v4;
	v4 =	vld [tilespmem:$0x1FF40];
	_ =	sdelay $0x4  }
0x7d8: {  	v11 =	vmul.f32 $8.000000000e+00, v11;
	v9 =	vld.idx.msk [tilespmem:v10+s17+$0x0], $0xffff;
	v2 =	vor.u32 s16, v52;
	v10 =	vor.u32 v4, v44  }
0x7d9: {  	[tilespmem:$0x1F770] =	vst v2;
	v10 =	vor.u32 v2, v10  }
0x7da: {  	v8 =	vor.u32 v59, v46;
	v10 =	vor.u32 v27, v10;
	[tilespmem:v12+s25+$0x0] =	vst.idx.msk $0xffff, v11  }
0x7db: {  	v62 =	vld [tilespmem:$0x1FF20];
	_ =	sdelay $0x1  }
0x7dc: {  	v9 =	vmul.f32 $8.000000000e+00, v9;
	_ =	sdelay $0x1  }
0x7dd: {  	v8 =	vld.idx.msk [tilespmem:v8+s17+$0x0], $0xffff;
	[tilespmem:v10+s25+$0x0] =	vst.idx.msk $0xffff, v9  }
0x7de: {  	v57 =	vor.u32 s3, v13;
	v12 =	vor.u32 v41, v45;
	v11 =	vor.u32 v62, v43;
	v51 =	vld [tilespmem:$0x1FEA0]  }
0x7df: {  	v12 =	vor.u32 v57, v12  }
0x7e0: {  	v12 =	vor.u32 v27, v12;
	_ =	sdelay $0x2  }
0x7e1: {  	v48 =	vor.u32 s16, v40;
	v8 =	vmul.f32 $8.000000000e+00, v8;
	v10 =	vld.idx.msk [tilespmem:v11+s17+$0x0], $0xffff;
	v11 =	vor.u32 v51, v44  }
0x7e2: {  	v11 =	vor.u32 v48, v11  }
0x7e3: {  	v9 =	vor.u32 v23, v46;
	[tilespmem:v12+s25+$0x0] =	vst.idx.msk $0xffff, v8;
	v11 =	vor.u32 v27, v11  }
0x7e4: {  	v18 =	vld [tilespmem:$0x1FDF0];
	_ =	sdelay $0x1  }
0x7e5: {  	v10 =	vmul.f32 $8.000000000e+00, v10;
	_ =	sdelay $0x1  }
0x7e6: {  	s10 =	simm.s32 $0x8;
	v9 =	vld.idx.msk [tilespmem:v9+s17+$0x0], $0xffff;
	[tilespmem:v11+s25+$0x0] =	vst.idx.msk $0xffff, v10  }
0x7e7: {  	s4 =	sand.u32 $0x70, s10;
	v56 =	vor.u32 s3, v0;
	v12 =	vor.u32 v19, v45;
	v8 =	vor.u32 v18, v43;
	v53 =	vld [tilespmem:$0x1FE60]  }
0x7e8: {  	s11 =	simm.s32 $0x2;
	v1 =	vmov v13;
	v13 =	vmov s4;
	v12 =	vor.u32 v56, v12  }
0x7e9: {  	s7 =	sand.u32 $0x3, s11;
	v13 =	vshll.u32 v13, $0x7;
	v12 =	vor.u32 v27, v12  }
0x7ea: {  	s8 =	sshll.u32 s7, $0x4;
	v13 =	vor.u32 v63, v13  }
0x7eb: {  	v47 =	vlaneseq.u32;
	s7 =	sshll.u32 s7, $0x1;
	v14 =	vor.u32 v21, v44;
	v49 =	vor.u32 s8, v13  }
0x7ec: {  	v9 =	vmul.f32 $8.000000000e+00, v9;
	v11 =	vmov s7;
	v8 =	vld.idx.msk [tilespmem:v8+s17+$0x0], $0xffff;
	v50 =	vor.u32 s16, v53  }
0x7ed: {  	v13 =	vor.u32 v47, v49;
	v47 =	vshll.u32 v11, $0xA;
	v11 =	vor.u32 v50, v14  }
0x7ee: {  	v10 =	vor.u32 v3, v46;
	[tilespmem:v12+s25+$0x0] =	vst.idx.msk $0xffff, v9;
	v11 =	vor.u32 v27, v11  }
0x7ef: {  	v0 =	vld [tilespmem:$0x1FED0];
	_ =	sdelay $0x1  }
0x7f0: {  	v8 =	vmul.f32 $8.000000000e+00, v8  }
0x7f1: {  	v61 =	vor.u32 s4, v58;
	v13 =	vld.idx.msk [tilespmem:v13+s17+$0x0], $0xffff  }
0x7f2: {  	v3 =	vmov v58;
	v58 =	vor.u32 s3, v17;
	v10 =	vld.idx.msk [tilespmem:v10+s17+$0x0], $0xffff;
	v14 =	vor.u32 v6, v47;
	[tilespmem:v11+s25+$0x0] =	vst.idx.msk $0xffff, v8  }
0x7f3: {  	v12 =	vor.u32 v15, v45;
	v9 =	vor.u32 v0, v43;
	v14 =	vor.u32 v61, v14;
	v2 =	vld [tilespmem:$0x1FF10]  }
0x7f4: {  	v12 =	vor.u32 v58, v12;
	v14 =	vor.u32 v27, v14  }
0x7f5: {  	v12 =	vor.u32 v27, v12;
	_ =	sdelay $0x1  }
0x7f6: {  	v13 =	vmul.f32 $8.000000000e+00, v13  }
0x7f7: {  	v10 =	vmul.f32 $8.000000000e+00, v10;
	v9 =	vld.idx.msk [tilespmem:v9+s17+$0x0], $0xffff;
	v11 =	vor.u32 v2, v44  }
0x7f8: {  	v15 =	vor.u32 v60, v49;
	[tilespmem:v14+s25+$0x0] =	vst.idx.msk $0xffff, v13;
	v7 =	vor.u32 v7, v11  }
0x7f9: {  	[tilespmem:v12+s25+$0x0] =	vst.idx.msk $0xffff, v10;
	v7 =	vor.u32 v27, v7  }
0x7fa: {  	v17 =	vmov v60;
	v60 =	vor.u32 s4, v5;
	v5 =	vld [tilespmem:$0x1FE00];
	_ =	sdelay $0x1  }
0x7fb: {  	v9 =	vmul.f32 $8.000000000e+00, v9  }
0x7fc: {  	v13 =	vor.u32 v54, v47;
	v11 =	vld.idx.msk [tilespmem:v15+s17+$0x0], $0xffff  }
0x7fd: {  	v8 =	vor.u32 v38, v46;
	v13 =	vor.u32 v60, v13;
	[tilespmem:v7+s25+$0x0] =	vst.idx.msk $0xffff, v9  }
0x7fe: {  	v12 =	vor.u32 v27, v13;
	v13 =	vor.u32 v4, v45;
	v10 =	vor.u32 v5, v43;
	v4 =	vld [tilespmem:$0x1FF00]  }
0x7ff: {  	v14 =	vor.u32 v59, v49  }
0x800: {  	v55 =	vor.u32 s3, v52  }
0x801: {  	v13 =	vor.u32 v55, v13;
	v11 =	vmul.f32 $8.000000000e+00, v11  }
0x802: {  	v8 =	vld.idx.msk [tilespmem:v8+s17+$0x0], $0xffff;
	v13 =	vor.u32 v27, v13  }
0x803: {  	v7 =	vor.u32 v62, v46;
	v9 =	vld.idx.msk [tilespmem:v10+s17+$0x0], $0xffff;
	[tilespmem:v12+s25+$0x0] =	vst.idx.msk $0xffff, v11;
	v10 =	vor.u32 v4, v44  }
0x804: {  	v16 =	vmovc v6;
	v62 =	vor.u32 s4, v1;
	v11 =	vor.u32 v41, v47;
	v6 =	vor.u32 v20, v10;
	v10 =	vld.idx.msk [tilespmem:v14+s17+$0x0], $0xffff  }
0x805: {  	v11 =	vor.u32 v62, v11;
	v6 =	vor.u32 v27, v6  }
0x806: {  	v1 =	vld [tilespmem:$0x1FE10];
	v11 =	vor.u32 v27, v11  }
0x807: {  	v8 =	vmul.f32 $8.000000000e+00, v8  }
0x808: {  	v9 =	vmul.f32 $8.000000000e+00, v9  }
0x809: {  	[tilespmem:v13+s25+$0x0] =	vst.idx.msk $0xffff, v8;
	v10 =	vmul.f32 $8.000000000e+00, v10  }
0x80a: {  	[tilespmem:v6+s25+$0x0] =	vst.idx.msk $0xffff, v9  }
0x80b: {  	v12 =	vor.u32 v1, v43;
	v20 =	vld [tilespmem:$0x1FEF0];
	[tilespmem:v11+s25+$0x0] =	vst.idx.msk $0xffff, v10  }
0x80c: {  	v1 =	vld [tilespmem:$0x1F720];
	_ =	sdelay $0x1  }
0x80d: {  	v54 =	vor.u32 s3, v40;
	v13 =	vor.u32 v51, v45;
	v7 =	vld.idx.msk [tilespmem:v7+s17+$0x0], $0xffff  }
0x80e: {  	v13 =	vor.u32 v54, v13;
	v14 =	vor.u32 v23, v49;
	v10 =	vld [tilespmem:$0x1FF90]  }
0x80f: {  	v13 =	vor.u32 v27, v13;
	v15 =	vld.idx.msk [tilespmem:v12+s17+$0x0], $0xffff;
	v9 =	vor.u32 v20, v44  }
0x810: {  	v1 =	vor.u32 v1, v9  }
0x811: {  	v11 =	vor.u32 v27, v1  }
0x812: {  	v7 =	vmul.f32 $8.000000000e+00, v7  }
0x813: {  	s14 =	simm.s32 $0xC;
	v9 =	vor.u32 v19, v47;
	v12 =	vor.u32 s4, v10;
	v10 =	vld.idx.msk [tilespmem:v14+s17+$0x0], $0xffff  }
0x814: {  	s0 =	sand.u32 $0x70, s14;
	v15 =	vmul.f32 $8.000000000e+00, v15;
	v1 =	vor.u32 v12, v9;
	v9 =	vld [tilespmem:$0x1FE20];
	[tilespmem:v13+s25+$0x0] =	vst.idx.msk $0xffff, v7  }
0x815: {  	s16 =	simm.s32 $0x3;
	v8 =	vmov s0;
	v7 =	vor.u32 v27, v1;
	v1 =	vld [tilespmem:$0x1FF50]  }
0x816: {  	s7 =	sand.u32 $0x3, s16;
	v8 =	vshll.u32 v8, $0x7;
	[tilespmem:v11+s25+$0x0] =	vst.idx.msk $0xffff, v15  }
0x817: {  	s30 =	sshll.u32 s7, $0x4;
	v51 =	vor.u32 s3, v53;
	v6 =	vor.u32 v63, v8;
	v15 =	vor.u32 v0, v46;
	v0 =	vld [tilespmem:$0x1FEE0]  }
0x818: {  	s31 =	sshll.u32 s7, $0x1;
	v8 =	vor.u32 v18, v46;
	v18 =	vmovc v53;
	v53 =	vor.u32 s30, v6;
	v6 =	vlaneseq.u32  }
0x819: {  	v6 =	vor.u32 v6, v53;
	v14 =	vmov s31;
	v10 =	vmul.f32 $8.000000000e+00, v10  }
0x81a: {  	v52 =	vshll.u32 v14, $0xA;
	v13 =	vor.u32 v1, v49;
	v1 =	vor.u32 v21, v45  }
0x81b: {  	v16 =	vor.u32 v16, v52;
	[tilespmem:v7+s25+$0x0] =	vst.idx.msk $0xffff, v10;
	v14 =	vor.u32 v51, v1;
	v1 =	vor.u32 s0, v3  }
0x81c: {  	v11 =	vor.u32 v1, v16;
	v16 =	vor.u32 v0, v44;
	v0 =	vld [tilespmem:$0x1F730];
	_ =	sdelay $0x2  }
0x81d: {  	v8 =	vld.idx.msk [tilespmem:v8+s17+$0x0], $0xffff  }
0x81e: {  	v6 =	vld.idx.msk [tilespmem:v6+s17+$0x0], $0xffff  }
0x81f: {  	v14 =	vor.u32 v27, v14;
	v7 =	vor.u32 v0, v16;
	v0 =	vld [tilespmem:$0x1FF30]  }
0x820: {  	v11 =	vor.u32 v27, v11;
	_ =	sdelay $0x1  }
0x821: {  	v8 =	vmul.f32 $8.000000000e+00, v8  }
0x822: {  	v6 =	vmul.f32 $8.000000000e+00, v6;
	v3 =	vld [tilespmem:$0x1FE30]  }
0x823: {  	v16 =	vor.u32 v0, v47;
	v0 =	vld [tilespmem:$0x1FF70];
	[tilespmem:v14+s25+$0x0] =	vst.idx.msk $0xffff, v8  }
0x824: {  	[tilespmem:v11+s25+$0x0] =	vst.idx.msk $0xffff, v6;
	v14 =	vld.idx.msk [tilespmem:v15+s17+$0x0], $0xffff  }
0x825: {  	v15 =	vor.u32 v2, v45;
	v2 =	vld [tilespmem:$0x1F740];
	_ =	sdelay $0x1  }
0x826: {  	v9 =	vor.u32 v9, v43;
	_ =	sdelay $0x2  }
0x827: {  	v11 =	vor.u32 v2, v15;
	v2 =	vld [tilespmem:$0x1FFA0];
	_ =	sdelay $0x1  }
0x828: {  	v9 =	vld.idx.msk [tilespmem:v9+s17+$0x0], $0xffff;
	_ =	sdelay $0x1  }
0x829: {  	v7 =	vor.u32 v27, v7  }
0x82a: {  	v10 =	vor.u32 v17, v53;
	v17 =	vor.u32 v3, v43;
	v3 =	vor.u32 s0, v2;
	v2 =	vld [tilespmem:$0x1FFC0];
	_ =	sdelay $0x1  }
0x82b: {  	v13 =	vld.idx.msk [tilespmem:v13+s17+$0x0], $0xffff;
	v9 =	vmul.f32 $8.000000000e+00, v9;
	v0 =	vor.u32 s4, v0  }
0x82c: {  	v16 =	vor.u32 v0, v16  }
0x82d: {  	v8 =	vor.u32 v27, v16;
	[tilespmem:v7+s25+$0x0] =	vst.idx.msk $0xffff, v9  }
0x82e: {  	v15 =	vor.u32 v2, v52;
	v2 =	vld [tilespmem:$0x1FEC0];
	_ =	sdelay $0x1  }
0x82f: {  	v13 =	vmul.f32 $8.000000000e+00, v13;
	_ =	sdelay $0x1  }
0x830: {  	[tilespmem:v8+s25+$0x0] =	vst.idx.msk $0xffff, v13  }
0x831: {  	v7 =	vor.u32 v3, v15;
	v15 =	vor.u32 v2, v44;
	v2 =	vld [tilespmem:$0x1F750];
	_ =	sdelay $0x4  }
0x832: {  	v9 =	vor.u32 v5, v46;
	v5 =	vor.u32 v2, v15;
	v2 =	vld [tilespmem:$0x1FF60];
	_ =	sdelay $0x4  }
0x833: {  	v63 =	vor.u32 s4, v2;
	v2 =	vld [tilespmem:$0x1FF40];
	_ =	sdelay $0x3  }
0x834: {  	v11 =	vor.u32 v27, v11  }
0x835: {  	v13 =	vmul.f32 $8.000000000e+00, v14;
	v14 =	vor.u32 v2, v47;
	v2 =	vld [tilespmem:$0x1FE40];
	_ =	sdelay $0x2  }
0x836: {  	v10 =	vld.idx.msk [tilespmem:v10+s17+$0x0], $0xffff  }
0x837: {  	v16 =	vld.idx.msk [tilespmem:v17+s17+$0x0], $0xffff;
	[tilespmem:v11+s25+$0x0] =	vst.idx.msk $0xffff, v13  }
0x838: {  	v7 =	vor.u32 v27, v7;
	v15 =	vor.u32 v2, v43;
	v2 =	vld [tilespmem:$0x1FF20];
	_ =	sdelay $0x2  }
0x839: {  	v10 =	vmul.f32 $8.000000000e+00, v10  }
0x83a: {  	v8 =	vor.u32 v59, v53;
	v5 =	vor.u32 v27, v5;
	v14 =	vor.u32 v63, v14;
	v13 =	vld.idx.msk [tilespmem:v9+s17+$0x0], $0xffff  }
0x83b: {  	v11 =	vor.u32 v27, v14;
	v14 =	vmul.f32 $8.000000000e+00, v16;
	v16 =	vor.u32 v2, v49;
	v2 =	vld [tilespmem:$0x1F760];
	[tilespmem:v7+s25+$0x0] =	vst.idx.msk $0xffff, v10  }
0x83c: {  	v9 =	vor.u32 v4, v45;
	v4 =	vld [tilespmem:$0x1FE70];
	_ =	sdelay $0x1  }
0x83d: {  	v6 =	vor.u32 v38, v49;
	_ =	sdelay $0x1  }
0x83e: {  	v19 =	vld.idx.msk [tilespmem:v8+s17+$0x0], $0xffff;
	[tilespmem:v5+s25+$0x0] =	vst.idx.msk $0xffff, v14  }
0x83f: {  	v8 =	vor.u32 s0, v4;
	v4 =	vld [tilespmem:$0x1FE10];
	_ =	sdelay $0x1  }
0x840: {  	v6 =	vld.idx.msk [tilespmem:v6+s17+$0x0], $0xffff;
	_ =	sdelay $0x1  }
0x841: {  	v9 =	vor.u32 v2, v9  }
0x842: {  	v59 =	vor.u32 s4, v18;
	v18 =	vor.u32 v27, v9;
	v9 =	vor.u32 v4, v46;
	v4 =	vld [tilespmem:$0x1FEB0];
	_ =	sdelay $0x1  }
0x843: {  	v6 =	vmul.f32 $8.000000000e+00, v6;
	_ =	sdelay $0x1  }
0x844: {  	[tilespmem:v11+s25+$0x0] =	vst.idx.msk $0xffff, v6  }
0x845: {  	v7 =	vor.u32 v4, v44;
	v4 =	vld [tilespmem:$0x1F770];
	_ =	sdelay $0x4  }
0x846: {  	v4 =	vor.u32 v4, v7  }
0x847: {  	v6 =	vor.u32 v27, v4;
	v4 =	vld [tilespmem:$0x1FEA0];
	_ =	sdelay $0x4  }
0x848: {  	v11 =	vmul.f32 $8.000000000e+00, v13;
	v13 =	vor.u32 v4, v47;
	v4 =	vld [tilespmem:$0x1FE50];
	_ =	sdelay $0x2  }
0x849: {  	v5 =	vor.u32 v41, v52  }
0x84a: {  	v5 =	vor.u32 v8, v5;
	[tilespmem:v18+s25+$0x0] =	vst.idx.msk $0xffff, v11  }
0x84b: {  	s9 =	simm.s32 $0x10;
	v14 =	vor.u32 v27, v5;
	v5 =	vor.u32 v4, v43;
	v4 =	vld [tilespmem:$0x1FD80]  }
0x84c: {  	s3 =	sand.u32 $0x70, s9  }
0x84d: {  	v10 =	vmov s3  }
0x84e: {  	v17 =	vshll.u32 v10, $0x7;
	v10 =	vor.u32 v20, v45  }
0x84f: {  	v20 =	vlaneseq.u32;
	v2 =	vor.u32 s4, v40;
	v7 =	vld.idx.msk [tilespmem:v15+s17+$0x0], $0xffff;
	v15 =	vor.u32 v23, v53  }
0x850: {  	s10 =	simm.s32 $0x5;
	s4 =	simm.s32 $0x4;
	v11 =	vld.idx.msk [tilespmem:v16+s17+$0x0], $0xffff;
	v16 =	vmul.f32 $8.000000000e+00, v19;
	v13 =	vor.u32 v2, v13;
	v4 =	vor.u32 v4, v44  }
.LBB2_16:
0x851: {  	_ =	sdelay $0x3  }
0x852: {  	v9 =	vld.idx.msk [tilespmem:v9+s17+$0x0], $0xffff  }
0x853: {  	v7 =	vmul.f32 $8.000000000e+00, v7;
	[tilespmem:v14+s25+$0x0] =	vst.idx.msk $0xffff, v16;
	v16 =	vld [tilespmem:$0x1FDF0]  }
0x854: {  	s7 =	sand.u32 $0x3, s4;
	v18 =	vor.u32 v26, v52;
	v14 =	vor.u32 s0, v35;
	v15 =	vld.idx.msk [tilespmem:v15+s17+$0x0], $0xffff  }
0x855: {  	v17 =	vor.u32 v31, v17;
	s8 =	sshll.u32 s7, $0x4;
	[tilespmem:v6+s25+$0x0] =	vst.idx.msk $0xffff, v7;
	v7 =	vmul.f32 $8.000000000e+00, v11;
	v11 =	vor.u32 v14, v18;
	v18 =	vld [tilespmem:$0x1FE20]  }
0x856: {  	v13 =	vor.u32 v27, v13;
	v17 =	vor.u32 s8, v17  }
0x857: {  	v6 =	vor.u32 v20, v17  }
0x858: {  	v10 =	vor.u32 v57, v10;
	v16 =	vor.u32 v16, v49  }
0x859: {  	v19 =	vld [tilespmem:$0x1FE80];
	v10 =	vor.u32 v27, v10  }
0x85a: {  	v5 =	vld.idx.msk [tilespmem:v5+s17+$0x0], $0xffff;
	v18 =	vor.u32 v18, v46  }
0x85b: {  	v20 =	vld [tilespmem:$0x1FEE0];
	v11 =	vor.u32 v27, v11;
	[tilespmem:v13+s25+$0x0] =	vst.idx.msk $0xffff, v7  }
0x85c: {  	v9 =	vmul.f32 $8.000000000e+00, v9;
	v6 =	vld.idx.msk [tilespmem:v6+s17+$0x0], $0xffff  }
0x85d: {  	v13 =	vld.idx.msk [tilespmem:v16+s17+$0x0], $0xffff;
	v16 =	vor.u32 v21, v47  }
0x85e: {  	v15 =	vmul.f32 $8.000000000e+00, v15;
	v21 =	vld [tilespmem:$0x1FDE0];
	[tilespmem:v10+s25+$0x0] =	vst.idx.msk $0xffff, v9;
	v16 =	vor.u32 v59, v16  }
0x85f: {  	v10 =	vor.u32 v27, v16;
	v16 =	vld.idx.msk [tilespmem:v18+s17+$0x0], $0xffff  }
0x860: {  	v4 =	vor.u32 v48, v4;
	s7 =	sshll.u32 s7, $0x1;
	[tilespmem:v11+s25+$0x0] =	vst.idx.msk $0xffff, v15;
	v15 =	vld [tilespmem:$0x1FED0]  }
0x861: {  	v57 =	vmovc v62;
	v62 =	vmovc v8;
	v8 =	vmov s7;
	v7 =	vor.u32 v32, v53;
	v20 =	vor.u32 v20, v45  }
0x862: {  	v4 =	vor.u32 v27, v4;
	v8 =	vshll.u32 v8, $0xA;
	v18 =	vor.u32 v56, v20;
	v56 =	vmovc v12;
	v12 =	vld [tilespmem:$0x1FE30]  }
0x863: {  	v19 =	vor.u32 s3, v19;
	v9 =	vor.u32 v30, v8  }
0x864: {  	v9 =	vor.u32 v19, v9;
	v21 =	vor.u32 v21, v43;
	v43 =	vmovc v46;
	v46 =	vmov v49  }
0x865: {  	v5 =	vmul.f32 $8.000000000e+00, v5;
	v9 =	vor.u32 v27, v9;
	v15 =	vor.u32 v15, v46  }
0x866: {  	v7 =	vld.idx.msk [tilespmem:v7+s17+$0x0], $0xffff  }
0x867: {  	[tilespmem:v4+s25+$0x0] =	vst.idx.msk $0xffff, v5;
	v5 =	vmul.f32 $8.000000000e+00, v13;
	v20 =	vor.u32 v12, v43;
	v12 =	vld [tilespmem:$0x1FDC0]  }
0x868: {  	v48 =	vmovc v54;
	v54 =	vmovc v2;
	v2 =	vor.u32 v36, v52;
	v11 =	vor.u32 s0, v28;
	v6 =	vmul.f32 $8.000000000e+00, v6  }
0x869: {  	v4 =	vor.u32 v37, v17;
	v13 =	vor.u32 v27, v18;
	v18 =	vld.idx.msk [tilespmem:v21+s17+$0x0], $0xffff;
	[tilespmem:v10+s25+$0x0] =	vst.idx.msk $0xffff, v5  }
0x86a: {  	v2 =	vor.u32 v11, v2;
	v10 =	vld.idx.msk [tilespmem:v15+s17+$0x0], $0xffff;
	[tilespmem:v9+s25+$0x0] =	vst.idx.msk $0xffff, v6;
	v9 =	vor.u32 v34, v47  }
0x86b: {  	v2 =	vor.u32 v27, v2;
	v9 =	vor.u32 v61, v9;
	v61 =	vmov v1;
	v1 =	vld [tilespmem:$0x1FE00]  }
0x86c: {  	v21 =	vor.u32 v12, v44  }
0x86d: {  	v49 =	vmovc v53;
	v12 =	vmov v14;
	v14 =	vmul.f32 $8.000000000e+00, v16;
	v5 =	vor.u32 v50, v21  }
0x86e: {  	v7 =	vmul.f32 $8.000000000e+00, v7;
	v6 =	vor.u32 v38, v49;
	v5 =	vor.u32 v27, v5  }
0x86f: {  	v16 =	vor.u32 s3, v22;
	v4 =	vld.idx.msk [tilespmem:v4+s17+$0x0], $0xffff;
	[tilespmem:v13+s25+$0x0] =	vst.idx.msk $0xffff, v14;
	v9 =	vor.u32 v27, v9  }
0x870: {  	v13 =	vor.u32 v25, v8;
	v14 =	vld.idx.msk [tilespmem:v20+s17+$0x0], $0xffff;
	[tilespmem:v2+s25+$0x0] =	vst.idx.msk $0xffff, v7;
	v2 =	vor.u32 v1, v46  }
0x871: {  	v53 =	vmov v17;
	v15 =	vld [tilespmem:$0x1FEC0];
	v17 =	vmul.f32 $8.000000000e+00, v18;
	v13 =	vor.u32 v16, v13  }
0x872: {  	v7 =	vor.u32 v27, v13;
	v10 =	vmul.f32 $8.000000000e+00, v10  }
0x873: {  	[tilespmem:v5+s25+$0x0] =	vst.idx.msk $0xffff, v17;
	v5 =	vor.u32 v39, v53;
	v17 =	vld [tilespmem:$0x1FE40]  }
0x874: {  	v6 =	vld.idx.msk [tilespmem:v6+s17+$0x0], $0xffff;
	[tilespmem:v9+s25+$0x0] =	vst.idx.msk $0xffff, v10  }
0x875: {  	v1 =	vmov v19;
	v4 =	vmul.f32 $8.000000000e+00, v4;
	v19 =	vld.idx.msk [tilespmem:v2+s17+$0x0], $0xffff  }
0x876: {  	v15 =	vor.u32 v15, v45;
	v2 =	vld [tilespmem:$0x1FE60]  }
0x877: {  	v13 =	vor.u32 v58, v15;
	[tilespmem:v7+s25+$0x0] =	vst.idx.msk $0xffff, v4;
	v7 =	vld [tilespmem:$0x1FF00]  }
0x878: {  	v18 =	vor.u32 s0, v33;
	v15 =	vor.u32 v42, v52;
	v13 =	vor.u32 v27, v13;
	v20 =	vld.idx.msk [tilespmem:v5+s17+$0x0], $0xffff  }
0x879: {  	v44 =	vmovc v45;
	v45 =	vmovc v47;
	v47 =	vmov v52;
	v52 =	vmov v8;
	v8 =	vor.u32 v18, v15;
	v5 =	vld [tilespmem:$0x1FE70]  }
0x87a: {  	v10 =	vor.u32 v27, v8;
	v17 =	vor.u32 v17, v43  }
0x87b: {  	v9 =	vmul.f32 $8.000000000e+00, v14;
	v4 =	vor.u32 v29, v49  }
0x87c: {  	v50 =	vmov v51;
	v6 =	vmul.f32 $8.000000000e+00, v6  }
0x87d: {  	s9 =	sadd.s32 $0x4, s9;
	v51 =	vmovc v59;
	[tilespmem:v13+s25+$0x0] =	vst.idx.msk $0xffff, v9;
	v13 =	vld [tilespmem:$0x1FEB0];
	v59 =	vor.u32 s0, v2;
	v2 =	vor.u32 s0, v40;
	v7 =	vor.u32 v7, v45;
	s0 =	smov.u32 s3  }
0x87e: {  	s3 =	sand.u32 $0x70, s9;
	v8 =	vor.u32 s0, v5;
	v5 =	vor.u32 v60, v7;
	v60 =	vmov v3;
	v3 =	vld [tilespmem:$0x1FE90]  }
0x87f: {  	v58 =	vmov v0;
	v0 =	vmov v11;
	v11 =	vmov s3;
	v7 =	vld.idx.msk [tilespmem:v17+s17+$0x0], $0xffff;
	[tilespmem:v10+s25+$0x0] =	vst.idx.msk $0xffff, v6  }
0x880: {  	v17 =	vshll.u32 v11, $0x7;
	v11 =	vld.idx.msk [tilespmem:v4+s17+$0x0], $0xffff  }
0x881: {  	v4 =	vld [tilespmem:$0x1FEA0];
	_ =	sdelay $0x2  }
0x882: {  	v9 =	vor.u32 v3, v52  }
0x883: {  	v13 =	vor.u32 v13, v44;
	v21 =	vor.u32 v27, v5;
	v5 =	vor.u32 v8, v9  }
0x884: {  	v14 =	vor.u32 v27, v5;
	v5 =	vor.u32 v55, v13;
	v13 =	vor.u32 v4, v47;
	v4 =	vld [tilespmem:$0x1FE50];
	_ =	sdelay $0x1  }
0x885: {  	v10 =	vmul.f32 $8.000000000e+00, v19  }
0x886: {  	v9 =	vld [tilespmem:$0x1FE10]  }
0x887: {  	[tilespmem:v21+s25+$0x0] =	vst.idx.msk $0xffff, v10;
	v10 =	vld [tilespmem:$0x1FEF0]  }
0x888: {  	p0 =	sne.s32 s10, $0x1F;
	v6 =	vor.u32 v27, v5;
	v5 =	vor.u32 v4, v43;
	v4 =	vld [tilespmem:$0x1FD80]  }
.Ltmp7:
0x889: {  	_ = 	snop;
	(pc) =	sbr.rel @p0 .LBB2_16-.Ltmp7, $4  }
0x88a: {  	_ = 	snop  }
0x88b: {  	v15 =	vor.u32 v23, v53;
	v3 =	vmov v16  }
0x88c: {  	v16 =	vmul.f32 $8.000000000e+00, v20;
	v20 =	vlaneseq.u32;
	v21 =	vmovc v24;
	v55 =	vmovc v63;
	v13 =	vor.u32 v2, v13  }
0x88d: {  	s4 =	smov.u32 s10;
	s10 =	sadd.s32 $0x1, s10;
	v63 =	vmovc v18;
	v9 =	vor.u32 v9, v46;
	v10 =	vor.u32 v10, v45;
	v4 =	vor.u32 v4, v44  }
0x88e: {  	s4 =	sand.u32 $0x3, s4  }
0x88f: {  	v17 =	vor.u32 v31, v17;
	s7 =	sshll.u32 s4, $0x4;
	s4 =	sshll.u32 s4, $0x1  }
0x890: {  	v31 =	vor.u32 s7, v17;
	v18 =	vmov s4  }
0x891: {  	v17 =	vor.u32 v20, v31;
	v24 =	vshll.u32 v18, $0xA;
	v18 =	vld [tilespmem:$0x1FE80];
	_ =	sdelay $0x4  }
0x892: {  	v19 =	vor.u32 v30, v24;
	v18 =	vor.u32 s3, v18;
	v17 =	vld.idx.msk [tilespmem:v17+s17+$0x0], $0xffff  }
0x893: {  	v19 =	vor.u32 v18, v19  }
0x894: {  	v19 =	vor.u32 v27, v19  }
0x895: {  	v20 =	vor.u32 v37, v31;
	_ =	sdelay $0x1  }
0x896: {  	v17 =	vmul.f32 $8.000000000e+00, v17;
	_ =	sdelay $0x1  }
0x897: {  	[tilespmem:v19+s25+$0x0] =	vst.idx.msk $0xffff, v17  }
0x898: {  	v19 =	vor.u32 v25, v24;
	v17 =	vld.idx.msk [tilespmem:v20+s17+$0x0], $0xffff;
	v20 =	vor.u32 s3, v22  }
0x899: {  	v19 =	vor.u32 v20, v19  }
0x89a: {  	v19 =	vor.u32 v27, v19;
	_ =	sdelay $0x2  }
0x89b: {  	v17 =	vmul.f32 $8.000000000e+00, v17  }
0x89c: {  	[tilespmem:$0x1F4A0] =	vst v20  }
0x89d: {  	v20 =	vor.u32 v39, v31;
	[tilespmem:v19+s25+$0x0] =	vst.idx.msk $0xffff, v17  }
0x89e: {  	v19 =	vld [tilespmem:$0x1FE70];
	_ =	sdelay $0x3  }
0x89f: {  	v17 =	vld.idx.msk [tilespmem:v20+s17+$0x0], $0xffff  }
0x8a0: {  	v20 =	vor.u32 s3, v19;
	v19 =	vld [tilespmem:$0x1FE90];
	_ =	sdelay $0x4  }
0x8a1: {  	[tilespmem:$0x1F4B0] =	vst v20;
	v19 =	vor.u32 v19, v24  }
0x8a2: {  	[tilespmem:v14+s25+$0x0] =	vst.idx.msk $0xffff, v16;
	v19 =	vor.u32 v20, v19;
	v20 =	vor.u32 v23, v31;
	v23 =	vor.u32 s0, v35  }
0x8a3: {  	v19 =	vor.u32 v27, v19;
	[tilespmem:$0x1F4C0] =	vst v23  }
0x8a4: {  	v37 =	vor.u32 v26, v52;
	v15 =	vld.idx.msk [tilespmem:v15+s17+$0x0], $0xffff  }
0x8a5: {  	v14 =	vor.u32 v23, v37  }
0x8a6: {  	v16 =	vmul.f32 $8.000000000e+00, v17;
	v14 =	vor.u32 v27, v14;
	_ =	sdelay $0x1  }
0x8a7: {  	[tilespmem:v19+s25+$0x0] =	vst.idx.msk $0xffff, v16;
	v16 =	vor.u32 v32, v53  }
0x8a8: {  	v41 =	vor.u32 s3, v35;
	v17 =	vor.u32 v26, v24;
	v19 =	vld.idx.msk [tilespmem:v20+s17+$0x0], $0xffff;
	v15 =	vmul.f32 $8.000000000e+00, v15  }
0x8a9: {  	v17 =	vor.u32 v41, v17  }
0x8aa: {  	v17 =	vor.u32 v27, v17;
	v23 =	vor.u32 s0, v28;
	[tilespmem:v14+s25+$0x0] =	vst.idx.msk $0xffff, v15  }
0x8ab: {  	[tilespmem:$0x1F4D0] =	vst v23  }
0x8ac: {  	v39 =	vor.u32 v36, v52;
	v15 =	vld.idx.msk [tilespmem:v16+s17+$0x0], $0xffff  }
0x8ad: {  	v14 =	vor.u32 v23, v39;
	v16 =	vmul.f32 $8.000000000e+00, v19  }
0x8ae: {  	v20 =	vor.u32 v32, v31;
	v14 =	vor.u32 v27, v14  }
0x8af: {  	[tilespmem:v17+s25+$0x0] =	vst.idx.msk $0xffff, v16;
	v16 =	vor.u32 v38, v53;
	_ =	sdelay $0x1  }
0x8b0: {  	v23 =	vor.u32 s3, v28;
	v15 =	vmul.f32 $8.000000000e+00, v15  }
0x8b1: {  	[tilespmem:$0x1F4E0] =	vst v23  }
0x8b2: {  	v17 =	vor.u32 v36, v24;
	v19 =	vld.idx.msk [tilespmem:v20+s17+$0x0], $0xffff;
	[tilespmem:v14+s25+$0x0] =	vst.idx.msk $0xffff, v15  }
0x8b3: {  	v25 =	vor.u32 s0, v33;
	v17 =	vor.u32 v23, v17;
	v15 =	vor.u32 v42, v52;
	v14 =	vld.idx.msk [tilespmem:v16+s17+$0x0], $0xffff  }
0x8b4: {  	v17 =	vor.u32 v27, v17;
	v15 =	vor.u32 v25, v15  }
0x8b5: {  	v15 =	vor.u32 v27, v15;
	_ =	sdelay $0x1  }
0x8b6: {  	v16 =	vmul.f32 $8.000000000e+00, v19  }
0x8b7: {  	[tilespmem:$0x1F4F0] =	vst v25;
	v14 =	vmul.f32 $8.000000000e+00, v14  }
0x8b8: {  	[tilespmem:v17+s25+$0x0] =	vst.idx.msk $0xffff, v16  }
0x8b9: {  	v20 =	vor.u32 v38, v31;
	[tilespmem:v15+s25+$0x0] =	vst.idx.msk $0xffff, v14  }
0x8ba: {  	v16 =	vor.u32 v29, v53;
	v38 =	vld [tilespmem:$0x1FEA0];
	_ =	sdelay $0x2  }
0x8bb: {  	v25 =	vor.u32 s0, v40  }
0x8bc: {  	v39 =	vor.u32 s3, v33;
	v19 =	vor.u32 v42, v24;
	v17 =	vld.idx.msk [tilespmem:v20+s17+$0x0], $0xffff;
	[tilespmem:$0x1F500] =	vst v25  }
0x8bd: {  	v13 =	vor.u32 v27, v13;
	v19 =	vor.u32 v39, v19;
	v14 =	vld.idx.msk [tilespmem:v16+s17+$0x0], $0xffff;
	v15 =	vor.u32 v38, v52  }
0x8be: {  	v19 =	vor.u32 v27, v19;
	v15 =	vor.u32 v25, v15  }
0x8bf: {  	v15 =	vor.u32 v27, v15  }
0x8c0: {  	v11 =	vmul.f32 $8.000000000e+00, v11  }
0x8c1: {  	v30 =	vld [tilespmem:$0x1FDF0];
	v16 =	vmul.f32 $8.000000000e+00, v17  }
0x8c2: {  	[tilespmem:v13+s25+$0x0] =	vst.idx.msk $0xffff, v11;
	v14 =	vmul.f32 $8.000000000e+00, v14  }
0x8c3: {  	v20 =	vor.u32 v29, v31;
	[tilespmem:v19+s25+$0x0] =	vst.idx.msk $0xffff, v16  }
0x8c4: {  	[tilespmem:v15+s25+$0x0] =	vst.idx.msk $0xffff, v14  }
0x8c5: {  	v37 =	vld [tilespmem:$0x1FE60]  }
0x8c6: {  	v17 =	vor.u32 v30, v49  }
0x8c7: {  	v16 =	vor.u32 v30, v53  }
0x8c8: {  	v22 =	vmov v31;
	v31 =	vor.u32 s3, v40;
	v19 =	vld.idx.msk [tilespmem:v20+s17+$0x0], $0xffff;
	v20 =	vor.u32 v38, v24  }
0x8c9: {  	v20 =	vor.u32 v31, v20;
	v29 =	vld [tilespmem:$0x1FED0]  }
0x8ca: {  	v40 =	vor.u32 v21, v47;
	v20 =	vor.u32 v27, v20;
	v25 =	vor.u32 s0, v37  }
0x8cb: {  	v11 =	vor.u32 v59, v40;
	v17 =	vld.idx.msk [tilespmem:v17+s17+$0x0], $0xffff;
	[tilespmem:$0x1F510] =	vst v25  }
0x8cc: {  	v11 =	vor.u32 v27, v11;
	v15 =	vor.u32 v21, v52;
	v14 =	vld.idx.msk [tilespmem:v16+s17+$0x0], $0xffff  }
0x8cd: {  	v13 =	vor.u32 v30, v22;
	v15 =	vor.u32 v25, v15;
	v16 =	vmul.f32 $8.000000000e+00, v19  }
0x8ce: {  	v19 =	vor.u32 v29, v49;
	v15 =	vor.u32 v27, v15  }
0x8cf: {  	[tilespmem:v20+s25+$0x0] =	vst.idx.msk $0xffff, v16;
	v16 =	vor.u32 v29, v53  }
0x8d0: {  	v17 =	vmul.f32 $8.000000000e+00, v17  }
0x8d1: {  	v14 =	vmul.f32 $8.000000000e+00, v14  }
0x8d2: {  	v37 =	vor.u32 s3, v37;
	[tilespmem:v11+s25+$0x0] =	vst.idx.msk $0xffff, v17;
	v20 =	vor.u32 v21, v24;
	v13 =	vld.idx.msk [tilespmem:v13+s17+$0x0], $0xffff  }
0x8d3: {  	v20 =	vor.u32 v37, v20;
	[tilespmem:v15+s25+$0x0] =	vst.idx.msk $0xffff, v14;
	v14 =	vld.idx.msk [tilespmem:v19+s17+$0x0], $0xffff;
	v15 =	vor.u32 v34, v47  }
0x8d4: {  	v17 =	vor.u32 v34, v52;
	v20 =	vor.u32 v27, v20;
	v15 =	vor.u32 v61, v15;
	v16 =	vld.idx.msk [tilespmem:v16+s17+$0x0], $0xffff  }
0x8d5: {  	v1 =	vor.u32 v1, v17;
	v15 =	vor.u32 v27, v15  }
0x8d6: {  	v1 =	vor.u32 v27, v1  }
0x8d7: {  	v13 =	vmul.f32 $8.000000000e+00, v13;
	v38 =	vld [tilespmem:$0x1FE00]  }
0x8d8: {  	v14 =	vmul.f32 $8.000000000e+00, v14  }
0x8d9: {  	v11 =	vor.u32 v29, v22;
	[tilespmem:v20+s25+$0x0] =	vst.idx.msk $0xffff, v13;
	v16 =	vmul.f32 $8.000000000e+00, v16  }
0x8da: {  	[tilespmem:v15+s25+$0x0] =	vst.idx.msk $0xffff, v14  }
0x8db: {  	[tilespmem:v1+s25+$0x0] =	vst.idx.msk $0xffff, v16  }
0x8dc: {  	v17 =	vor.u32 v38, v49;
	v23 =	vld [tilespmem:$0x1FF00]  }
0x8dd: {  	v40 =	vor.u32 v38, v53  }
0x8de: {  	v19 =	vor.u32 v34, v24;
	v11 =	vld.idx.msk [tilespmem:v11+s17+$0x0], $0xffff  }
0x8df: {  	v18 =	vor.u32 v18, v19  }
0x8e0: {  	v18 =	vor.u32 v27, v18;
	v14 =	vor.u32 v38, v22;
	v38 =	vld [tilespmem:$0x1FE10]  }
0x8e1: {  	v26 =	vmov v34;
	v34 =	vld.idx.msk [tilespmem:v17+s17+$0x0], $0xffff;
	v15 =	vor.u32 v23, v47  }
0x8e2: {  	v13 =	vld.idx.msk [tilespmem:v40+s17+$0x0], $0xffff;
	v16 =	vor.u32 v23, v52;
	v15 =	vor.u32 v60, v15  }
0x8e3: {  	v11 =	vmul.f32 $8.000000000e+00, v11;
	v3 =	vor.u32 v3, v16;
	v15 =	vor.u32 v27, v15  }
0x8e4: {  	v3 =	vor.u32 v27, v3  }
0x8e5: {  	[tilespmem:v18+s25+$0x0] =	vst.idx.msk $0xffff, v11  }
0x8e6: {  	v18 =	vld [tilespmem:$0x1F4A0];
	v1 =	vmul.f32 $8.000000000e+00, v34  }
0x8e7: {  	v40 =	vor.u32 v38, v53;
	v13 =	vmul.f32 $8.000000000e+00, v13  }
0x8e8: {  	[tilespmem:v15+s25+$0x0] =	vst.idx.msk $0xffff, v1  }
0x8e9: {  	v14 =	vld.idx.msk [tilespmem:v14+s17+$0x0], $0xffff;
	[tilespmem:v3+s25+$0x0] =	vst.idx.msk $0xffff, v13  }
0x8ea: {  	v17 =	vor.u32 v23, v24;
	v16 =	vor.u32 v38, v49;
	v19 =	vld [tilespmem:$0x1FEF0]  }
0x8eb: {  	v17 =	vor.u32 v18, v17;
	v1 =	vld.idx.msk [tilespmem:v9+s17+$0x0], $0xffff  }
0x8ec: {  	v57 =	vor.u32 v57, v10;
	v17 =	vor.u32 v27, v17;
	v11 =	vld.idx.msk [tilespmem:v40+s17+$0x0], $0xffff  }
0x8ed: {  	v9 =	vor.u32 v27, v57;
	v40 =	vld [tilespmem:$0x1FE20];
	_ =	sdelay $0x1  }
0x8ee: {  	v61 =	vor.u32 v38, v22;
	v14 =	vmul.f32 $8.000000000e+00, v14;
	v38 =	vld.idx.msk [tilespmem:v16+s17+$0x0], $0xffff;
	v34 =	vor.u32 v19, v47  }
0x8ef: {  	v1 =	vmul.f32 $8.000000000e+00, v1;
	v15 =	vor.u32 v19, v52;
	v3 =	vor.u32 v62, v34  }
0x8f0: {  	[tilespmem:v17+s25+$0x0] =	vst.idx.msk $0xffff, v14;
	v8 =	vor.u32 v8, v15;
	v3 =	vor.u32 v27, v3  }
0x8f1: {  	v18 =	vld [tilespmem:$0x1F4B0];
	v16 =	vor.u32 v40, v46;
	[tilespmem:v9+s25+$0x0] =	vst.idx.msk $0xffff, v1;
	v8 =	vor.u32 v27, v8  }
0x8f2: {  	v25 =	vld [tilespmem:$0x1FEE0]  }
0x8f3: {  	v13 =	vmul.f32 $8.000000000e+00, v38  }
0x8f4: {  	v10 =	vld.idx.msk [tilespmem:v61+s17+$0x0], $0xffff;
	v61 =	vmul.f32 $8.000000000e+00, v11  }
0x8f5: {  	v15 =	vor.u32 v40, v49;
	[tilespmem:v3+s25+$0x0] =	vst.idx.msk $0xffff, v13  }
0x8f6: {  	v14 =	vor.u32 v40, v53;
	v17 =	vor.u32 v19, v24;
	v34 =	vld.idx.msk [tilespmem:v16+s17+$0x0], $0xffff;
	[tilespmem:v8+s25+$0x0] =	vst.idx.msk $0xffff, v61  }
0x8f7: {  	v17 =	vor.u32 v18, v17;
	v60 =	vor.u32 v25, v45;
	v16 =	vld [tilespmem:$0x1F4C0]  }
0x8f8: {  	v62 =	vor.u32 v27, v17;
	v1 =	vor.u32 v56, v60;
	v18 =	vld [tilespmem:$0x1FE30]  }
0x8f9: {  	v1 =	vor.u32 v27, v1  }
0x8fa: {  	v38 =	vor.u32 v40, v22;
	v40 =	vor.u32 v25, v47;
	v56 =	vld.idx.msk [tilespmem:v15+s17+$0x0], $0xffff  }
0x8fb: {  	v10 =	vmul.f32 $8.000000000e+00, v10;
	v57 =	vor.u32 v25, v52;
	v8 =	vor.u32 v12, v40;
	v14 =	vld.idx.msk [tilespmem:v14+s17+$0x0], $0xffff  }
0x8fc: {  	v8 =	vor.u32 v27, v8;
	v3 =	vmul.f32 $8.000000000e+00, v34;
	v12 =	vor.u32 v16, v57  }
0x8fd: {  	[tilespmem:v62+s25+$0x0] =	vst.idx.msk $0xffff, v10;
	v15 =	vor.u32 v18, v46;
	v12 =	vor.u32 v27, v12  }
0x8fe: {  	v61 =	vor.u32 v25, v24;
	[tilespmem:v1+s25+$0x0] =	vst.idx.msk $0xffff, v3  }
0x8ff: {  	v11 =	vor.u32 v41, v61;
	v9 =	vmul.f32 $8.000000000e+00, v56;
	v41 =	vld [tilespmem:$0x1FEC0]  }
0x900: {  	v16 =	vor.u32 v18, v49;
	v34 =	vmul.f32 $8.000000000e+00, v14  }
0x901: {  	v13 =	vld.idx.msk [tilespmem:v38+s17+$0x0], $0xffff;
	v60 =	vor.u32 v18, v53;
	[tilespmem:v8+s25+$0x0] =	vst.idx.msk $0xffff, v9  }
0x902: {  	v38 =	vld.idx.msk [tilespmem:v15+s17+$0x0], $0xffff;
	[tilespmem:v12+s25+$0x0] =	vst.idx.msk $0xffff, v34  }
0x903: {  	v11 =	vor.u32 v27, v11;
	v15 =	vld [tilespmem:$0x1F4D0]  }
0x904: {  	v62 =	vor.u32 v41, v45  }
0x905: {  	v57 =	vld.idx.msk [tilespmem:v16+s17+$0x0], $0xffff;
	v1 =	vor.u32 v58, v62  }
0x906: {  	v13 =	vmul.f32 $8.000000000e+00, v13;
	v56 =	vor.u32 v41, v47;
	v10 =	vld.idx.msk [tilespmem:v60+s17+$0x0], $0xffff;
	v1 =	vor.u32 v27, v1  }
0x907: {  	v40 =	vor.u32 v18, v22;
	v17 =	vld [tilespmem:$0x1FE40];
	v0 =	vor.u32 v0, v56;
	v58 =	vor.u32 v41, v52  }
0x908: {  	[tilespmem:v11+s25+$0x0] =	vst.idx.msk $0xffff, v13;
	v0 =	vor.u32 v27, v0;
	v3 =	vor.u32 v15, v58  }
0x909: {  	v16 =	vld [tilespmem:$0x1F4E0];
	v8 =	vmul.f32 $8.000000000e+00, v38;
	v3 =	vor.u32 v27, v3;
	_ =	sdelay $0x1  }
0x90a: {  	v12 =	vmul.f32 $8.000000000e+00, v57;
	[tilespmem:v1+s25+$0x0] =	vst.idx.msk $0xffff, v8  }
0x90b: {  	v60 =	vor.u32 v17, v46;
	v38 =	vmul.f32 $8.000000000e+00, v10;
	v56 =	vld [tilespmem:$0x1FEB0]  }
0x90c: {  	v62 =	vor.u32 v41, v24;
	v9 =	vld.idx.msk [tilespmem:v40+s17+$0x0], $0xffff;
	v15 =	vor.u32 v17, v49;
	[tilespmem:v0+s25+$0x0] =	vst.idx.msk $0xffff, v12  }
0x90d: {  	v61 =	vor.u32 v17, v53;
	v13 =	vor.u32 v16, v62;
	[tilespmem:v3+s25+$0x0] =	vst.idx.msk $0xffff, v38  }
0x90e: {  	v40 =	vor.u32 v27, v13;
	v62 =	vld [tilespmem:$0x1F4F0];
	_ =	sdelay $0x1  }
0x90f: {  	v57 =	vor.u32 v17, v22;
	v41 =	vld.idx.msk [tilespmem:v60+s17+$0x0], $0xffff;
	v34 =	vor.u32 v56, v45  }
0x910: {  	v9 =	vmul.f32 $8.000000000e+00, v9;
	v58 =	vld.idx.msk [tilespmem:v15+s17+$0x0], $0xffff;
	v60 =	vor.u32 v56, v47;
	v1 =	vor.u32 v55, v34  }
0x911: {  	v11 =	vld.idx.msk [tilespmem:v61+s17+$0x0], $0xffff;
	v61 =	vor.u32 v56, v52;
	v8 =	vor.u32 v63, v60;
	v1 =	vor.u32 v27, v1  }
0x912: {  	[tilespmem:v40+s25+$0x0] =	vst.idx.msk $0xffff, v9;
	v8 =	vor.u32 v27, v8;
	v13 =	vor.u32 v62, v61  }
0x913: {  	v7 =	vmul.f32 $8.000000000e+00, v7;
	v63 =	vld [tilespmem:$0x1FE50];
	v13 =	vor.u32 v27, v13  }
0x914: {  	v10 =	vld.idx.msk [tilespmem:v57+s17+$0x0], $0xffff;
	v38 =	vor.u32 v56, v24;
	v0 =	vmul.f32 $8.000000000e+00, v41  }
0x915: {  	[tilespmem:v6+s25+$0x0] =	vst.idx.msk $0xffff, v7;
	v40 =	vor.u32 v39, v38;
	v3 =	vmul.f32 $8.000000000e+00, v58  }
0x916: {  	v6 =	vor.u32 v27, v40;
	v57 =	vmul.f32 $8.000000000e+00, v11;
	[tilespmem:v1+s25+$0x0] =	vst.idx.msk $0xffff, v0  }
0x917: {  	[tilespmem:v8+s25+$0x0] =	vst.idx.msk $0xffff, v3  }
0x918: {  	v34 =	vor.u32 v63, v46;
	[tilespmem:v13+s25+$0x0] =	vst.idx.msk $0xffff, v57  }
0x919: {  	v10 =	vmul.f32 $8.000000000e+00, v10;
	v41 =	vor.u32 v63, v49;
	v61 =	vld [tilespmem:$0x1FD80];
	_ =	sdelay $0x1  }
0x91a: {  	v60 =	vld.idx.msk [tilespmem:v5+s17+$0x0], $0xffff;
	v56 =	vor.u32 v63, v53;
	[tilespmem:v6+s25+$0x0] =	vst.idx.msk $0xffff, v10  }
0x91b: {  	v10 =	vld [tilespmem:$0x1F500]  }
0x91c: {  	v58 =	vor.u32 v63, v22;
	v63 =	vld.idx.msk [tilespmem:v34+s17+$0x0], $0xffff  }
0x91d: {  	v4 =	vor.u32 v48, v4;
	v7 =	vld.idx.msk [tilespmem:v41+s17+$0x0], $0xffff;
	v62 =	vor.u32 v61, v45  }
0x91e: {  	v4 =	vor.u32 v27, v4;
	v13 =	vld [tilespmem:$0x1FDE0];
	v34 =	vor.u32 v61, v47;
	v5 =	vor.u32 v54, v62  }
0x91f: {  	v0 =	vld.idx.msk [tilespmem:v56+s17+$0x0], $0xffff;
	v38 =	vor.u32 v61, v52;
	v2 =	vor.u32 v2, v34;
	v5 =	vor.u32 v27, v5  }
0x920: {  	v6 =	vor.u32 v10, v38;
	v2 =	vor.u32 v27, v2  }
0x921: {  	v1 =	vmul.f32 $8.000000000e+00, v60;
	v6 =	vor.u32 v27, v6  }
0x922: {  	v3 =	vld.idx.msk [tilespmem:v58+s17+$0x0], $0xffff;
	v8 =	vmul.f32 $8.000000000e+00, v63  }
0x923: {  	[tilespmem:v4+s25+$0x0] =	vst.idx.msk $0xffff, v1;
	v39 =	vor.u32 v61, v24;
	v41 =	vor.u32 v13, v46;
	v46 =	vmul.f32 $8.000000000e+00, v7  }
0x924: {  	v0 =	vmul.f32 $8.000000000e+00, v0;
	v9 =	vor.u32 v31, v39;
	[tilespmem:v5+s25+$0x0] =	vst.idx.msk $0xffff, v8  }
0x925: {  	v9 =	vor.u32 v27, v9;
	[tilespmem:v2+s25+$0x0] =	vst.idx.msk $0xffff, v46  }
0x926: {  	[tilespmem:v6+s25+$0x0] =	vst.idx.msk $0xffff, v0  }
0x927: {  	v40 =	vor.u32 v13, v43;
	v43 =	vor.u32 v13, v49;
	v49 =	vor.u32 v13, v22;
	v22 =	vld [tilespmem:$0x1FDC0]  }
0x928: {  	v3 =	vmul.f32 $8.000000000e+00, v3;
	_ =	sdelay $0x1  }
0x929: {  	v48 =	vor.u32 v13, v53;
	[tilespmem:v9+s25+$0x0] =	vst.idx.msk $0xffff, v3  }
0x92a: {  	v9 =	vld [tilespmem:$0x1F510]  }
0x92b: {  	v53 =	vld.idx.msk [tilespmem:v40+s17+$0x0], $0xffff;
	v54 =	vor.u32 v22, v44  }
0x92c: {  	v56 =	vld.idx.msk [tilespmem:v41+s17+$0x0], $0xffff;
	v57 =	vor.u32 v22, v45;
	v55 =	vor.u32 v50, v54  }
0x92d: {  	v1 =	vld.idx.msk [tilespmem:v43+s17+$0x0], $0xffff;
	v58 =	vor.u32 v22, v47;
	v6 =	vor.u32 v51, v57;
	v3 =	vor.u32 v27, v55  }
0x92e: {  	v5 =	vld.idx.msk [tilespmem:v48+s17+$0x0], $0xffff;
	v7 =	vor.u32 v59, v58;
	v59 =	vor.u32 v22, v52;
	v6 =	vor.u32 v27, v6  }
0x92f: {  	v2 =	vld.idx.msk [tilespmem:v49+s17+$0x0], $0xffff;
	v60 =	vor.u32 v22, v24;
	v8 =	vor.u32 v9, v59;
	v7 =	vor.u32 v27, v7  }
0x930: {  	v0 =	vmul.f32 $8.000000000e+00, v53;
	v9 =	vor.u32 v37, v60;
	v8 =	vor.u32 v27, v8  }
0x931: {  	v4 =	vmul.f32 $8.000000000e+00, v56;
	v9 =	vor.u32 v27, v9  }
0x932: {  	v61 =	vmul.f32 $8.000000000e+00, v1;
	[tilespmem:v3+s25+$0x0] =	vst.idx.msk $0xffff, v0  }
0x933: {  	v62 =	vmul.f32 $8.000000000e+00, v5;
	[tilespmem:v6+s25+$0x0] =	vst.idx.msk $0xffff, v4  }
0x934: {  	v63 =	vmul.f32 $8.000000000e+00, v2;
	[tilespmem:v7+s25+$0x0] =	vst.idx.msk $0xffff, v61  }
0x935: {  	[tilespmem:v8+s25+$0x0] =	vst.idx.msk $0xffff, v62  }
0x936: {  	[tilespmem:v9+s25+$0x0] =	vst.idx.msk $0xffff, v63  }
0x937: {  	s16 =	simm.s32 $0x7;
	s14 =	rddreg [dreg:$0x7]  }
0x938: {  	[hbm4b:s14+s21] =	stream.strided.scatter [tilespmem:s25], [sflag:$0x6], $0x2000, s22, s21, $0x38;
	[tilespmem:$0x19080] =	vst v63  }
0x939: {  	_ =	swait.ge [sflag:s16], $0x2000  }
0x93a: {  	[sflag:s16] =	ssyncset.done $0x0  }
0x93b: {  	[sflag:s16] =	ssyncadd.s32 $0xFFFFE000  }
0x93c: {  	_ =	swait.ge [sflag:s23], $0x2000  }
0x93d: {  	[sflag:s23] =	ssyncset.done $0x0  }
0x93e: {  	[sflag:s23] =	ssyncadd.s32 $0xFFFFE000  }
0x93f: {  	_ =	swait.ge [sflag:s26], $0x2000  }
0x940: {  	v63 =	vld [tilespmem:$0x1FF80]  }
0x941: {  	s30 =	rddreg [dreg:$0x9];
	v41 =	vld [tilespmem:$0x1FFA0]  }
0x942: {  	v24 =	vmov v23;
	s31 =	rddreg [dreg:$0x8];
	v23 =	vld [tilespmem:$0x1FFC0];
	s3 =	sadd.s32 $0x1, s30  }
0x943: {  	v50 =	vld [tilespmem:$0x1FFF0];
	p0 =	sne.s32 s3, s31  }
.Ltmp8:
0x944: {  	v16 =	vmov v25;
	v25 =	vmov v33;
	v33 =	vld [tilespmem:$0x1FFE0];
	(pc) =	sbr.rel @p0 .LBB2_1-.Ltmp8, $4  }
0x945: {  	v45 =	vld [tilespmem:$0x1FDD0]  }
0x946: {  	v59 =	vld [tilespmem:$0x1FFD0]  }
0x947: {  	v20 =	vlaneseq.u32;
	v34 =	vmov v42;
	v62 =	vmov v28;
	[sflag:s26] =	ssyncset.done $0x0;
	v28 =	vld [tilespmem:$0x1FFB0];
	s7 =	rddreg [dreg:$0x3]  }
0x948: {  	v39 =	vmovc v29;
	v40 =	vmovc v32;
	v37 =	vmov v35;
	v58 =	vmov v36;
	v36 =	vmov v19;
	s8 =	rddreg [dreg:$0x4];
	v47 =	vld [tilespmem:$0x1FF20];
	[sflag:s26] =	ssyncadd.s32 $0xFFFFE000  }
0x949: {  	_ =	sfence.sel $0x180000  }
0x94a: {  	[bflag:$0x0] =	sbarrier.arrive $0xFFFF  }
0x94b: {  	_ =	strace $0x90000047  }
0x94c: {  	s0 =	stileid.u32;
	[bflag:$0x2] =	sbarrier.arrive $0xFFFF  }
0x94d: {  	p0 =	sne.s32 s0, $0x0;
	s0 =	rddreg [dreg:$0x2]  }
0x94e: {  	s0 =	sadd.s32 @!p0 $0x100000, s0  }
0x94f: {  	[sflag:s0] =	ssyncadd.tile.s32 @!p0 $0x1;
	_ =	shalt  }
.Lfunc_end2:
_tile_overlayer_lowered:
.L_overlay_start_2:
0x950: {  	(tag) =	ssettag $0x2  }
0x951: {  	s0 =	rddreg [dreg:$0x0];
	s2 =	stileid.u32  }
0x952: {  	s1 =	rddreg [dreg:$0x1];
	p0 =	sne.s32 s2, $0x0  }
0x953: {  	s3 =	rddreg [dreg:$0x2];
	[bflag:$0x3] =	sbarrier.arrive $0xFFFF;
	s2 =	simm.s32 @!p0 $0x1C08  }
0x954: {  	[timem:s3], [sflag:s2] =	dma.local @!p0 [hbm:s0], s1  }
0x955: {  	s0 =	simm.s32 @!p0 $0x8  }
0x956: {  	_ =	swait.ge @!p0 [sflag:s0], s1  }
0x957: {  	s1 =	ssub.s32 @!p0 $0x0, s1;
	[sflag:s0] =	ssyncset.done @!p0 $0x0  }
0x958: {  	[sflag:s0] =	ssyncadd.s32 @!p0 s1  }
0x959: {  	[bflag:$0x3] =	sbarrier.arrive $0xFFFF  }
0x95a: {  	_ =	shalt  }

</sc_bundles>
